<compile_context>
chip_gen: v7x
topology: tpu7x:2x2x1
jax: 0.10.2.dev20260603
libtpu: 0.0.44.dev20260713+nightly
codegen_flags: <defaults>
</compile_context>

<pallas_src>
import functools
import jax
import jax.numpy as jnp
from jax import lax
from jax.experimental import pallas as pl
from jax.experimental.pallas import tpu as pltpu
from jax.experimental.pallas import tpu_sc as plsc

N = 50000
E = 800000
F = 96
NET = 3
STEPS = 4
NG = 64
BN = 1000
NB = N // BN
EPAD = 800768
EPT = EPAD // 16
NCH = EPT // 128
ACCR = 50048
RPT = ACCR // 16



def _sc_agg_body(g_hbm, dst_hbm, y6_hbm, m_hbm, gbuf, dbuf, ibuf, rows,
                 zbuf, acc, sem):
    core = lax.axis_index("c")
    sid = lax.axis_index("s")

    zv = jnp.zeros((16,), jnp.float32)

    def zloop(i, carry):
        zbuf[i, :] = zv
        return carry

    lax.fori_loop(0, RPT, zloop, 0)

    for j in range(3):
        c = core * 3 + j

        pltpu.sync_copy(zbuf, acc.at[pl.ds(sid * RPT, RPT)])
        plsc.subcore_barrier()

        ebase = sid * EPT

        def chunk(i, carry):
            off = ebase + i * 128
            pltpu.sync_copy(g_hbm.at[pl.ds(off, 128)], gbuf)
            pltpu.sync_copy(dst_hbm.at[pl.ds(off, 128)], dbuf)
            for k in range(8):
                ibuf[pl.ds(k * 16, 16)] = gbuf[pl.ds(k * 16, 16)] * 6 + c
            pltpu.async_copy(y6_hbm.at[ibuf], rows, sem).wait()
            pltpu.sync_copy(rows, acc.at[dbuf], add=True)
            return carry

        lax.fori_loop(0, NCH, chunk, 0)
        plsc.subcore_barrier()

        r0 = pl.multiple_of(sid * RPT, 8)

        @pl.when(sid < 15)
        def _():
            pltpu.sync_copy(acc.at[pl.ds(r0, RPT)],
                            m_hbm.at[c, pl.ds(r0, RPT)])

        @pl.when(sid == 15)
        def _():
            pltpu.sync_copy(acc.at[pl.ds(r0, N - 15 * RPT)],
                            m_hbm.at[c, pl.ds(r0, N - 15 * RPT)])

        plsc.subcore_barrier()


_sc_mesh = plsc.VectorSubcoreMesh(core_axis_name="c", subcore_axis_name="s")

_sc_agg = functools.partial(
    pl.kernel,
    mesh=_sc_mesh,
    compiler_params=pltpu.CompilerParams(use_tc_tiling_on_sc=False),
    out_type=jax.ShapeDtypeStruct((6, N, 16), jnp.float32),
    scratch_types=[
        pltpu.VMEM((128,), jnp.int32),
        pltpu.VMEM((128,), jnp.int32),
        pltpu.VMEM((128,), jnp.int32),
        pltpu.VMEM((128, 16), jnp.float32),
        pltpu.VMEM((RPT, 16), jnp.float32),
        pltpu.VMEM_SHARED((ACCR, 16), jnp.float32),
        pltpu.SemaphoreType.DMA,
    ],
)(_sc_agg_body)



def _y_body(x_ref, w_ref, b_ref, y_ref):
    x = x_ref[...]
    for et in range(NET):
        y_ref[et] = lax.dot_general(
            x, w_ref[et], (((1,), (1,)), ((), ())),
            preferred_element_type=jnp.float32) + b_ref[et]


def _gru_body(m_ref, x_ref, wih_ref, whh_ref, bih_ref, bhh_ref,
              w_ref, b_ref, xn_ref, y_ref):
    m = jnp.concatenate([m_ref[c] for c in range(6)], axis=-1)
    x = x_ref[...]
    gi = lax.dot_general(m, wih_ref[...], (((1,), (1,)), ((), ())),
                         preferred_element_type=jnp.float32) + bih_ref[...]
    gh = lax.dot_general(x, whh_ref[...], (((1,), (1,)), ((), ())),
                         preferred_element_type=jnp.float32) + bhh_ref[...]
    r = jax.nn.sigmoid(gi[:, 0:F] + gh[:, 0:F])
    z = jax.nn.sigmoid(gi[:, F:2 * F] + gh[:, F:2 * F])
    n = jnp.tanh(gi[:, 2 * F:] + r * gh[:, 2 * F:])
    xn = (1.0 - z) * n + z * x
    xn_ref[...] = xn
    for et in range(NET):
        y_ref[et] = lax.dot_general(
            xn, w_ref[et], (((1,), (1,)), ((), ())),
            preferred_element_type=jnp.float32) + b_ref[et]


def _gru_last_body(m_ref, x_ref, wih_ref, whh_ref, bih_ref, bhh_ref,
                   xn_ref):
    m = jnp.concatenate([m_ref[c] for c in range(6)], axis=-1)
    x = x_ref[...]
    gi = lax.dot_general(m, wih_ref[...], (((1,), (1,)), ((), ())),
                         preferred_element_type=jnp.float32) + bih_ref[...]
    gh = lax.dot_general(x, whh_ref[...], (((1,), (1,)), ((), ())),
                         preferred_element_type=jnp.float32) + bhh_ref[...]
    r = jax.nn.sigmoid(gi[:, 0:F] + gh[:, 0:F])
    z = jax.nn.sigmoid(gi[:, F:2 * F] + gh[:, F:2 * F])
    n = jnp.tanh(gi[:, 2 * F:] + r * gh[:, 2 * F:])
    xn_ref[...] = (1.0 - z) * n + z * x


def _pool_body(x_ref, b_ref, w1_ref, b1_ref, w2_ref, b2_ref, out_ref,
               sums, cnts):
    i = pl.program_id(0)

    @pl.when(i == 0)
    def _():
        sums[...] = jnp.zeros_like(sums)
        cnts[...] = jnp.zeros_like(cnts)

    bids = b_ref[0]
    gids = lax.broadcasted_iota(jnp.int32, (NG, BN), 0)
    oh = (gids == bids).astype(jnp.float32)
    sums[...] += lax.dot_general(oh, x_ref[...], (((1,), (0,)), ((), ())),
                                 preferred_element_type=jnp.float32)
    cnts[...] += jnp.broadcast_to(jnp.sum(oh, axis=1, keepdims=True),
                                  cnts.shape)

    @pl.when(i == NB - 1)
    def _():
        pooled = sums[...] / jnp.maximum(cnts[...][:, 0:F], 1.0)
        h = jax.nn.relu(
            lax.dot_general(pooled, w1_ref[...], (((1,), (1,)), ((), ())),
                            preferred_element_type=jnp.float32)
            + b1_ref[...])
        logits = lax.dot_general(h, w2_ref[...], (((1,), (1,)), ((), ())),
                                 preferred_element_type=jnp.float32)
        out_ref[...] = logits.reshape(1, NG) + b2_ref[...]


_full = lambda shp: pl.BlockSpec(shp, lambda i: tuple(0 for _ in shp))

_tc_y = pl.pallas_call(
    _y_body,
    grid=(NB,),
    in_specs=[
        pl.BlockSpec((BN, F), lambda i: (i, 0)),
        _full((NET, F, F)),
        _full((NET, 1, F)),
    ],
    out_specs=pl.BlockSpec((NET, BN, F), lambda i: (0, i, 0)),
    out_shape=jax.ShapeDtypeStruct((NET, N, F), jnp.float32),
)

_tc_gru = pl.pallas_call(
    _gru_body,
    grid=(NB,),
    in_specs=[
        pl.BlockSpec((6, BN, 16), lambda i: (0, i, 0)),
        pl.BlockSpec((BN, F), lambda i: (i, 0)),
        _full((3 * F, F)),
        _full((3 * F, F)),
        _full((1, 3 * F)),
        _full((1, 3 * F)),
        _full((NET, F, F)),
        _full((NET, 1, F)),
    ],
    out_specs=[
        pl.BlockSpec((BN, F), lambda i: (i, 0)),
        pl.BlockSpec((NET, BN, F), lambda i: (0, i, 0)),
    ],
    out_shape=[
        jax.ShapeDtypeStruct((N, F), jnp.float32),
        jax.ShapeDtypeStruct((NET, N, F), jnp.float32),
    ],
)

_tc_gru_last = pl.pallas_call(
    _gru_last_body,
    grid=(NB,),
    in_specs=[
        pl.BlockSpec((6, BN, 16), lambda i: (0, i, 0)),
        pl.BlockSpec((BN, F), lambda i: (i, 0)),
        _full((3 * F, F)),
        _full((3 * F, F)),
        _full((1, 3 * F)),
        _full((1, 3 * F)),
    ],
    out_specs=pl.BlockSpec((BN, F), lambda i: (i, 0)),
    out_shape=jax.ShapeDtypeStruct((N, F), jnp.float32),
)

_tc_pool = pl.pallas_call(
    _pool_body,
    grid=(NB,),
    in_specs=[
        pl.BlockSpec((BN, F), lambda i: (i, 0)),
        pl.BlockSpec((1, 1, BN), lambda i: (i, 0, 0)),
        _full((128, F)),
        _full((1, 128)),
        _full((1, 128)),
        _full((1, 1)),
    ],
    out_specs=pl.BlockSpec((1, NG), lambda i: (0, 0)),
    out_shape=jax.ShapeDtypeStruct((1, NG), jnp.float32),
    scratch_shapes=[
        pltpu.VMEM((NG, F), jnp.float32),
        pltpu.VMEM((NG, 128), jnp.float32),
    ],
)


def kernel(x_type, x_tok, x_small, edge_index, edge_type, batch,
           type_table, tok_table, msg_W, msg_b,
           gru_Wih, gru_Whh, gru_bih, gru_bhh,
           proj_W1, proj_b1, proj_W2, proj_b2):
    te = jnp.take(type_table, x_type[:, 0], axis=0)
    to = jnp.take(tok_table, x_tok[:, 0], axis=0)
    x = jnp.concatenate([te, to, x_small], axis=-1)

    src = edge_index[0]
    dst = edge_index[1]
    g = edge_type * N + src
    gp = jnp.pad(g, (0, EPAD - E))
    dstp = jnp.pad(dst, (0, EPAD - E), constant_values=N)

    bias3 = msg_b.reshape(NET, 1, F)
    bih = gru_bih.reshape(1, 3 * F)
    bhh = gru_bhh.reshape(1, 3 * F)

    y = _tc_y(x, msg_W, bias3)
    for step in range(STEPS):
        m6 = _sc_agg(gp, dstp, y.reshape(NET * N * 6, 16))
        if step < STEPS - 1:
            x, y = _tc_gru(m6, x, gru_Wih, gru_Whh, bih, bhh, msg_W, bias3)
        else:
            x = _tc_gru_last(m6, x, gru_Wih, gru_Whh, bih, bhh)

    logits = _tc_pool(x, batch.reshape(NB, 1, BN), proj_W1,
                      proj_b1.reshape(1, 128), proj_W2.reshape(1, 128),
                      proj_b2.reshape(1, 1))
    return logits.reshape(NG)

# --- scband reference (transcript-rebuilt; emitter-appended) ---
"""Pipeline reference for scband-ggnnclassifier-feats-no-emb-4337916969199 (READ-ONLY COPY).

The authoritative reference and input builder live on the scoring server;
editing this copy changes nothing except your own understanding.
"""

import jax, jax.numpy as jnp
import numpy as np

N = 50000
E = 800000
SMALL = 32
IN = 96
NTYPES = 200
TOKV = 10001
NET = 3
STEPS = 4
BLOCKS = 1
PROJ = 128
NGRAPHS = 64


def setup_inputs(seed: int = 0) -> dict:
    key = jax.random.key(seed)
    ks = jax.random.split(key, 18)
    x_type = jax.random.randint(ks[0], (N, 1), 0, NTYPES, dtype=jnp.int32)
    x_tok = jax.random.randint(ks[1], (N, 1), 0, TOKV, dtype=jnp.int32)
    x_small = jax.random.normal(ks[2], (N, SMALL), dtype=jnp.float32)
    edge_index = jax.random.randint(ks[3], (2, E), 0, N, dtype=jnp.int32)
    edge_type = jax.random.randint(ks[4], (E,), 0, NET, dtype=jnp.int32)
    batch = jnp.sort(jax.random.randint(ks[5], (N,), 0, NGRAPHS, dtype=jnp.int32))
    type_table = jax.random.normal(ks[6], (NTYPES, 32), dtype=jnp.float32)
    tok_table = jax.random.normal(ks[7], (TOKV, 32), dtype=jnp.float32)
    s = 1.0 / np.sqrt(IN)
    msg_W = jax.random.uniform(ks[8], (NET, IN, IN), jnp.float32, -s, s)
    msg_b = jax.random.uniform(ks[9], (NET, IN), jnp.float32, -s, s)
    gru_Wih = jax.random.uniform(ks[10], (3 * IN, IN), jnp.float32, -s, s)
    gru_Whh = jax.random.uniform(ks[11], (3 * IN, IN), jnp.float32, -s, s)
    gru_bih = jax.random.uniform(ks[12], (3 * IN,), jnp.float32, -s, s)
    gru_bhh = jax.random.uniform(ks[13], (3 * IN,), jnp.float32, -s, s)
    proj_W1 = jax.random.uniform(ks[14], (PROJ, IN), jnp.float32, -s, s)
    proj_b1 = jax.random.uniform(ks[15], (PROJ,), jnp.float32, -s, s)
    sp = 1.0 / np.sqrt(PROJ)
    proj_W2 = jax.random.uniform(ks[16], (1, PROJ), jnp.float32, -sp, sp)
    proj_b2 = jax.random.uniform(ks[17], (1,), jnp.float32, -sp, sp)
    return {
        "x_type": x_type, "x_tok": x_tok, "x_small": x_small,
        "edge_index": edge_index, "edge_type": edge_type, "batch": batch,
        "type_table": type_table, "tok_table": tok_table,
        "msg_W": msg_W, "msg_b": msg_b,
        "gru_Wih": gru_Wih, "gru_Whh": gru_Whh, "gru_bih": gru_bih, "gru_bhh": gru_bhh,
        "proj_W1": proj_W1, "proj_b1": proj_b1, "proj_W2": proj_W2, "proj_b2": proj_b2,
    }


def reference(x_type, x_tok, x_small, edge_index, edge_type, batch,
              type_table, tok_table, msg_W, msg_b,
              gru_Wih, gru_Whh, gru_bih, gru_bhh,
              proj_W1, proj_b1, proj_W2, proj_b2):
    te = jnp.take(type_table, x_type[:, 0], axis=0)
    to = jnp.take(tok_table, x_tok[:, 0], axis=0)
    x = jnp.concatenate([te, to, x_small], axis=-1)
    src = edge_index[0]
    dst = edge_index[1]
    for _ in range(BLOCKS):
        for _ in range(STEPS):
            xs = jnp.take(x, src, axis=0)
            m_all = jnp.zeros_like(x)
            for et in range(NET):
                mask = (edge_type == et).astype(x.dtype)[:, None]
                m = (xs @ msg_W[et].T + msg_b[et]) * mask
                agg = jax.ops.segment_sum(m, dst, num_segments=N)
                m_all = m_all + agg
            # single-step GRU cell (torch gate order: r, z, n)
            gi = m_all @ gru_Wih.T + gru_bih
            gh = x @ gru_Whh.T + gru_bhh
            i_r, i_z, i_n = jnp.split(gi, 3, axis=-1)
            h_r, h_z, h_n = jnp.split(gh, 3, axis=-1)
            r = jax.nn.sigmoid(i_r + h_r)
            z = jax.nn.sigmoid(i_z + h_z)
            n = jnp.tanh(i_n + r * h_n)
            x = (1.0 - z) * n + z * x
    sums = jax.ops.segment_sum(x, batch, num_segments=NGRAPHS)
    counts = jax.ops.segment_sum(jnp.ones((N,), x.dtype), batch, num_segments=NGRAPHS)
    pooled = sums / jnp.maximum(counts, 1.0)[:, None]
    h = jax.nn.relu(pooled @ proj_W1.T + proj_b1)
    logits = (h @ proj_W2.T + proj_b2).reshape(-1)
    return logits

if __name__ == "__main__":
    import jax
    _d = setup_inputs()
    print(jax.jit(kernel)(*tuple(_d.values())))

</pallas_src>

<mosaic_0001>
#map = affine_map<(d0, d1) -> (0)>
#map1 = affine_map<(d0, d1) -> (0, 0)>
#map2 = affine_map<(d0, d1) -> (0, 0, 0)>
module attributes {stable_mosaic.version = 14 : i64} {
  func.func @_sc_agg_body(%arg0: i32, %arg1: i32, %arg2: memref<800768xi32, #tpu.memory_space<hbm>>, %arg3: memref<800768xi32, #tpu.memory_space<hbm>>, %arg4: memref<900000x16xf32, #tpu.memory_space<hbm>>, %arg5: memref<6x50000x16xf32, #tpu.memory_space<hbm>>, %arg6: memref<128xi32, #tpu.memory_space<vmem>>, %arg7: memref<128xi32, #tpu.memory_space<vmem>>, %arg8: memref<128xi32, #tpu.memory_space<vmem>>, %arg9: memref<128x16xf32, #tpu.memory_space<vmem>>, %arg10: memref<3128x16xf32, #tpu.memory_space<vmem>>, %arg11: memref<50048x16xf32, #tpu.memory_space<vmem_shared>>, %arg12: memref<!tpu.dma_semaphore, #tpu.memory_space<semaphore_mem>>) attributes {dimension_semantics = [#tpu.dimension_semantics<core_parallel>, #tpu.dimension_semantics<subcore_parallel>], iteration_bounds = array<i64: 2, 16>, scalar_prefetch = 0 : i64, scratch_operands = 7 : i64, tpu.core_type = #tpu.core_type<sc_vector_subcore>, window_params = [{transform_indices = #map}, {transform_indices = #map}, {transform_indices = #map1}, {transform_indices = #map2}]} {
    %broadcast_in_dim3A = arith.constant 0.000000e+00 : f32
    %broadcast_in_dim3A_0 = vector.broadcast %broadcast_in_dim3A : f32 to vector<16xf32>
    %scan3A = arith.constant 0 : i32
    %scan3A_1 = arith.constant 0 : i32
    %scan3A_2 = arith.constant 3128 : i32
    %scan3A_3 = arith.addi %scan3A_1, %scan3A_2 : i32
    %scan3A_4 = arith.constant 1 : i32
    scf.for %scan3A_88 = %scan3A_1 to %scan3A_3 step %scan3A_4  : i32 {
      %swap3A = arith.index_cast %scan3A_88 : i32 to index
      %swap3A_89 = arith.constant 0 : index
      %swap3A_90 = tpu.vector_load %arg10[%swap3A, %swap3A_89] {strides = array<i32>} : memref<3128x16xf32, #tpu.memory_space<vmem>>, vector<1x16xf32>,
      %swap3A_91 = vector.shape_cast %swap3A_90 : vector<1x16xf32> to vector<16xf32>
      %swap3A_92 = vector.shape_cast %broadcast_in_dim3A_0 : vector<16xf32> to vector<1x16xf32>
      tpu.vector_store %arg10[%swap3A, %swap3A_89], %swap3A_92 {strides = array<i32>} : memref<3128x16xf32, #tpu.memory_space<vmem>>, vector<1x16xf32>,
    }
    %scan3A_5 = arith.constant 3128 : i32
    %mul3A = arith.constant 3 : i32
    %mul3A_6 = arith.muli %arg0, %mul3A : i32
    %add3A = arith.constant 0 : i32
    %add3A_7 = arith.addi %mul3A_6, %add3A : i32
    %mul3A_8 = arith.constant 3128 : i32
    %mul3A_9 = arith.muli %arg1, %mul3A_8 : i32
    "tpu.region"() ({
      %run_scoped3A = tpu.sem_alloc : memref<!tpu.dma_semaphore, #tpu.memory_space<semaphore_mem>>
      %dma_start3A = arith.constant 0 : i32
      %dma_start3A_88 = tpu.memref_slice %arg11[%mul3A_9, %dma_start3A] : memref<50048x16xf32, #tpu.memory_space<vmem_shared>> -> memref<3128x16xf32, #tpu.memory_space<vmem_shared>>
      %dma_start3A_89 = arith.constant 0 : i32
      %dma_start3A_90 = tpu.memref_slice %arg11[%mul3A_9, %dma_start3A_89] : memref<50048x16xf32, #tpu.memory_space<vmem_shared>> -> memref<3128x16xf32, #tpu.memory_space<vmem_shared>>
      tpu.enqueue_dma source(%arg10 : memref<3128x16xf32, #tpu.memory_space<vmem>>) target(%dma_start3A_90 : memref<3128x16xf32, #tpu.memory_space<vmem_shared>>) target_semaphore(%run_scoped3A : memref<!tpu.dma_semaphore, #tpu.memory_space<semaphore_mem>>)
      %dma_wait3A = arith.constant 0 : i32
      %dma_wait3A_91 = tpu.memref_slice %arg11[%mul3A_9, %dma_wait3A] : memref<50048x16xf32, #tpu.memory_space<vmem_shared>> -> memref<3128x16xf32, #tpu.memory_space<vmem_shared>>
      %dma_wait3A_92 = arith.constant 0 : i32
      %dma_wait3A_93 = tpu.memref_slice %arg11[%mul3A_9, %dma_wait3A_92] : memref<50048x16xf32, #tpu.memory_space<vmem_shared>> -> memref<3128x16xf32, #tpu.memory_space<vmem_shared>>
      tpu.wait_dma2 semaphore(%run_scoped3A : memref<!tpu.dma_semaphore, #tpu.memory_space<semaphore_mem>>) src(%arg10 : memref<3128x16xf32, #tpu.memory_space<vmem>>) dst(%dma_wait3A_93 : memref<3128x16xf32, #tpu.memory_space<vmem_shared>>)
      tpu.yield
    }) : () -> ()
    %barrier3A = arith.constant 0 : index
    tpu.barrier barrier_id(%barrier3A)
    %mul3A_10 = arith.constant 50048 : i32
    %mul3A_11 = arith.muli %arg1, %mul3A_10 : i32
    %scan3A_12 = arith.constant 0 : i32
    %scan3A_13 = arith.constant 0 : i32
    %scan3A_14 = arith.constant 391 : i32
    %scan3A_15 = arith.addi %scan3A_13, %scan3A_14 : i32
    %scan3A_16 = arith.constant 1 : i32
    scf.for %scan3A_88 = %scan3A_13 to %scan3A_15 step %scan3A_16  : i32 {
      %mul3A_89 = arith.constant 128 : i32
      %mul3A_90 = arith.muli %scan3A_88, %mul3A_89 : i32
      %add3A_91 = arith.addi %mul3A_11, %mul3A_90 : i32
      "tpu.region"() ({
        %run_scoped3A = tpu.sem_alloc : memref<!tpu.dma_semaphore, #tpu.memory_space<semaphore_mem>>
        %dma_start3A_190 = tpu.memref_slice %arg2[%add3A_91] : memref<800768xi32, #tpu.memory_space<hbm>> -> memref<128xi32, #tpu.memory_space<hbm>>
        %dma_start3A_191 = tpu.memref_slice %arg2[%add3A_91] : memref<800768xi32, #tpu.memory_space<hbm>> -> memref<128xi32, #tpu.memory_space<hbm>>
        tpu.enqueue_dma source(%dma_start3A_191 : memref<128xi32, #tpu.memory_space<hbm>>) target(%arg6 : memref<128xi32, #tpu.memory_space<vmem>>) target_semaphore(%run_scoped3A : memref<!tpu.dma_semaphore, #tpu.memory_space<semaphore_mem>>)
        %dma_wait3A_192 = tpu.memref_slice %arg2[%add3A_91] : memref<800768xi32, #tpu.memory_space<hbm>> -> memref<128xi32, #tpu.memory_space<hbm>>
        %dma_wait3A_193 = tpu.memref_slice %arg2[%add3A_91] : memref<800768xi32, #tpu.memory_space<hbm>> -> memref<128xi32, #tpu.memory_space<hbm>>
        tpu.wait_dma2 semaphore(%run_scoped3A : memref<!tpu.dma_semaphore, #tpu.memory_space<semaphore_mem>>) src(%dma_wait3A_193 : memref<128xi32, #tpu.memory_space<hbm>>) dst(%arg6 : memref<128xi32, #tpu.memory_space<vmem>>)
        tpu.yield
      }) : () -> ()
      "tpu.region"() ({
        %run_scoped3A = tpu.sem_alloc : memref<!tpu.dma_semaphore, #tpu.memory_space<semaphore_mem>>
        %dma_start3A_190 = tpu.memref_slice %arg3[%add3A_91] : memref<800768xi32, #tpu.memory_space<hbm>> -> memref<128xi32, #tpu.memory_space<hbm>>
        %dma_start3A_191 = tpu.memref_slice %arg3[%add3A_91] : memref<800768xi32, #tpu.memory_space<hbm>> -> memref<128xi32, #tpu.memory_space<hbm>>
        tpu.enqueue_dma source(%dma_start3A_191 : memref<128xi32, #tpu.memory_space<hbm>>) target(%arg7 : memref<128xi32, #tpu.memory_space<vmem>>) target_semaphore(%run_scoped3A : memref<!tpu.dma_semaphore, #tpu.memory_space<semaphore_mem>>)
        %dma_wait3A_192 = tpu.memref_slice %arg3[%add3A_91] : memref<800768xi32, #tpu.memory_space<hbm>> -> memref<128xi32, #tpu.memory_space<hbm>>
        %dma_wait3A_193 = tpu.memref_slice %arg3[%add3A_91] : memref<800768xi32, #tpu.memory_space<hbm>> -> memref<128xi32, #tpu.memory_space<hbm>>
        tpu.wait_dma2 semaphore(%run_scoped3A : memref<!tpu.dma_semaphore, #tpu.memory_space<semaphore_mem>>) src(%dma_wait3A_193 : memref<128xi32, #tpu.memory_space<hbm>>) dst(%arg7 : memref<128xi32, #tpu.memory_space<vmem>>)
        tpu.yield
      }) : () -> ()
      %get3A = arith.constant 0 : index
      %get3A_92 = tpu.vector_load %arg6[%get3A] {strides = array<i32>} : memref<128xi32, #tpu.memory_space<vmem>>, vector<16xi32>,
      %get3A_93 = vector.shape_cast %get3A_92 : vector<16xi32> to vector<16xi32>
      %mul3A_94 = arith.constant 6 : i32
      %mul3A_95 = vector.broadcast %mul3A_94 : i32 to vector<16xi32>
      %mul3A_96 = arith.muli %get3A_93, %mul3A_95 : vector<16xi32>
      %add3A_97 = vector.broadcast %add3A_7 : i32 to vector<16xi32>
      %add3A_98 = arith.addi %mul3A_96, %add3A_97 : vector<16xi32>
      %swap3A = arith.constant 0 : index
      %swap3A_99 = tpu.vector_load %arg8[%swap3A] {strides = array<i32>} : memref<128xi32, #tpu.memory_space<vmem>>, vector<16xi32>,
      %swap3A_100 = vector.shape_cast %swap3A_99 : vector<16xi32> to vector<16xi32>
      %swap3A_101 = vector.shape_cast %add3A_98 : vector<16xi32> to vector<16xi32>
      tpu.vector_store %arg8[%swap3A], %swap3A_101 {strides = array<i32>} : memref<128xi32, #tpu.memory_space<vmem>>, vector<16xi32>,
      %get3A_102 = arith.constant 16 : index
      %get3A_103 = tpu.vector_load %arg6[%get3A_102] {strides = array<i32>} : memref<128xi32, #tpu.memory_space<vmem>>, vector<16xi32>,
      %get3A_104 = vector.shape_cast %get3A_103 : vector<16xi32> to vector<16xi32>
      %mul3A_105 = arith.constant 6 : i32
      %mul3A_106 = vector.broadcast %mul3A_105 : i32 to vector<16xi32>
      %mul3A_107 = arith.muli %get3A_104, %mul3A_106 : vector<16xi32>
      %add3A_108 = vector.broadcast %add3A_7 : i32 to vector<16xi32>
      %add3A_109 = arith.addi %mul3A_107, %add3A_108 : vector<16xi32>
      %swap3A_110 = arith.constant 16 : index
      %swap3A_111 = tpu.vector_load %arg8[%swap3A_110] {strides = array<i32>} : memref<128xi32, #tpu.memory_space<vmem>>, vector<16xi32>,
      %swap3A_112 = vector.shape_cast %swap3A_111 : vector<16xi32> to vector<16xi32>
      %swap3A_113 = vector.shape_cast %add3A_109 : vector<16xi32> to vector<16xi32>
      tpu.vector_store %arg8[%swap3A_110], %swap3A_113 {strides = array<i32>} : memref<128xi32, #tpu.memory_space<vmem>>, vector<16xi32>,
      %get3A_114 = arith.constant 32 : index
      %get3A_115 = tpu.vector_load %arg6[%get3A_114] {strides = array<i32>} : memref<128xi32, #tpu.memory_space<vmem>>, vector<16xi32>,
      %get3A_116 = vector.shape_cast %get3A_115 : vector<16xi32> to vector<16xi32>
      %mul3A_117 = arith.constant 6 : i32
      %mul3A_118 = vector.broadcast %mul3A_117 : i32 to vector<16xi32>
      %mul3A_119 = arith.muli %get3A_116, %mul3A_118 : vector<16xi32>
      %add3A_120 = vector.broadcast %add3A_7 : i32 to vector<16xi32>
      %add3A_121 = arith.addi %mul3A_119, %add3A_120 : vector<16xi32>
      %swap3A_122 = arith.constant 32 : index
      %swap3A_123 = tpu.vector_load %arg8[%swap3A_122] {strides = array<i32>} : memref<128xi32, #tpu.memory_space<vmem>>, vector<16xi32>,
      %swap3A_124 = vector.shape_cast %swap3A_123 : vector<16xi32> to vector<16xi32>
      %swap3A_125 = vector.shape_cast %add3A_121 : vector<16xi32> to vector<16xi32>
      tpu.vector_store %arg8[%swap3A_122], %swap3A_125 {strides = array<i32>} : memref<128xi32, #tpu.memory_space<vmem>>, vector<16xi32>,
      %get3A_126 = arith.constant 48 : index
      %get3A_127 = tpu.vector_load %arg6[%get3A_126] {strides = array<i32>} : memref<128xi32, #tpu.memory_space<vmem>>, vector<16xi32>,
      %get3A_128 = vector.shape_cast %get3A_127 : vector<16xi32> to vector<16xi32>
      %mul3A_129 = arith.constant 6 : i32
      %mul3A_130 = vector.broadcast %mul3A_129 : i32 to vector<16xi32>
      %mul3A_131 = arith.muli %get3A_128, %mul3A_130 : vector<16xi32>
      %add3A_132 = vector.broadcast %add3A_7 : i32 to vector<16xi32>
      %add3A_133 = arith.addi %mul3A_131, %add3A_132 : vector<16xi32>
      %swap3A_134 = arith.constant 48 : index
      %swap3A_135 = tpu.vector_load %arg8[%swap3A_134] {strides = array<i32>} : memref<128xi32, #tpu.memory_space<vmem>>, vector<16xi32>,
      %swap3A_136 = vector.shape_cast %swap3A_135 : vector<16xi32> to vector<16xi32>
      %swap3A_137 = vector.shape_cast %add3A_133 : vector<16xi32> to vector<16xi32>
      tpu.vector_store %arg8[%swap3A_134], %swap3A_137 {strides = array<i32>} : memref<128xi32, #tpu.memory_space<vmem>>, vector<16xi32>,
      %get3A_138 = arith.constant 64 : index
      %get3A_139 = tpu.vector_load %arg6[%get3A_138] {strides = array<i32>} : memref<128xi32, #tpu.memory_space<vmem>>, vector<16xi32>,
      %get3A_140 = vector.shape_cast %get3A_139 : vector<16xi32> to vector<16xi32>
      %mul3A_141 = arith.constant 6 : i32
      %mul3A_142 = vector.broadcast %mul3A_141 : i32 to vector<16xi32>
      %mul3A_143 = arith.muli %get3A_140, %mul3A_142 : vector<16xi32>
      %add3A_144 = vector.broadcast %add3A_7 : i32 to vector<16xi32>
      %add3A_145 = arith.addi %mul3A_143, %add3A_144 : vector<16xi32>
      %swap3A_146 = arith.constant 64 : index
      %swap3A_147 = tpu.vector_load %arg8[%swap3A_146] {strides = array<i32>} : memref<128xi32, #tpu.memory_space<vmem>>, vector<16xi32>,
      %swap3A_148 = vector.shape_cast %swap3A_147 : vector<16xi32> to vector<16xi32>
      %swap3A_149 = vector.shape_cast %add3A_145 : vector<16xi32> to vector<16xi32>
      tpu.vector_store %arg8[%swap3A_146], %swap3A_149 {strides = array<i32>} : memref<128xi32, #tpu.memory_space<vmem>>, vector<16xi32>,
      %get3A_150 = arith.constant 80 : index
      %get3A_151 = tpu.vector_load %arg6[%get3A_150] {strides = array<i32>} : memref<128xi32, #tpu.memory_space<vmem>>, vector<16xi32>,
      %get3A_152 = vector.shape_cast %get3A_151 : vector<16xi32> to vector<16xi32>
      %mul3A_153 = arith.constant 6 : i32
      %mul3A_154 = vector.broadcast %mul3A_153 : i32 to vector<16xi32>
      %mul3A_155 = arith.muli %get3A_152, %mul3A_154 : vector<16xi32>
      %add3A_156 = vector.broadcast %add3A_7 : i32 to vector<16xi32>
      %add3A_157 = arith.addi %mul3A_155, %add3A_156 : vector<16xi32>
      %swap3A_158 = arith.constant 80 : index
      %swap3A_159 = tpu.vector_load %arg8[%swap3A_158] {strides = array<i32>} : memref<128xi32, #tpu.memory_space<vmem>>, vector<16xi32>,
      %swap3A_160 = vector.shape_cast %swap3A_159 : vector<16xi32> to vector<16xi32>
      %swap3A_161 = vector.shape_cast %add3A_157 : vector<16xi32> to vector<16xi32>
      tpu.vector_store %arg8[%swap3A_158], %swap3A_161 {strides = array<i32>} : memref<128xi32, #tpu.memory_space<vmem>>, vector<16xi32>,
      %get3A_162 = arith.constant 96 : index
      %get3A_163 = tpu.vector_load %arg6[%get3A_162] {strides = array<i32>} : memref<128xi32, #tpu.memory_space<vmem>>, vector<16xi32>,
      %get3A_164 = vector.shape_cast %get3A_163 : vector<16xi32> to vector<16xi32>
      %mul3A_165 = arith.constant 6 : i32
      %mul3A_166 = vector.broadcast %mul3A_165 : i32 to vector<16xi32>
      %mul3A_167 = arith.muli %get3A_164, %mul3A_166 : vector<16xi32>
      %add3A_168 = vector.broadcast %add3A_7 : i32 to vector<16xi32>
      %add3A_169 = arith.addi %mul3A_167, %add3A_168 : vector<16xi32>
      %swap3A_170 = arith.constant 96 : index
      %swap3A_171 = tpu.vector_load %arg8[%swap3A_170] {strides = array<i32>} : memref<128xi32, #tpu.memory_space<vmem>>, vector<16xi32>,
      %swap3A_172 = vector.shape_cast %swap3A_171 : vector<16xi32> to vector<16xi32>
      %swap3A_173 = vector.shape_cast %add3A_169 : vector<16xi32> to vector<16xi32>
      tpu.vector_store %arg8[%swap3A_170], %swap3A_173 {strides = array<i32>} : memref<128xi32, #tpu.memory_space<vmem>>, vector<16xi32>,
      %get3A_174 = arith.constant 112 : index
      %get3A_175 = tpu.vector_load %arg6[%get3A_174] {strides = array<i32>} : memref<128xi32, #tpu.memory_space<vmem>>, vector<16xi32>,
      %get3A_176 = vector.shape_cast %get3A_175 : vector<16xi32> to vector<16xi32>
      %mul3A_177 = arith.constant 6 : i32
      %mul3A_178 = vector.broadcast %mul3A_177 : i32 to vector<16xi32>
      %mul3A_179 = arith.muli %get3A_176, %mul3A_178 : vector<16xi32>
      %add3A_180 = vector.broadcast %add3A_7 : i32 to vector<16xi32>
      %add3A_181 = arith.addi %mul3A_179, %add3A_180 : vector<16xi32>
      %swap3A_182 = arith.constant 112 : index
      %swap3A_183 = tpu.vector_load %arg8[%swap3A_182] {strides = array<i32>} : memref<128xi32, #tpu.memory_space<vmem>>, vector<16xi32>,
      %swap3A_184 = vector.shape_cast %swap3A_183 : vector<16xi32> to vector<16xi32>
      %swap3A_185 = vector.shape_cast %add3A_181 : vector<16xi32> to vector<16xi32>
      tpu.vector_store %arg8[%swap3A_182], %swap3A_185 {strides = array<i32>} : memref<128xi32, #tpu.memory_space<vmem>>, vector<16xi32>,
      %dma_start3A = arith.constant 0 : i32
      %dma_start3A_186 = arith.constant 0 : i32
      %dma_start3A_187 = tpu.memref_slice %arg4[%dma_start3A, %dma_start3A_186] : memref<900000x16xf32, #tpu.memory_space<hbm>> -> memref<900000x16xf32, #tpu.memory_space<hbm>>
      tpu.enqueue_indirect_dma source(%dma_start3A_187 : memref<900000x16xf32, #tpu.memory_space<hbm>>) target(%arg9 : memref<128x16xf32, #tpu.memory_space<vmem>>) offsets(%arg8 : memref<128xi32, #tpu.memory_space<vmem>>) semaphore(%arg12 : memref<!tpu.dma_semaphore, #tpu.memory_space<semaphore_mem>>)
      %dma_wait3A = arith.constant 0 : i32
      %dma_wait3A_188 = arith.constant 0 : i32
      %dma_wait3A_189 = tpu.memref_slice %arg4[%dma_wait3A, %dma_wait3A_188] : memref<900000x16xf32, #tpu.memory_space<hbm>> -> memref<900000x16xf32, #tpu.memory_space<hbm>>
      tpu.wait_indirect_dma semaphore(%arg12 : memref<!tpu.dma_semaphore, #tpu.memory_space<semaphore_mem>>) src(%dma_wait3A_189 : memref<900000x16xf32, #tpu.memory_space<hbm>>) dst(%arg9 : memref<128x16xf32, #tpu.memory_space<vmem>>)
      "tpu.region"() ({
        %run_scoped3A = tpu.sem_alloc : memref<!tpu.dma_semaphore, #tpu.memory_space<semaphore_mem>>
        %dma_start3A_190 = arith.constant 0 : i32
        %dma_start3A_191 = arith.constant 0 : i32
        %dma_start3A_192 = tpu.memref_slice %arg11[%dma_start3A_190, %dma_start3A_191] : memref<50048x16xf32, #tpu.memory_space<vmem_shared>> -> memref<50048x16xf32, #tpu.memory_space<vmem_shared>>
        tpu.enqueue_indirect_dma source(%arg9 : memref<128x16xf32, #tpu.memory_space<vmem>>) target(%dma_start3A_192 : memref<50048x16xf32, #tpu.memory_space<vmem_shared>>) offsets(%arg7 : memref<128xi32, #tpu.memory_space<vmem>>) semaphore(%run_scoped3A : memref<!tpu.dma_semaphore, #tpu.memory_space<semaphore_mem>>) {add = true}
        %dma_wait3A_193 = arith.constant 0 : i32
        %dma_wait3A_194 = arith.constant 0 : i32
        %dma_wait3A_195 = tpu.memref_slice %arg11[%dma_wait3A_193, %dma_wait3A_194] : memref<50048x16xf32, #tpu.memory_space<vmem_shared>> -> memref<50048x16xf32, #tpu.memory_space<vmem_shared>>
        tpu.wait_indirect_dma semaphore(%run_scoped3A : memref<!tpu.dma_semaphore, #tpu.memory_space<semaphore_mem>>) src(%arg9 : memref<128x16xf32, #tpu.memory_space<vmem>>) dst(%dma_wait3A_195 : memref<50048x16xf32, #tpu.memory_space<vmem_shared>>)
        tpu.yield
      }) : () -> ()
    }
    %scan3A_17 = arith.constant 391 : i32
    %barrier3A_18 = arith.constant 0 : index
    tpu.barrier barrier_id(%barrier3A_18)
    %mul3A_19 = arith.constant 3128 : i32
    %mul3A_20 = arith.muli %arg1, %mul3A_19 : i32
    %multiple_of3A = tpu.assume_multiple %mul3A_20, 8 : i32
    %lt3A = arith.constant 15 : i32
    %lt3A_21 = arith.cmpi slt, %arg1, %lt3A : i32
    %convert_element_type3A = arith.extui %lt3A_21 : i1 to i32
    %cond3A = arith.constant 0 : i32
    %cond3A_22 = arith.cmpi ne, %convert_element_type3A, %cond3A : i32
    scf.if %cond3A_22 {
      "tpu.region"() ({
        %run_scoped3A = tpu.sem_alloc : memref<!tpu.dma_semaphore, #tpu.memory_space<semaphore_mem>>
        %dma_start3A = arith.constant 0 : i32
        %dma_start3A_88 = tpu.memref_slice %arg5[%add3A_7, %multiple_of3A, %dma_start3A] : memref<6x50000x16xf32, #tpu.memory_space<hbm>> -> memref<1x3128x16xf32, #tpu.memory_space<hbm>>
        %dma_start3A_89 = tpu.memref_squeeze %dma_start3A_88 : memref<1x3128x16xf32, #tpu.memory_space<hbm>> -> memref<3128x16xf32, #tpu.memory_space<hbm>>
        %dma_start3A_90 = arith.constant 0 : i32
        %dma_start3A_91 = tpu.memref_slice %arg11[%multiple_of3A, %dma_start3A_90] : memref<50048x16xf32, #tpu.memory_space<vmem_shared>> -> memref<3128x16xf32, #tpu.memory_space<vmem_shared>>
        tpu.enqueue_dma source(%dma_start3A_91 : memref<3128x16xf32, #tpu.memory_space<vmem_shared>>) target(%dma_start3A_89 : memref<3128x16xf32, #tpu.memory_space<hbm>>) target_semaphore(%run_scoped3A : memref<!tpu.dma_semaphore, #tpu.memory_space<semaphore_mem>>)
        %dma_wait3A = arith.constant 0 : i32
        %dma_wait3A_92 = tpu.memref_slice %arg5[%add3A_7, %multiple_of3A, %dma_wait3A] : memref<6x50000x16xf32, #tpu.memory_space<hbm>> -> memref<1x3128x16xf32, #tpu.memory_space<hbm>>
        %dma_wait3A_93 = tpu.memref_squeeze %dma_wait3A_92 : memref<1x3128x16xf32, #tpu.memory_space<hbm>> -> memref<3128x16xf32, #tpu.memory_space<hbm>>
        %dma_wait3A_94 = arith.constant 0 : i32
        %dma_wait3A_95 = tpu.memref_slice %arg11[%multiple_of3A, %dma_wait3A_94] : memref<50048x16xf32, #tpu.memory_space<vmem_shared>> -> memref<3128x16xf32, #tpu.memory_space<vmem_shared>>
        tpu.wait_dma2 semaphore(%run_scoped3A : memref<!tpu.dma_semaphore, #tpu.memory_space<semaphore_mem>>) src(%dma_wait3A_95 : memref<3128x16xf32, #tpu.memory_space<vmem_shared>>) dst(%dma_wait3A_93 : memref<3128x16xf32, #tpu.memory_space<hbm>>)
        tpu.yield
      }) : () -> ()
    } else {
    }
    %eq3A = arith.constant 15 : i32
    %eq3A_23 = arith.cmpi eq, %arg1, %eq3A : i32
    %convert_element_type3A_24 = arith.extui %eq3A_23 : i1 to i32
    %cond3A_25 = arith.constant 0 : i32
    %cond3A_26 = arith.cmpi ne, %convert_element_type3A_24, %cond3A_25 : i32
    scf.if %cond3A_26 {
      "tpu.region"() ({
        %run_scoped3A = tpu.sem_alloc : memref<!tpu.dma_semaphore, #tpu.memory_space<semaphore_mem>>
        %dma_start3A = arith.constant 0 : i32
        %dma_start3A_88 = tpu.memref_slice %arg5[%add3A_7, %multiple_of3A, %dma_start3A] : memref<6x50000x16xf32, #tpu.memory_space<hbm>> -> memref<1x3080x16xf32, #tpu.memory_space<hbm>>
        %dma_start3A_89 = tpu.memref_squeeze %dma_start3A_88 : memref<1x3080x16xf32, #tpu.memory_space<hbm>> -> memref<3080x16xf32, #tpu.memory_space<hbm>>
        %dma_start3A_90 = arith.constant 0 : i32
        %dma_start3A_91 = tpu.memref_slice %arg11[%multiple_of3A, %dma_start3A_90] : memref<50048x16xf32, #tpu.memory_space<vmem_shared>> -> memref<3080x16xf32, #tpu.memory_space<vmem_shared>>
        tpu.enqueue_dma source(%dma_start3A_91 : memref<3080x16xf32, #tpu.memory_space<vmem_shared>>) target(%dma_start3A_89 : memref<3080x16xf32, #tpu.memory_space<hbm>>) target_semaphore(%run_scoped3A : memref<!tpu.dma_semaphore, #tpu.memory_space<semaphore_mem>>)
        %dma_wait3A = arith.constant 0 : i32
        %dma_wait3A_92 = tpu.memref_slice %arg5[%add3A_7, %multiple_of3A, %dma_wait3A] : memref<6x50000x16xf32, #tpu.memory_space<hbm>> -> memref<1x3080x16xf32, #tpu.memory_space<hbm>>
        %dma_wait3A_93 = tpu.memref_squeeze %dma_wait3A_92 : memref<1x3080x16xf32, #tpu.memory_space<hbm>> -> memref<3080x16xf32, #tpu.memory_space<hbm>>
        %dma_wait3A_94 = arith.constant 0 : i32
        %dma_wait3A_95 = tpu.memref_slice %arg11[%multiple_of3A, %dma_wait3A_94] : memref<50048x16xf32, #tpu.memory_space<vmem_shared>> -> memref<3080x16xf32, #tpu.memory_space<vmem_shared>>
        tpu.wait_dma2 semaphore(%run_scoped3A : memref<!tpu.dma_semaphore, #tpu.memory_space<semaphore_mem>>) src(%dma_wait3A_95 : memref<3080x16xf32, #tpu.memory_space<vmem_shared>>) dst(%dma_wait3A_93 : memref<3080x16xf32, #tpu.memory_space<hbm>>)
        tpu.yield
      }) : () -> ()
    } else {
    }
    %barrier3A_27 = arith.constant 0 : index
    tpu.barrier barrier_id(%barrier3A_27)
    %mul3A_28 = arith.constant 3 : i32
    %mul3A_29 = arith.muli %arg0, %mul3A_28 : i32
    %add3A_30 = arith.constant 1 : i32
    %add3A_31 = arith.addi %mul3A_29, %add3A_30 : i32
    %mul3A_32 = arith.constant 3128 : i32
    %mul3A_33 = arith.muli %arg1, %mul3A_32 : i32
    "tpu.region"() ({
      %run_scoped3A = tpu.sem_alloc : memref<!tpu.dma_semaphore, #tpu.memory_space<semaphore_mem>>
      %dma_start3A = arith.constant 0 : i32
      %dma_start3A_88 = tpu.memref_slice %arg11[%mul3A_33, %dma_start3A] : memref<50048x16xf32, #tpu.memory_space<vmem_shared>> -> memref<3128x16xf32, #tpu.memory_space<vmem_shared>>
      %dma_start3A_89 = arith.constant 0 : i32
      %dma_start3A_90 = tpu.memref_slice %arg11[%mul3A_33, %dma_start3A_89] : memref<50048x16xf32, #tpu.memory_space<vmem_shared>> -> memref<3128x16xf32, #tpu.memory_space<vmem_shared>>
      tpu.enqueue_dma source(%arg10 : memref<3128x16xf32, #tpu.memory_space<vmem>>) target(%dma_start3A_90 : memref<3128x16xf32, #tpu.memory_space<vmem_shared>>) target_semaphore(%run_scoped3A : memref<!tpu.dma_semaphore, #tpu.memory_space<semaphore_mem>>)
      %dma_wait3A = arith.constant 0 : i32
      %dma_wait3A_91 = tpu.memref_slice %arg11[%mul3A_33, %dma_wait3A] : memref<50048x16xf32, #tpu.memory_space<vmem_shared>> -> memref<3128x16xf32, #tpu.memory_space<vmem_shared>>
      %dma_wait3A_92 = arith.constant 0 : i32
      %dma_wait3A_93 = tpu.memref_slice %arg11[%mul3A_33, %dma_wait3A_92] : memref<50048x16xf32, #tpu.memory_space<vmem_shared>> -> memref<3128x16xf32, #tpu.memory_space<vmem_shared>>
      tpu.wait_dma2 semaphore(%run_scoped3A : memref<!tpu.dma_semaphore, #tpu.memory_space<semaphore_mem>>) src(%arg10 : memref<3128x16xf32, #tpu.memory_space<vmem>>) dst(%dma_wait3A_93 : memref<3128x16xf32, #tpu.memory_space<vmem_shared>>)
      tpu.yield
    }) : () -> ()
    %barrier3A_34 = arith.constant 0 : index
    tpu.barrier barrier_id(%barrier3A_34)
    %mul3A_35 = arith.constant 50048 : i32
    %mul3A_36 = arith.muli %arg1, %mul3A_35 : i32
    %scan3A_37 = arith.constant 0 : i32
    %scan3A_38 = arith.constant 0 : i32
    %scan3A_39 = arith.constant 391 : i32
    %scan3A_40 = arith.addi %scan3A_38, %scan3A_39 : i32
    %scan3A_41 = arith.constant 1 : i32
    scf.for %scan3A_88 = %scan3A_38 to %scan3A_40 step %scan3A_41  : i32 {
      %mul3A_89 = arith.constant 128 : i32
      %mul3A_90 = arith.muli %scan3A_88, %mul3A_89 : i32
      %add3A_91 = arith.addi %mul3A_36, %mul3A_90 : i32
      "tpu.region"() ({
        %run_scoped3A = tpu.sem_alloc : memref<!tpu.dma_semaphore, #tpu.memory_space<semaphore_mem>>
        %dma_start3A_190 = tpu.memref_slice %arg2[%add3A_91] : memref<800768xi32, #tpu.memory_space<hbm>> -> memref<128xi32, #tpu.memory_space<hbm>>
        %dma_start3A_191 = tpu.memref_slice %arg2[%add3A_91] : memref<800768xi32, #tpu.memory_space<hbm>> -> memref<128xi32, #tpu.memory_space<hbm>>
        tpu.enqueue_dma source(%dma_start3A_191 : memref<128xi32, #tpu.memory_space<hbm>>) target(%arg6 : memref<128xi32, #tpu.memory_space<vmem>>) target_semaphore(%run_scoped3A : memref<!tpu.dma_semaphore, #tpu.memory_space<semaphore_mem>>)
        %dma_wait3A_192 = tpu.memref_slice %arg2[%add3A_91] : memref<800768xi32, #tpu.memory_space<hbm>> -> memref<128xi32, #tpu.memory_space<hbm>>
        %dma_wait3A_193 = tpu.memref_slice %arg2[%add3A_91] : memref<800768xi32, #tpu.memory_space<hbm>> -> memref<128xi32, #tpu.memory_space<hbm>>
        tpu.wait_dma2 semaphore(%run_scoped3A : memref<!tpu.dma_semaphore, #tpu.memory_space<semaphore_mem>>) src(%dma_wait3A_193 : memref<128xi32, #tpu.memory_space<hbm>>) dst(%arg6 : memref<128xi32, #tpu.memory_space<vmem>>)
        tpu.yield
      }) : () -> ()
      "tpu.region"() ({
        %run_scoped3A = tpu.sem_alloc : memref<!tpu.dma_semaphore, #tpu.memory_space<semaphore_mem>>
        %dma_start3A_190 = tpu.memref_slice %arg3[%add3A_91] : memref<800768xi32, #tpu.memory_space<hbm>> -> memref<128xi32, #tpu.memory_space<hbm>>
        %dma_start3A_191 = tpu.memref_slice %arg3[%add3A_91] : memref<800768xi32, #tpu.memory_space<hbm>> -> memref<128xi32, #tpu.memory_space<hbm>>
        tpu.enqueue_dma source(%dma_start3A_191 : memref<128xi32, #tpu.memory_space<hbm>>) target(%arg7 : memref<128xi32, #tpu.memory_space<vmem>>) target_semaphore(%run_scoped3A : memref<!tpu.dma_semaphore, #tpu.memory_space<semaphore_mem>>)
        %dma_wait3A_192 = tpu.memref_slice %arg3[%add3A_91] : memref<800768xi32, #tpu.memory_space<hbm>> -> memref<128xi32, #tpu.memory_space<hbm>>
        %dma_wait3A_193 = tpu.memref_slice %arg3[%add3A_91] : memref<800768xi32, #tpu.memory_space<hbm>> -> memref<128xi32, #tpu.memory_space<hbm>>
        tpu.wait_dma2 semaphore(%run_scoped3A : memref<!tpu.dma_semaphore, #tpu.memory_space<semaphore_mem>>) src(%dma_wait3A_193 : memref<128xi32, #tpu.memory_space<hbm>>) dst(%arg7 : memref<128xi32, #tpu.memory_space<vmem>>)
        tpu.yield
      }) : () -> ()
      %get3A = arith.constant 0 : index
      %get3A_92 = tpu.vector_load %arg6[%get3A] {strides = array<i32>} : memref<128xi32, #tpu.memory_space<vmem>>, vector<16xi32>,
      %get3A_93 = vector.shape_cast %get3A_92 : vector<16xi32> to vector<16xi32>
      %mul3A_94 = arith.constant 6 : i32
      %mul3A_95 = vector.broadcast %mul3A_94 : i32 to vector<16xi32>
      %mul3A_96 = arith.muli %get3A_93, %mul3A_95 : vector<16xi32>
      %add3A_97 = vector.broadcast %add3A_31 : i32 to vector<16xi32>
      %add3A_98 = arith.addi %mul3A_96, %add3A_97 : vector<16xi32>
      %swap3A = arith.constant 0 : index
      %swap3A_99 = tpu.vector_load %arg8[%swap3A] {strides = array<i32>} : memref<128xi32, #tpu.memory_space<vmem>>, vector<16xi32>,
      %swap3A_100 = vector.shape_cast %swap3A_99 : vector<16xi32> to vector<16xi32>
      %swap3A_101 = vector.shape_cast %add3A_98 : vector<16xi32> to vector<16xi32>
      tpu.vector_store %arg8[%swap3A], %swap3A_101 {strides = array<i32>} : memref<128xi32, #tpu.memory_space<vmem>>, vector<16xi32>,
      %get3A_102 = arith.constant 16 : index
      %get3A_103 = tpu.vector_load %arg6[%get3A_102] {strides = array<i32>} : memref<128xi32, #tpu.memory_space<vmem>>, vector<16xi32>,
      %get3A_104 = vector.shape_cast %get3A_103 : vector<16xi32> to vector<16xi32>
      %mul3A_105 = arith.constant 6 : i32
      %mul3A_106 = vector.broadcast %mul3A_105 : i32 to vector<16xi32>
      %mul3A_107 = arith.muli %get3A_104, %mul3A_106 : vector<16xi32>
      %add3A_108 = vector.broadcast %add3A_31 : i32 to vector<16xi32>
      %add3A_109 = arith.addi %mul3A_107, %add3A_108 : vector<16xi32>
      %swap3A_110 = arith.constant 16 : index
      %swap3A_111 = tpu.vector_load %arg8[%swap3A_110] {strides = array<i32>} : memref<128xi32, #tpu.memory_space<vmem>>, vector<16xi32>,
      %swap3A_112 = vector.shape_cast %swap3A_111 : vector<16xi32> to vector<16xi32>
      %swap3A_113 = vector.shape_cast %add3A_109 : vector<16xi32> to vector<16xi32>
      tpu.vector_store %arg8[%swap3A_110], %swap3A_113 {strides = array<i32>} : memref<128xi32, #tpu.memory_space<vmem>>, vector<16xi32>,
      %get3A_114 = arith.constant 32 : index
      %get3A_115 = tpu.vector_load %arg6[%get3A_114] {strides = array<i32>} : memref<128xi32, #tpu.memory_space<vmem>>, vector<16xi32>,
      %get3A_116 = vector.shape_cast %get3A_115 : vector<16xi32> to vector<16xi32>
      %mul3A_117 = arith.constant 6 : i32
      %mul3A_118 = vector.broadcast %mul3A_117 : i32 to vector<16xi32>
      %mul3A_119 = arith.muli %get3A_116, %mul3A_118 : vector<16xi32>
      %add3A_120 = vector.broadcast %add3A_31 : i32 to vector<16xi32>
      %add3A_121 = arith.addi %mul3A_119, %add3A_120 : vector<16xi32>
      %swap3A_122 = arith.constant 32 : index
      %swap3A_123 = tpu.vector_load %arg8[%swap3A_122] {strides = array<i32>} : memref<128xi32, #tpu.memory_space<vmem>>, vector<16xi32>,
      %swap3A_124 = vector.shape_cast %swap3A_123 : vector<16xi32> to vector<16xi32>
      %swap3A_125 = vector.shape_cast %add3A_121 : vector<16xi32> to vector<16xi32>
      tpu.vector_store %arg8[%swap3A_122], %swap3A_125 {strides = array<i32>} : memref<128xi32, #tpu.memory_space<vmem>>, vector<16xi32>,
      %get3A_126 = arith.constant 48 : index
      %get3A_127 = tpu.vector_load %arg6[%get3A_126] {strides = array<i32>} : memref<128xi32, #tpu.memory_space<vmem>>, vector<16xi32>,
      %get3A_128 = vector.shape_cast %get3A_127 : vector<16xi32> to vector<16xi32>
      %mul3A_129 = arith.constant 6 : i32
      %mul3A_130 = vector.broadcast %mul3A_129 : i32 to vector<16xi32>
      %mul3A_131 = arith.muli %get3A_128, %mul3A_130 : vector<16xi32>
      %add3A_132 = vector.broadcast %add3A_31 : i32 to vector<16xi32>
      %add3A_133 = arith.addi %mul3A_131, %add3A_132 : vector<16xi32>
      %swap3A_134 = arith.constant 48 : index
      %swap3A_135 = tpu.vector_load %arg8[%swap3A_134] {strides = array<i32>} : memref<128xi32, #tpu.memory_space<vmem>>, vector<16xi32>,
      %swap3A_136 = vector.shape_cast %swap3A_135 : vector<16xi32> to vector<16xi32>
      %swap3A_137 = vector.shape_cast %add3A_133 : vector<16xi32> to vector<16xi32>
      tpu.vector_store %arg8[%swap3A_134], %swap3A_137 {strides = array<i32>} : memref<128xi32, #tpu.memory_space<vmem>>, vector<16xi32>,
      %get3A_138 = arith.constant 64 : index
      %get3A_139 = tpu.vector_load %arg6[%get3A_138] {strides = array<i32>} : memref<128xi32, #tpu.memory_space<vmem>>, vector<16xi32>,
      %get3A_140 = vector.shape_cast %get3A_139 : vector<16xi32> to vector<16xi32>
      %mul3A_141 = arith.constant 6 : i32
      %mul3A_142 = vector.broadcast %mul3A_141 : i32 to vector<16xi32>
      %mul3A_143 = arith.muli %get3A_140, %mul3A_142 : vector<16xi32>
      %add3A_144 = vector.broadcast %add3A_31 : i32 to vector<16xi32>
      %add3A_145 = arith.addi %mul3A_143, %add3A_144 : vector<16xi32>
      %swap3A_146 = arith.constant 64 : index
      %swap3A_147 = tpu.vector_load %arg8[%swap3A_146] {strides = array<i32>} : memref<128xi32, #tpu.memory_space<vmem>>, vector<16xi32>,
      %swap3A_148 = vector.shape_cast %swap3A_147 : vector<16xi32> to vector<16xi32>
      %swap3A_149 = vector.shape_cast %add3A_145 : vector<16xi32> to vector<16xi32>
      tpu.vector_store %arg8[%swap3A_146], %swap3A_149 {strides = array<i32>} : memref<128xi32, #tpu.memory_space<vmem>>, vector<16xi32>,
      %get3A_150 = arith.constant 80 : index
      %get3A_151 = tpu.vector_load %arg6[%get3A_150] {strides = array<i32>} : memref<128xi32, #tpu.memory_space<vmem>>, vector<16xi32>,
      %get3A_152 = vector.shape_cast %get3A_151 : vector<16xi32> to vector<16xi32>
      %mul3A_153 = arith.constant 6 : i32
      %mul3A_154 = vector.broadcast %mul3A_153 : i32 to vector<16xi32>
      %mul3A_155 = arith.muli %get3A_152, %mul3A_154 : vector<16xi32>
      %add3A_156 = vector.broadcast %add3A_31 : i32 to vector<16xi32>
      %add3A_157 = arith.addi %mul3A_155, %add3A_156 : vector<16xi32>
      %swap3A_158 = arith.constant 80 : index
      %swap3A_159 = tpu.vector_load %arg8[%swap3A_158] {strides = array<i32>} : memref<128xi32, #tpu.memory_space<vmem>>, vector<16xi32>,
      %swap3A_160 = vector.shape_cast %swap3A_159 : vector<16xi32> to vector<16xi32>
      %swap3A_161 = vector.shape_cast %add3A_157 : vector<16xi32> to vector<16xi32>
      tpu.vector_store %arg8[%swap3A_158], %swap3A_161 {strides = array<i32>} : memref<128xi32, #tpu.memory_space<vmem>>, vector<16xi32>,
      %get3A_162 = arith.constant 96 : index
      %get3A_163 = tpu.vector_load %arg6[%get3A_162] {strides = array<i32>} : memref<128xi32, #tpu.memory_space<vmem>>, vector<16xi32>,
      %get3A_164 = vector.shape_cast %get3A_163 : vector<16xi32> to vector<16xi32>
      %mul3A_165 = arith.constant 6 : i32
      %mul3A_166 = vector.broadcast %mul3A_165 : i32 to vector<16xi32>
      %mul3A_167 = arith.muli %get3A_164, %mul3A_166 : vector<16xi32>
      %add3A_168 = vector.broadcast %add3A_31 : i32 to vector<16xi32>
      %add3A_169 = arith.addi %mul3A_167, %add3A_168 : vector<16xi32>
      %swap3A_170 = arith.constant 96 : index
      %swap3A_171 = tpu.vector_load %arg8[%swap3A_170] {strides = array<i32>} : memref<128xi32, #tpu.memory_space<vmem>>, vector<16xi32>,
      %swap3A_172 = vector.shape_cast %swap3A_171 : vector<16xi32> to vector<16xi32>
      %swap3A_173 = vector.shape_cast %add3A_169 : vector<16xi32> to vector<16xi32>
      tpu.vector_store %arg8[%swap3A_170], %swap3A_173 {strides = array<i32>} : memref<128xi32, #tpu.memory_space<vmem>>, vector<16xi32>,
      %get3A_174 = arith.constant 112 : index
      %get3A_175 = tpu.vector_load %arg6[%get3A_174] {strides = array<i32>} : memref<128xi32, #tpu.memory_space<vmem>>, vector<16xi32>,
      %get3A_176 = vector.shape_cast %get3A_175 : vector<16xi32> to vector<16xi32>
      %mul3A_177 = arith.constant 6 : i32
      %mul3A_178 = vector.broadcast %mul3A_177 : i32 to vector<16xi32>
      %mul3A_179 = arith.muli %get3A_176, %mul3A_178 : vector<16xi32>
      %add3A_180 = vector.broadcast %add3A_31 : i32 to vector<16xi32>
      %add3A_181 = arith.addi %mul3A_179, %add3A_180 : vector<16xi32>
      %swap3A_182 = arith.constant 112 : index
      %swap3A_183 = tpu.vector_load %arg8[%swap3A_182] {strides = array<i32>} : memref<128xi32, #tpu.memory_space<vmem>>, vector<16xi32>,
      %swap3A_184 = vector.shape_cast %swap3A_183 : vector<16xi32> to vector<16xi32>
      %swap3A_185 = vector.shape_cast %add3A_181 : vector<16xi32> to vector<16xi32>
      tpu.vector_store %arg8[%swap3A_182], %swap3A_185 {strides = array<i32>} : memref<128xi32, #tpu.memory_space<vmem>>, vector<16xi32>,
      %dma_start3A = arith.constant 0 : i32
      %dma_start3A_186 = arith.constant 0 : i32
      %dma_start3A_187 = tpu.memref_slice %arg4[%dma_start3A, %dma_start3A_186] : memref<900000x16xf32, #tpu.memory_space<hbm>> -> memref<900000x16xf32, #tpu.memory_space<hbm>>
      tpu.enqueue_indirect_dma source(%dma_start3A_187 : memref<900000x16xf32, #tpu.memory_space<hbm>>) target(%arg9 : memref<128x16xf32, #tpu.memory_space<vmem>>) offsets(%arg8 : memref<128xi32, #tpu.memory_space<vmem>>) semaphore(%arg12 : memref<!tpu.dma_semaphore, #tpu.memory_space<semaphore_mem>>)
      %dma_wait3A = arith.constant 0 : i32
      %dma_wait3A_188 = arith.constant 0 : i32
      %dma_wait3A_189 = tpu.memref_slice %arg4[%dma_wait3A, %dma_wait3A_188] : memref<900000x16xf32, #tpu.memory_space<hbm>> -> memref<900000x16xf32, #tpu.memory_space<hbm>>
      tpu.wait_indirect_dma semaphore(%arg12 : memref<!tpu.dma_semaphore, #tpu.memory_space<semaphore_mem>>) src(%dma_wait3A_189 : memref<900000x16xf32, #tpu.memory_space<hbm>>) dst(%arg9 : memref<128x16xf32, #tpu.memory_space<vmem>>)
      "tpu.region"() ({
        %run_scoped3A = tpu.sem_alloc : memref<!tpu.dma_semaphore, #tpu.memory_space<semaphore_mem>>
        %dma_start3A_190 = arith.constant 0 : i32
        %dma_start3A_191 = arith.constant 0 : i32
        %dma_start3A_192 = tpu.memref_slice %arg11[%dma_start3A_190, %dma_start3A_191] : memref<50048x16xf32, #tpu.memory_space<vmem_shared>> -> memref<50048x16xf32, #tpu.memory_space<vmem_shared>>
        tpu.enqueue_indirect_dma source(%arg9 : memref<128x16xf32, #tpu.memory_space<vmem>>) target(%dma_start3A_192 : memref<50048x16xf32, #tpu.memory_space<vmem_shared>>) offsets(%arg7 : memref<128xi32, #tpu.memory_space<vmem>>) semaphore(%run_scoped3A : memref<!tpu.dma_semaphore, #tpu.memory_space<semaphore_mem>>) {add = true}
        %dma_wait3A_193 = arith.constant 0 : i32
        %dma_wait3A_194 = arith.constant 0 : i32
        %dma_wait3A_195 = tpu.memref_slice %arg11[%dma_wait3A_193, %dma_wait3A_194] : memref<50048x16xf32, #tpu.memory_space<vmem_shared>> -> memref<50048x16xf32, #tpu.memory_space<vmem_shared>>
        tpu.wait_indirect_dma semaphore(%run_scoped3A : memref<!tpu.dma_semaphore, #tpu.memory_space<semaphore_mem>>) src(%arg9 : memref<128x16xf32, #tpu.memory_space<vmem>>) dst(%dma_wait3A_195 : memref<50048x16xf32, #tpu.memory_space<vmem_shared>>)
        tpu.yield
      }) : () -> ()
    }
    %scan3A_42 = arith.constant 391 : i32
    %barrier3A_43 = arith.constant 0 : index
    tpu.barrier barrier_id(%barrier3A_43)
    %mul3A_44 = arith.constant 3128 : i32
    %mul3A_45 = arith.muli %arg1, %mul3A_44 : i32
    %multiple_of3A_46 = tpu.assume_multiple %mul3A_45, 8 : i32
    %lt3A_47 = arith.constant 15 : i32
    %lt3A_48 = arith.cmpi slt, %arg1, %lt3A_47 : i32
    %convert_element_type3A_49 = arith.extui %lt3A_48 : i1 to i32
    %cond3A_50 = arith.constant 0 : i32
    %cond3A_51 = arith.cmpi ne, %convert_element_type3A_49, %cond3A_50 : i32
    scf.if %cond3A_51 {
      "tpu.region"() ({
        %run_scoped3A = tpu.sem_alloc : memref<!tpu.dma_semaphore, #tpu.memory_space<semaphore_mem>>
        %dma_start3A = arith.constant 0 : i32
        %dma_start3A_88 = tpu.memref_slice %arg5[%add3A_31, %multiple_of3A_46, %dma_start3A] : memref<6x50000x16xf32, #tpu.memory_space<hbm>> -> memref<1x3128x16xf32, #tpu.memory_space<hbm>>
        %dma_start3A_89 = tpu.memref_squeeze %dma_start3A_88 : memref<1x3128x16xf32, #tpu.memory_space<hbm>> -> memref<3128x16xf32, #tpu.memory_space<hbm>>
        %dma_start3A_90 = arith.constant 0 : i32
        %dma_start3A_91 = tpu.memref_slice %arg11[%multiple_of3A_46, %dma_start3A_90] : memref<50048x16xf32, #tpu.memory_space<vmem_shared>> -> memref<3128x16xf32, #tpu.memory_space<vmem_shared>>
        tpu.enqueue_dma source(%dma_start3A_91 : memref<3128x16xf32, #tpu.memory_space<vmem_shared>>) target(%dma_start3A_89 : memref<3128x16xf32, #tpu.memory_space<hbm>>) target_semaphore(%run_scoped3A : memref<!tpu.dma_semaphore, #tpu.memory_space<semaphore_mem>>)
        %dma_wait3A = arith.constant 0 : i32
        %dma_wait3A_92 = tpu.memref_slice %arg5[%add3A_31, %multiple_of3A_46, %dma_wait3A] : memref<6x50000x16xf32, #tpu.memory_space<hbm>> -> memref<1x3128x16xf32, #tpu.memory_space<hbm>>
        %dma_wait3A_93 = tpu.memref_squeeze %dma_wait3A_92 : memref<1x3128x16xf32, #tpu.memory_space<hbm>> -> memref<3128x16xf32, #tpu.memory_space<hbm>>
        %dma_wait3A_94 = arith.constant 0 : i32
        %dma_wait3A_95 = tpu.memref_slice %arg11[%multiple_of3A_46, %dma_wait3A_94] : memref<50048x16xf32, #tpu.memory_space<vmem_shared>> -> memref<3128x16xf32, #tpu.memory_space<vmem_shared>>
        tpu.wait_dma2 semaphore(%run_scoped3A : memref<!tpu.dma_semaphore, #tpu.memory_space<semaphore_mem>>) src(%dma_wait3A_95 : memref<3128x16xf32, #tpu.memory_space<vmem_shared>>) dst(%dma_wait3A_93 : memref<3128x16xf32, #tpu.memory_space<hbm>>)
        tpu.yield
      }) : () -> ()
    } else {
    }
    %eq3A_52 = arith.constant 15 : i32
    %eq3A_53 = arith.cmpi eq, %arg1, %eq3A_52 : i32
    %convert_element_type3A_54 = arith.extui %eq3A_53 : i1 to i32
    %cond3A_55 = arith.constant 0 : i32
    %cond3A_56 = arith.cmpi ne, %convert_element_type3A_54, %cond3A_55 : i32
    scf.if %cond3A_56 {
      "tpu.region"() ({
        %run_scoped3A = tpu.sem_alloc : memref<!tpu.dma_semaphore, #tpu.memory_space<semaphore_mem>>
        %dma_start3A = arith.constant 0 : i32
        %dma_start3A_88 = tpu.memref_slice %arg5[%add3A_31, %multiple_of3A_46, %dma_start3A] : memref<6x50000x16xf32, #tpu.memory_space<hbm>> -> memref<1x3080x16xf32, #tpu.memory_space<hbm>>
        %dma_start3A_89 = tpu.memref_squeeze %dma_start3A_88 : memref<1x3080x16xf32, #tpu.memory_space<hbm>> -> memref<3080x16xf32, #tpu.memory_space<hbm>>
        %dma_start3A_90 = arith.constant 0 : i32
        %dma_start3A_91 = tpu.memref_slice %arg11[%multiple_of3A_46, %dma_start3A_90] : memref<50048x16xf32, #tpu.memory_space<vmem_shared>> -> memref<3080x16xf32, #tpu.memory_space<vmem_shared>>
        tpu.enqueue_dma source(%dma_start3A_91 : memref<3080x16xf32, #tpu.memory_space<vmem_shared>>) target(%dma_start3A_89 : memref<3080x16xf32, #tpu.memory_space<hbm>>) target_semaphore(%run_scoped3A : memref<!tpu.dma_semaphore, #tpu.memory_space<semaphore_mem>>)
        %dma_wait3A = arith.constant 0 : i32
        %dma_wait3A_92 = tpu.memref_slice %arg5[%add3A_31, %multiple_of3A_46, %dma_wait3A] : memref<6x50000x16xf32, #tpu.memory_space<hbm>> -> memref<1x3080x16xf32, #tpu.memory_space<hbm>>
        %dma_wait3A_93 = tpu.memref_squeeze %dma_wait3A_92 : memref<1x3080x16xf32, #tpu.memory_space<hbm>> -> memref<3080x16xf32, #tpu.memory_space<hbm>>
        %dma_wait3A_94 = arith.constant 0 : i32
        %dma_wait3A_95 = tpu.memref_slice %arg11[%multiple_of3A_46, %dma_wait3A_94] : memref<50048x16xf32, #tpu.memory_space<vmem_shared>> -> memref<3080x16xf32, #tpu.memory_space<vmem_shared>>
        tpu.wait_dma2 semaphore(%run_scoped3A : memref<!tpu.dma_semaphore, #tpu.memory_space<semaphore_mem>>) src(%dma_wait3A_95 : memref<3080x16xf32, #tpu.memory_space<vmem_shared>>) dst(%dma_wait3A_93 : memref<3080x16xf32, #tpu.memory_space<hbm>>)
        tpu.yield
      }) : () -> ()
    } else {
    }
    %barrier3A_57 = arith.constant 0 : index
    tpu.barrier barrier_id(%barrier3A_57)
    %mul3A_58 = arith.constant 3 : i32
    %mul3A_59 = arith.muli %arg0, %mul3A_58 : i32
    %add3A_60 = arith.constant 2 : i32
    %add3A_61 = arith.addi %mul3A_59, %add3A_60 : i32
    %mul3A_62 = arith.constant 3128 : i32
    %mul3A_63 = arith.muli %arg1, %mul3A_62 : i32
    "tpu.region"() ({
      %run_scoped3A = tpu.sem_alloc : memref<!tpu.dma_semaphore, #tpu.memory_space<semaphore_mem>>
      %dma_start3A = arith.constant 0 : i32
      %dma_start3A_88 = tpu.memref_slice %arg11[%mul3A_63, %dma_start3A] : memref<50048x16xf32, #tpu.memory_space<vmem_shared>> -> memref<3128x16xf32, #tpu.memory_space<vmem_shared>>
      %dma_start3A_89 = arith.constant 0 : i32
      %dma_start3A_90 = tpu.memref_slice %arg11[%mul3A_63, %dma_start3A_89] : memref<50048x16xf32, #tpu.memory_space<vmem_shared>> -> memref<3128x16xf32, #tpu.memory_space<vmem_shared>>
      tpu.enqueue_dma source(%arg10 : memref<3128x16xf32, #tpu.memory_space<vmem>>) target(%dma_start3A_90 : memref<3128x16xf32, #tpu.memory_space<vmem_shared>>) target_semaphore(%run_scoped3A : memref<!tpu.dma_semaphore, #tpu.memory_space<semaphore_mem>>)
      %dma_wait3A = arith.constant 0 : i32
      %dma_wait3A_91 = tpu.memref_slice %arg11[%mul3A_63, %dma_wait3A] : memref<50048x16xf32, #tpu.memory_space<vmem_shared>> -> memref<3128x16xf32, #tpu.memory_space<vmem_shared>>
      %dma_wait3A_92 = arith.constant 0 : i32
      %dma_wait3A_93 = tpu.memref_slice %arg11[%mul3A_63, %dma_wait3A_92] : memref<50048x16xf32, #tpu.memory_space<vmem_shared>> -> memref<3128x16xf32, #tpu.memory_space<vmem_shared>>
      tpu.wait_dma2 semaphore(%run_scoped3A : memref<!tpu.dma_semaphore, #tpu.memory_space<semaphore_mem>>) src(%arg10 : memref<3128x16xf32, #tpu.memory_space<vmem>>) dst(%dma_wait3A_93 : memref<3128x16xf32, #tpu.memory_space<vmem_shared>>)
      tpu.yield
    }) : () -> ()
    %barrier3A_64 = arith.constant 0 : index
    tpu.barrier barrier_id(%barrier3A_64)
    %mul3A_65 = arith.constant 50048 : i32
    %mul3A_66 = arith.muli %arg1, %mul3A_65 : i32
    %scan3A_67 = arith.constant 0 : i32
    %scan3A_68 = arith.constant 0 : i32
    %scan3A_69 = arith.constant 391 : i32
    %scan3A_70 = arith.addi %scan3A_68, %scan3A_69 : i32
    %scan3A_71 = arith.constant 1 : i32
    scf.for %scan3A_88 = %scan3A_68 to %scan3A_70 step %scan3A_71  : i32 {
      %mul3A_89 = arith.constant 128 : i32
      %mul3A_90 = arith.muli %scan3A_88, %mul3A_89 : i32
      %add3A_91 = arith.addi %mul3A_66, %mul3A_90 : i32
      "tpu.region"() ({
        %run_scoped3A = tpu.sem_alloc : memref<!tpu.dma_semaphore, #tpu.memory_space<semaphore_mem>>
        %dma_start3A_190 = tpu.memref_slice %arg2[%add3A_91] : memref<800768xi32, #tpu.memory_space<hbm>> -> memref<128xi32, #tpu.memory_space<hbm>>
        %dma_start3A_191 = tpu.memref_slice %arg2[%add3A_91] : memref<800768xi32, #tpu.memory_space<hbm>> -> memref<128xi32, #tpu.memory_space<hbm>>
        tpu.enqueue_dma source(%dma_start3A_191 : memref<128xi32, #tpu.memory_space<hbm>>) target(%arg6 : memref<128xi32, #tpu.memory_space<vmem>>) target_semaphore(%run_scoped3A : memref<!tpu.dma_semaphore, #tpu.memory_space<semaphore_mem>>)
        %dma_wait3A_192 = tpu.memref_slice %arg2[%add3A_91] : memref<800768xi32, #tpu.memory_space<hbm>> -> memref<128xi32, #tpu.memory_space<hbm>>
        %dma_wait3A_193 = tpu.memref_slice %arg2[%add3A_91] : memref<800768xi32, #tpu.memory_space<hbm>> -> memref<128xi32, #tpu.memory_space<hbm>>
        tpu.wait_dma2 semaphore(%run_scoped3A : memref<!tpu.dma_semaphore, #tpu.memory_space<semaphore_mem>>) src(%dma_wait3A_193 : memref<128xi32, #tpu.memory_space<hbm>>) dst(%arg6 : memref<128xi32, #tpu.memory_space<vmem>>)
        tpu.yield
      }) : () -> ()
      "tpu.region"() ({
        %run_scoped3A = tpu.sem_alloc : memref<!tpu.dma_semaphore, #tpu.memory_space<semaphore_mem>>
        %dma_start3A_190 = tpu.memref_slice %arg3[%add3A_91] : memref<800768xi32, #tpu.memory_space<hbm>> -> memref<128xi32, #tpu.memory_space<hbm>>
        %dma_start3A_191 = tpu.memref_slice %arg3[%add3A_91] : memref<800768xi32, #tpu.memory_space<hbm>> -> memref<128xi32, #tpu.memory_space<hbm>>
        tpu.enqueue_dma source(%dma_start3A_191 : memref<128xi32, #tpu.memory_space<hbm>>) target(%arg7 : memref<128xi32, #tpu.memory_space<vmem>>) target_semaphore(%run_scoped3A : memref<!tpu.dma_semaphore, #tpu.memory_space<semaphore_mem>>)
        %dma_wait3A_192 = tpu.memref_slice %arg3[%add3A_91] : memref<800768xi32, #tpu.memory_space<hbm>> -> memref<128xi32, #tpu.memory_space<hbm>>
        %dma_wait3A_193 = tpu.memref_slice %arg3[%add3A_91] : memref<800768xi32, #tpu.memory_space<hbm>> -> memref<128xi32, #tpu.memory_space<hbm>>
        tpu.wait_dma2 semaphore(%run_scoped3A : memref<!tpu.dma_semaphore, #tpu.memory_space<semaphore_mem>>) src(%dma_wait3A_193 : memref<128xi32, #tpu.memory_space<hbm>>) dst(%arg7 : memref<128xi32, #tpu.memory_space<vmem>>)
        tpu.yield
      }) : () -> ()
      %get3A = arith.constant 0 : index
      %get3A_92 = tpu.vector_load %arg6[%get3A] {strides = array<i32>} : memref<128xi32, #tpu.memory_space<vmem>>, vector<16xi32>,
      %get3A_93 = vector.shape_cast %get3A_92 : vector<16xi32> to vector<16xi32>
      %mul3A_94 = arith.constant 6 : i32
      %mul3A_95 = vector.broadcast %mul3A_94 : i32 to vector<16xi32>
      %mul3A_96 = arith.muli %get3A_93, %mul3A_95 : vector<16xi32>
      %add3A_97 = vector.broadcast %add3A_61 : i32 to vector<16xi32>
      %add3A_98 = arith.addi %mul3A_96, %add3A_97 : vector<16xi32>
      %swap3A = arith.constant 0 : index
      %swap3A_99 = tpu.vector_load %arg8[%swap3A] {strides = array<i32>} : memref<128xi32, #tpu.memory_space<vmem>>, vector<16xi32>,
      %swap3A_100 = vector.shape_cast %swap3A_99 : vector<16xi32> to vector<16xi32>
      %swap3A_101 = vector.shape_cast %add3A_98 : vector<16xi32> to vector<16xi32>
      tpu.vector_store %arg8[%swap3A], %swap3A_101 {strides = array<i32>} : memref<128xi32, #tpu.memory_space<vmem>>, vector<16xi32>,
      %get3A_102 = arith.constant 16 : index
      %get3A_103 = tpu.vector_load %arg6[%get3A_102] {strides = array<i32>} : memref<128xi32, #tpu.memory_space<vmem>>, vector<16xi32>,
      %get3A_104 = vector.shape_cast %get3A_103 : vector<16xi32> to vector<16xi32>
      %mul3A_105 = arith.constant 6 : i32
      %mul3A_106 = vector.broadcast %mul3A_105 : i32 to vector<16xi32>
      %mul3A_107 = arith.muli %get3A_104, %mul3A_106 : vector<16xi32>
      %add3A_108 = vector.broadcast %add3A_61 : i32 to vector<16xi32>
      %add3A_109 = arith.addi %mul3A_107, %add3A_108 : vector<16xi32>
      %swap3A_110 = arith.constant 16 : index
      %swap3A_111 = tpu.vector_load %arg8[%swap3A_110] {strides = array<i32>} : memref<128xi32, #tpu.memory_space<vmem>>, vector<16xi32>,
      %swap3A_112 = vector.shape_cast %swap3A_111 : vector<16xi32> to vector<16xi32>
      %swap3A_113 = vector.shape_cast %add3A_109 : vector<16xi32> to vector<16xi32>
      tpu.vector_store %arg8[%swap3A_110], %swap3A_113 {strides = array<i32>} : memref<128xi32, #tpu.memory_space<vmem>>, vector<16xi32>,
      %get3A_114 = arith.constant 32 : index
      %get3A_115 = tpu.vector_load %arg6[%get3A_114] {strides = array<i32>} : memref<128xi32, #tpu.memory_space<vmem>>, vector<16xi32>,
      %get3A_116 = vector.shape_cast %get3A_115 : vector<16xi32> to vector<16xi32>
      %mul3A_117 = arith.constant 6 : i32
      %mul3A_118 = vector.broadcast %mul3A_117 : i32 to vector<16xi32>
      %mul3A_119 = arith.muli %get3A_116, %mul3A_118 : vector<16xi32>
      %add3A_120 = vector.broadcast %add3A_61 : i32 to vector<16xi32>
      %add3A_121 = arith.addi %mul3A_119, %add3A_120 : vector<16xi32>
      %swap3A_122 = arith.constant 32 : index
      %swap3A_123 = tpu.vector_load %arg8[%swap3A_122] {strides = array<i32>} : memref<128xi32, #tpu.memory_space<vmem>>, vector<16xi32>,
      %swap3A_124 = vector.shape_cast %swap3A_123 : vector<16xi32> to vector<16xi32>
      %swap3A_125 = vector.shape_cast %add3A_121 : vector<16xi32> to vector<16xi32>
      tpu.vector_store %arg8[%swap3A_122], %swap3A_125 {strides = array<i32>} : memref<128xi32, #tpu.memory_space<vmem>>, vector<16xi32>,
      %get3A_126 = arith.constant 48 : index
      %get3A_127 = tpu.vector_load %arg6[%get3A_126] {strides = array<i32>} : memref<128xi32, #tpu.memory_space<vmem>>, vector<16xi32>,
      %get3A_128 = vector.shape_cast %get3A_127 : vector<16xi32> to vector<16xi32>
      %mul3A_129 = arith.constant 6 : i32
      %mul3A_130 = vector.broadcast %mul3A_129 : i32 to vector<16xi32>
      %mul3A_131 = arith.muli %get3A_128, %mul3A_130 : vector<16xi32>
      %add3A_132 = vector.broadcast %add3A_61 : i32 to vector<16xi32>
      %add3A_133 = arith.addi %mul3A_131, %add3A_132 : vector<16xi32>
      %swap3A_134 = arith.constant 48 : index
      %swap3A_135 = tpu.vector_load %arg8[%swap3A_134] {strides = array<i32>} : memref<128xi32, #tpu.memory_space<vmem>>, vector<16xi32>,
      %swap3A_136 = vector.shape_cast %swap3A_135 : vector<16xi32> to vector<16xi32>
      %swap3A_137 = vector.shape_cast %add3A_133 : vector<16xi32> to vector<16xi32>
      tpu.vector_store %arg8[%swap3A_134], %swap3A_137 {strides = array<i32>} : memref<128xi32, #tpu.memory_space<vmem>>, vector<16xi32>,
      %get3A_138 = arith.constant 64 : index
      %get3A_139 = tpu.vector_load %arg6[%get3A_138] {strides = array<i32>} : memref<128xi32, #tpu.memory_space<vmem>>, vector<16xi32>,
      %get3A_140 = vector.shape_cast %get3A_139 : vector<16xi32> to vector<16xi32>
      %mul3A_141 = arith.constant 6 : i32
      %mul3A_142 = vector.broadcast %mul3A_141 : i32 to vector<16xi32>
      %mul3A_143 = arith.muli %get3A_140, %mul3A_142 : vector<16xi32>
      %add3A_144 = vector.broadcast %add3A_61 : i32 to vector<16xi32>
      %add3A_145 = arith.addi %mul3A_143, %add3A_144 : vector<16xi32>
      %swap3A_146 = arith.constant 64 : index
      %swap3A_147 = tpu.vector_load %arg8[%swap3A_146] {strides = array<i32>} : memref<128xi32, #tpu.memory_space<vmem>>, vector<16xi32>,
      %swap3A_148 = vector.shape_cast %swap3A_147 : vector<16xi32> to vector<16xi32>
      %swap3A_149 = vector.shape_cast %add3A_145 : vector<16xi32> to vector<16xi32>
      tpu.vector_store %arg8[%swap3A_146], %swap3A_149 {strides = array<i32>} : memref<128xi32, #tpu.memory_space<vmem>>, vector<16xi32>,
      %get3A_150 = arith.constant 80 : index
      %get3A_151 = tpu.vector_load %arg6[%get3A_150] {strides = array<i32>} : memref<128xi32, #tpu.memory_space<vmem>>, vector<16xi32>,
      %get3A_152 = vector.shape_cast %get3A_151 : vector<16xi32> to vector<16xi32>
      %mul3A_153 = arith.constant 6 : i32
      %mul3A_154 = vector.broadcast %mul3A_153 : i32 to vector<16xi32>
      %mul3A_155 = arith.muli %get3A_152, %mul3A_154 : vector<16xi32>
      %add3A_156 = vector.broadcast %add3A_61 : i32 to vector<16xi32>
      %add3A_157 = arith.addi %mul3A_155, %add3A_156 : vector<16xi32>
      %swap3A_158 = arith.constant 80 : index
      %swap3A_159 = tpu.vector_load %arg8[%swap3A_158] {strides = array<i32>} : memref<128xi32, #tpu.memory_space<vmem>>, vector<16xi32>,
      %swap3A_160 = vector.shape_cast %swap3A_159 : vector<16xi32> to vector<16xi32>
      %swap3A_161 = vector.shape_cast %add3A_157 : vector<16xi32> to vector<16xi32>
      tpu.vector_store %arg8[%swap3A_158], %swap3A_161 {strides = array<i32>} : memref<128xi32, #tpu.memory_space<vmem>>, vector<16xi32>,
      %get3A_162 = arith.constant 96 : index
      %get3A_163 = tpu.vector_load %arg6[%get3A_162] {strides = array<i32>} : memref<128xi32, #tpu.memory_space<vmem>>, vector<16xi32>,
      %get3A_164 = vector.shape_cast %get3A_163 : vector<16xi32> to vector<16xi32>
      %mul3A_165 = arith.constant 6 : i32
      %mul3A_166 = vector.broadcast %mul3A_165 : i32 to vector<16xi32>
      %mul3A_167 = arith.muli %get3A_164, %mul3A_166 : vector<16xi32>
      %add3A_168 = vector.broadcast %add3A_61 : i32 to vector<16xi32>
      %add3A_169 = arith.addi %mul3A_167, %add3A_168 : vector<16xi32>
      %swap3A_170 = arith.constant 96 : index
      %swap3A_171 = tpu.vector_load %arg8[%swap3A_170] {strides = array<i32>} : memref<128xi32, #tpu.memory_space<vmem>>, vector<16xi32>,
      %swap3A_172 = vector.shape_cast %swap3A_171 : vector<16xi32> to vector<16xi32>
      %swap3A_173 = vector.shape_cast %add3A_169 : vector<16xi32> to vector<16xi32>
      tpu.vector_store %arg8[%swap3A_170], %swap3A_173 {strides = array<i32>} : memref<128xi32, #tpu.memory_space<vmem>>, vector<16xi32>,
      %get3A_174 = arith.constant 112 : index
      %get3A_175 = tpu.vector_load %arg6[%get3A_174] {strides = array<i32>} : memref<128xi32, #tpu.memory_space<vmem>>, vector<16xi32>,
      %get3A_176 = vector.shape_cast %get3A_175 : vector<16xi32> to vector<16xi32>
      %mul3A_177 = arith.constant 6 : i32
      %mul3A_178 = vector.broadcast %mul3A_177 : i32 to vector<16xi32>
      %mul3A_179 = arith.muli %get3A_176, %mul3A_178 : vector<16xi32>
      %add3A_180 = vector.broadcast %add3A_61 : i32 to vector<16xi32>
      %add3A_181 = arith.addi %mul3A_179, %add3A_180 : vector<16xi32>
      %swap3A_182 = arith.constant 112 : index
      %swap3A_183 = tpu.vector_load %arg8[%swap3A_182] {strides = array<i32>} : memref<128xi32, #tpu.memory_space<vmem>>, vector<16xi32>,
      %swap3A_184 = vector.shape_cast %swap3A_183 : vector<16xi32> to vector<16xi32>
      %swap3A_185 = vector.shape_cast %add3A_181 : vector<16xi32> to vector<16xi32>
      tpu.vector_store %arg8[%swap3A_182], %swap3A_185 {strides = array<i32>} : memref<128xi32, #tpu.memory_space<vmem>>, vector<16xi32>,
      %dma_start3A = arith.constant 0 : i32
      %dma_start3A_186 = arith.constant 0 : i32
      %dma_start3A_187 = tpu.memref_slice %arg4[%dma_start3A, %dma_start3A_186] : memref<900000x16xf32, #tpu.memory_space<hbm>> -> memref<900000x16xf32, #tpu.memory_space<hbm>>
      tpu.enqueue_indirect_dma source(%dma_start3A_187 : memref<900000x16xf32, #tpu.memory_space<hbm>>) target(%arg9 : memref<128x16xf32, #tpu.memory_space<vmem>>) offsets(%arg8 : memref<128xi32, #tpu.memory_space<vmem>>) semaphore(%arg12 : memref<!tpu.dma_semaphore, #tpu.memory_space<semaphore_mem>>)
      %dma_wait3A = arith.constant 0 : i32
      %dma_wait3A_188 = arith.constant 0 : i32
      %dma_wait3A_189 = tpu.memref_slice %arg4[%dma_wait3A, %dma_wait3A_188] : memref<900000x16xf32, #tpu.memory_space<hbm>> -> memref<900000x16xf32, #tpu.memory_space<hbm>>
      tpu.wait_indirect_dma semaphore(%arg12 : memref<!tpu.dma_semaphore, #tpu.memory_space<semaphore_mem>>) src(%dma_wait3A_189 : memref<900000x16xf32, #tpu.memory_space<hbm>>) dst(%arg9 : memref<128x16xf32, #tpu.memory_space<vmem>>)
      "tpu.region"() ({
        %run_scoped3A = tpu.sem_alloc : memref<!tpu.dma_semaphore, #tpu.memory_space<semaphore_mem>>
        %dma_start3A_190 = arith.constant 0 : i32
        %dma_start3A_191 = arith.constant 0 : i32
        %dma_start3A_192 = tpu.memref_slice %arg11[%dma_start3A_190, %dma_start3A_191] : memref<50048x16xf32, #tpu.memory_space<vmem_shared>> -> memref<50048x16xf32, #tpu.memory_space<vmem_shared>>
        tpu.enqueue_indirect_dma source(%arg9 : memref<128x16xf32, #tpu.memory_space<vmem>>) target(%dma_start3A_192 : memref<50048x16xf32, #tpu.memory_space<vmem_shared>>) offsets(%arg7 : memref<128xi32, #tpu.memory_space<vmem>>) semaphore(%run_scoped3A : memref<!tpu.dma_semaphore, #tpu.memory_space<semaphore_mem>>) {add = true}
        %dma_wait3A_193 = arith.constant 0 : i32
        %dma_wait3A_194 = arith.constant 0 : i32
        %dma_wait3A_195 = tpu.memref_slice %arg11[%dma_wait3A_193, %dma_wait3A_194] : memref<50048x16xf32, #tpu.memory_space<vmem_shared>> -> memref<50048x16xf32, #tpu.memory_space<vmem_shared>>
        tpu.wait_indirect_dma semaphore(%run_scoped3A : memref<!tpu.dma_semaphore, #tpu.memory_space<semaphore_mem>>) src(%arg9 : memref<128x16xf32, #tpu.memory_space<vmem>>) dst(%dma_wait3A_195 : memref<50048x16xf32, #tpu.memory_space<vmem_shared>>)
        tpu.yield
      }) : () -> ()
    }
    %scan3A_72 = arith.constant 391 : i32
    %barrier3A_73 = arith.constant 0 : index
    tpu.barrier barrier_id(%barrier3A_73)
    %mul3A_74 = arith.constant 3128 : i32
    %mul3A_75 = arith.muli %arg1, %mul3A_74 : i32
    %multiple_of3A_76 = tpu.assume_multiple %mul3A_75, 8 : i32
    %lt3A_77 = arith.constant 15 : i32
    %lt3A_78 = arith.cmpi slt, %arg1, %lt3A_77 : i32
    %convert_element_type3A_79 = arith.extui %lt3A_78 : i1 to i32
    %cond3A_80 = arith.constant 0 : i32
    %cond3A_81 = arith.cmpi ne, %convert_element_type3A_79, %cond3A_80 : i32
    scf.if %cond3A_81 {
      "tpu.region"() ({
        %run_scoped3A = tpu.sem_alloc : memref<!tpu.dma_semaphore, #tpu.memory_space<semaphore_mem>>
        %dma_start3A = arith.constant 0 : i32
        %dma_start3A_88 = tpu.memref_slice %arg5[%add3A_61, %multiple_of3A_76, %dma_start3A] : memref<6x50000x16xf32, #tpu.memory_space<hbm>> -> memref<1x3128x16xf32, #tpu.memory_space<hbm>>
        %dma_start3A_89 = tpu.memref_squeeze %dma_start3A_88 : memref<1x3128x16xf32, #tpu.memory_space<hbm>> -> memref<3128x16xf32, #tpu.memory_space<hbm>>
        %dma_start3A_90 = arith.constant 0 : i32
        %dma_start3A_91 = tpu.memref_slice %arg11[%multiple_of3A_76, %dma_start3A_90] : memref<50048x16xf32, #tpu.memory_space<vmem_shared>> -> memref<3128x16xf32, #tpu.memory_space<vmem_shared>>
        tpu.enqueue_dma source(%dma_start3A_91 : memref<3128x16xf32, #tpu.memory_space<vmem_shared>>) target(%dma_start3A_89 : memref<3128x16xf32, #tpu.memory_space<hbm>>) target_semaphore(%run_scoped3A : memref<!tpu.dma_semaphore, #tpu.memory_space<semaphore_mem>>)
        %dma_wait3A = arith.constant 0 : i32
        %dma_wait3A_92 = tpu.memref_slice %arg5[%add3A_61, %multiple_of3A_76, %dma_wait3A] : memref<6x50000x16xf32, #tpu.memory_space<hbm>> -> memref<1x3128x16xf32, #tpu.memory_space<hbm>>
        %dma_wait3A_93 = tpu.memref_squeeze %dma_wait3A_92 : memref<1x3128x16xf32, #tpu.memory_space<hbm>> -> memref<3128x16xf32, #tpu.memory_space<hbm>>
        %dma_wait3A_94 = arith.constant 0 : i32
        %dma_wait3A_95 = tpu.memref_slice %arg11[%multiple_of3A_76, %dma_wait3A_94] : memref<50048x16xf32, #tpu.memory_space<vmem_shared>> -> memref<3128x16xf32, #tpu.memory_space<vmem_shared>>
        tpu.wait_dma2 semaphore(%run_scoped3A : memref<!tpu.dma_semaphore, #tpu.memory_space<semaphore_mem>>) src(%dma_wait3A_95 : memref<3128x16xf32, #tpu.memory_space<vmem_shared>>) dst(%dma_wait3A_93 : memref<3128x16xf32, #tpu.memory_space<hbm>>)
        tpu.yield
      }) : () -> ()
    } else {
    }
    %eq3A_82 = arith.constant 15 : i32
    %eq3A_83 = arith.cmpi eq, %arg1, %eq3A_82 : i32
    %convert_element_type3A_84 = arith.extui %eq3A_83 : i1 to i32
    %cond3A_85 = arith.constant 0 : i32
    %cond3A_86 = arith.cmpi ne, %convert_element_type3A_84, %cond3A_85 : i32
    scf.if %cond3A_86 {
      "tpu.region"() ({
        %run_scoped3A = tpu.sem_alloc : memref<!tpu.dma_semaphore, #tpu.memory_space<semaphore_mem>>
        %dma_start3A = arith.constant 0 : i32
        %dma_start3A_88 = tpu.memref_slice %arg5[%add3A_61, %multiple_of3A_76, %dma_start3A] : memref<6x50000x16xf32, #tpu.memory_space<hbm>> -> memref<1x3080x16xf32, #tpu.memory_space<hbm>>
        %dma_start3A_89 = tpu.memref_squeeze %dma_start3A_88 : memref<1x3080x16xf32, #tpu.memory_space<hbm>> -> memref<3080x16xf32, #tpu.memory_space<hbm>>
        %dma_start3A_90 = arith.constant 0 : i32
        %dma_start3A_91 = tpu.memref_slice %arg11[%multiple_of3A_76, %dma_start3A_90] : memref<50048x16xf32, #tpu.memory_space<vmem_shared>> -> memref<3080x16xf32, #tpu.memory_space<vmem_shared>>
        tpu.enqueue_dma source(%dma_start3A_91 : memref<3080x16xf32, #tpu.memory_space<vmem_shared>>) target(%dma_start3A_89 : memref<3080x16xf32, #tpu.memory_space<hbm>>) target_semaphore(%run_scoped3A : memref<!tpu.dma_semaphore, #tpu.memory_space<semaphore_mem>>)
        %dma_wait3A = arith.constant 0 : i32
        %dma_wait3A_92 = tpu.memref_slice %arg5[%add3A_61, %multiple_of3A_76, %dma_wait3A] : memref<6x50000x16xf32, #tpu.memory_space<hbm>> -> memref<1x3080x16xf32, #tpu.memory_space<hbm>>
        %dma_wait3A_93 = tpu.memref_squeeze %dma_wait3A_92 : memref<1x3080x16xf32, #tpu.memory_space<hbm>> -> memref<3080x16xf32, #tpu.memory_space<hbm>>
        %dma_wait3A_94 = arith.constant 0 : i32
        %dma_wait3A_95 = tpu.memref_slice %arg11[%multiple_of3A_76, %dma_wait3A_94] : memref<50048x16xf32, #tpu.memory_space<vmem_shared>> -> memref<3080x16xf32, #tpu.memory_space<vmem_shared>>
        tpu.wait_dma2 semaphore(%run_scoped3A : memref<!tpu.dma_semaphore, #tpu.memory_space<semaphore_mem>>) src(%dma_wait3A_95 : memref<3080x16xf32, #tpu.memory_space<vmem_shared>>) dst(%dma_wait3A_93 : memref<3080x16xf32, #tpu.memory_space<hbm>>)
        tpu.yield
      }) : () -> ()
    } else {
    }
    %barrier3A_87 = arith.constant 0 : index
    tpu.barrier barrier_id(%barrier3A_87)
    return
  }
}

#map = affine_map<(d0, d1) -> (0)>
#map1 = affine_map<(d0, d1) -> (0, 0)>
#map2 = affine_map<(d0, d1) -> (0, 0, 0)>
module attributes {stable_mosaic.version = 14 : i64} {
  func.func @_sc_agg_body(%arg0: i32, %arg1: i32, %arg2: memref<800768xi32, #tpu.memory_space<hbm>>, %arg3: memref<800768xi32, #tpu.memory_space<hbm>>, %arg4: memref<900000x16xf32, #tpu.memory_space<hbm>>, %arg5: memref<6x50000x16xf32, #tpu.memory_space<hbm>>, %arg6: memref<128xi32, #tpu.memory_space<vmem>>, %arg7: memref<128xi32, #tpu.memory_space<vmem>>, %arg8: memref<128xi32, #tpu.memory_space<vmem>>, %arg9: memref<128x16xf32, #tpu.memory_space<vmem>>, %arg10: memref<3128x16xf32, #tpu.memory_space<vmem>>, %arg11: memref<50048x16xf32, #tpu.memory_space<vmem_shared>>, %arg12: memref<!tpu.dma_semaphore, #tpu.memory_space<semaphore_mem>>) attributes {dimension_semantics = [#tpu.dimension_semantics<core_parallel>, #tpu.dimension_semantics<subcore_parallel>], iteration_bounds = array<i64: 2, 16>, scalar_prefetch = 0 : i64, scratch_operands = 7 : i64, tpu.core_type = #tpu.core_type<sc_vector_subcore>, window_params = [{transform_indices = #map}, {transform_indices = #map}, {transform_indices = #map1}, {transform_indices = #map2}]} {
    %broadcast_in_dim3A = arith.constant 0.000000e+00 : f32
    %broadcast_in_dim3A_0 = vector.broadcast %broadcast_in_dim3A : f32 to vector<16xf32>
    %scan3A = arith.constant 0 : i32
    %scan3A_1 = arith.constant 0 : i32
    %scan3A_2 = arith.constant 3128 : i32
    %scan3A_3 = arith.addi %scan3A_1, %scan3A_2 : i32
    %scan3A_4 = arith.constant 1 : i32
    scf.for %scan3A_88 = %scan3A_1 to %scan3A_3 step %scan3A_4  : i32 {
      %swap3A = arith.index_cast %scan3A_88 : i32 to index
      %swap3A_89 = arith.constant 0 : index
      %swap3A_90 = tpu.vector_load %arg10[%swap3A, %swap3A_89] {strides = array<i32>} : memref<3128x16xf32, #tpu.memory_space<vmem>>, vector<1x16xf32>,
      %swap3A_91 = vector.shape_cast %swap3A_90 : vector<1x16xf32> to vector<16xf32>
      %swap3A_92 = vector.shape_cast %broadcast_in_dim3A_0 : vector<16xf32> to vector<1x16xf32>
      tpu.vector_store %arg10[%swap3A, %swap3A_89], %swap3A_92 {strides = array<i32>} : memref<3128x16xf32, #tpu.memory_space<vmem>>, vector<1x16xf32>,
    }
    %scan3A_5 = arith.constant 3128 : i32
    %mul3A = arith.constant 3 : i32
    %mul3A_6 = arith.muli %arg0, %mul3A : i32
    %add3A = arith.constant 0 : i32
    %add3A_7 = arith.addi %mul3A_6, %add3A : i32
    %mul3A_8 = arith.constant 3128 : i32
    %mul3A_9 = arith.muli %arg1, %mul3A_8 : i32
    "tpu.region"() ({
      %run_scoped3A = tpu.sem_alloc : memref<!tpu.dma_semaphore, #tpu.memory_space<semaphore_mem>>
      %dma_start3A = arith.constant 0 : i32
      %dma_start3A_88 = tpu.memref_slice %arg11[%mul3A_9, %dma_start3A] : memref<50048x16xf32, #tpu.memory_space<vmem_shared>> -> memref<3128x16xf32, #tpu.memory_space<vmem_shared>>
      %dma_start3A_89 = arith.constant 0 : i32
      %dma_start3A_90 = tpu.memref_slice %arg11[%mul3A_9, %dma_start3A_89] : memref<50048x16xf32, #tpu.memory_space<vmem_shared>> -> memref<3128x16xf32, #tpu.memory_space<vmem_shared>>
      tpu.enqueue_dma source(%arg10 : memref<3128x16xf32, #tpu.memory_space<vmem>>) target(%dma_start3A_90 : memref<3128x16xf32, #tpu.memory_space<vmem_shared>>) target_semaphore(%run_scoped3A : memref<!tpu.dma_semaphore, #tpu.memory_space<semaphore_mem>>)
      %dma_wait3A = arith.constant 0 : i32
      %dma_wait3A_91 = tpu.memref_slice %arg11[%mul3A_9, %dma_wait3A] : memref<50048x16xf32, #tpu.memory_space<vmem_shared>> -> memref<3128x16xf32, #tpu.memory_space<vmem_shared>>
      %dma_wait3A_92 = arith.constant 0 : i32
      %dma_wait3A_93 = tpu.memref_slice %arg11[%mul3A_9, %dma_wait3A_92] : memref<50048x16xf32, #tpu.memory_space<vmem_shared>> -> memref<3128x16xf32, #tpu.memory_space<vmem_shared>>
      tpu.wait_dma2 semaphore(%run_scoped3A : memref<!tpu.dma_semaphore, #tpu.memory_space<semaphore_mem>>) src(%arg10 : memref<3128x16xf32, #tpu.memory_space<vmem>>) dst(%dma_wait3A_93 : memref<3128x16xf32, #tpu.memory_space<vmem_shared>>)
      tpu.yield
    }) : () -> ()
    %barrier3A = arith.constant 0 : index
    tpu.barrier barrier_id(%barrier3A)
    %mul3A_10 = arith.constant 50048 : i32
    %mul3A_11 = arith.muli %arg1, %mul3A_10 : i32
    %scan3A_12 = arith.constant 0 : i32
    %scan3A_13 = arith.constant 0 : i32
    %scan3A_14 = arith.constant 391 : i32
    %scan3A_15 = arith.addi %scan3A_13, %scan3A_14 : i32
    %scan3A_16 = arith.constant 1 : i32
    scf.for %scan3A_88 = %scan3A_13 to %scan3A_15 step %scan3A_16  : i32 {
      %mul3A_89 = arith.constant 128 : i32
      %mul3A_90 = arith.muli %scan3A_88, %mul3A_89 : i32
      %add3A_91 = arith.addi %mul3A_11, %mul3A_90 : i32
      "tpu.region"() ({
        %run_scoped3A = tpu.sem_alloc : memref<!tpu.dma_semaphore, #tpu.memory_space<semaphore_mem>>
        %dma_start3A_190 = tpu.memref_slice %arg2[%add3A_91] : memref<800768xi32, #tpu.memory_space<hbm>> -> memref<128xi32, #tpu.memory_space<hbm>>
        %dma_start3A_191 = tpu.memref_slice %arg2[%add3A_91] : memref<800768xi32, #tpu.memory_space<hbm>> -> memref<128xi32, #tpu.memory_space<hbm>>
        tpu.enqueue_dma source(%dma_start3A_191 : memref<128xi32, #tpu.memory_space<hbm>>) target(%arg6 : memref<128xi32, #tpu.memory_space<vmem>>) target_semaphore(%run_scoped3A : memref<!tpu.dma_semaphore, #tpu.memory_space<semaphore_mem>>)
        %dma_wait3A_192 = tpu.memref_slice %arg2[%add3A_91] : memref<800768xi32, #tpu.memory_space<hbm>> -> memref<128xi32, #tpu.memory_space<hbm>>
        %dma_wait3A_193 = tpu.memref_slice %arg2[%add3A_91] : memref<800768xi32, #tpu.memory_space<hbm>> -> memref<128xi32, #tpu.memory_space<hbm>>
        tpu.wait_dma2 semaphore(%run_scoped3A : memref<!tpu.dma_semaphore, #tpu.memory_space<semaphore_mem>>) src(%dma_wait3A_193 : memref<128xi32, #tpu.memory_space<hbm>>) dst(%arg6 : memref<128xi32, #tpu.memory_space<vmem>>)
        tpu.yield
      }) : () -> ()
      "tpu.region"() ({
        %run_scoped3A = tpu.sem_alloc : memref<!tpu.dma_semaphore, #tpu.memory_space<semaphore_mem>>
        %dma_start3A_190 = tpu.memref_slice %arg3[%add3A_91] : memref<800768xi32, #tpu.memory_space<hbm>> -> memref<128xi32, #tpu.memory_space<hbm>>
        %dma_start3A_191 = tpu.memref_slice %arg3[%add3A_91] : memref<800768xi32, #tpu.memory_space<hbm>> -> memref<128xi32, #tpu.memory_space<hbm>>
        tpu.enqueue_dma source(%dma_start3A_191 : memref<128xi32, #tpu.memory_space<hbm>>) target(%arg7 : memref<128xi32, #tpu.memory_space<vmem>>) target_semaphore(%run_scoped3A : memref<!tpu.dma_semaphore, #tpu.memory_space<semaphore_mem>>)
        %dma_wait3A_192 = tpu.memref_slice %arg3[%add3A_91] : memref<800768xi32, #tpu.memory_space<hbm>> -> memref<128xi32, #tpu.memory_space<hbm>>
        %dma_wait3A_193 = tpu.memref_slice %arg3[%add3A_91] : memref<800768xi32, #tpu.memory_space<hbm>> -> memref<128xi32, #tpu.memory_space<hbm>>
        tpu.wait_dma2 semaphore(%run_scoped3A : memref<!tpu.dma_semaphore, #tpu.memory_space<semaphore_mem>>) src(%dma_wait3A_193 : memref<128xi32, #tpu.memory_space<hbm>>) dst(%arg7 : memref<128xi32, #tpu.memory_space<vmem>>)
        tpu.yield
      }) : () -> ()
      %get3A = arith.constant 0 : index
      %get3A_92 = tpu.vector_load %arg6[%get3A] {strides = array<i32>} : memref<128xi32, #tpu.memory_space<vmem>>, vector<16xi32>,
      %get3A_93 = vector.shape_cast %get3A_92 : vector<16xi32> to vector<16xi32>
      %mul3A_94 = arith.constant 6 : i32
      %mul3A_95 = vector.broadcast %mul3A_94 : i32 to vector<16xi32>
      %mul3A_96 = arith.muli %get3A_93, %mul3A_95 : vector<16xi32>
      %add3A_97 = vector.broadcast %add3A_7 : i32 to vector<16xi32>
      %add3A_98 = arith.addi %mul3A_96, %add3A_97 : vector<16xi32>
      %swap3A = arith.constant 0 : index
      %swap3A_99 = tpu.vector_load %arg8[%swap3A] {strides = array<i32>} : memref<128xi32, #tpu.memory_space<vmem>>, vector<16xi32>,
      %swap3A_100 = vector.shape_cast %swap3A_99 : vector<16xi32> to vector<16xi32>
      %swap3A_101 = vector.shape_cast %add3A_98 : vector<16xi32> to vector<16xi32>
      tpu.vector_store %arg8[%swap3A], %swap3A_101 {strides = array<i32>} : memref<128xi32, #tpu.memory_space<vmem>>, vector<16xi32>,
      %get3A_102 = arith.constant 16 : index
      %get3A_103 = tpu.vector_load %arg6[%get3A_102] {strides = array<i32>} : memref<128xi32, #tpu.memory_space<vmem>>, vector<16xi32>,
      %get3A_104 = vector.shape_cast %get3A_103 : vector<16xi32> to vector<16xi32>
      %mul3A_105 = arith.constant 6 : i32
      %mul3A_106 = vector.broadcast %mul3A_105 : i32 to vector<16xi32>
      %mul3A_107 = arith.muli %get3A_104, %mul3A_106 : vector<16xi32>
      %add3A_108 = vector.broadcast %add3A_7 : i32 to vector<16xi32>
      %add3A_109 = arith.addi %mul3A_107, %add3A_108 : vector<16xi32>
      %swap3A_110 = arith.constant 16 : index
      %swap3A_111 = tpu.vector_load %arg8[%swap3A_110] {strides = array<i32>} : memref<128xi32, #tpu.memory_space<vmem>>, vector<16xi32>,
      %swap3A_112 = vector.shape_cast %swap3A_111 : vector<16xi32> to vector<16xi32>
      %swap3A_113 = vector.shape_cast %add3A_109 : vector<16xi32> to vector<16xi32>
      tpu.vector_store %arg8[%swap3A_110], %swap3A_113 {strides = array<i32>} : memref<128xi32, #tpu.memory_space<vmem>>, vector<16xi32>,
      %get3A_114 = arith.constant 32 : index
      %get3A_115 = tpu.vector_load %arg6[%get3A_114] {strides = array<i32>} : memref<128xi32, #tpu.memory_space<vmem>>, vector<16xi32>,
      %get3A_116 = vector.shape_cast %get3A_115 : vector<16xi32> to vector<16xi32>
      %mul3A_117 = arith.constant 6 : i32
      %mul3A_118 = vector.broadcast %mul3A_117 : i32 to vector<16xi32>
      %mul3A_119 = arith.muli %get3A_116, %mul3A_118 : vector<16xi32>
      %add3A_120 = vector.broadcast %add3A_7 : i32 to vector<16xi32>
      %add3A_121 = arith.addi %mul3A_119, %add3A_120 : vector<16xi32>
      %swap3A_122 = arith.constant 32 : index
      %swap3A_123 = tpu.vector_load %arg8[%swap3A_122] {strides = array<i32>} : memref<128xi32, #tpu.memory_space<vmem>>, vector<16xi32>,
      %swap3A_124 = vector.shape_cast %swap3A_123 : vector<16xi32> to vector<16xi32>
      %swap3A_125 = vector.shape_cast %add3A_121 : vector<16xi32> to vector<16xi32>
      tpu.vector_store %arg8[%swap3A_122], %swap3A_125 {strides = array<i32>} : memref<128xi32, #tpu.memory_space<vmem>>, vector<16xi32>,
      %get3A_126 = arith.constant 48 : index
      %get3A_127 = tpu.vector_load %arg6[%get3A_126] {strides = array<i32>} : memref<128xi32, #tpu.memory_space<vmem>>, vector<16xi32>,
      %get3A_128 = vector.shape_cast %get3A_127 : vector<16xi32> to vector<16xi32>
      %mul3A_129 = arith.constant 6 : i32
      %mul3A_130 = vector.broadcast %mul3A_129 : i32 to vector<16xi32>
      %mul3A_131 = arith.muli %get3A_128, %mul3A_130 : vector<16xi32>
      %add3A_132 = vector.broadcast %add3A_7 : i32 to vector<16xi32>
      %add3A_133 = arith.addi %mul3A_131, %add3A_132 : vector<16xi32>
      %swap3A_134 = arith.constant 48 : index
      %swap3A_135 = tpu.vector_load %arg8[%swap3A_134] {strides = array<i32>} : memref<128xi32, #tpu.memory_space<vmem>>, vector<16xi32>,
      %swap3A_136 = vector.shape_cast %swap3A_135 : vector<16xi32> to vector<16xi32>
      %swap3A_137 = vector.shape_cast %add3A_133 : vector<16xi32> to vector<16xi32>
      tpu.vector_store %arg8[%swap3A_134], %swap3A_137 {strides = array<i32>} : memref<128xi32, #tpu.memory_space<vmem>>, vector<16xi32>,
      %get3A_138 = arith.constant 64 : index
      %get3A_139 = tpu.vector_load %arg6[%get3A_138] {strides = array<i32>} : memref<128xi32, #tpu.memory_space<vmem>>, vector<16xi32>,
      %get3A_140 = vector.shape_cast %get3A_139 : vector<16xi32> to vector<16xi32>
      %mul3A_141 = arith.constant 6 : i32
      %mul3A_142 = vector.broadcast %mul3A_141 : i32 to vector<16xi32>
      %mul3A_143 = arith.muli %get3A_140, %mul3A_142 : vector<16xi32>
      %add3A_144 = vector.broadcast %add3A_7 : i32 to vector<16xi32>
      %add3A_145 = arith.addi %mul3A_143, %add3A_144 : vector<16xi32>
      %swap3A_146 = arith.constant 64 : index
      %swap3A_147 = tpu.vector_load %arg8[%swap3A_146] {strides = array<i32>} : memref<128xi32, #tpu.memory_space<vmem>>, vector<16xi32>,
      %swap3A_148 = vector.shape_cast %swap3A_147 : vector<16xi32> to vector<16xi32>
      %swap3A_149 = vector.shape_cast %add3A_145 : vector<16xi32> to vector<16xi32>
      tpu.vector_store %arg8[%swap3A_146], %swap3A_149 {strides = array<i32>} : memref<128xi32, #tpu.memory_space<vmem>>, vector<16xi32>,
      %get3A_150 = arith.constant 80 : index
      %get3A_151 = tpu.vector_load %arg6[%get3A_150] {strides = array<i32>} : memref<128xi32, #tpu.memory_space<vmem>>, vector<16xi32>,
      %get3A_152 = vector.shape_cast %get3A_151 : vector<16xi32> to vector<16xi32>
      %mul3A_153 = arith.constant 6 : i32
      %mul3A_154 = vector.broadcast %mul3A_153 : i32 to vector<16xi32>
      %mul3A_155 = arith.muli %get3A_152, %mul3A_154 : vector<16xi32>
      %add3A_156 = vector.broadcast %add3A_7 : i32 to vector<16xi32>
      %add3A_157 = arith.addi %mul3A_155, %add3A_156 : vector<16xi32>
      %swap3A_158 = arith.constant 80 : index
      %swap3A_159 = tpu.vector_load %arg8[%swap3A_158] {strides = array<i32>} : memref<128xi32, #tpu.memory_space<vmem>>, vector<16xi32>,
      %swap3A_160 = vector.shape_cast %swap3A_159 : vector<16xi32> to vector<16xi32>
      %swap3A_161 = vector.shape_cast %add3A_157 : vector<16xi32> to vector<16xi32>
      tpu.vector_store %arg8[%swap3A_158], %swap3A_161 {strides = array<i32>} : memref<128xi32, #tpu.memory_space<vmem>>, vector<16xi32>,
      %get3A_162 = arith.constant 96 : index
      %get3A_163 = tpu.vector_load %arg6[%get3A_162] {strides = array<i32>} : memref<128xi32, #tpu.memory_space<vmem>>, vector<16xi32>,
      %get3A_164 = vector.shape_cast %get3A_163 : vector<16xi32> to vector<16xi32>
      %mul3A_165 = arith.constant 6 : i32
      %mul3A_166 = vector.broadcast %mul3A_165 : i32 to vector<16xi32>
      %mul3A_167 = arith.muli %get3A_164, %mul3A_166 : vector<16xi32>
      %add3A_168 = vector.broadcast %add3A_7 : i32 to vector<16xi32>
      %add3A_169 = arith.addi %mul3A_167, %add3A_168 : vector<16xi32>
      %swap3A_170 = arith.constant 96 : index
      %swap3A_171 = tpu.vector_load %arg8[%swap3A_170] {strides = array<i32>} : memref<128xi32, #tpu.memory_space<vmem>>, vector<16xi32>,
      %swap3A_172 = vector.shape_cast %swap3A_171 : vector<16xi32> to vector<16xi32>
      %swap3A_173 = vector.shape_cast %add3A_169 : vector<16xi32> to vector<16xi32>
      tpu.vector_store %arg8[%swap3A_170], %swap3A_173 {strides = array<i32>} : memref<128xi32, #tpu.memory_space<vmem>>, vector<16xi32>,
      %get3A_174 = arith.constant 112 : index
      %get3A_175 = tpu.vector_load %arg6[%get3A_174] {strides = array<i32>} : memref<128xi32, #tpu.memory_space<vmem>>, vector<16xi32>,
      %get3A_176 = vector.shape_cast %get3A_175 : vector<16xi32> to vector<16xi32>
      %mul3A_177 = arith.constant 6 : i32
      %mul3A_178 = vector.broadcast %mul3A_177 : i32 to vector<16xi32>
      %mul3A_179 = arith.muli %get3A_176, %mul3A_178 : vector<16xi32>
      %add3A_180 = vector.broadcast %add3A_7 : i32 to vector<16xi32>
      %add3A_181 = arith.addi %mul3A_179, %add3A_180 : vector<16xi32>
      %swap3A_182 = arith.constant 112 : index
      %swap3A_183 = tpu.vector_load %arg8[%swap3A_182] {strides = array<i32>} : memref<128xi32, #tpu.memory_space<vmem>>, vector<16xi32>,
      %swap3A_184 = vector.shape_cast %swap3A_183 : vector<16xi32> to vector<16xi32>
      %swap3A_185 = vector.shape_cast %add3A_181 : vector<16xi32> to vector<16xi32>
      tpu.vector_store %arg8[%swap3A_182], %swap3A_185 {strides = array<i32>} : memref<128xi32, #tpu.memory_space<vmem>>, vector<16xi32>,
      %dma_start3A = arith.constant 0 : i32
      %dma_start3A_186 = arith.constant 0 : i32
      %dma_start3A_187 = tpu.memref_slice %arg4[%dma_start3A, %dma_start3A_186] : memref<900000x16xf32, #tpu.memory_space<hbm>> -> memref<900000x16xf32, #tpu.memory_space<hbm>>
      tpu.enqueue_indirect_dma source(%dma_start3A_187 : memref<900000x16xf32, #tpu.memory_space<hbm>>) target(%arg9 : memref<128x16xf32, #tpu.memory_space<vmem>>) offsets(%arg8 : memref<128xi32, #tpu.memory_space<vmem>>) semaphore(%arg12 : memref<!tpu.dma_semaphore, #tpu.memory_space<semaphore_mem>>)
      %dma_wait3A = arith.constant 0 : i32
      %dma_wait3A_188 = arith.constant 0 : i32
      %dma_wait3A_189 = tpu.memref_slice %arg4[%dma_wait3A, %dma_wait3A_188] : memref<900000x16xf32, #tpu.memory_space<hbm>> -> memref<900000x16xf32, #tpu.memory_space<hbm>>
      tpu.wait_indirect_dma semaphore(%arg12 : memref<!tpu.dma_semaphore, #tpu.memory_space<semaphore_mem>>) src(%dma_wait3A_189 : memref<900000x16xf32, #tpu.memory_space<hbm>>) dst(%arg9 : memref<128x16xf32, #tpu.memory_space<vmem>>)
      "tpu.region"() ({
        %run_scoped3A = tpu.sem_alloc : memref<!tpu.dma_semaphore, #tpu.memory_space<semaphore_mem>>
        %dma_start3A_190 = arith.constant 0 : i32
        %dma_start3A_191 = arith.constant 0 : i32
        %dma_start3A_192 = tpu.memref_slice %arg11[%dma_start3A_190, %dma_start3A_191] : memref<50048x16xf32, #tpu.memory_space<vmem_shared>> -> memref<50048x16xf32, #tpu.memory_space<vmem_shared>>
        tpu.enqueue_indirect_dma source(%arg9 : memref<128x16xf32, #tpu.memory_space<vmem>>) target(%dma_start3A_192 : memref<50048x16xf32, #tpu.memory_space<vmem_shared>>) offsets(%arg7 : memref<128xi32, #tpu.memory_space<vmem>>) semaphore(%run_scoped3A : memref<!tpu.dma_semaphore, #tpu.memory_space<semaphore_mem>>) {add = true}
        %dma_wait3A_193 = arith.constant 0 : i32
        %dma_wait3A_194 = arith.constant 0 : i32
        %dma_wait3A_195 = tpu.memref_slice %arg11[%dma_wait3A_193, %dma_wait3A_194] : memref<50048x16xf32, #tpu.memory_space<vmem_shared>> -> memref<50048x16xf32, #tpu.memory_space<vmem_shared>>
        tpu.wait_indirect_dma semaphore(%run_scoped3A : memref<!tpu.dma_semaphore, #tpu.memory_space<semaphore_mem>>) src(%arg9 : memref<128x16xf32, #tpu.memory_space<vmem>>) dst(%dma_wait3A_195 : memref<50048x16xf32, #tpu.memory_space<vmem_shared>>)
        tpu.yield
      }) : () -> ()
    }
    %scan3A_17 = arith.constant 391 : i32
    %barrier3A_18 = arith.constant 0 : index
    tpu.barrier barrier_id(%barrier3A_18)
    %mul3A_19 = arith.constant 3128 : i32
    %mul3A_20 = arith.muli %arg1, %mul3A_19 : i32
    %multiple_of3A = tpu.assume_multiple %mul3A_20, 8 : i32
    %lt3A = arith.constant 15 : i32
    %lt3A_21 = arith.cmpi slt, %arg1, %lt3A : i32
    %convert_element_type3A = arith.extui %lt3A_21 : i1 to i32
    %cond3A = arith.constant 0 : i32
    %cond3A_22 = arith.cmpi ne, %convert_element_type3A, %cond3A : i32
    scf.if %cond3A_22 {
      "tpu.region"() ({
        %run_scoped3A = tpu.sem_alloc : memref<!tpu.dma_semaphore, #tpu.memory_space<semaphore_mem>>
        %dma_start3A = arith.constant 0 : i32
        %dma_start3A_88 = tpu.memref_slice %arg5[%add3A_7, %multiple_of3A, %dma_start3A] : memref<6x50000x16xf32, #tpu.memory_space<hbm>> -> memref<1x3128x16xf32, #tpu.memory_space<hbm>>
        %dma_start3A_89 = tpu.memref_squeeze %dma_start3A_88 : memref<1x3128x16xf32, #tpu.memory_space<hbm>> -> memref<3128x16xf32, #tpu.memory_space<hbm>>
        %dma_start3A_90 = arith.constant 0 : i32
        %dma_start3A_91 = tpu.memref_slice %arg11[%multiple_of3A, %dma_start3A_90] : memref<50048x16xf32, #tpu.memory_space<vmem_shared>> -> memref<3128x16xf32, #tpu.memory_space<vmem_shared>>
        tpu.enqueue_dma source(%dma_start3A_91 : memref<3128x16xf32, #tpu.memory_space<vmem_shared>>) target(%dma_start3A_89 : memref<3128x16xf32, #tpu.memory_space<hbm>>) target_semaphore(%run_scoped3A : memref<!tpu.dma_semaphore, #tpu.memory_space<semaphore_mem>>)
        %dma_wait3A = arith.constant 0 : i32
        %dma_wait3A_92 = tpu.memref_slice %arg5[%add3A_7, %multiple_of3A, %dma_wait3A] : memref<6x50000x16xf32, #tpu.memory_space<hbm>> -> memref<1x3128x16xf32, #tpu.memory_space<hbm>>
        %dma_wait3A_93 = tpu.memref_squeeze %dma_wait3A_92 : memref<1x3128x16xf32, #tpu.memory_space<hbm>> -> memref<3128x16xf32, #tpu.memory_space<hbm>>
        %dma_wait3A_94 = arith.constant 0 : i32
        %dma_wait3A_95 = tpu.memref_slice %arg11[%multiple_of3A, %dma_wait3A_94] : memref<50048x16xf32, #tpu.memory_space<vmem_shared>> -> memref<3128x16xf32, #tpu.memory_space<vmem_shared>>
        tpu.wait_dma2 semaphore(%run_scoped3A : memref<!tpu.dma_semaphore, #tpu.memory_space<semaphore_mem>>) src(%dma_wait3A_95 : memref<3128x16xf32, #tpu.memory_space<vmem_shared>>) dst(%dma_wait3A_93 : memref<3128x16xf32, #tpu.memory_space<hbm>>)
        tpu.yield
      }) : () -> ()
    } else {
    }
    %eq3A = arith.constant 15 : i32
    %eq3A_23 = arith.cmpi eq, %arg1, %eq3A : i32
    %convert_element_type3A_24 = arith.extui %eq3A_23 : i1 to i32
    %cond3A_25 = arith.constant 0 : i32
    %cond3A_26 = arith.cmpi ne, %convert_element_type3A_24, %cond3A_25 : i32
    scf.if %cond3A_26 {
      "tpu.region"() ({
        %run_scoped3A = tpu.sem_alloc : memref<!tpu.dma_semaphore, #tpu.memory_space<semaphore_mem>>
        %dma_start3A = arith.constant 0 : i32
        %dma_start3A_88 = tpu.memref_slice %arg5[%add3A_7, %multiple_of3A, %dma_start3A] : memref<6x50000x16xf32, #tpu.memory_space<hbm>> -> memref<1x3080x16xf32, #tpu.memory_space<hbm>>
        %dma_start3A_89 = tpu.memref_squeeze %dma_start3A_88 : memref<1x3080x16xf32, #tpu.memory_space<hbm>> -> memref<3080x16xf32, #tpu.memory_space<hbm>>
        %dma_start3A_90 = arith.constant 0 : i32
        %dma_start3A_91 = tpu.memref_slice %arg11[%multiple_of3A, %dma_start3A_90] : memref<50048x16xf32, #tpu.memory_space<vmem_shared>> -> memref<3080x16xf32, #tpu.memory_space<vmem_shared>>
        tpu.enqueue_dma source(%dma_start3A_91 : memref<3080x16xf32, #tpu.memory_space<vmem_shared>>) target(%dma_start3A_89 : memref<3080x16xf32, #tpu.memory_space<hbm>>) target_semaphore(%run_scoped3A : memref<!tpu.dma_semaphore, #tpu.memory_space<semaphore_mem>>)
        %dma_wait3A = arith.constant 0 : i32
        %dma_wait3A_92 = tpu.memref_slice %arg5[%add3A_7, %multiple_of3A, %dma_wait3A] : memref<6x50000x16xf32, #tpu.memory_space<hbm>> -> memref<1x3080x16xf32, #tpu.memory_space<hbm>>
        %dma_wait3A_93 = tpu.memref_squeeze %dma_wait3A_92 : memref<1x3080x16xf32, #tpu.memory_space<hbm>> -> memref<3080x16xf32, #tpu.memory_space<hbm>>
        %dma_wait3A_94 = arith.constant 0 : i32
        %dma_wait3A_95 = tpu.memref_slice %arg11[%multiple_of3A, %dma_wait3A_94] : memref<50048x16xf32, #tpu.memory_space<vmem_shared>> -> memref<3080x16xf32, #tpu.memory_space<vmem_shared>>
        tpu.wait_dma2 semaphore(%run_scoped3A : memref<!tpu.dma_semaphore, #tpu.memory_space<semaphore_mem>>) src(%dma_wait3A_95 : memref<3080x16xf32, #tpu.memory_space<vmem_shared>>) dst(%dma_wait3A_93 : memref<3080x16xf32, #tpu.memory_space<hbm>>)
        tpu.yield
      }) : () -> ()
    } else {
    }
    %barrier3A_27 = arith.constant 0 : index
    tpu.barrier barrier_id(%barrier3A_27)
    %mul3A_28 = arith.constant 3 : i32
    %mul3A_29 = arith.muli %arg0, %mul3A_28 : i32
    %add3A_30 = arith.constant 1 : i32
    %add3A_31 = arith.addi %mul3A_29, %add3A_30 : i32
    %mul3A_32 = arith.constant 3128 : i32
    %mul3A_33 = arith.muli %arg1, %mul3A_32 : i32
    "tpu.region"() ({
      %run_scoped3A = tpu.sem_alloc : memref<!tpu.dma_semaphore, #tpu.memory_space<semaphore_mem>>
      %dma_start3A = arith.constant 0 : i32
      %dma_start3A_88 = tpu.memref_slice %arg11[%mul3A_33, %dma_start3A] : memref<50048x16xf32, #tpu.memory_space<vmem_shared>> -> memref<3128x16xf32, #tpu.memory_space<vmem_shared>>
      %dma_start3A_89 = arith.constant 0 : i32
      %dma_start3A_90 = tpu.memref_slice %arg11[%mul3A_33, %dma_start3A_89] : memref<50048x16xf32, #tpu.memory_space<vmem_shared>> -> memref<3128x16xf32, #tpu.memory_space<vmem_shared>>
      tpu.enqueue_dma source(%arg10 : memref<3128x16xf32, #tpu.memory_space<vmem>>) target(%dma_start3A_90 : memref<3128x16xf32, #tpu.memory_space<vmem_shared>>) target_semaphore(%run_scoped3A : memref<!tpu.dma_semaphore, #tpu.memory_space<semaphore_mem>>)
      %dma_wait3A = arith.constant 0 : i32
      %dma_wait3A_91 = tpu.memref_slice %arg11[%mul3A_33, %dma_wait3A] : memref<50048x16xf32, #tpu.memory_space<vmem_shared>> -> memref<3128x16xf32, #tpu.memory_space<vmem_shared>>
      %dma_wait3A_92 = arith.constant 0 : i32
      %dma_wait3A_93 = tpu.memref_slice %arg11[%mul3A_33, %dma_wait3A_92] : memref<50048x16xf32, #tpu.memory_space<vmem_shared>> -> memref<3128x16xf32, #tpu.memory_space<vmem_shared>>
      tpu.wait_dma2 semaphore(%run_scoped3A : memref<!tpu.dma_semaphore, #tpu.memory_space<semaphore_mem>>) src(%arg10 : memref<3128x16xf32, #tpu.memory_space<vmem>>) dst(%dma_wait3A_93 : memref<3128x16xf32, #tpu.memory_space<vmem_shared>>)
      tpu.yield
    }) : () -> ()
    %barrier3A_34 = arith.constant 0 : index
    tpu.barrier barrier_id(%barrier3A_34)
    %mul3A_35 = arith.constant 50048 : i32
    %mul3A_36 = arith.muli %arg1, %mul3A_35 : i32
    %scan3A_37 = arith.constant 0 : i32
    %scan3A_38 = arith.constant 0 : i32
    %scan3A_39 = arith.constant 391 : i32
    %scan3A_40 = arith.addi %scan3A_38, %scan3A_39 : i32
    %scan3A_41 = arith.constant 1 : i32
    scf.for %scan3A_88 = %scan3A_38 to %scan3A_40 step %scan3A_41  : i32 {
      %mul3A_89 = arith.constant 128 : i32
      %mul3A_90 = arith.muli %scan3A_88, %mul3A_89 : i32
      %add3A_91 = arith.addi %mul3A_36, %mul3A_90 : i32
      "tpu.region"() ({
        %run_scoped3A = tpu.sem_alloc : memref<!tpu.dma_semaphore, #tpu.memory_space<semaphore_mem>>
        %dma_start3A_190 = tpu.memref_slice %arg2[%add3A_91] : memref<800768xi32, #tpu.memory_space<hbm>> -> memref<128xi32, #tpu.memory_space<hbm>>
        %dma_start3A_191 = tpu.memref_slice %arg2[%add3A_91] : memref<800768xi32, #tpu.memory_space<hbm>> -> memref<128xi32, #tpu.memory_space<hbm>>
        tpu.enqueue_dma source(%dma_start3A_191 : memref<128xi32, #tpu.memory_space<hbm>>) target(%arg6 : memref<128xi32, #tpu.memory_space<vmem>>) target_semaphore(%run_scoped3A : memref<!tpu.dma_semaphore, #tpu.memory_space<semaphore_mem>>)
        %dma_wait3A_192 = tpu.memref_slice %arg2[%add3A_91] : memref<800768xi32, #tpu.memory_space<hbm>> -> memref<128xi32, #tpu.memory_space<hbm>>
        %dma_wait3A_193 = tpu.memref_slice %arg2[%add3A_91] : memref<800768xi32, #tpu.memory_space<hbm>> -> memref<128xi32, #tpu.memory_space<hbm>>
        tpu.wait_dma2 semaphore(%run_scoped3A : memref<!tpu.dma_semaphore, #tpu.memory_space<semaphore_mem>>) src(%dma_wait3A_193 : memref<128xi32, #tpu.memory_space<hbm>>) dst(%arg6 : memref<128xi32, #tpu.memory_space<vmem>>)
        tpu.yield
      }) : () -> ()
      "tpu.region"() ({
        %run_scoped3A = tpu.sem_alloc : memref<!tpu.dma_semaphore, #tpu.memory_space<semaphore_mem>>
        %dma_start3A_190 = tpu.memref_slice %arg3[%add3A_91] : memref<800768xi32, #tpu.memory_space<hbm>> -> memref<128xi32, #tpu.memory_space<hbm>>
        %dma_start3A_191 = tpu.memref_slice %arg3[%add3A_91] : memref<800768xi32, #tpu.memory_space<hbm>> -> memref<128xi32, #tpu.memory_space<hbm>>
        tpu.enqueue_dma source(%dma_start3A_191 : memref<128xi32, #tpu.memory_space<hbm>>) target(%arg7 : memref<128xi32, #tpu.memory_space<vmem>>) target_semaphore(%run_scoped3A : memref<!tpu.dma_semaphore, #tpu.memory_space<semaphore_mem>>)
        %dma_wait3A_192 = tpu.memref_slice %arg3[%add3A_91] : memref<800768xi32, #tpu.memory_space<hbm>> -> memref<128xi32, #tpu.memory_space<hbm>>
        %dma_wait3A_193 = tpu.memref_slice %arg3[%add3A_91] : memref<800768xi32, #tpu.memory_space<hbm>> -> memref<128xi32, #tpu.memory_space<hbm>>
        tpu.wait_dma2 semaphore(%run_scoped3A : memref<!tpu.dma_semaphore, #tpu.memory_space<semaphore_mem>>) src(%dma_wait3A_193 : memref<128xi32, #tpu.memory_space<hbm>>) dst(%arg7 : memref<128xi32, #tpu.memory_space<vmem>>)
        tpu.yield
      }) : () -> ()
      %get3A = arith.constant 0 : index
      %get3A_92 = tpu.vector_load %arg6[%get3A] {strides = array<i32>} : memref<128xi32, #tpu.memory_space<vmem>>, vector<16xi32>,
      %get3A_93 = vector.shape_cast %get3A_92 : vector<16xi32> to vector<16xi32>
      %mul3A_94 = arith.constant 6 : i32
      %mul3A_95 = vector.broadcast %mul3A_94 : i32 to vector<16xi32>
      %mul3A_96 = arith.muli %get3A_93, %mul3A_95 : vector<16xi32>
      %add3A_97 = vector.broadcast %add3A_31 : i32 to vector<16xi32>
      %add3A_98 = arith.addi %mul3A_96, %add3A_97 : vector<16xi32>
      %swap3A = arith.constant 0 : index
      %swap3A_99 = tpu.vector_load %arg8[%swap3A] {strides = array<i32>} : memref<128xi32, #tpu.memory_space<vmem>>, vector<16xi32>,
      %swap3A_100 = vector.shape_cast %swap3A_99 : vector<16xi32> to vector<16xi32>
      %swap3A_101 = vector.shape_cast %add3A_98 : vector<16xi32> to vector<16xi32>
      tpu.vector_store %arg8[%swap3A], %swap3A_101 {strides = array<i32>} : memref<128xi32, #tpu.memory_space<vmem>>, vector<16xi32>,
      %get3A_102 = arith.constant 16 : index
      %get3A_103 = tpu.vector_load %arg6[%get3A_102] {strides = array<i32>} : memref<128xi32, #tpu.memory_space<vmem>>, vector<16xi32>,
      %get3A_104 = vector.shape_cast %get3A_103 : vector<16xi32> to vector<16xi32>
      %mul3A_105 = arith.constant 6 : i32
      %mul3A_106 = vector.broadcast %mul3A_105 : i32 to vector<16xi32>
      %mul3A_107 = arith.muli %get3A_104, %mul3A_106 : vector<16xi32>
      %add3A_108 = vector.broadcast %add3A_31 : i32 to vector<16xi32>
      %add3A_109 = arith.addi %mul3A_107, %add3A_108 : vector<16xi32>
      %swap3A_110 = arith.constant 16 : index
      %swap3A_111 = tpu.vector_load %arg8[%swap3A_110] {strides = array<i32>} : memref<128xi32, #tpu.memory_space<vmem>>, vector<16xi32>,
      %swap3A_112 = vector.shape_cast %swap3A_111 : vector<16xi32> to vector<16xi32>
      %swap3A_113 = vector.shape_cast %add3A_109 : vector<16xi32> to vector<16xi32>
      tpu.vector_store %arg8[%swap3A_110], %swap3A_113 {strides = array<i32>} : memref<128xi32, #tpu.memory_space<vmem>>, vector<16xi32>,
      %get3A_114 = arith.constant 32 : index
      %get3A_115 = tpu.vector_load %arg6[%get3A_114] {strides = array<i32>} : memref<128xi32, #tpu.memory_space<vmem>>, vector<16xi32>,
      %get3A_116 = vector.shape_cast %get3A_115 : vector<16xi32> to vector<16xi32>
      %mul3A_117 = arith.constant 6 : i32
      %mul3A_118 = vector.broadcast %mul3A_117 : i32 to vector<16xi32>
      %mul3A_119 = arith.muli %get3A_116, %mul3A_118 : vector<16xi32>
      %add3A_120 = vector.broadcast %add3A_31 : i32 to vector<16xi32>
      %add3A_121 = arith.addi %mul3A_119, %add3A_120 : vector<16xi32>
      %swap3A_122 = arith.constant 32 : index
      %swap3A_123 = tpu.vector_load %arg8[%swap3A_122] {strides = array<i32>} : memref<128xi32, #tpu.memory_space<vmem>>, vector<16xi32>,
      %swap3A_124 = vector.shape_cast %swap3A_123 : vector<16xi32> to vector<16xi32>
      %swap3A_125 = vector.shape_cast %add3A_121 : vector<16xi32> to vector<16xi32>
      tpu.vector_store %arg8[%swap3A_122], %swap3A_125 {strides = array<i32>} : memref<128xi32, #tpu.memory_space<vmem>>, vector<16xi32>,
      %get3A_126 = arith.constant 48 : index
      %get3A_127 = tpu.vector_load %arg6[%get3A_126] {strides = array<i32>} : memref<128xi32, #tpu.memory_space<vmem>>, vector<16xi32>,
      %get3A_128 = vector.shape_cast %get3A_127 : vector<16xi32> to vector<16xi32>
      %mul3A_129 = arith.constant 6 : i32
      %mul3A_130 = vector.broadcast %mul3A_129 : i32 to vector<16xi32>
      %mul3A_131 = arith.muli %get3A_128, %mul3A_130 : vector<16xi32>
      %add3A_132 = vector.broadcast %add3A_31 : i32 to vector<16xi32>
      %add3A_133 = arith.addi %mul3A_131, %add3A_132 : vector<16xi32>
      %swap3A_134 = arith.constant 48 : index
      %swap3A_135 = tpu.vector_load %arg8[%swap3A_134] {strides = array<i32>} : memref<128xi32, #tpu.memory_space<vmem>>, vector<16xi32>,
      %swap3A_136 = vector.shape_cast %swap3A_135 : vector<16xi32> to vector<16xi32>
      %swap3A_137 = vector.shape_cast %add3A_133 : vector<16xi32> to vector<16xi32>
      tpu.vector_store %arg8[%swap3A_134], %swap3A_137 {strides = array<i32>} : memref<128xi32, #tpu.memory_space<vmem>>, vector<16xi32>,
      %get3A_138 = arith.constant 64 : index
      %get3A_139 = tpu.vector_load %arg6[%get3A_138] {strides = array<i32>} : memref<128xi32, #tpu.memory_space<vmem>>, vector<16xi32>,
      %get3A_140 = vector.shape_cast %get3A_139 : vector<16xi32> to vector<16xi32>
      %mul3A_141 = arith.constant 6 : i32
      %mul3A_142 = vector.broadcast %mul3A_141 : i32 to vector<16xi32>
      %mul3A_143 = arith.muli %get3A_140, %mul3A_142 : vector<16xi32>
      %add3A_144 = vector.broadcast %add3A_31 : i32 to vector<16xi32>
      %add3A_145 = arith.addi %mul3A_143, %add3A_144 : vector<16xi32>
      %swap3A_146 = arith.constant 64 : index
      %swap3A_147 = tpu.vector_load %arg8[%swap3A_146] {strides = array<i32>} : memref<128xi32, #tpu.memory_space<vmem>>, vector<16xi32>,
      %swap3A_148 = vector.shape_cast %swap3A_147 : vector<16xi32> to vector<16xi32>
      %swap3A_149 = vector.shape_cast %add3A_145 : vector<16xi32> to vector<16xi32>
      tpu.vector_store %arg8[%swap3A_146], %swap3A_149 {strides = array<i32>} : memref<128xi32, #tpu.memory_space<vmem>>, vector<16xi32>,
      %get3A_150 = arith.constant 80 : index
      %get3A_151 = tpu.vector_load %arg6[%get3A_150] {strides = array<i32>} : memref<128xi32, #tpu.memory_space<vmem>>, vector<16xi32>,
      %get3A_152 = vector.shape_cast %get3A_151 : vector<16xi32> to vector<16xi32>
      %mul3A_153 = arith.constant 6 : i32
      %mul3A_154 = vector.broadcast %mul3A_153 : i32 to vector<16xi32>
      %mul3A_155 = arith.muli %get3A_152, %mul3A_154 : vector<16xi32>
      %add3A_156 = vector.broadcast %add3A_31 : i32 to vector<16xi32>
      %add3A_157 = arith.addi %mul3A_155, %add3A_156 : vector<16xi32>
      %swap3A_158 = arith.constant 80 : index
      %swap3A_159 = tpu.vector_load %arg8[%swap3A_158] {strides = array<i32>} : memref<128xi32, #tpu.memory_space<vmem>>, vector<16xi32>,
      %swap3A_160 = vector.shape_cast %swap3A_159 : vector<16xi32> to vector<16xi32>
      %swap3A_161 = vector.shape_cast %add3A_157 : vector<16xi32> to vector<16xi32>
      tpu.vector_store %arg8[%swap3A_158], %swap3A_161 {strides = array<i32>} : memref<128xi32, #tpu.memory_space<vmem>>, vector<16xi32>,
      %get3A_162 = arith.constant 96 : index
      %get3A_163 = tpu.vector_load %arg6[%get3A_162] {strides = array<i32>} : memref<128xi32, #tpu.memory_space<vmem>>, vector<16xi32>,
      %get3A_164 = vector.shape_cast %get3A_163 : vector<16xi32> to vector<16xi32>
      %mul3A_165 = arith.constant 6 : i32
      %mul3A_166 = vector.broadcast %mul3A_165 : i32 to vector<16xi32>
      %mul3A_167 = arith.muli %get3A_164, %mul3A_166 : vector<16xi32>
      %add3A_168 = vector.broadcast %add3A_31 : i32 to vector<16xi32>
      %add3A_169 = arith.addi %mul3A_167, %add3A_168 : vector<16xi32>
      %swap3A_170 = arith.constant 96 : index
      %swap3A_171 = tpu.vector_load %arg8[%swap3A_170] {strides = array<i32>} : memref<128xi32, #tpu.memory_space<vmem>>, vector<16xi32>,
      %swap3A_172 = vector.shape_cast %swap3A_171 : vector<16xi32> to vector<16xi32>
      %swap3A_173 = vector.shape_cast %add3A_169 : vector<16xi32> to vector<16xi32>
      tpu.vector_store %arg8[%swap3A_170], %swap3A_173 {strides = array<i32>} : memref<128xi32, #tpu.memory_space<vmem>>, vector<16xi32>,
      %get3A_174 = arith.constant 112 : index
      %get3A_175 = tpu.vector_load %arg6[%get3A_174] {strides = array<i32>} : memref<128xi32, #tpu.memory_space<vmem>>, vector<16xi32>,
      %get3A_176 = vector.shape_cast %get3A_175 : vector<16xi32> to vector<16xi32>
      %mul3A_177 = arith.constant 6 : i32
      %mul3A_178 = vector.broadcast %mul3A_177 : i32 to vector<16xi32>
      %mul3A_179 = arith.muli %get3A_176, %mul3A_178 : vector<16xi32>
      %add3A_180 = vector.broadcast %add3A_31 : i32 to vector<16xi32>
      %add3A_181 = arith.addi %mul3A_179, %add3A_180 : vector<16xi32>
      %swap3A_182 = arith.constant 112 : index
      %swap3A_183 = tpu.vector_load %arg8[%swap3A_182] {strides = array<i32>} : memref<128xi32, #tpu.memory_space<vmem>>, vector<16xi32>,
      %swap3A_184 = vector.shape_cast %swap3A_183 : vector<16xi32> to vector<16xi32>
      %swap3A_185 = vector.shape_cast %add3A_181 : vector<16xi32> to vector<16xi32>
      tpu.vector_store %arg8[%swap3A_182], %swap3A_185 {strides = array<i32>} : memref<128xi32, #tpu.memory_space<vmem>>, vector<16xi32>,
      %dma_start3A = arith.constant 0 : i32
      %dma_start3A_186 = arith.constant 0 : i32
      %dma_start3A_187 = tpu.memref_slice %arg4[%dma_start3A, %dma_start3A_186] : memref<900000x16xf32, #tpu.memory_space<hbm>> -> memref<900000x16xf32, #tpu.memory_space<hbm>>
      tpu.enqueue_indirect_dma source(%dma_start3A_187 : memref<900000x16xf32, #tpu.memory_space<hbm>>) target(%arg9 : memref<128x16xf32, #tpu.memory_space<vmem>>) offsets(%arg8 : memref<128xi32, #tpu.memory_space<vmem>>) semaphore(%arg12 : memref<!tpu.dma_semaphore, #tpu.memory_space<semaphore_mem>>)
      %dma_wait3A = arith.constant 0 : i32
      %dma_wait3A_188 = arith.constant 0 : i32
      %dma_wait3A_189 = tpu.memref_slice %arg4[%dma_wait3A, %dma_wait3A_188] : memref<900000x16xf32, #tpu.memory_space<hbm>> -> memref<900000x16xf32, #tpu.memory_space<hbm>>
      tpu.wait_indirect_dma semaphore(%arg12 : memref<!tpu.dma_semaphore, #tpu.memory_space<semaphore_mem>>) src(%dma_wait3A_189 : memref<900000x16xf32, #tpu.memory_space<hbm>>) dst(%arg9 : memref<128x16xf32, #tpu.memory_space<vmem>>)
      "tpu.region"() ({
        %run_scoped3A = tpu.sem_alloc : memref<!tpu.dma_semaphore, #tpu.memory_space<semaphore_mem>>
        %dma_start3A_190 = arith.constant 0 : i32
        %dma_start3A_191 = arith.constant 0 : i32
        %dma_start3A_192 = tpu.memref_slice %arg11[%dma_start3A_190, %dma_start3A_191] : memref<50048x16xf32, #tpu.memory_space<vmem_shared>> -> memref<50048x16xf32, #tpu.memory_space<vmem_shared>>
        tpu.enqueue_indirect_dma source(%arg9 : memref<128x16xf32, #tpu.memory_space<vmem>>) target(%dma_start3A_192 : memref<50048x16xf32, #tpu.memory_space<vmem_shared>>) offsets(%arg7 : memref<128xi32, #tpu.memory_space<vmem>>) semaphore(%run_scoped3A : memref<!tpu.dma_semaphore, #tpu.memory_space<semaphore_mem>>) {add = true}
        %dma_wait3A_193 = arith.constant 0 : i32
        %dma_wait3A_194 = arith.constant 0 : i32
        %dma_wait3A_195 = tpu.memref_slice %arg11[%dma_wait3A_193, %dma_wait3A_194] : memref<50048x16xf32, #tpu.memory_space<vmem_shared>> -> memref<50048x16xf32, #tpu.memory_space<vmem_shared>>
        tpu.wait_indirect_dma semaphore(%run_scoped3A : memref<!tpu.dma_semaphore, #tpu.memory_space<semaphore_mem>>) src(%arg9 : memref<128x16xf32, #tpu.memory_space<vmem>>) dst(%dma_wait3A_195 : memref<50048x16xf32, #tpu.memory_space<vmem_shared>>)
        tpu.yield
      }) : () -> ()
    }
    %scan3A_42 = arith.constant 391 : i32
    %barrier3A_43 = arith.constant 0 : index
    tpu.barrier barrier_id(%barrier3A_43)
    %mul3A_44 = arith.constant 3128 : i32
    %mul3A_45 = arith.muli %arg1, %mul3A_44 : i32
    %multiple_of3A_46 = tpu.assume_multiple %mul3A_45, 8 : i32
    %lt3A_47 = arith.constant 15 : i32
    %lt3A_48 = arith.cmpi slt, %arg1, %lt3A_47 : i32
    %convert_element_type3A_49 = arith.extui %lt3A_48 : i1 to i32
    %cond3A_50 = arith.constant 0 : i32
    %cond3A_51 = arith.cmpi ne, %convert_element_type3A_49, %cond3A_50 : i32
    scf.if %cond3A_51 {
      "tpu.region"() ({
        %run_scoped3A = tpu.sem_alloc : memref<!tpu.dma_semaphore, #tpu.memory_space<semaphore_mem>>
        %dma_start3A = arith.constant 0 : i32
        %dma_start3A_88 = tpu.memref_slice %arg5[%add3A_31, %multiple_of3A_46, %dma_start3A] : memref<6x50000x16xf32, #tpu.memory_space<hbm>> -> memref<1x3128x16xf32, #tpu.memory_space<hbm>>
        %dma_start3A_89 = tpu.memref_squeeze %dma_start3A_88 : memref<1x3128x16xf32, #tpu.memory_space<hbm>> -> memref<3128x16xf32, #tpu.memory_space<hbm>>
        %dma_start3A_90 = arith.constant 0 : i32
        %dma_start3A_91 = tpu.memref_slice %arg11[%multiple_of3A_46, %dma_start3A_90] : memref<50048x16xf32, #tpu.memory_space<vmem_shared>> -> memref<3128x16xf32, #tpu.memory_space<vmem_shared>>
        tpu.enqueue_dma source(%dma_start3A_91 : memref<3128x16xf32, #tpu.memory_space<vmem_shared>>) target(%dma_start3A_89 : memref<3128x16xf32, #tpu.memory_space<hbm>>) target_semaphore(%run_scoped3A : memref<!tpu.dma_semaphore, #tpu.memory_space<semaphore_mem>>)
        %dma_wait3A = arith.constant 0 : i32
        %dma_wait3A_92 = tpu.memref_slice %arg5[%add3A_31, %multiple_of3A_46, %dma_wait3A] : memref<6x50000x16xf32, #tpu.memory_space<hbm>> -> memref<1x3128x16xf32, #tpu.memory_space<hbm>>
        %dma_wait3A_93 = tpu.memref_squeeze %dma_wait3A_92 : memref<1x3128x16xf32, #tpu.memory_space<hbm>> -> memref<3128x16xf32, #tpu.memory_space<hbm>>
        %dma_wait3A_94 = arith.constant 0 : i32
        %dma_wait3A_95 = tpu.memref_slice %arg11[%multiple_of3A_46, %dma_wait3A_94] : memref<50048x16xf32, #tpu.memory_space<vmem_shared>> -> memref<3128x16xf32, #tpu.memory_space<vmem_shared>>
        tpu.wait_dma2 semaphore(%run_scoped3A : memref<!tpu.dma_semaphore, #tpu.memory_space<semaphore_mem>>) src(%dma_wait3A_95 : memref<3128x16xf32, #tpu.memory_space<vmem_shared>>) dst(%dma_wait3A_93 : memref<3128x16xf32, #tpu.memory_space<hbm>>)
        tpu.yield
      }) : () -> ()
    } else {
    }
    %eq3A_52 = arith.constant 15 : i32
    %eq3A_53 = arith.cmpi eq, %arg1, %eq3A_52 : i32
    %convert_element_type3A_54 = arith.extui %eq3A_53 : i1 to i32
    %cond3A_55 = arith.constant 0 : i32
    %cond3A_56 = arith.cmpi ne, %convert_element_type3A_54, %cond3A_55 : i32
    scf.if %cond3A_56 {
      "tpu.region"() ({
        %run_scoped3A = tpu.sem_alloc : memref<!tpu.dma_semaphore, #tpu.memory_space<semaphore_mem>>
        %dma_start3A = arith.constant 0 : i32
        %dma_start3A_88 = tpu.memref_slice %arg5[%add3A_31, %multiple_of3A_46, %dma_start3A] : memref<6x50000x16xf32, #tpu.memory_space<hbm>> -> memref<1x3080x16xf32, #tpu.memory_space<hbm>>
        %dma_start3A_89 = tpu.memref_squeeze %dma_start3A_88 : memref<1x3080x16xf32, #tpu.memory_space<hbm>> -> memref<3080x16xf32, #tpu.memory_space<hbm>>
        %dma_start3A_90 = arith.constant 0 : i32
        %dma_start3A_91 = tpu.memref_slice %arg11[%multiple_of3A_46, %dma_start3A_90] : memref<50048x16xf32, #tpu.memory_space<vmem_shared>> -> memref<3080x16xf32, #tpu.memory_space<vmem_shared>>
        tpu.enqueue_dma source(%dma_start3A_91 : memref<3080x16xf32, #tpu.memory_space<vmem_shared>>) target(%dma_start3A_89 : memref<3080x16xf32, #tpu.memory_space<hbm>>) target_semaphore(%run_scoped3A : memref<!tpu.dma_semaphore, #tpu.memory_space<semaphore_mem>>)
        %dma_wait3A = arith.constant 0 : i32
        %dma_wait3A_92 = tpu.memref_slice %arg5[%add3A_31, %multiple_of3A_46, %dma_wait3A] : memref<6x50000x16xf32, #tpu.memory_space<hbm>> -> memref<1x3080x16xf32, #tpu.memory_space<hbm>>
        %dma_wait3A_93 = tpu.memref_squeeze %dma_wait3A_92 : memref<1x3080x16xf32, #tpu.memory_space<hbm>> -> memref<3080x16xf32, #tpu.memory_space<hbm>>
        %dma_wait3A_94 = arith.constant 0 : i32
        %dma_wait3A_95 = tpu.memref_slice %arg11[%multiple_of3A_46, %dma_wait3A_94] : memref<50048x16xf32, #tpu.memory_space<vmem_shared>> -> memref<3080x16xf32, #tpu.memory_space<vmem_shared>>
        tpu.wait_dma2 semaphore(%run_scoped3A : memref<!tpu.dma_semaphore, #tpu.memory_space<semaphore_mem>>) src(%dma_wait3A_95 : memref<3080x16xf32, #tpu.memory_space<vmem_shared>>) dst(%dma_wait3A_93 : memref<3080x16xf32, #tpu.memory_space<hbm>>)
        tpu.yield
      }) : () -> ()
    } else {
    }
    %barrier3A_57 = arith.constant 0 : index
    tpu.barrier barrier_id(%barrier3A_57)
    %mul3A_58 = arith.constant 3 : i32
    %mul3A_59 = arith.muli %arg0, %mul3A_58 : i32
    %add3A_60 = arith.constant 2 : i32
    %add3A_61 = arith.addi %mul3A_59, %add3A_60 : i32
    %mul3A_62 = arith.constant 3128 : i32
    %mul3A_63 = arith.muli %arg1, %mul3A_62 : i32
    "tpu.region"() ({
      %run_scoped3A = tpu.sem_alloc : memref<!tpu.dma_semaphore, #tpu.memory_space<semaphore_mem>>
      %dma_start3A = arith.constant 0 : i32
      %dma_start3A_88 = tpu.memref_slice %arg11[%mul3A_63, %dma_start3A] : memref<50048x16xf32, #tpu.memory_space<vmem_shared>> -> memref<3128x16xf32, #tpu.memory_space<vmem_shared>>
      %dma_start3A_89 = arith.constant 0 : i32
      %dma_start3A_90 = tpu.memref_slice %arg11[%mul3A_63, %dma_start3A_89] : memref<50048x16xf32, #tpu.memory_space<vmem_shared>> -> memref<3128x16xf32, #tpu.memory_space<vmem_shared>>
      tpu.enqueue_dma source(%arg10 : memref<3128x16xf32, #tpu.memory_space<vmem>>) target(%dma_start3A_90 : memref<3128x16xf32, #tpu.memory_space<vmem_shared>>) target_semaphore(%run_scoped3A : memref<!tpu.dma_semaphore, #tpu.memory_space<semaphore_mem>>)
      %dma_wait3A = arith.constant 0 : i32
      %dma_wait3A_91 = tpu.memref_slice %arg11[%mul3A_63, %dma_wait3A] : memref<50048x16xf32, #tpu.memory_space<vmem_shared>> -> memref<3128x16xf32, #tpu.memory_space<vmem_shared>>
      %dma_wait3A_92 = arith.constant 0 : i32
      %dma_wait3A_93 = tpu.memref_slice %arg11[%mul3A_63, %dma_wait3A_92] : memref<50048x16xf32, #tpu.memory_space<vmem_shared>> -> memref<3128x16xf32, #tpu.memory_space<vmem_shared>>
      tpu.wait_dma2 semaphore(%run_scoped3A : memref<!tpu.dma_semaphore, #tpu.memory_space<semaphore_mem>>) src(%arg10 : memref<3128x16xf32, #tpu.memory_space<vmem>>) dst(%dma_wait3A_93 : memref<3128x16xf32, #tpu.memory_space<vmem_shared>>)
      tpu.yield
    }) : () -> ()
    %barrier3A_64 = arith.constant 0 : index
    tpu.barrier barrier_id(%barrier3A_64)
    %mul3A_65 = arith.constant 50048 : i32
    %mul3A_66 = arith.muli %arg1, %mul3A_65 : i32
    %scan3A_67 = arith.constant 0 : i32
    %scan3A_68 = arith.constant 0 : i32
    %scan3A_69 = arith.constant 391 : i32
    %scan3A_70 = arith.addi %scan3A_68, %scan3A_69 : i32
    %scan3A_71 = arith.constant 1 : i32
    scf.for %scan3A_88 = %scan3A_68 to %scan3A_70 step %scan3A_71  : i32 {
      %mul3A_89 = arith.constant 128 : i32
      %mul3A_90 = arith.muli %scan3A_88, %mul3A_89 : i32
      %add3A_91 = arith.addi %mul3A_66, %mul3A_90 : i32
      "tpu.region"() ({
        %run_scoped3A = tpu.sem_alloc : memref<!tpu.dma_semaphore, #tpu.memory_space<semaphore_mem>>
        %dma_start3A_190 = tpu.memref_slice %arg2[%add3A_91] : memref<800768xi32, #tpu.memory_space<hbm>> -> memref<128xi32, #tpu.memory_space<hbm>>
        %dma_start3A_191 = tpu.memref_slice %arg2[%add3A_91] : memref<800768xi32, #tpu.memory_space<hbm>> -> memref<128xi32, #tpu.memory_space<hbm>>
        tpu.enqueue_dma source(%dma_start3A_191 : memref<128xi32, #tpu.memory_space<hbm>>) target(%arg6 : memref<128xi32, #tpu.memory_space<vmem>>) target_semaphore(%run_scoped3A : memref<!tpu.dma_semaphore, #tpu.memory_space<semaphore_mem>>)
        %dma_wait3A_192 = tpu.memref_slice %arg2[%add3A_91] : memref<800768xi32, #tpu.memory_space<hbm>> -> memref<128xi32, #tpu.memory_space<hbm>>
        %dma_wait3A_193 = tpu.memref_slice %arg2[%add3A_91] : memref<800768xi32, #tpu.memory_space<hbm>> -> memref<128xi32, #tpu.memory_space<hbm>>
        tpu.wait_dma2 semaphore(%run_scoped3A : memref<!tpu.dma_semaphore, #tpu.memory_space<semaphore_mem>>) src(%dma_wait3A_193 : memref<128xi32, #tpu.memory_space<hbm>>) dst(%arg6 : memref<128xi32, #tpu.memory_space<vmem>>)
        tpu.yield
      }) : () -> ()
      "tpu.region"() ({
        %run_scoped3A = tpu.sem_alloc : memref<!tpu.dma_semaphore, #tpu.memory_space<semaphore_mem>>
        %dma_start3A_190 = tpu.memref_slice %arg3[%add3A_91] : memref<800768xi32, #tpu.memory_space<hbm>> -> memref<128xi32, #tpu.memory_space<hbm>>
        %dma_start3A_191 = tpu.memref_slice %arg3[%add3A_91] : memref<800768xi32, #tpu.memory_space<hbm>> -> memref<128xi32, #tpu.memory_space<hbm>>
        tpu.enqueue_dma source(%dma_start3A_191 : memref<128xi32, #tpu.memory_space<hbm>>) target(%arg7 : memref<128xi32, #tpu.memory_space<vmem>>) target_semaphore(%run_scoped3A : memref<!tpu.dma_semaphore, #tpu.memory_space<semaphore_mem>>)
        %dma_wait3A_192 = tpu.memref_slice %arg3[%add3A_91] : memref<800768xi32, #tpu.memory_space<hbm>> -> memref<128xi32, #tpu.memory_space<hbm>>
        %dma_wait3A_193 = tpu.memref_slice %arg3[%add3A_91] : memref<800768xi32, #tpu.memory_space<hbm>> -> memref<128xi32, #tpu.memory_space<hbm>>
        tpu.wait_dma2 semaphore(%run_scoped3A : memref<!tpu.dma_semaphore, #tpu.memory_space<semaphore_mem>>) src(%dma_wait3A_193 : memref<128xi32, #tpu.memory_space<hbm>>) dst(%arg7 : memref<128xi32, #tpu.memory_space<vmem>>)
        tpu.yield
      }) : () -> ()
      %get3A = arith.constant 0 : index
      %get3A_92 = tpu.vector_load %arg6[%get3A] {strides = array<i32>} : memref<128xi32, #tpu.memory_space<vmem>>, vector<16xi32>,
      %get3A_93 = vector.shape_cast %get3A_92 : vector<16xi32> to vector<16xi32>
      %mul3A_94 = arith.constant 6 : i32
      %mul3A_95 = vector.broadcast %mul3A_94 : i32 to vector<16xi32>
      %mul3A_96 = arith.muli %get3A_93, %mul3A_95 : vector<16xi32>
      %add3A_97 = vector.broadcast %add3A_61 : i32 to vector<16xi32>
      %add3A_98 = arith.addi %mul3A_96, %add3A_97 : vector<16xi32>
      %swap3A = arith.constant 0 : index
      %swap3A_99 = tpu.vector_load %arg8[%swap3A] {strides = array<i32>} : memref<128xi32, #tpu.memory_space<vmem>>, vector<16xi32>,
      %swap3A_100 = vector.shape_cast %swap3A_99 : vector<16xi32> to vector<16xi32>
      %swap3A_101 = vector.shape_cast %add3A_98 : vector<16xi32> to vector<16xi32>
      tpu.vector_store %arg8[%swap3A], %swap3A_101 {strides = array<i32>} : memref<128xi32, #tpu.memory_space<vmem>>, vector<16xi32>,
      %get3A_102 = arith.constant 16 : index
      %get3A_103 = tpu.vector_load %arg6[%get3A_102] {strides = array<i32>} : memref<128xi32, #tpu.memory_space<vmem>>, vector<16xi32>,
      %get3A_104 = vector.shape_cast %get3A_103 : vector<16xi32> to vector<16xi32>
      %mul3A_105 = arith.constant 6 : i32
      %mul3A_106 = vector.broadcast %mul3A_105 : i32 to vector<16xi32>
      %mul3A_107 = arith.muli %get3A_104, %mul3A_106 : vector<16xi32>
      %add3A_108 = vector.broadcast %add3A_61 : i32 to vector<16xi32>
      %add3A_109 = arith.addi %mul3A_107, %add3A_108 : vector<16xi32>
      %swap3A_110 = arith.constant 16 : index
      %swap3A_111 = tpu.vector_load %arg8[%swap3A_110] {strides = array<i32>} : memref<128xi32, #tpu.memory_space<vmem>>, vector<16xi32>,
      %swap3A_112 = vector.shape_cast %swap3A_111 : vector<16xi32> to vector<16xi32>
      %swap3A_113 = vector.shape_cast %add3A_109 : vector<16xi32> to vector<16xi32>
      tpu.vector_store %arg8[%swap3A_110], %swap3A_113 {strides = array<i32>} : memref<128xi32, #tpu.memory_space<vmem>>, vector<16xi32>,
      %get3A_114 = arith.constant 32 : index
      %get3A_115 = tpu.vector_load %arg6[%get3A_114] {strides = array<i32>} : memref<128xi32, #tpu.memory_space<vmem>>, vector<16xi32>,
      %get3A_116 = vector.shape_cast %get3A_115 : vector<16xi32> to vector<16xi32>
      %mul3A_117 = arith.constant 6 : i32
      %mul3A_118 = vector.broadcast %mul3A_117 : i32 to vector<16xi32>
      %mul3A_119 = arith.muli %get3A_116, %mul3A_118 : vector<16xi32>
      %add3A_120 = vector.broadcast %add3A_61 : i32 to vector<16xi32>
      %add3A_121 = arith.addi %mul3A_119, %add3A_120 : vector<16xi32>
      %swap3A_122 = arith.constant 32 : index
      %swap3A_123 = tpu.vector_load %arg8[%swap3A_122] {strides = array<i32>} : memref<128xi32, #tpu.memory_space<vmem>>, vector<16xi32>,
      %swap3A_124 = vector.shape_cast %swap3A_123 : vector<16xi32> to vector<16xi32>
      %swap3A_125 = vector.shape_cast %add3A_121 : vector<16xi32> to vector<16xi32>
      tpu.vector_store %arg8[%swap3A_122], %swap3A_125 {strides = array<i32>} : memref<128xi32, #tpu.memory_space<vmem>>, vector<16xi32>,
      %get3A_126 = arith.constant 48 : index
      %get3A_127 = tpu.vector_load %arg6[%get3A_126] {strides = array<i32>} : memref<128xi32, #tpu.memory_space<vmem>>, vector<16xi32>,
      %get3A_128 = vector.shape_cast %get3A_127 : vector<16xi32> to vector<16xi32>
      %mul3A_129 = arith.constant 6 : i32
      %mul3A_130 = vector.broadcast %mul3A_129 : i32 to vector<16xi32>
      %mul3A_131 = arith.muli %get3A_128, %mul3A_130 : vector<16xi32>
      %add3A_132 = vector.broadcast %add3A_61 : i32 to vector<16xi32>
      %add3A_133 = arith.addi %mul3A_131, %add3A_132 : vector<16xi32>
      %swap3A_134 = arith.constant 48 : index
      %swap3A_135 = tpu.vector_load %arg8[%swap3A_134] {strides = array<i32>} : memref<128xi32, #tpu.memory_space<vmem>>, vector<16xi32>,
      %swap3A_136 = vector.shape_cast %swap3A_135 : vector<16xi32> to vector<16xi32>
      %swap3A_137 = vector.shape_cast %add3A_133 : vector<16xi32> to vector<16xi32>
      tpu.vector_store %arg8[%swap3A_134], %swap3A_137 {strides = array<i32>} : memref<128xi32, #tpu.memory_space<vmem>>, vector<16xi32>,
      %get3A_138 = arith.constant 64 : index
      %get3A_139 = tpu.vector_load %arg6[%get3A_138] {strides = array<i32>} : memref<128xi32, #tpu.memory_space<vmem>>, vector<16xi32>,
      %get3A_140 = vector.shape_cast %get3A_139 : vector<16xi32> to vector<16xi32>
      %mul3A_141 = arith.constant 6 : i32
      %mul3A_142 = vector.broadcast %mul3A_141 : i32 to vector<16xi32>
      %mul3A_143 = arith.muli %get3A_140, %mul3A_142 : vector<16xi32>
      %add3A_144 = vector.broadcast %add3A_61 : i32 to vector<16xi32>
      %add3A_145 = arith.addi %mul3A_143, %add3A_144 : vector<16xi32>
      %swap3A_146 = arith.constant 64 : index
      %swap3A_147 = tpu.vector_load %arg8[%swap3A_146] {strides = array<i32>} : memref<128xi32, #tpu.memory_space<vmem>>, vector<16xi32>,
      %swap3A_148 = vector.shape_cast %swap3A_147 : vector<16xi32> to vector<16xi32>
      %swap3A_149 = vector.shape_cast %add3A_145 : vector<16xi32> to vector<16xi32>
      tpu.vector_store %arg8[%swap3A_146], %swap3A_149 {strides = array<i32>} : memref<128xi32, #tpu.memory_space<vmem>>, vector<16xi32>,
      %get3A_150 = arith.constant 80 : index
      %get3A_151 = tpu.vector_load %arg6[%get3A_150] {strides = array<i32>} : memref<128xi32, #tpu.memory_space<vmem>>, vector<16xi32>,
      %get3A_152 = vector.shape_cast %get3A_151 : vector<16xi32> to vector<16xi32>
      %mul3A_153 = arith.constant 6 : i32
      %mul3A_154 = vector.broadcast %mul3A_153 : i32 to vector<16xi32>
      %mul3A_155 = arith.muli %get3A_152, %mul3A_154 : vector<16xi32>
      %add3A_156 = vector.broadcast %add3A_61 : i32 to vector<16xi32>
      %add3A_157 = arith.addi %mul3A_155, %add3A_156 : vector<16xi32>
      %swap3A_158 = arith.constant 80 : index
      %swap3A_159 = tpu.vector_load %arg8[%swap3A_158] {strides = array<i32>} : memref<128xi32, #tpu.memory_space<vmem>>, vector<16xi32>,
      %swap3A_160 = vector.shape_cast %swap3A_159 : vector<16xi32> to vector<16xi32>
      %swap3A_161 = vector.shape_cast %add3A_157 : vector<16xi32> to vector<16xi32>
      tpu.vector_store %arg8[%swap3A_158], %swap3A_161 {strides = array<i32>} : memref<128xi32, #tpu.memory_space<vmem>>, vector<16xi32>,
      %get3A_162 = arith.constant 96 : index
      %get3A_163 = tpu.vector_load %arg6[%get3A_162] {strides = array<i32>} : memref<128xi32, #tpu.memory_space<vmem>>, vector<16xi32>,
      %get3A_164 = vector.shape_cast %get3A_163 : vector<16xi32> to vector<16xi32>
      %mul3A_165 = arith.constant 6 : i32
      %mul3A_166 = vector.broadcast %mul3A_165 : i32 to vector<16xi32>
      %mul3A_167 = arith.muli %get3A_164, %mul3A_166 : vector<16xi32>
      %add3A_168 = vector.broadcast %add3A_61 : i32 to vector<16xi32>
      %add3A_169 = arith.addi %mul3A_167, %add3A_168 : vector<16xi32>
      %swap3A_170 = arith.constant 96 : index
      %swap3A_171 = tpu.vector_load %arg8[%swap3A_170] {strides = array<i32>} : memref<128xi32, #tpu.memory_space<vmem>>, vector<16xi32>,
      %swap3A_172 = vector.shape_cast %swap3A_171 : vector<16xi32> to vector<16xi32>
      %swap3A_173 = vector.shape_cast %add3A_169 : vector<16xi32> to vector<16xi32>
      tpu.vector_store %arg8[%swap3A_170], %swap3A_173 {strides = array<i32>} : memref<128xi32, #tpu.memory_space<vmem>>, vector<16xi32>,
      %get3A_174 = arith.constant 112 : index
      %get3A_175 = tpu.vector_load %arg6[%get3A_174] {strides = array<i32>} : memref<128xi32, #tpu.memory_space<vmem>>, vector<16xi32>,
      %get3A_176 = vector.shape_cast %get3A_175 : vector<16xi32> to vector<16xi32>
      %mul3A_177 = arith.constant 6 : i32
      %mul3A_178 = vector.broadcast %mul3A_177 : i32 to vector<16xi32>
      %mul3A_179 = arith.muli %get3A_176, %mul3A_178 : vector<16xi32>
      %add3A_180 = vector.broadcast %add3A_61 : i32 to vector<16xi32>
      %add3A_181 = arith.addi %mul3A_179, %add3A_180 : vector<16xi32>
      %swap3A_182 = arith.constant 112 : index
      %swap3A_183 = tpu.vector_load %arg8[%swap3A_182] {strides = array<i32>} : memref<128xi32, #tpu.memory_space<vmem>>, vector<16xi32>,
      %swap3A_184 = vector.shape_cast %swap3A_183 : vector<16xi32> to vector<16xi32>
      %swap3A_185 = vector.shape_cast %add3A_181 : vector<16xi32> to vector<16xi32>
      tpu.vector_store %arg8[%swap3A_182], %swap3A_185 {strides = array<i32>} : memref<128xi32, #tpu.memory_space<vmem>>, vector<16xi32>,
      %dma_start3A = arith.constant 0 : i32
      %dma_start3A_186 = arith.constant 0 : i32
      %dma_start3A_187 = tpu.memref_slice %arg4[%dma_start3A, %dma_start3A_186] : memref<900000x16xf32, #tpu.memory_space<hbm>> -> memref<900000x16xf32, #tpu.memory_space<hbm>>
      tpu.enqueue_indirect_dma source(%dma_start3A_187 : memref<900000x16xf32, #tpu.memory_space<hbm>>) target(%arg9 : memref<128x16xf32, #tpu.memory_space<vmem>>) offsets(%arg8 : memref<128xi32, #tpu.memory_space<vmem>>) semaphore(%arg12 : memref<!tpu.dma_semaphore, #tpu.memory_space<semaphore_mem>>)
      %dma_wait3A = arith.constant 0 : i32
      %dma_wait3A_188 = arith.constant 0 : i32
      %dma_wait3A_189 = tpu.memref_slice %arg4[%dma_wait3A, %dma_wait3A_188] : memref<900000x16xf32, #tpu.memory_space<hbm>> -> memref<900000x16xf32, #tpu.memory_space<hbm>>
      tpu.wait_indirect_dma semaphore(%arg12 : memref<!tpu.dma_semaphore, #tpu.memory_space<semaphore_mem>>) src(%dma_wait3A_189 : memref<900000x16xf32, #tpu.memory_space<hbm>>) dst(%arg9 : memref<128x16xf32, #tpu.memory_space<vmem>>)
      "tpu.region"() ({
        %run_scoped3A = tpu.sem_alloc : memref<!tpu.dma_semaphore, #tpu.memory_space<semaphore_mem>>
        %dma_start3A_190 = arith.constant 0 : i32
        %dma_start3A_191 = arith.constant 0 : i32
        %dma_start3A_192 = tpu.memref_slice %arg11[%dma_start3A_190, %dma_start3A_191] : memref<50048x16xf32, #tpu.memory_space<vmem_shared>> -> memref<50048x16xf32, #tpu.memory_space<vmem_shared>>
        tpu.enqueue_indirect_dma source(%arg9 : memref<128x16xf32, #tpu.memory_space<vmem>>) target(%dma_start3A_192 : memref<50048x16xf32, #tpu.memory_space<vmem_shared>>) offsets(%arg7 : memref<128xi32, #tpu.memory_space<vmem>>) semaphore(%run_scoped3A : memref<!tpu.dma_semaphore, #tpu.memory_space<semaphore_mem>>) {add = true}
        %dma_wait3A_193 = arith.constant 0 : i32
        %dma_wait3A_194 = arith.constant 0 : i32
        %dma_wait3A_195 = tpu.memref_slice %arg11[%dma_wait3A_193, %dma_wait3A_194] : memref<50048x16xf32, #tpu.memory_space<vmem_shared>> -> memref<50048x16xf32, #tpu.memory_space<vmem_shared>>
        tpu.wait_indirect_dma semaphore(%run_scoped3A : memref<!tpu.dma_semaphore, #tpu.memory_space<semaphore_mem>>) src(%arg9 : memref<128x16xf32, #tpu.memory_space<vmem>>) dst(%dma_wait3A_195 : memref<50048x16xf32, #tpu.memory_space<vmem_shared>>)
        tpu.yield
      }) : () -> ()
    }
    %scan3A_72 = arith.constant 391 : i32
    %barrier3A_73 = arith.constant 0 : index
    tpu.barrier barrier_id(%barrier3A_73)
    %mul3A_74 = arith.constant 3128 : i32
    %mul3A_75 = arith.muli %arg1, %mul3A_74 : i32
    %multiple_of3A_76 = tpu.assume_multiple %mul3A_75, 8 : i32
    %lt3A_77 = arith.constant 15 : i32
    %lt3A_78 = arith.cmpi slt, %arg1, %lt3A_77 : i32
    %convert_element_type3A_79 = arith.extui %lt3A_78 : i1 to i32
    %cond3A_80 = arith.constant 0 : i32
    %cond3A_81 = arith.cmpi ne, %convert_element_type3A_79, %cond3A_80 : i32
    scf.if %cond3A_81 {
      "tpu.region"() ({
        %run_scoped3A = tpu.sem_alloc : memref<!tpu.dma_semaphore, #tpu.memory_space<semaphore_mem>>
        %dma_start3A = arith.constant 0 : i32
        %dma_start3A_88 = tpu.memref_slice %arg5[%add3A_61, %multiple_of3A_76, %dma_start3A] : memref<6x50000x16xf32, #tpu.memory_space<hbm>> -> memref<1x3128x16xf32, #tpu.memory_space<hbm>>
        %dma_start3A_89 = tpu.memref_squeeze %dma_start3A_88 : memref<1x3128x16xf32, #tpu.memory_space<hbm>> -> memref<3128x16xf32, #tpu.memory_space<hbm>>
        %dma_start3A_90 = arith.constant 0 : i32
        %dma_start3A_91 = tpu.memref_slice %arg11[%multiple_of3A_76, %dma_start3A_90] : memref<50048x16xf32, #tpu.memory_space<vmem_shared>> -> memref<3128x16xf32, #tpu.memory_space<vmem_shared>>
        tpu.enqueue_dma source(%dma_start3A_91 : memref<3128x16xf32, #tpu.memory_space<vmem_shared>>) target(%dma_start3A_89 : memref<3128x16xf32, #tpu.memory_space<hbm>>) target_semaphore(%run_scoped3A : memref<!tpu.dma_semaphore, #tpu.memory_space<semaphore_mem>>)
        %dma_wait3A = arith.constant 0 : i32
        %dma_wait3A_92 = tpu.memref_slice %arg5[%add3A_61, %multiple_of3A_76, %dma_wait3A] : memref<6x50000x16xf32, #tpu.memory_space<hbm>> -> memref<1x3128x16xf32, #tpu.memory_space<hbm>>
        %dma_wait3A_93 = tpu.memref_squeeze %dma_wait3A_92 : memref<1x3128x16xf32, #tpu.memory_space<hbm>> -> memref<3128x16xf32, #tpu.memory_space<hbm>>
        %dma_wait3A_94 = arith.constant 0 : i32
        %dma_wait3A_95 = tpu.memref_slice %arg11[%multiple_of3A_76, %dma_wait3A_94] : memref<50048x16xf32, #tpu.memory_space<vmem_shared>> -> memref<3128x16xf32, #tpu.memory_space<vmem_shared>>
        tpu.wait_dma2 semaphore(%run_scoped3A : memref<!tpu.dma_semaphore, #tpu.memory_space<semaphore_mem>>) src(%dma_wait3A_95 : memref<3128x16xf32, #tpu.memory_space<vmem_shared>>) dst(%dma_wait3A_93 : memref<3128x16xf32, #tpu.memory_space<hbm>>)
        tpu.yield
      }) : () -> ()
    } else {
    }
    %eq3A_82 = arith.constant 15 : i32
    %eq3A_83 = arith.cmpi eq, %arg1, %eq3A_82 : i32
    %convert_element_type3A_84 = arith.extui %eq3A_83 : i1 to i32
    %cond3A_85 = arith.constant 0 : i32
    %cond3A_86 = arith.cmpi ne, %convert_element_type3A_84, %cond3A_85 : i32
    scf.if %cond3A_86 {
      "tpu.region"() ({
        %run_scoped3A = tpu.sem_alloc : memref<!tpu.dma_semaphore, #tpu.memory_space<semaphore_mem>>
        %dma_start3A = arith.constant 0 : i32
        %dma_start3A_88 = tpu.memref_slice %arg5[%add3A_61, %multiple_of3A_76, %dma_start3A] : memref<6x50000x16xf32, #tpu.memory_space<hbm>> -> memref<1x3080x16xf32, #tpu.memory_space<hbm>>
        %dma_start3A_89 = tpu.memref_squeeze %dma_start3A_88 : memref<1x3080x16xf32, #tpu.memory_space<hbm>> -> memref<3080x16xf32, #tpu.memory_space<hbm>>
        %dma_start3A_90 = arith.constant 0 : i32
        %dma_start3A_91 = tpu.memref_slice %arg11[%multiple_of3A_76, %dma_start3A_90] : memref<50048x16xf32, #tpu.memory_space<vmem_shared>> -> memref<3080x16xf32, #tpu.memory_space<vmem_shared>>
        tpu.enqueue_dma source(%dma_start3A_91 : memref<3080x16xf32, #tpu.memory_space<vmem_shared>>) target(%dma_start3A_89 : memref<3080x16xf32, #tpu.memory_space<hbm>>) target_semaphore(%run_scoped3A : memref<!tpu.dma_semaphore, #tpu.memory_space<semaphore_mem>>)
        %dma_wait3A = arith.constant 0 : i32
        %dma_wait3A_92 = tpu.memref_slice %arg5[%add3A_61, %multiple_of3A_76, %dma_wait3A] : memref<6x50000x16xf32, #tpu.memory_space<hbm>> -> memref<1x3080x16xf32, #tpu.memory_space<hbm>>
        %dma_wait3A_93 = tpu.memref_squeeze %dma_wait3A_92 : memref<1x3080x16xf32, #tpu.memory_space<hbm>> -> memref<3080x16xf32, #tpu.memory_space<hbm>>
        %dma_wait3A_94 = arith.constant 0 : i32
        %dma_wait3A_95 = tpu.memref_slice %arg11[%multiple_of3A_76, %dma_wait3A_94] : memref<50048x16xf32, #tpu.memory_space<vmem_shared>> -> memref<3080x16xf32, #tpu.memory_space<vmem_shared>>
        tpu.wait_dma2 semaphore(%run_scoped3A : memref<!tpu.dma_semaphore, #tpu.memory_space<semaphore_mem>>) src(%dma_wait3A_95 : memref<3080x16xf32, #tpu.memory_space<vmem_shared>>) dst(%dma_wait3A_93 : memref<3080x16xf32, #tpu.memory_space<hbm>>)
        tpu.yield
      }) : () -> ()
    } else {
    }
    %barrier3A_87 = arith.constant 0 : index
    tpu.barrier barrier_id(%barrier3A_87)
    return
  }
}

#map = affine_map<(d0, d1) -> (0)>
#map1 = affine_map<(d0, d1) -> (0, 0)>
#map2 = affine_map<(d0, d1) -> (0, 0, 0)>
module attributes {stable_mosaic.version = 14 : i64} {
  func.func @_sc_agg_body(%arg0: i32, %arg1: i32, %arg2: memref<800768xi32, #tpu.memory_space<hbm>>, %arg3: memref<800768xi32, #tpu.memory_space<hbm>>, %arg4: memref<900000x16xf32, #tpu.memory_space<hbm>>, %arg5: memref<6x50000x16xf32, #tpu.memory_space<hbm>>, %arg6: memref<128xi32, #tpu.memory_space<vmem>>, %arg7: memref<128xi32, #tpu.memory_space<vmem>>, %arg8: memref<128xi32, #tpu.memory_space<vmem>>, %arg9: memref<128x16xf32, #tpu.memory_space<vmem>>, %arg10: memref<3128x16xf32, #tpu.memory_space<vmem>>, %arg11: memref<50048x16xf32, #tpu.memory_space<vmem_shared>>, %arg12: memref<!tpu.dma_semaphore, #tpu.memory_space<semaphore_mem>>) attributes {dimension_semantics = [#tpu.dimension_semantics<core_parallel>, #tpu.dimension_semantics<subcore_parallel>], iteration_bounds = array<i64: 2, 16>, scalar_prefetch = 0 : i64, scratch_operands = 7 : i64, tpu.core_type = #tpu.core_type<sc_vector_subcore>, window_params = [{transform_indices = #map}, {transform_indices = #map}, {transform_indices = #map1}, {transform_indices = #map2}]} {
    %broadcast_in_dim3A = arith.constant 0.000000e+00 : f32
    %broadcast_in_dim3A_0 = vector.broadcast %broadcast_in_dim3A : f32 to vector<16xf32>
    %scan3A = arith.constant 0 : i32
    %scan3A_1 = arith.constant 0 : i32
    %scan3A_2 = arith.constant 3128 : i32
    %scan3A_3 = arith.addi %scan3A_1, %scan3A_2 : i32
    %scan3A_4 = arith.constant 1 : i32
    scf.for %scan3A_88 = %scan3A_1 to %scan3A_3 step %scan3A_4  : i32 {
      %swap3A = arith.index_cast %scan3A_88 : i32 to index
      %swap3A_89 = arith.constant 0 : index
      %swap3A_90 = tpu.vector_load %arg10[%swap3A, %swap3A_89] {strides = array<i32>} : memref<3128x16xf32, #tpu.memory_space<vmem>>, vector<1x16xf32>,
      %swap3A_91 = vector.shape_cast %swap3A_90 : vector<1x16xf32> to vector<16xf32>
      %swap3A_92 = vector.shape_cast %broadcast_in_dim3A_0 : vector<16xf32> to vector<1x16xf32>
      tpu.vector_store %arg10[%swap3A, %swap3A_89], %swap3A_92 {strides = array<i32>} : memref<3128x16xf32, #tpu.memory_space<vmem>>, vector<1x16xf32>,
    }
    %scan3A_5 = arith.constant 3128 : i32
    %mul3A = arith.constant 3 : i32
    %mul3A_6 = arith.muli %arg0, %mul3A : i32
    %add3A = arith.constant 0 : i32
    %add3A_7 = arith.addi %mul3A_6, %add3A : i32
    %mul3A_8 = arith.constant 3128 : i32
    %mul3A_9 = arith.muli %arg1, %mul3A_8 : i32
    "tpu.region"() ({
      %run_scoped3A = tpu.sem_alloc : memref<!tpu.dma_semaphore, #tpu.memory_space<semaphore_mem>>
      %dma_start3A = arith.constant 0 : i32
      %dma_start3A_88 = tpu.memref_slice %arg11[%mul3A_9, %dma_start3A] : memref<50048x16xf32, #tpu.memory_space<vmem_shared>> -> memref<3128x16xf32, #tpu.memory_space<vmem_shared>>
      %dma_start3A_89 = arith.constant 0 : i32
      %dma_start3A_90 = tpu.memref_slice %arg11[%mul3A_9, %dma_start3A_89] : memref<50048x16xf32, #tpu.memory_space<vmem_shared>> -> memref<3128x16xf32, #tpu.memory_space<vmem_shared>>
      tpu.enqueue_dma source(%arg10 : memref<3128x16xf32, #tpu.memory_space<vmem>>) target(%dma_start3A_90 : memref<3128x16xf32, #tpu.memory_space<vmem_shared>>) target_semaphore(%run_scoped3A : memref<!tpu.dma_semaphore, #tpu.memory_space<semaphore_mem>>)
      %dma_wait3A = arith.constant 0 : i32
      %dma_wait3A_91 = tpu.memref_slice %arg11[%mul3A_9, %dma_wait3A] : memref<50048x16xf32, #tpu.memory_space<vmem_shared>> -> memref<3128x16xf32, #tpu.memory_space<vmem_shared>>
      %dma_wait3A_92 = arith.constant 0 : i32
      %dma_wait3A_93 = tpu.memref_slice %arg11[%mul3A_9, %dma_wait3A_92] : memref<50048x16xf32, #tpu.memory_space<vmem_shared>> -> memref<3128x16xf32, #tpu.memory_space<vmem_shared>>
      tpu.wait_dma2 semaphore(%run_scoped3A : memref<!tpu.dma_semaphore, #tpu.memory_space<semaphore_mem>>) src(%arg10 : memref<3128x16xf32, #tpu.memory_space<vmem>>) dst(%dma_wait3A_93 : memref<3128x16xf32, #tpu.memory_space<vmem_shared>>)
      tpu.yield
    }) : () -> ()
    %barrier3A = arith.constant 0 : index
    tpu.barrier barrier_id(%barrier3A)
    %mul3A_10 = arith.constant 50048 : i32
    %mul3A_11 = arith.muli %arg1, %mul3A_10 : i32
    %scan3A_12 = arith.constant 0 : i32
    %scan3A_13 = arith.constant 0 : i32
    %scan3A_14 = arith.constant 391 : i32
    %scan3A_15 = arith.addi %scan3A_13, %scan3A_14 : i32
    %scan3A_16 = arith.constant 1 : i32
    scf.for %scan3A_88 = %scan3A_13 to %scan3A_15 step %scan3A_16  : i32 {
      %mul3A_89 = arith.constant 128 : i32
      %mul3A_90 = arith.muli %scan3A_88, %mul3A_89 : i32
      %add3A_91 = arith.addi %mul3A_11, %mul3A_90 : i32
      "tpu.region"() ({
        %run_scoped3A = tpu.sem_alloc : memref<!tpu.dma_semaphore, #tpu.memory_space<semaphore_mem>>
        %dma_start3A_190 = tpu.memref_slice %arg2[%add3A_91] : memref<800768xi32, #tpu.memory_space<hbm>> -> memref<128xi32, #tpu.memory_space<hbm>>
        %dma_start3A_191 = tpu.memref_slice %arg2[%add3A_91] : memref<800768xi32, #tpu.memory_space<hbm>> -> memref<128xi32, #tpu.memory_space<hbm>>
        tpu.enqueue_dma source(%dma_start3A_191 : memref<128xi32, #tpu.memory_space<hbm>>) target(%arg6 : memref<128xi32, #tpu.memory_space<vmem>>) target_semaphore(%run_scoped3A : memref<!tpu.dma_semaphore, #tpu.memory_space<semaphore_mem>>)
        %dma_wait3A_192 = tpu.memref_slice %arg2[%add3A_91] : memref<800768xi32, #tpu.memory_space<hbm>> -> memref<128xi32, #tpu.memory_space<hbm>>
        %dma_wait3A_193 = tpu.memref_slice %arg2[%add3A_91] : memref<800768xi32, #tpu.memory_space<hbm>> -> memref<128xi32, #tpu.memory_space<hbm>>
        tpu.wait_dma2 semaphore(%run_scoped3A : memref<!tpu.dma_semaphore, #tpu.memory_space<semaphore_mem>>) src(%dma_wait3A_193 : memref<128xi32, #tpu.memory_space<hbm>>) dst(%arg6 : memref<128xi32, #tpu.memory_space<vmem>>)
        tpu.yield
      }) : () -> ()
      "tpu.region"() ({
        %run_scoped3A = tpu.sem_alloc : memref<!tpu.dma_semaphore, #tpu.memory_space<semaphore_mem>>
        %dma_start3A_190 = tpu.memref_slice %arg3[%add3A_91] : memref<800768xi32, #tpu.memory_space<hbm>> -> memref<128xi32, #tpu.memory_space<hbm>>
        %dma_start3A_191 = tpu.memref_slice %arg3[%add3A_91] : memref<800768xi32, #tpu.memory_space<hbm>> -> memref<128xi32, #tpu.memory_space<hbm>>
        tpu.enqueue_dma source(%dma_start3A_191 : memref<128xi32, #tpu.memory_space<hbm>>) target(%arg7 : memref<128xi32, #tpu.memory_space<vmem>>) target_semaphore(%run_scoped3A : memref<!tpu.dma_semaphore, #tpu.memory_space<semaphore_mem>>)
        %dma_wait3A_192 = tpu.memref_slice %arg3[%add3A_91] : memref<800768xi32, #tpu.memory_space<hbm>> -> memref<128xi32, #tpu.memory_space<hbm>>
        %dma_wait3A_193 = tpu.memref_slice %arg3[%add3A_91] : memref<800768xi32, #tpu.memory_space<hbm>> -> memref<128xi32, #tpu.memory_space<hbm>>
        tpu.wait_dma2 semaphore(%run_scoped3A : memref<!tpu.dma_semaphore, #tpu.memory_space<semaphore_mem>>) src(%dma_wait3A_193 : memref<128xi32, #tpu.memory_space<hbm>>) dst(%arg7 : memref<128xi32, #tpu.memory_space<vmem>>)
        tpu.yield
      }) : () -> ()
      %get3A = arith.constant 0 : index
      %get3A_92 = tpu.vector_load %arg6[%get3A] {strides = array<i32>} : memref<128xi32, #tpu.memory_space<vmem>>, vector<16xi32>,
      %get3A_93 = vector.shape_cast %get3A_92 : vector<16xi32> to vector<16xi32>
      %mul3A_94 = arith.constant 6 : i32
      %mul3A_95 = vector.broadcast %mul3A_94 : i32 to vector<16xi32>
      %mul3A_96 = arith.muli %get3A_93, %mul3A_95 : vector<16xi32>
      %add3A_97 = vector.broadcast %add3A_7 : i32 to vector<16xi32>
      %add3A_98 = arith.addi %mul3A_96, %add3A_97 : vector<16xi32>
      %swap3A = arith.constant 0 : index
      %swap3A_99 = tpu.vector_load %arg8[%swap3A] {strides = array<i32>} : memref<128xi32, #tpu.memory_space<vmem>>, vector<16xi32>,
      %swap3A_100 = vector.shape_cast %swap3A_99 : vector<16xi32> to vector<16xi32>
      %swap3A_101 = vector.shape_cast %add3A_98 : vector<16xi32> to vector<16xi32>
      tpu.vector_store %arg8[%swap3A], %swap3A_101 {strides = array<i32>} : memref<128xi32, #tpu.memory_space<vmem>>, vector<16xi32>,
      %get3A_102 = arith.constant 16 : index
      %get3A_103 = tpu.vector_load %arg6[%get3A_102] {strides = array<i32>} : memref<128xi32, #tpu.memory_space<vmem>>, vector<16xi32>,
      %get3A_104 = vector.shape_cast %get3A_103 : vector<16xi32> to vector<16xi32>
      %mul3A_105 = arith.constant 6 : i32
      %mul3A_106 = vector.broadcast %mul3A_105 : i32 to vector<16xi32>
      %mul3A_107 = arith.muli %get3A_104, %mul3A_106 : vector<16xi32>
      %add3A_108 = vector.broadcast %add3A_7 : i32 to vector<16xi32>
      %add3A_109 = arith.addi %mul3A_107, %add3A_108 : vector<16xi32>
      %swap3A_110 = arith.constant 16 : index
      %swap3A_111 = tpu.vector_load %arg8[%swap3A_110] {strides = array<i32>} : memref<128xi32, #tpu.memory_space<vmem>>, vector<16xi32>,
      %swap3A_112 = vector.shape_cast %swap3A_111 : vector<16xi32> to vector<16xi32>
      %swap3A_113 = vector.shape_cast %add3A_109 : vector<16xi32> to vector<16xi32>
      tpu.vector_store %arg8[%swap3A_110], %swap3A_113 {strides = array<i32>} : memref<128xi32, #tpu.memory_space<vmem>>, vector<16xi32>,
      %get3A_114 = arith.constant 32 : index
      %get3A_115 = tpu.vector_load %arg6[%get3A_114] {strides = array<i32>} : memref<128xi32, #tpu.memory_space<vmem>>, vector<16xi32>,
      %get3A_116 = vector.shape_cast %get3A_115 : vector<16xi32> to vector<16xi32>
      %mul3A_117 = arith.constant 6 : i32
      %mul3A_118 = vector.broadcast %mul3A_117 : i32 to vector<16xi32>
      %mul3A_119 = arith.muli %get3A_116, %mul3A_118 : vector<16xi32>
      %add3A_120 = vector.broadcast %add3A_7 : i32 to vector<16xi32>
      %add3A_121 = arith.addi %mul3A_119, %add3A_120 : vector<16xi32>
      %swap3A_122 = arith.constant 32 : index
      %swap3A_123 = tpu.vector_load %arg8[%swap3A_122] {strides = array<i32>} : memref<128xi32, #tpu.memory_space<vmem>>, vector<16xi32>,
      %swap3A_124 = vector.shape_cast %swap3A_123 : vector<16xi32> to vector<16xi32>
      %swap3A_125 = vector.shape_cast %add3A_121 : vector<16xi32> to vector<16xi32>
      tpu.vector_store %arg8[%swap3A_122], %swap3A_125 {strides = array<i32>} : memref<128xi32, #tpu.memory_space<vmem>>, vector<16xi32>,
      %get3A_126 = arith.constant 48 : index
      %get3A_127 = tpu.vector_load %arg6[%get3A_126] {strides = array<i32>} : memref<128xi32, #tpu.memory_space<vmem>>, vector<16xi32>,
      %get3A_128 = vector.shape_cast %get3A_127 : vector<16xi32> to vector<16xi32>
      %mul3A_129 = arith.constant 6 : i32
      %mul3A_130 = vector.broadcast %mul3A_129 : i32 to vector<16xi32>
      %mul3A_131 = arith.muli %get3A_128, %mul3A_130 : vector<16xi32>
      %add3A_132 = vector.broadcast %add3A_7 : i32 to vector<16xi32>
      %add3A_133 = arith.addi %mul3A_131, %add3A_132 : vector<16xi32>
      %swap3A_134 = arith.constant 48 : index
      %swap3A_135 = tpu.vector_load %arg8[%swap3A_134] {strides = array<i32>} : memref<128xi32, #tpu.memory_space<vmem>>, vector<16xi32>,
      %swap3A_136 = vector.shape_cast %swap3A_135 : vector<16xi32> to vector<16xi32>
      %swap3A_137 = vector.shape_cast %add3A_133 : vector<16xi32> to vector<16xi32>
      tpu.vector_store %arg8[%swap3A_134], %swap3A_137 {strides = array<i32>} : memref<128xi32, #tpu.memory_space<vmem>>, vector<16xi32>,
      %get3A_138 = arith.constant 64 : index
      %get3A_139 = tpu.vector_load %arg6[%get3A_138] {strides = array<i32>} : memref<128xi32, #tpu.memory_space<vmem>>, vector<16xi32>,
      %get3A_140 = vector.shape_cast %get3A_139 : vector<16xi32> to vector<16xi32>
      %mul3A_141 = arith.constant 6 : i32
      %mul3A_142 = vector.broadcast %mul3A_141 : i32 to vector<16xi32>
      %mul3A_143 = arith.muli %get3A_140, %mul3A_142 : vector<16xi32>
      %add3A_144 = vector.broadcast %add3A_7 : i32 to vector<16xi32>
      %add3A_145 = arith.addi %mul3A_143, %add3A_144 : vector<16xi32>
      %swap3A_146 = arith.constant 64 : index
      %swap3A_147 = tpu.vector_load %arg8[%swap3A_146] {strides = array<i32>} : memref<128xi32, #tpu.memory_space<vmem>>, vector<16xi32>,
      %swap3A_148 = vector.shape_cast %swap3A_147 : vector<16xi32> to vector<16xi32>
      %swap3A_149 = vector.shape_cast %add3A_145 : vector<16xi32> to vector<16xi32>
      tpu.vector_store %arg8[%swap3A_146], %swap3A_149 {strides = array<i32>} : memref<128xi32, #tpu.memory_space<vmem>>, vector<16xi32>,
      %get3A_150 = arith.constant 80 : index
      %get3A_151 = tpu.vector_load %arg6[%get3A_150] {strides = array<i32>} : memref<128xi32, #tpu.memory_space<vmem>>, vector<16xi32>,
      %get3A_152 = vector.shape_cast %get3A_151 : vector<16xi32> to vector<16xi32>
      %mul3A_153 = arith.constant 6 : i32
      %mul3A_154 = vector.broadcast %mul3A_153 : i32 to vector<16xi32>
      %mul3A_155 = arith.muli %get3A_152, %mul3A_154 : vector<16xi32>
      %add3A_156 = vector.broadcast %add3A_7 : i32 to vector<16xi32>
      %add3A_157 = arith.addi %mul3A_155, %add3A_156 : vector<16xi32>
      %swap3A_158 = arith.constant 80 : index
      %swap3A_159 = tpu.vector_load %arg8[%swap3A_158] {strides = array<i32>} : memref<128xi32, #tpu.memory_space<vmem>>, vector<16xi32>,
      %swap3A_160 = vector.shape_cast %swap3A_159 : vector<16xi32> to vector<16xi32>
      %swap3A_161 = vector.shape_cast %add3A_157 : vector<16xi32> to vector<16xi32>
      tpu.vector_store %arg8[%swap3A_158], %swap3A_161 {strides = array<i32>} : memref<128xi32, #tpu.memory_space<vmem>>, vector<16xi32>,
      %get3A_162 = arith.constant 96 : index
      %get3A_163 = tpu.vector_load %arg6[%get3A_162] {strides = array<i32>} : memref<128xi32, #tpu.memory_space<vmem>>, vector<16xi32>,
      %get3A_164 = vector.shape_cast %get3A_163 : vector<16xi32> to vector<16xi32>
      %mul3A_165 = arith.constant 6 : i32
      %mul3A_166 = vector.broadcast %mul3A_165 : i32 to vector<16xi32>
      %mul3A_167 = arith.muli %get3A_164, %mul3A_166 : vector<16xi32>
      %add3A_168 = vector.broadcast %add3A_7 : i32 to vector<16xi32>
      %add3A_169 = arith.addi %mul3A_167, %add3A_168 : vector<16xi32>
      %swap3A_170 = arith.constant 96 : index
      %swap3A_171 = tpu.vector_load %arg8[%swap3A_170] {strides = array<i32>} : memref<128xi32, #tpu.memory_space<vmem>>, vector<16xi32>,
      %swap3A_172 = vector.shape_cast %swap3A_171 : vector<16xi32> to vector<16xi32>
      %swap3A_173 = vector.shape_cast %add3A_169 : vector<16xi32> to vector<16xi32>
      tpu.vector_store %arg8[%swap3A_170], %swap3A_173 {strides = array<i32>} : memref<128xi32, #tpu.memory_space<vmem>>, vector<16xi32>,
      %get3A_174 = arith.constant 112 : index
      %get3A_175 = tpu.vector_load %arg6[%get3A_174] {strides = array<i32>} : memref<128xi32, #tpu.memory_space<vmem>>, vector<16xi32>,
      %get3A_176 = vector.shape_cast %get3A_175 : vector<16xi32> to vector<16xi32>
      %mul3A_177 = arith.constant 6 : i32
      %mul3A_178 = vector.broadcast %mul3A_177 : i32 to vector<16xi32>
      %mul3A_179 = arith.muli %get3A_176, %mul3A_178 : vector<16xi32>
      %add3A_180 = vector.broadcast %add3A_7 : i32 to vector<16xi32>
      %add3A_181 = arith.addi %mul3A_179, %add3A_180 : vector<16xi32>
      %swap3A_182 = arith.constant 112 : index
      %swap3A_183 = tpu.vector_load %arg8[%swap3A_182] {strides = array<i32>} : memref<128xi32, #tpu.memory_space<vmem>>, vector<16xi32>,
      %swap3A_184 = vector.shape_cast %swap3A_183 : vector<16xi32> to vector<16xi32>
      %swap3A_185 = vector.shape_cast %add3A_181 : vector<16xi32> to vector<16xi32>
      tpu.vector_store %arg8[%swap3A_182], %swap3A_185 {strides = array<i32>} : memref<128xi32, #tpu.memory_space<vmem>>, vector<16xi32>,
      %dma_start3A = arith.constant 0 : i32
      %dma_start3A_186 = arith.constant 0 : i32
      %dma_start3A_187 = tpu.memref_slice %arg4[%dma_start3A, %dma_start3A_186] : memref<900000x16xf32, #tpu.memory_space<hbm>> -> memref<900000x16xf32, #tpu.memory_space<hbm>>
      tpu.enqueue_indirect_dma source(%dma_start3A_187 : memref<900000x16xf32, #tpu.memory_space<hbm>>) target(%arg9 : memref<128x16xf32, #tpu.memory_space<vmem>>) offsets(%arg8 : memref<128xi32, #tpu.memory_space<vmem>>) semaphore(%arg12 : memref<!tpu.dma_semaphore, #tpu.memory_space<semaphore_mem>>)
      %dma_wait3A = arith.constant 0 : i32
      %dma_wait3A_188 = arith.constant 0 : i32
      %dma_wait3A_189 = tpu.memref_slice %arg4[%dma_wait3A, %dma_wait3A_188] : memref<900000x16xf32, #tpu.memory_space<hbm>> -> memref<900000x16xf32, #tpu.memory_space<hbm>>
      tpu.wait_indirect_dma semaphore(%arg12 : memref<!tpu.dma_semaphore, #tpu.memory_space<semaphore_mem>>) src(%dma_wait3A_189 : memref<900000x16xf32, #tpu.memory_space<hbm>>) dst(%arg9 : memref<128x16xf32, #tpu.memory_space<vmem>>)
      "tpu.region"() ({
        %run_scoped3A = tpu.sem_alloc : memref<!tpu.dma_semaphore, #tpu.memory_space<semaphore_mem>>
        %dma_start3A_190 = arith.constant 0 : i32
        %dma_start3A_191 = arith.constant 0 : i32
        %dma_start3A_192 = tpu.memref_slice %arg11[%dma_start3A_190, %dma_start3A_191] : memref<50048x16xf32, #tpu.memory_space<vmem_shared>> -> memref<50048x16xf32, #tpu.memory_space<vmem_shared>>
        tpu.enqueue_indirect_dma source(%arg9 : memref<128x16xf32, #tpu.memory_space<vmem>>) target(%dma_start3A_192 : memref<50048x16xf32, #tpu.memory_space<vmem_shared>>) offsets(%arg7 : memref<128xi32, #tpu.memory_space<vmem>>) semaphore(%run_scoped3A : memref<!tpu.dma_semaphore, #tpu.memory_space<semaphore_mem>>) {add = true}
        %dma_wait3A_193 = arith.constant 0 : i32
        %dma_wait3A_194 = arith.constant 0 : i32
        %dma_wait3A_195 = tpu.memref_slice %arg11[%dma_wait3A_193, %dma_wait3A_194] : memref<50048x16xf32, #tpu.memory_space<vmem_shared>> -> memref<50048x16xf32, #tpu.memory_space<vmem_shared>>
        tpu.wait_indirect_dma semaphore(%run_scoped3A : memref<!tpu.dma_semaphore, #tpu.memory_space<semaphore_mem>>) src(%arg9 : memref<128x16xf32, #tpu.memory_space<vmem>>) dst(%dma_wait3A_195 : memref<50048x16xf32, #tpu.memory_space<vmem_shared>>)
        tpu.yield
      }) : () -> ()
    }
    %scan3A_17 = arith.constant 391 : i32
    %barrier3A_18 = arith.constant 0 : index
    tpu.barrier barrier_id(%barrier3A_18)
    %mul3A_19 = arith.constant 3128 : i32
    %mul3A_20 = arith.muli %arg1, %mul3A_19 : i32
    %multiple_of3A = tpu.assume_multiple %mul3A_20, 8 : i32
    %lt3A = arith.constant 15 : i32
    %lt3A_21 = arith.cmpi slt, %arg1, %lt3A : i32
    %convert_element_type3A = arith.extui %lt3A_21 : i1 to i32
    %cond3A = arith.constant 0 : i32
    %cond3A_22 = arith.cmpi ne, %convert_element_type3A, %cond3A : i32
    scf.if %cond3A_22 {
      "tpu.region"() ({
        %run_scoped3A = tpu.sem_alloc : memref<!tpu.dma_semaphore, #tpu.memory_space<semaphore_mem>>
        %dma_start3A = arith.constant 0 : i32
        %dma_start3A_88 = tpu.memref_slice %arg5[%add3A_7, %multiple_of3A, %dma_start3A] : memref<6x50000x16xf32, #tpu.memory_space<hbm>> -> memref<1x3128x16xf32, #tpu.memory_space<hbm>>
        %dma_start3A_89 = tpu.memref_squeeze %dma_start3A_88 : memref<1x3128x16xf32, #tpu.memory_space<hbm>> -> memref<3128x16xf32, #tpu.memory_space<hbm>>
        %dma_start3A_90 = arith.constant 0 : i32
        %dma_start3A_91 = tpu.memref_slice %arg11[%multiple_of3A, %dma_start3A_90] : memref<50048x16xf32, #tpu.memory_space<vmem_shared>> -> memref<3128x16xf32, #tpu.memory_space<vmem_shared>>
        tpu.enqueue_dma source(%dma_start3A_91 : memref<3128x16xf32, #tpu.memory_space<vmem_shared>>) target(%dma_start3A_89 : memref<3128x16xf32, #tpu.memory_space<hbm>>) target_semaphore(%run_scoped3A : memref<!tpu.dma_semaphore, #tpu.memory_space<semaphore_mem>>)
        %dma_wait3A = arith.constant 0 : i32
        %dma_wait3A_92 = tpu.memref_slice %arg5[%add3A_7, %multiple_of3A, %dma_wait3A] : memref<6x50000x16xf32, #tpu.memory_space<hbm>> -> memref<1x3128x16xf32, #tpu.memory_space<hbm>>
        %dma_wait3A_93 = tpu.memref_squeeze %dma_wait3A_92 : memref<1x3128x16xf32, #tpu.memory_space<hbm>> -> memref<3128x16xf32, #tpu.memory_space<hbm>>
        %dma_wait3A_94 = arith.constant 0 : i32
        %dma_wait3A_95 = tpu.memref_slice %arg11[%multiple_of3A, %dma_wait3A_94] : memref<50048x16xf32, #tpu.memory_space<vmem_shared>> -> memref<3128x16xf32, #tpu.memory_space<vmem_shared>>
        tpu.wait_dma2 semaphore(%run_scoped3A : memref<!tpu.dma_semaphore, #tpu.memory_space<semaphore_mem>>) src(%dma_wait3A_95 : memref<3128x16xf32, #tpu.memory_space<vmem_shared>>) dst(%dma_wait3A_93 : memref<3128x16xf32, #tpu.memory_space<hbm>>)
        tpu.yield
      }) : () -> ()
    } else {
    }
    %eq3A = arith.constant 15 : i32
    %eq3A_23 = arith.cmpi eq, %arg1, %eq3A : i32
    %convert_element_type3A_24 = arith.extui %eq3A_23 : i1 to i32
    %cond3A_25 = arith.constant 0 : i32
    %cond3A_26 = arith.cmpi ne, %convert_element_type3A_24, %cond3A_25 : i32
    scf.if %cond3A_26 {
      "tpu.region"() ({
        %run_scoped3A = tpu.sem_alloc : memref<!tpu.dma_semaphore, #tpu.memory_space<semaphore_mem>>
        %dma_start3A = arith.constant 0 : i32
        %dma_start3A_88 = tpu.memref_slice %arg5[%add3A_7, %multiple_of3A, %dma_start3A] : memref<6x50000x16xf32, #tpu.memory_space<hbm>> -> memref<1x3080x16xf32, #tpu.memory_space<hbm>>
        %dma_start3A_89 = tpu.memref_squeeze %dma_start3A_88 : memref<1x3080x16xf32, #tpu.memory_space<hbm>> -> memref<3080x16xf32, #tpu.memory_space<hbm>>
        %dma_start3A_90 = arith.constant 0 : i32
        %dma_start3A_91 = tpu.memref_slice %arg11[%multiple_of3A, %dma_start3A_90] : memref<50048x16xf32, #tpu.memory_space<vmem_shared>> -> memref<3080x16xf32, #tpu.memory_space<vmem_shared>>
        tpu.enqueue_dma source(%dma_start3A_91 : memref<3080x16xf32, #tpu.memory_space<vmem_shared>>) target(%dma_start3A_89 : memref<3080x16xf32, #tpu.memory_space<hbm>>) target_semaphore(%run_scoped3A : memref<!tpu.dma_semaphore, #tpu.memory_space<semaphore_mem>>)
        %dma_wait3A = arith.constant 0 : i32
        %dma_wait3A_92 = tpu.memref_slice %arg5[%add3A_7, %multiple_of3A, %dma_wait3A] : memref<6x50000x16xf32, #tpu.memory_space<hbm>> -> memref<1x3080x16xf32, #tpu.memory_space<hbm>>
        %dma_wait3A_93 = tpu.memref_squeeze %dma_wait3A_92 : memref<1x3080x16xf32, #tpu.memory_space<hbm>> -> memref<3080x16xf32, #tpu.memory_space<hbm>>
        %dma_wait3A_94 = arith.constant 0 : i32
        %dma_wait3A_95 = tpu.memref_slice %arg11[%multiple_of3A, %dma_wait3A_94] : memref<50048x16xf32, #tpu.memory_space<vmem_shared>> -> memref<3080x16xf32, #tpu.memory_space<vmem_shared>>
        tpu.wait_dma2 semaphore(%run_scoped3A : memref<!tpu.dma_semaphore, #tpu.memory_space<semaphore_mem>>) src(%dma_wait3A_95 : memref<3080x16xf32, #tpu.memory_space<vmem_shared>>) dst(%dma_wait3A_93 : memref<3080x16xf32, #tpu.memory_space<hbm>>)
        tpu.yield
      }) : () -> ()
    } else {
    }
    %barrier3A_27 = arith.constant 0 : index
    tpu.barrier barrier_id(%barrier3A_27)
    %mul3A_28 = arith.constant 3 : i32
    %mul3A_29 = arith.muli %arg0, %mul3A_28 : i32
    %add3A_30 = arith.constant 1 : i32
    %add3A_31 = arith.addi %mul3A_29, %add3A_30 : i32
    %mul3A_32 = arith.constant 3128 : i32
    %mul3A_33 = arith.muli %arg1, %mul3A_32 : i32
    "tpu.region"() ({
      %run_scoped3A = tpu.sem_alloc : memref<!tpu.dma_semaphore, #tpu.memory_space<semaphore_mem>>
      %dma_start3A = arith.constant 0 : i32
      %dma_start3A_88 = tpu.memref_slice %arg11[%mul3A_33, %dma_start3A] : memref<50048x16xf32, #tpu.memory_space<vmem_shared>> -> memref<3128x16xf32, #tpu.memory_space<vmem_shared>>
      %dma_start3A_89 = arith.constant 0 : i32
      %dma_start3A_90 = tpu.memref_slice %arg11[%mul3A_33, %dma_start3A_89] : memref<50048x16xf32, #tpu.memory_space<vmem_shared>> -> memref<3128x16xf32, #tpu.memory_space<vmem_shared>>
      tpu.enqueue_dma source(%arg10 : memref<3128x16xf32, #tpu.memory_space<vmem>>) target(%dma_start3A_90 : memref<3128x16xf32, #tpu.memory_space<vmem_shared>>) target_semaphore(%run_scoped3A : memref<!tpu.dma_semaphore, #tpu.memory_space<semaphore_mem>>)
      %dma_wait3A = arith.constant 0 : i32
      %dma_wait3A_91 = tpu.memref_slice %arg11[%mul3A_33, %dma_wait3A] : memref<50048x16xf32, #tpu.memory_space<vmem_shared>> -> memref<3128x16xf32, #tpu.memory_space<vmem_shared>>
      %dma_wait3A_92 = arith.constant 0 : i32
      %dma_wait3A_93 = tpu.memref_slice %arg11[%mul3A_33, %dma_wait3A_92] : memref<50048x16xf32, #tpu.memory_space<vmem_shared>> -> memref<3128x16xf32, #tpu.memory_space<vmem_shared>>
      tpu.wait_dma2 semaphore(%run_scoped3A : memref<!tpu.dma_semaphore, #tpu.memory_space<semaphore_mem>>) src(%arg10 : memref<3128x16xf32, #tpu.memory_space<vmem>>) dst(%dma_wait3A_93 : memref<3128x16xf32, #tpu.memory_space<vmem_shared>>)
      tpu.yield
    }) : () -> ()
    %barrier3A_34 = arith.constant 0 : index
    tpu.barrier barrier_id(%barrier3A_34)
    %mul3A_35 = arith.constant 50048 : i32
    %mul3A_36 = arith.muli %arg1, %mul3A_35 : i32
    %scan3A_37 = arith.constant 0 : i32
    %scan3A_38 = arith.constant 0 : i32
    %scan3A_39 = arith.constant 391 : i32
    %scan3A_40 = arith.addi %scan3A_38, %scan3A_39 : i32
    %scan3A_41 = arith.constant 1 : i32
    scf.for %scan3A_88 = %scan3A_38 to %scan3A_40 step %scan3A_41  : i32 {
      %mul3A_89 = arith.constant 128 : i32
      %mul3A_90 = arith.muli %scan3A_88, %mul3A_89 : i32
      %add3A_91 = arith.addi %mul3A_36, %mul3A_90 : i32
      "tpu.region"() ({
        %run_scoped3A = tpu.sem_alloc : memref<!tpu.dma_semaphore, #tpu.memory_space<semaphore_mem>>
        %dma_start3A_190 = tpu.memref_slice %arg2[%add3A_91] : memref<800768xi32, #tpu.memory_space<hbm>> -> memref<128xi32, #tpu.memory_space<hbm>>
        %dma_start3A_191 = tpu.memref_slice %arg2[%add3A_91] : memref<800768xi32, #tpu.memory_space<hbm>> -> memref<128xi32, #tpu.memory_space<hbm>>
        tpu.enqueue_dma source(%dma_start3A_191 : memref<128xi32, #tpu.memory_space<hbm>>) target(%arg6 : memref<128xi32, #tpu.memory_space<vmem>>) target_semaphore(%run_scoped3A : memref<!tpu.dma_semaphore, #tpu.memory_space<semaphore_mem>>)
        %dma_wait3A_192 = tpu.memref_slice %arg2[%add3A_91] : memref<800768xi32, #tpu.memory_space<hbm>> -> memref<128xi32, #tpu.memory_space<hbm>>
        %dma_wait3A_193 = tpu.memref_slice %arg2[%add3A_91] : memref<800768xi32, #tpu.memory_space<hbm>> -> memref<128xi32, #tpu.memory_space<hbm>>
        tpu.wait_dma2 semaphore(%run_scoped3A : memref<!tpu.dma_semaphore, #tpu.memory_space<semaphore_mem>>) src(%dma_wait3A_193 : memref<128xi32, #tpu.memory_space<hbm>>) dst(%arg6 : memref<128xi32, #tpu.memory_space<vmem>>)
        tpu.yield
      }) : () -> ()
      "tpu.region"() ({
        %run_scoped3A = tpu.sem_alloc : memref<!tpu.dma_semaphore, #tpu.memory_space<semaphore_mem>>
        %dma_start3A_190 = tpu.memref_slice %arg3[%add3A_91] : memref<800768xi32, #tpu.memory_space<hbm>> -> memref<128xi32, #tpu.memory_space<hbm>>
        %dma_start3A_191 = tpu.memref_slice %arg3[%add3A_91] : memref<800768xi32, #tpu.memory_space<hbm>> -> memref<128xi32, #tpu.memory_space<hbm>>
        tpu.enqueue_dma source(%dma_start3A_191 : memref<128xi32, #tpu.memory_space<hbm>>) target(%arg7 : memref<128xi32, #tpu.memory_space<vmem>>) target_semaphore(%run_scoped3A : memref<!tpu.dma_semaphore, #tpu.memory_space<semaphore_mem>>)
        %dma_wait3A_192 = tpu.memref_slice %arg3[%add3A_91] : memref<800768xi32, #tpu.memory_space<hbm>> -> memref<128xi32, #tpu.memory_space<hbm>>
        %dma_wait3A_193 = tpu.memref_slice %arg3[%add3A_91] : memref<800768xi32, #tpu.memory_space<hbm>> -> memref<128xi32, #tpu.memory_space<hbm>>
        tpu.wait_dma2 semaphore(%run_scoped3A : memref<!tpu.dma_semaphore, #tpu.memory_space<semaphore_mem>>) src(%dma_wait3A_193 : memref<128xi32, #tpu.memory_space<hbm>>) dst(%arg7 : memref<128xi32, #tpu.memory_space<vmem>>)
        tpu.yield
      }) : () -> ()
      %get3A = arith.constant 0 : index
      %get3A_92 = tpu.vector_load %arg6[%get3A] {strides = array<i32>} : memref<128xi32, #tpu.memory_space<vmem>>, vector<16xi32>,
      %get3A_93 = vector.shape_cast %get3A_92 : vector<16xi32> to vector<16xi32>
      %mul3A_94 = arith.constant 6 : i32
      %mul3A_95 = vector.broadcast %mul3A_94 : i32 to vector<16xi32>
      %mul3A_96 = arith.muli %get3A_93, %mul3A_95 : vector<16xi32>
      %add3A_97 = vector.broadcast %add3A_31 : i32 to vector<16xi32>
      %add3A_98 = arith.addi %mul3A_96, %add3A_97 : vector<16xi32>
      %swap3A = arith.constant 0 : index
      %swap3A_99 = tpu.vector_load %arg8[%swap3A] {strides = array<i32>} : memref<128xi32, #tpu.memory_space<vmem>>, vector<16xi32>,
      %swap3A_100 = vector.shape_cast %swap3A_99 : vector<16xi32> to vector<16xi32>
      %swap3A_101 = vector.shape_cast %add3A_98 : vector<16xi32> to vector<16xi32>
      tpu.vector_store %arg8[%swap3A], %swap3A_101 {strides = array<i32>} : memref<128xi32, #tpu.memory_space<vmem>>, vector<16xi32>,
      %get3A_102 = arith.constant 16 : index
      %get3A_103 = tpu.vector_load %arg6[%get3A_102] {strides = array<i32>} : memref<128xi32, #tpu.memory_space<vmem>>, vector<16xi32>,
      %get3A_104 = vector.shape_cast %get3A_103 : vector<16xi32> to vector<16xi32>
      %mul3A_105 = arith.constant 6 : i32
      %mul3A_106 = vector.broadcast %mul3A_105 : i32 to vector<16xi32>
      %mul3A_107 = arith.muli %get3A_104, %mul3A_106 : vector<16xi32>
      %add3A_108 = vector.broadcast %add3A_31 : i32 to vector<16xi32>
      %add3A_109 = arith.addi %mul3A_107, %add3A_108 : vector<16xi32>
      %swap3A_110 = arith.constant 16 : index
      %swap3A_111 = tpu.vector_load %arg8[%swap3A_110] {strides = array<i32>} : memref<128xi32, #tpu.memory_space<vmem>>, vector<16xi32>,
      %swap3A_112 = vector.shape_cast %swap3A_111 : vector<16xi32> to vector<16xi32>
      %swap3A_113 = vector.shape_cast %add3A_109 : vector<16xi32> to vector<16xi32>
      tpu.vector_store %arg8[%swap3A_110], %swap3A_113 {strides = array<i32>} : memref<128xi32, #tpu.memory_space<vmem>>, vector<16xi32>,
      %get3A_114 = arith.constant 32 : index
      %get3A_115 = tpu.vector_load %arg6[%get3A_114] {strides = array<i32>} : memref<128xi32, #tpu.memory_space<vmem>>, vector<16xi32>,
      %get3A_116 = vector.shape_cast %get3A_115 : vector<16xi32> to vector<16xi32>
      %mul3A_117 = arith.constant 6 : i32
      %mul3A_118 = vector.broadcast %mul3A_117 : i32 to vector<16xi32>
      %mul3A_119 = arith.muli %get3A_116, %mul3A_118 : vector<16xi32>
      %add3A_120 = vector.broadcast %add3A_31 : i32 to vector<16xi32>
      %add3A_121 = arith.addi %mul3A_119, %add3A_120 : vector<16xi32>
      %swap3A_122 = arith.constant 32 : index
      %swap3A_123 = tpu.vector_load %arg8[%swap3A_122] {strides = array<i32>} : memref<128xi32, #tpu.memory_space<vmem>>, vector<16xi32>,
      %swap3A_124 = vector.shape_cast %swap3A_123 : vector<16xi32> to vector<16xi32>
      %swap3A_125 = vector.shape_cast %add3A_121 : vector<16xi32> to vector<16xi32>
      tpu.vector_store %arg8[%swap3A_122], %swap3A_125 {strides = array<i32>} : memref<128xi32, #tpu.memory_space<vmem>>, vector<16xi32>,
      %get3A_126 = arith.constant 48 : index
      %get3A_127 = tpu.vector_load %arg6[%get3A_126] {strides = array<i32>} : memref<128xi32, #tpu.memory_space<vmem>>, vector<16xi32>,
      %get3A_128 = vector.shape_cast %get3A_127 : vector<16xi32> to vector<16xi32>
      %mul3A_129 = arith.constant 6 : i32
      %mul3A_130 = vector.broadcast %mul3A_129 : i32 to vector<16xi32>
      %mul3A_131 = arith.muli %get3A_128, %mul3A_130 : vector<16xi32>
      %add3A_132 = vector.broadcast %add3A_31 : i32 to vector<16xi32>
      %add3A_133 = arith.addi %mul3A_131, %add3A_132 : vector<16xi32>
      %swap3A_134 = arith.constant 48 : index
      %swap3A_135 = tpu.vector_load %arg8[%swap3A_134] {strides = array<i32>} : memref<128xi32, #tpu.memory_space<vmem>>, vector<16xi32>,
      %swap3A_136 = vector.shape_cast %swap3A_135 : vector<16xi32> to vector<16xi32>
      %swap3A_137 = vector.shape_cast %add3A_133 : vector<16xi32> to vector<16xi32>
      tpu.vector_store %arg8[%swap3A_134], %swap3A_137 {strides = array<i32>} : memref<128xi32, #tpu.memory_space<vmem>>, vector<16xi32>,
      %get3A_138 = arith.constant 64 : index
      %get3A_139 = tpu.vector_load %arg6[%get3A_138] {strides = array<i32>} : memref<128xi32, #tpu.memory_space<vmem>>, vector<16xi32>,
      %get3A_140 = vector.shape_cast %get3A_139 : vector<16xi32> to vector<16xi32>
      %mul3A_141 = arith.constant 6 : i32
      %mul3A_142 = vector.broadcast %mul3A_141 : i32 to vector<16xi32>
      %mul3A_143 = arith.muli %get3A_140, %mul3A_142 : vector<16xi32>
      %add3A_144 = vector.broadcast %add3A_31 : i32 to vector<16xi32>
      %add3A_145 = arith.addi %mul3A_143, %add3A_144 : vector<16xi32>
      %swap3A_146 = arith.constant 64 : index
      %swap3A_147 = tpu.vector_load %arg8[%swap3A_146] {strides = array<i32>} : memref<128xi32, #tpu.memory_space<vmem>>, vector<16xi32>,
      %swap3A_148 = vector.shape_cast %swap3A_147 : vector<16xi32> to vector<16xi32>
      %swap3A_149 = vector.shape_cast %add3A_145 : vector<16xi32> to vector<16xi32>
      tpu.vector_store %arg8[%swap3A_146], %swap3A_149 {strides = array<i32>} : memref<128xi32, #tpu.memory_space<vmem>>, vector<16xi32>,
      %get3A_150 = arith.constant 80 : index
      %get3A_151 = tpu.vector_load %arg6[%get3A_150] {strides = array<i32>} : memref<128xi32, #tpu.memory_space<vmem>>, vector<16xi32>,
      %get3A_152 = vector.shape_cast %get3A_151 : vector<16xi32> to vector<16xi32>
      %mul3A_153 = arith.constant 6 : i32
      %mul3A_154 = vector.broadcast %mul3A_153 : i32 to vector<16xi32>
      %mul3A_155 = arith.muli %get3A_152, %mul3A_154 : vector<16xi32>
      %add3A_156 = vector.broadcast %add3A_31 : i32 to vector<16xi32>
      %add3A_157 = arith.addi %mul3A_155, %add3A_156 : vector<16xi32>
      %swap3A_158 = arith.constant 80 : index
      %swap3A_159 = tpu.vector_load %arg8[%swap3A_158] {strides = array<i32>} : memref<128xi32, #tpu.memory_space<vmem>>, vector<16xi32>,
      %swap3A_160 = vector.shape_cast %swap3A_159 : vector<16xi32> to vector<16xi32>
      %swap3A_161 = vector.shape_cast %add3A_157 : vector<16xi32> to vector<16xi32>
      tpu.vector_store %arg8[%swap3A_158], %swap3A_161 {strides = array<i32>} : memref<128xi32, #tpu.memory_space<vmem>>, vector<16xi32>,
      %get3A_162 = arith.constant 96 : index
      %get3A_163 = tpu.vector_load %arg6[%get3A_162] {strides = array<i32>} : memref<128xi32, #tpu.memory_space<vmem>>, vector<16xi32>,
      %get3A_164 = vector.shape_cast %get3A_163 : vector<16xi32> to vector<16xi32>
      %mul3A_165 = arith.constant 6 : i32
      %mul3A_166 = vector.broadcast %mul3A_165 : i32 to vector<16xi32>
      %mul3A_167 = arith.muli %get3A_164, %mul3A_166 : vector<16xi32>
      %add3A_168 = vector.broadcast %add3A_31 : i32 to vector<16xi32>
      %add3A_169 = arith.addi %mul3A_167, %add3A_168 : vector<16xi32>
      %swap3A_170 = arith.constant 96 : index
      %swap3A_171 = tpu.vector_load %arg8[%swap3A_170] {strides = array<i32>} : memref<128xi32, #tpu.memory_space<vmem>>, vector<16xi32>,
      %swap3A_172 = vector.shape_cast %swap3A_171 : vector<16xi32> to vector<16xi32>
      %swap3A_173 = vector.shape_cast %add3A_169 : vector<16xi32> to vector<16xi32>
      tpu.vector_store %arg8[%swap3A_170], %swap3A_173 {strides = array<i32>} : memref<128xi32, #tpu.memory_space<vmem>>, vector<16xi32>,
      %get3A_174 = arith.constant 112 : index
      %get3A_175 = tpu.vector_load %arg6[%get3A_174] {strides = array<i32>} : memref<128xi32, #tpu.memory_space<vmem>>, vector<16xi32>,
      %get3A_176 = vector.shape_cast %get3A_175 : vector<16xi32> to vector<16xi32>
      %mul3A_177 = arith.constant 6 : i32
      %mul3A_178 = vector.broadcast %mul3A_177 : i32 to vector<16xi32>
      %mul3A_179 = arith.muli %get3A_176, %mul3A_178 : vector<16xi32>
      %add3A_180 = vector.broadcast %add3A_31 : i32 to vector<16xi32>
      %add3A_181 = arith.addi %mul3A_179, %add3A_180 : vector<16xi32>
      %swap3A_182 = arith.constant 112 : index
      %swap3A_183 = tpu.vector_load %arg8[%swap3A_182] {strides = array<i32>} : memref<128xi32, #tpu.memory_space<vmem>>, vector<16xi32>,
      %swap3A_184 = vector.shape_cast %swap3A_183 : vector<16xi32> to vector<16xi32>
      %swap3A_185 = vector.shape_cast %add3A_181 : vector<16xi32> to vector<16xi32>
      tpu.vector_store %arg8[%swap3A_182], %swap3A_185 {strides = array<i32>} : memref<128xi32, #tpu.memory_space<vmem>>, vector<16xi32>,
      %dma_start3A = arith.constant 0 : i32
      %dma_start3A_186 = arith.constant 0 : i32
      %dma_start3A_187 = tpu.memref_slice %arg4[%dma_start3A, %dma_start3A_186] : memref<900000x16xf32, #tpu.memory_space<hbm>> -> memref<900000x16xf32, #tpu.memory_space<hbm>>
      tpu.enqueue_indirect_dma source(%dma_start3A_187 : memref<900000x16xf32, #tpu.memory_space<hbm>>) target(%arg9 : memref<128x16xf32, #tpu.memory_space<vmem>>) offsets(%arg8 : memref<128xi32, #tpu.memory_space<vmem>>) semaphore(%arg12 : memref<!tpu.dma_semaphore, #tpu.memory_space<semaphore_mem>>)
      %dma_wait3A = arith.constant 0 : i32
      %dma_wait3A_188 = arith.constant 0 : i32
      %dma_wait3A_189 = tpu.memref_slice %arg4[%dma_wait3A, %dma_wait3A_188] : memref<900000x16xf32, #tpu.memory_space<hbm>> -> memref<900000x16xf32, #tpu.memory_space<hbm>>
      tpu.wait_indirect_dma semaphore(%arg12 : memref<!tpu.dma_semaphore, #tpu.memory_space<semaphore_mem>>) src(%dma_wait3A_189 : memref<900000x16xf32, #tpu.memory_space<hbm>>) dst(%arg9 : memref<128x16xf32, #tpu.memory_space<vmem>>)
      "tpu.region"() ({
        %run_scoped3A = tpu.sem_alloc : memref<!tpu.dma_semaphore, #tpu.memory_space<semaphore_mem>>
        %dma_start3A_190 = arith.constant 0 : i32
        %dma_start3A_191 = arith.constant 0 : i32
        %dma_start3A_192 = tpu.memref_slice %arg11[%dma_start3A_190, %dma_start3A_191] : memref<50048x16xf32, #tpu.memory_space<vmem_shared>> -> memref<50048x16xf32, #tpu.memory_space<vmem_shared>>
        tpu.enqueue_indirect_dma source(%arg9 : memref<128x16xf32, #tpu.memory_space<vmem>>) target(%dma_start3A_192 : memref<50048x16xf32, #tpu.memory_space<vmem_shared>>) offsets(%arg7 : memref<128xi32, #tpu.memory_space<vmem>>) semaphore(%run_scoped3A : memref<!tpu.dma_semaphore, #tpu.memory_space<semaphore_mem>>) {add = true}
        %dma_wait3A_193 = arith.constant 0 : i32
        %dma_wait3A_194 = arith.constant 0 : i32
        %dma_wait3A_195 = tpu.memref_slice %arg11[%dma_wait3A_193, %dma_wait3A_194] : memref<50048x16xf32, #tpu.memory_space<vmem_shared>> -> memref<50048x16xf32, #tpu.memory_space<vmem_shared>>
        tpu.wait_indirect_dma semaphore(%run_scoped3A : memref<!tpu.dma_semaphore, #tpu.memory_space<semaphore_mem>>) src(%arg9 : memref<128x16xf32, #tpu.memory_space<vmem>>) dst(%dma_wait3A_195 : memref<50048x16xf32, #tpu.memory_space<vmem_shared>>)
        tpu.yield
      }) : () -> ()
    }
    %scan3A_42 = arith.constant 391 : i32
    %barrier3A_43 = arith.constant 0 : index
    tpu.barrier barrier_id(%barrier3A_43)
    %mul3A_44 = arith.constant 3128 : i32
    %mul3A_45 = arith.muli %arg1, %mul3A_44 : i32
    %multiple_of3A_46 = tpu.assume_multiple %mul3A_45, 8 : i32
    %lt3A_47 = arith.constant 15 : i32
    %lt3A_48 = arith.cmpi slt, %arg1, %lt3A_47 : i32
    %convert_element_type3A_49 = arith.extui %lt3A_48 : i1 to i32
    %cond3A_50 = arith.constant 0 : i32
    %cond3A_51 = arith.cmpi ne, %convert_element_type3A_49, %cond3A_50 : i32
    scf.if %cond3A_51 {
      "tpu.region"() ({
        %run_scoped3A = tpu.sem_alloc : memref<!tpu.dma_semaphore, #tpu.memory_space<semaphore_mem>>
        %dma_start3A = arith.constant 0 : i32
        %dma_start3A_88 = tpu.memref_slice %arg5[%add3A_31, %multiple_of3A_46, %dma_start3A] : memref<6x50000x16xf32, #tpu.memory_space<hbm>> -> memref<1x3128x16xf32, #tpu.memory_space<hbm>>
        %dma_start3A_89 = tpu.memref_squeeze %dma_start3A_88 : memref<1x3128x16xf32, #tpu.memory_space<hbm>> -> memref<3128x16xf32, #tpu.memory_space<hbm>>
        %dma_start3A_90 = arith.constant 0 : i32
        %dma_start3A_91 = tpu.memref_slice %arg11[%multiple_of3A_46, %dma_start3A_90] : memref<50048x16xf32, #tpu.memory_space<vmem_shared>> -> memref<3128x16xf32, #tpu.memory_space<vmem_shared>>
        tpu.enqueue_dma source(%dma_start3A_91 : memref<3128x16xf32, #tpu.memory_space<vmem_shared>>) target(%dma_start3A_89 : memref<3128x16xf32, #tpu.memory_space<hbm>>) target_semaphore(%run_scoped3A : memref<!tpu.dma_semaphore, #tpu.memory_space<semaphore_mem>>)
        %dma_wait3A = arith.constant 0 : i32
        %dma_wait3A_92 = tpu.memref_slice %arg5[%add3A_31, %multiple_of3A_46, %dma_wait3A] : memref<6x50000x16xf32, #tpu.memory_space<hbm>> -> memref<1x3128x16xf32, #tpu.memory_space<hbm>>
        %dma_wait3A_93 = tpu.memref_squeeze %dma_wait3A_92 : memref<1x3128x16xf32, #tpu.memory_space<hbm>> -> memref<3128x16xf32, #tpu.memory_space<hbm>>
        %dma_wait3A_94 = arith.constant 0 : i32
        %dma_wait3A_95 = tpu.memref_slice %arg11[%multiple_of3A_46, %dma_wait3A_94] : memref<50048x16xf32, #tpu.memory_space<vmem_shared>> -> memref<3128x16xf32, #tpu.memory_space<vmem_shared>>
        tpu.wait_dma2 semaphore(%run_scoped3A : memref<!tpu.dma_semaphore, #tpu.memory_space<semaphore_mem>>) src(%dma_wait3A_95 : memref<3128x16xf32, #tpu.memory_space<vmem_shared>>) dst(%dma_wait3A_93 : memref<3128x16xf32, #tpu.memory_space<hbm>>)
        tpu.yield
      }) : () -> ()
    } else {
    }
    %eq3A_52 = arith.constant 15 : i32
    %eq3A_53 = arith.cmpi eq, %arg1, %eq3A_52 : i32
    %convert_element_type3A_54 = arith.extui %eq3A_53 : i1 to i32
    %cond3A_55 = arith.constant 0 : i32
    %cond3A_56 = arith.cmpi ne, %convert_element_type3A_54, %cond3A_55 : i32
    scf.if %cond3A_56 {
      "tpu.region"() ({
        %run_scoped3A = tpu.sem_alloc : memref<!tpu.dma_semaphore, #tpu.memory_space<semaphore_mem>>
        %dma_start3A = arith.constant 0 : i32
        %dma_start3A_88 = tpu.memref_slice %arg5[%add3A_31, %multiple_of3A_46, %dma_start3A] : memref<6x50000x16xf32, #tpu.memory_space<hbm>> -> memref<1x3080x16xf32, #tpu.memory_space<hbm>>
        %dma_start3A_89 = tpu.memref_squeeze %dma_start3A_88 : memref<1x3080x16xf32, #tpu.memory_space<hbm>> -> memref<3080x16xf32, #tpu.memory_space<hbm>>
        %dma_start3A_90 = arith.constant 0 : i32
        %dma_start3A_91 = tpu.memref_slice %arg11[%multiple_of3A_46, %dma_start3A_90] : memref<50048x16xf32, #tpu.memory_space<vmem_shared>> -> memref<3080x16xf32, #tpu.memory_space<vmem_shared>>
        tpu.enqueue_dma source(%dma_start3A_91 : memref<3080x16xf32, #tpu.memory_space<vmem_shared>>) target(%dma_start3A_89 : memref<3080x16xf32, #tpu.memory_space<hbm>>) target_semaphore(%run_scoped3A : memref<!tpu.dma_semaphore, #tpu.memory_space<semaphore_mem>>)
        %dma_wait3A = arith.constant 0 : i32
        %dma_wait3A_92 = tpu.memref_slice %arg5[%add3A_31, %multiple_of3A_46, %dma_wait3A] : memref<6x50000x16xf32, #tpu.memory_space<hbm>> -> memref<1x3080x16xf32, #tpu.memory_space<hbm>>
        %dma_wait3A_93 = tpu.memref_squeeze %dma_wait3A_92 : memref<1x3080x16xf32, #tpu.memory_space<hbm>> -> memref<3080x16xf32, #tpu.memory_space<hbm>>
        %dma_wait3A_94 = arith.constant 0 : i32
        %dma_wait3A_95 = tpu.memref_slice %arg11[%multiple_of3A_46, %dma_wait3A_94] : memref<50048x16xf32, #tpu.memory_space<vmem_shared>> -> memref<3080x16xf32, #tpu.memory_space<vmem_shared>>
        tpu.wait_dma2 semaphore(%run_scoped3A : memref<!tpu.dma_semaphore, #tpu.memory_space<semaphore_mem>>) src(%dma_wait3A_95 : memref<3080x16xf32, #tpu.memory_space<vmem_shared>>) dst(%dma_wait3A_93 : memref<3080x16xf32, #tpu.memory_space<hbm>>)
        tpu.yield
      }) : () -> ()
    } else {
    }
    %barrier3A_57 = arith.constant 0 : index
    tpu.barrier barrier_id(%barrier3A_57)
    %mul3A_58 = arith.constant 3 : i32
    %mul3A_59 = arith.muli %arg0, %mul3A_58 : i32
    %add3A_60 = arith.constant 2 : i32
    %add3A_61 = arith.addi %mul3A_59, %add3A_60 : i32
    %mul3A_62 = arith.constant 3128 : i32
    %mul3A_63 = arith.muli %arg1, %mul3A_62 : i32
    "tpu.region"() ({
      %run_scoped3A = tpu.sem_alloc : memref<!tpu.dma_semaphore, #tpu.memory_space<semaphore_mem>>
      %dma_start3A = arith.constant 0 : i32
      %dma_start3A_88 = tpu.memref_slice %arg11[%mul3A_63, %dma_start3A] : memref<50048x16xf32, #tpu.memory_space<vmem_shared>> -> memref<3128x16xf32, #tpu.memory_space<vmem_shared>>
      %dma_start3A_89 = arith.constant 0 : i32
      %dma_start3A_90 = tpu.memref_slice %arg11[%mul3A_63, %dma_start3A_89] : memref<50048x16xf32, #tpu.memory_space<vmem_shared>> -> memref<3128x16xf32, #tpu.memory_space<vmem_shared>>
      tpu.enqueue_dma source(%arg10 : memref<3128x16xf32, #tpu.memory_space<vmem>>) target(%dma_start3A_90 : memref<3128x16xf32, #tpu.memory_space<vmem_shared>>) target_semaphore(%run_scoped3A : memref<!tpu.dma_semaphore, #tpu.memory_space<semaphore_mem>>)
      %dma_wait3A = arith.constant 0 : i32
      %dma_wait3A_91 = tpu.memref_slice %arg11[%mul3A_63, %dma_wait3A] : memref<50048x16xf32, #tpu.memory_space<vmem_shared>> -> memref<3128x16xf32, #tpu.memory_space<vmem_shared>>
      %dma_wait3A_92 = arith.constant 0 : i32
      %dma_wait3A_93 = tpu.memref_slice %arg11[%mul3A_63, %dma_wait3A_92] : memref<50048x16xf32, #tpu.memory_space<vmem_shared>> -> memref<3128x16xf32, #tpu.memory_space<vmem_shared>>
      tpu.wait_dma2 semaphore(%run_scoped3A : memref<!tpu.dma_semaphore, #tpu.memory_space<semaphore_mem>>) src(%arg10 : memref<3128x16xf32, #tpu.memory_space<vmem>>) dst(%dma_wait3A_93 : memref<3128x16xf32, #tpu.memory_space<vmem_shared>>)
      tpu.yield
    }) : () -> ()
    %barrier3A_64 = arith.constant 0 : index
    tpu.barrier barrier_id(%barrier3A_64)
    %mul3A_65 = arith.constant 50048 : i32
    %mul3A_66 = arith.muli %arg1, %mul3A_65 : i32
    %scan3A_67 = arith.constant 0 : i32
    %scan3A_68 = arith.constant 0 : i32
    %scan3A_69 = arith.constant 391 : i32
    %scan3A_70 = arith.addi %scan3A_68, %scan3A_69 : i32
    %scan3A_71 = arith.constant 1 : i32
    scf.for %scan3A_88 = %scan3A_68 to %scan3A_70 step %scan3A_71  : i32 {
      %mul3A_89 = arith.constant 128 : i32
      %mul3A_90 = arith.muli %scan3A_88, %mul3A_89 : i32
      %add3A_91 = arith.addi %mul3A_66, %mul3A_90 : i32
      "tpu.region"() ({
        %run_scoped3A = tpu.sem_alloc : memref<!tpu.dma_semaphore, #tpu.memory_space<semaphore_mem>>
        %dma_start3A_190 = tpu.memref_slice %arg2[%add3A_91] : memref<800768xi32, #tpu.memory_space<hbm>> -> memref<128xi32, #tpu.memory_space<hbm>>
        %dma_start3A_191 = tpu.memref_slice %arg2[%add3A_91] : memref<800768xi32, #tpu.memory_space<hbm>> -> memref<128xi32, #tpu.memory_space<hbm>>
        tpu.enqueue_dma source(%dma_start3A_191 : memref<128xi32, #tpu.memory_space<hbm>>) target(%arg6 : memref<128xi32, #tpu.memory_space<vmem>>) target_semaphore(%run_scoped3A : memref<!tpu.dma_semaphore, #tpu.memory_space<semaphore_mem>>)
        %dma_wait3A_192 = tpu.memref_slice %arg2[%add3A_91] : memref<800768xi32, #tpu.memory_space<hbm>> -> memref<128xi32, #tpu.memory_space<hbm>>
        %dma_wait3A_193 = tpu.memref_slice %arg2[%add3A_91] : memref<800768xi32, #tpu.memory_space<hbm>> -> memref<128xi32, #tpu.memory_space<hbm>>
        tpu.wait_dma2 semaphore(%run_scoped3A : memref<!tpu.dma_semaphore, #tpu.memory_space<semaphore_mem>>) src(%dma_wait3A_193 : memref<128xi32, #tpu.memory_space<hbm>>) dst(%arg6 : memref<128xi32, #tpu.memory_space<vmem>>)
        tpu.yield
      }) : () -> ()
      "tpu.region"() ({
        %run_scoped3A = tpu.sem_alloc : memref<!tpu.dma_semaphore, #tpu.memory_space<semaphore_mem>>
        %dma_start3A_190 = tpu.memref_slice %arg3[%add3A_91] : memref<800768xi32, #tpu.memory_space<hbm>> -> memref<128xi32, #tpu.memory_space<hbm>>
        %dma_start3A_191 = tpu.memref_slice %arg3[%add3A_91] : memref<800768xi32, #tpu.memory_space<hbm>> -> memref<128xi32, #tpu.memory_space<hbm>>
        tpu.enqueue_dma source(%dma_start3A_191 : memref<128xi32, #tpu.memory_space<hbm>>) target(%arg7 : memref<128xi32, #tpu.memory_space<vmem>>) target_semaphore(%run_scoped3A : memref<!tpu.dma_semaphore, #tpu.memory_space<semaphore_mem>>)
        %dma_wait3A_192 = tpu.memref_slice %arg3[%add3A_91] : memref<800768xi32, #tpu.memory_space<hbm>> -> memref<128xi32, #tpu.memory_space<hbm>>
        %dma_wait3A_193 = tpu.memref_slice %arg3[%add3A_91] : memref<800768xi32, #tpu.memory_space<hbm>> -> memref<128xi32, #tpu.memory_space<hbm>>
        tpu.wait_dma2 semaphore(%run_scoped3A : memref<!tpu.dma_semaphore, #tpu.memory_space<semaphore_mem>>) src(%dma_wait3A_193 : memref<128xi32, #tpu.memory_space<hbm>>) dst(%arg7 : memref<128xi32, #tpu.memory_space<vmem>>)
        tpu.yield
      }) : () -> ()
      %get3A = arith.constant 0 : index
      %get3A_92 = tpu.vector_load %arg6[%get3A] {strides = array<i32>} : memref<128xi32, #tpu.memory_space<vmem>>, vector<16xi32>,
      %get3A_93 = vector.shape_cast %get3A_92 : vector<16xi32> to vector<16xi32>
      %mul3A_94 = arith.constant 6 : i32
      %mul3A_95 = vector.broadcast %mul3A_94 : i32 to vector<16xi32>
      %mul3A_96 = arith.muli %get3A_93, %mul3A_95 : vector<16xi32>
      %add3A_97 = vector.broadcast %add3A_61 : i32 to vector<16xi32>
      %add3A_98 = arith.addi %mul3A_96, %add3A_97 : vector<16xi32>
      %swap3A = arith.constant 0 : index
      %swap3A_99 = tpu.vector_load %arg8[%swap3A] {strides = array<i32>} : memref<128xi32, #tpu.memory_space<vmem>>, vector<16xi32>,
      %swap3A_100 = vector.shape_cast %swap3A_99 : vector<16xi32> to vector<16xi32>
      %swap3A_101 = vector.shape_cast %add3A_98 : vector<16xi32> to vector<16xi32>
      tpu.vector_store %arg8[%swap3A], %swap3A_101 {strides = array<i32>} : memref<128xi32, #tpu.memory_space<vmem>>, vector<16xi32>,
      %get3A_102 = arith.constant 16 : index
      %get3A_103 = tpu.vector_load %arg6[%get3A_102] {strides = array<i32>} : memref<128xi32, #tpu.memory_space<vmem>>, vector<16xi32>,
      %get3A_104 = vector.shape_cast %get3A_103 : vector<16xi32> to vector<16xi32>
      %mul3A_105 = arith.constant 6 : i32
      %mul3A_106 = vector.broadcast %mul3A_105 : i32 to vector<16xi32>
      %mul3A_107 = arith.muli %get3A_104, %mul3A_106 : vector<16xi32>
      %add3A_108 = vector.broadcast %add3A_61 : i32 to vector<16xi32>
      %add3A_109 = arith.addi %mul3A_107, %add3A_108 : vector<16xi32>
      %swap3A_110 = arith.constant 16 : index
      %swap3A_111 = tpu.vector_load %arg8[%swap3A_110] {strides = array<i32>} : memref<128xi32, #tpu.memory_space<vmem>>, vector<16xi32>,
      %swap3A_112 = vector.shape_cast %swap3A_111 : vector<16xi32> to vector<16xi32>
      %swap3A_113 = vector.shape_cast %add3A_109 : vector<16xi32> to vector<16xi32>
      tpu.vector_store %arg8[%swap3A_110], %swap3A_113 {strides = array<i32>} : memref<128xi32, #tpu.memory_space<vmem>>, vector<16xi32>,
      %get3A_114 = arith.constant 32 : index
      %get3A_115 = tpu.vector_load %arg6[%get3A_114] {strides = array<i32>} : memref<128xi32, #tpu.memory_space<vmem>>, vector<16xi32>,
      %get3A_116 = vector.shape_cast %get3A_115 : vector<16xi32> to vector<16xi32>
      %mul3A_117 = arith.constant 6 : i32
      %mul3A_118 = vector.broadcast %mul3A_117 : i32 to vector<16xi32>
      %mul3A_119 = arith.muli %get3A_116, %mul3A_118 : vector<16xi32>
      %add3A_120 = vector.broadcast %add3A_61 : i32 to vector<16xi32>
      %add3A_121 = arith.addi %mul3A_119, %add3A_120 : vector<16xi32>
      %swap3A_122 = arith.constant 32 : index
      %swap3A_123 = tpu.vector_load %arg8[%swap3A_122] {strides = array<i32>} : memref<128xi32, #tpu.memory_space<vmem>>, vector<16xi32>,
      %swap3A_124 = vector.shape_cast %swap3A_123 : vector<16xi32> to vector<16xi32>
      %swap3A_125 = vector.shape_cast %add3A_121 : vector<16xi32> to vector<16xi32>
      tpu.vector_store %arg8[%swap3A_122], %swap3A_125 {strides = array<i32>} : memref<128xi32, #tpu.memory_space<vmem>>, vector<16xi32>,
      %get3A_126 = arith.constant 48 : index
      %get3A_127 = tpu.vector_load %arg6[%get3A_126] {strides = array<i32>} : memref<128xi32, #tpu.memory_space<vmem>>, vector<16xi32>,
      %get3A_128 = vector.shape_cast %get3A_127 : vector<16xi32> to vector<16xi32>
      %mul3A_129 = arith.constant 6 : i32
      %mul3A_130 = vector.broadcast %mul3A_129 : i32 to vector<16xi32>
      %mul3A_131 = arith.muli %get3A_128, %mul3A_130 : vector<16xi32>
      %add3A_132 = vector.broadcast %add3A_61 : i32 to vector<16xi32>
      %add3A_133 = arith.addi %mul3A_131, %add3A_132 : vector<16xi32>
      %swap3A_134 = arith.constant 48 : index
      %swap3A_135 = tpu.vector_load %arg8[%swap3A_134] {strides = array<i32>} : memref<128xi32, #tpu.memory_space<vmem>>, vector<16xi32>,
      %swap3A_136 = vector.shape_cast %swap3A_135 : vector<16xi32> to vector<16xi32>
      %swap3A_137 = vector.shape_cast %add3A_133 : vector<16xi32> to vector<16xi32>
      tpu.vector_store %arg8[%swap3A_134], %swap3A_137 {strides = array<i32>} : memref<128xi32, #tpu.memory_space<vmem>>, vector<16xi32>,
      %get3A_138 = arith.constant 64 : index
      %get3A_139 = tpu.vector_load %arg6[%get3A_138] {strides = array<i32>} : memref<128xi32, #tpu.memory_space<vmem>>, vector<16xi32>,
      %get3A_140 = vector.shape_cast %get3A_139 : vector<16xi32> to vector<16xi32>
      %mul3A_141 = arith.constant 6 : i32
      %mul3A_142 = vector.broadcast %mul3A_141 : i32 to vector<16xi32>
      %mul3A_143 = arith.muli %get3A_140, %mul3A_142 : vector<16xi32>
      %add3A_144 = vector.broadcast %add3A_61 : i32 to vector<16xi32>
      %add3A_145 = arith.addi %mul3A_143, %add3A_144 : vector<16xi32>
      %swap3A_146 = arith.constant 64 : index
      %swap3A_147 = tpu.vector_load %arg8[%swap3A_146] {strides = array<i32>} : memref<128xi32, #tpu.memory_space<vmem>>, vector<16xi32>,
      %swap3A_148 = vector.shape_cast %swap3A_147 : vector<16xi32> to vector<16xi32>
      %swap3A_149 = vector.shape_cast %add3A_145 : vector<16xi32> to vector<16xi32>
      tpu.vector_store %arg8[%swap3A_146], %swap3A_149 {strides = array<i32>} : memref<128xi32, #tpu.memory_space<vmem>>, vector<16xi32>,
      %get3A_150 = arith.constant 80 : index
      %get3A_151 = tpu.vector_load %arg6[%get3A_150] {strides = array<i32>} : memref<128xi32, #tpu.memory_space<vmem>>, vector<16xi32>,
      %get3A_152 = vector.shape_cast %get3A_151 : vector<16xi32> to vector<16xi32>
      %mul3A_153 = arith.constant 6 : i32
      %mul3A_154 = vector.broadcast %mul3A_153 : i32 to vector<16xi32>
      %mul3A_155 = arith.muli %get3A_152, %mul3A_154 : vector<16xi32>
      %add3A_156 = vector.broadcast %add3A_61 : i32 to vector<16xi32>
      %add3A_157 = arith.addi %mul3A_155, %add3A_156 : vector<16xi32>
      %swap3A_158 = arith.constant 80 : index
      %swap3A_159 = tpu.vector_load %arg8[%swap3A_158] {strides = array<i32>} : memref<128xi32, #tpu.memory_space<vmem>>, vector<16xi32>,
      %swap3A_160 = vector.shape_cast %swap3A_159 : vector<16xi32> to vector<16xi32>
      %swap3A_161 = vector.shape_cast %add3A_157 : vector<16xi32> to vector<16xi32>
      tpu.vector_store %arg8[%swap3A_158], %swap3A_161 {strides = array<i32>} : memref<128xi32, #tpu.memory_space<vmem>>, vector<16xi32>,
      %get3A_162 = arith.constant 96 : index
      %get3A_163 = tpu.vector_load %arg6[%get3A_162] {strides = array<i32>} : memref<128xi32, #tpu.memory_space<vmem>>, vector<16xi32>,
      %get3A_164 = vector.shape_cast %get3A_163 : vector<16xi32> to vector<16xi32>
      %mul3A_165 = arith.constant 6 : i32
      %mul3A_166 = vector.broadcast %mul3A_165 : i32 to vector<16xi32>
      %mul3A_167 = arith.muli %get3A_164, %mul3A_166 : vector<16xi32>
      %add3A_168 = vector.broadcast %add3A_61 : i32 to vector<16xi32>
      %add3A_169 = arith.addi %mul3A_167, %add3A_168 : vector<16xi32>
      %swap3A_170 = arith.constant 96 : index
      %swap3A_171 = tpu.vector_load %arg8[%swap3A_170] {strides = array<i32>} : memref<128xi32, #tpu.memory_space<vmem>>, vector<16xi32>,
      %swap3A_172 = vector.shape_cast %swap3A_171 : vector<16xi32> to vector<16xi32>
      %swap3A_173 = vector.shape_cast %add3A_169 : vector<16xi32> to vector<16xi32>
      tpu.vector_store %arg8[%swap3A_170], %swap3A_173 {strides = array<i32>} : memref<128xi32, #tpu.memory_space<vmem>>, vector<16xi32>,
      %get3A_174 = arith.constant 112 : index
      %get3A_175 = tpu.vector_load %arg6[%get3A_174] {strides = array<i32>} : memref<128xi32, #tpu.memory_space<vmem>>, vector<16xi32>,
      %get3A_176 = vector.shape_cast %get3A_175 : vector<16xi32> to vector<16xi32>
      %mul3A_177 = arith.constant 6 : i32
      %mul3A_178 = vector.broadcast %mul3A_177 : i32 to vector<16xi32>
      %mul3A_179 = arith.muli %get3A_176, %mul3A_178 : vector<16xi32>
      %add3A_180 = vector.broadcast %add3A_61 : i32 to vector<16xi32>
      %add3A_181 = arith.addi %mul3A_179, %add3A_180 : vector<16xi32>
      %swap3A_182 = arith.constant 112 : index
      %swap3A_183 = tpu.vector_load %arg8[%swap3A_182] {strides = array<i32>} : memref<128xi32, #tpu.memory_space<vmem>>, vector<16xi32>,
      %swap3A_184 = vector.shape_cast %swap3A_183 : vector<16xi32> to vector<16xi32>
      %swap3A_185 = vector.shape_cast %add3A_181 : vector<16xi32> to vector<16xi32>
      tpu.vector_store %arg8[%swap3A_182], %swap3A_185 {strides = array<i32>} : memref<128xi32, #tpu.memory_space<vmem>>, vector<16xi32>,
      %dma_start3A = arith.constant 0 : i32
      %dma_start3A_186 = arith.constant 0 : i32
      %dma_start3A_187 = tpu.memref_slice %arg4[%dma_start3A, %dma_start3A_186] : memref<900000x16xf32, #tpu.memory_space<hbm>> -> memref<900000x16xf32, #tpu.memory_space<hbm>>
      tpu.enqueue_indirect_dma source(%dma_start3A_187 : memref<900000x16xf32, #tpu.memory_space<hbm>>) target(%arg9 : memref<128x16xf32, #tpu.memory_space<vmem>>) offsets(%arg8 : memref<128xi32, #tpu.memory_space<vmem>>) semaphore(%arg12 : memref<!tpu.dma_semaphore, #tpu.memory_space<semaphore_mem>>)
      %dma_wait3A = arith.constant 0 : i32
      %dma_wait3A_188 = arith.constant 0 : i32
      %dma_wait3A_189 = tpu.memref_slice %arg4[%dma_wait3A, %dma_wait3A_188] : memref<900000x16xf32, #tpu.memory_space<hbm>> -> memref<900000x16xf32, #tpu.memory_space<hbm>>
      tpu.wait_indirect_dma semaphore(%arg12 : memref<!tpu.dma_semaphore, #tpu.memory_space<semaphore_mem>>) src(%dma_wait3A_189 : memref<900000x16xf32, #tpu.memory_space<hbm>>) dst(%arg9 : memref<128x16xf32, #tpu.memory_space<vmem>>)
      "tpu.region"() ({
        %run_scoped3A = tpu.sem_alloc : memref<!tpu.dma_semaphore, #tpu.memory_space<semaphore_mem>>
        %dma_start3A_190 = arith.constant 0 : i32
        %dma_start3A_191 = arith.constant 0 : i32
        %dma_start3A_192 = tpu.memref_slice %arg11[%dma_start3A_190, %dma_start3A_191] : memref<50048x16xf32, #tpu.memory_space<vmem_shared>> -> memref<50048x16xf32, #tpu.memory_space<vmem_shared>>
        tpu.enqueue_indirect_dma source(%arg9 : memref<128x16xf32, #tpu.memory_space<vmem>>) target(%dma_start3A_192 : memref<50048x16xf32, #tpu.memory_space<vmem_shared>>) offsets(%arg7 : memref<128xi32, #tpu.memory_space<vmem>>) semaphore(%run_scoped3A : memref<!tpu.dma_semaphore, #tpu.memory_space<semaphore_mem>>) {add = true}
        %dma_wait3A_193 = arith.constant 0 : i32
        %dma_wait3A_194 = arith.constant 0 : i32
        %dma_wait3A_195 = tpu.memref_slice %arg11[%dma_wait3A_193, %dma_wait3A_194] : memref<50048x16xf32, #tpu.memory_space<vmem_shared>> -> memref<50048x16xf32, #tpu.memory_space<vmem_shared>>
        tpu.wait_indirect_dma semaphore(%run_scoped3A : memref<!tpu.dma_semaphore, #tpu.memory_space<semaphore_mem>>) src(%arg9 : memref<128x16xf32, #tpu.memory_space<vmem>>) dst(%dma_wait3A_195 : memref<50048x16xf32, #tpu.memory_space<vmem_shared>>)
        tpu.yield
      }) : () -> ()
    }
    %scan3A_72 = arith.constant 391 : i32
    %barrier3A_73 = arith.constant 0 : index
    tpu.barrier barrier_id(%barrier3A_73)
    %mul3A_74 = arith.constant 3128 : i32
    %mul3A_75 = arith.muli %arg1, %mul3A_74 : i32
    %multiple_of3A_76 = tpu.assume_multiple %mul3A_75, 8 : i32
    %lt3A_77 = arith.constant 15 : i32
    %lt3A_78 = arith.cmpi slt, %arg1, %lt3A_77 : i32
    %convert_element_type3A_79 = arith.extui %lt3A_78 : i1 to i32
    %cond3A_80 = arith.constant 0 : i32
    %cond3A_81 = arith.cmpi ne, %convert_element_type3A_79, %cond3A_80 : i32
    scf.if %cond3A_81 {
      "tpu.region"() ({
        %run_scoped3A = tpu.sem_alloc : memref<!tpu.dma_semaphore, #tpu.memory_space<semaphore_mem>>
        %dma_start3A = arith.constant 0 : i32
        %dma_start3A_88 = tpu.memref_slice %arg5[%add3A_61, %multiple_of3A_76, %dma_start3A] : memref<6x50000x16xf32, #tpu.memory_space<hbm>> -> memref<1x3128x16xf32, #tpu.memory_space<hbm>>
        %dma_start3A_89 = tpu.memref_squeeze %dma_start3A_88 : memref<1x3128x16xf32, #tpu.memory_space<hbm>> -> memref<3128x16xf32, #tpu.memory_space<hbm>>
        %dma_start3A_90 = arith.constant 0 : i32
        %dma_start3A_91 = tpu.memref_slice %arg11[%multiple_of3A_76, %dma_start3A_90] : memref<50048x16xf32, #tpu.memory_space<vmem_shared>> -> memref<3128x16xf32, #tpu.memory_space<vmem_shared>>
        tpu.enqueue_dma source(%dma_start3A_91 : memref<3128x16xf32, #tpu.memory_space<vmem_shared>>) target(%dma_start3A_89 : memref<3128x16xf32, #tpu.memory_space<hbm>>) target_semaphore(%run_scoped3A : memref<!tpu.dma_semaphore, #tpu.memory_space<semaphore_mem>>)
        %dma_wait3A = arith.constant 0 : i32
        %dma_wait3A_92 = tpu.memref_slice %arg5[%add3A_61, %multiple_of3A_76, %dma_wait3A] : memref<6x50000x16xf32, #tpu.memory_space<hbm>> -> memref<1x3128x16xf32, #tpu.memory_space<hbm>>
        %dma_wait3A_93 = tpu.memref_squeeze %dma_wait3A_92 : memref<1x3128x16xf32, #tpu.memory_space<hbm>> -> memref<3128x16xf32, #tpu.memory_space<hbm>>
        %dma_wait3A_94 = arith.constant 0 : i32
        %dma_wait3A_95 = tpu.memref_slice %arg11[%multiple_of3A_76, %dma_wait3A_94] : memref<50048x16xf32, #tpu.memory_space<vmem_shared>> -> memref<3128x16xf32, #tpu.memory_space<vmem_shared>>
        tpu.wait_dma2 semaphore(%run_scoped3A : memref<!tpu.dma_semaphore, #tpu.memory_space<semaphore_mem>>) src(%dma_wait3A_95 : memref<3128x16xf32, #tpu.memory_space<vmem_shared>>) dst(%dma_wait3A_93 : memref<3128x16xf32, #tpu.memory_space<hbm>>)
        tpu.yield
      }) : () -> ()
    } else {
    }
    %eq3A_82 = arith.constant 15 : i32
    %eq3A_83 = arith.cmpi eq, %arg1, %eq3A_82 : i32
    %convert_element_type3A_84 = arith.extui %eq3A_83 : i1 to i32
    %cond3A_85 = arith.constant 0 : i32
    %cond3A_86 = arith.cmpi ne, %convert_element_type3A_84, %cond3A_85 : i32
    scf.if %cond3A_86 {
      "tpu.region"() ({
        %run_scoped3A = tpu.sem_alloc : memref<!tpu.dma_semaphore, #tpu.memory_space<semaphore_mem>>
        %dma_start3A = arith.constant 0 : i32
        %dma_start3A_88 = tpu.memref_slice %arg5[%add3A_61, %multiple_of3A_76, %dma_start3A] : memref<6x50000x16xf32, #tpu.memory_space<hbm>> -> memref<1x3080x16xf32, #tpu.memory_space<hbm>>
        %dma_start3A_89 = tpu.memref_squeeze %dma_start3A_88 : memref<1x3080x16xf32, #tpu.memory_space<hbm>> -> memref<3080x16xf32, #tpu.memory_space<hbm>>
        %dma_start3A_90 = arith.constant 0 : i32
        %dma_start3A_91 = tpu.memref_slice %arg11[%multiple_of3A_76, %dma_start3A_90] : memref<50048x16xf32, #tpu.memory_space<vmem_shared>> -> memref<3080x16xf32, #tpu.memory_space<vmem_shared>>
        tpu.enqueue_dma source(%dma_start3A_91 : memref<3080x16xf32, #tpu.memory_space<vmem_shared>>) target(%dma_start3A_89 : memref<3080x16xf32, #tpu.memory_space<hbm>>) target_semaphore(%run_scoped3A : memref<!tpu.dma_semaphore, #tpu.memory_space<semaphore_mem>>)
        %dma_wait3A = arith.constant 0 : i32
        %dma_wait3A_92 = tpu.memref_slice %arg5[%add3A_61, %multiple_of3A_76, %dma_wait3A] : memref<6x50000x16xf32, #tpu.memory_space<hbm>> -> memref<1x3080x16xf32, #tpu.memory_space<hbm>>
        %dma_wait3A_93 = tpu.memref_squeeze %dma_wait3A_92 : memref<1x3080x16xf32, #tpu.memory_space<hbm>> -> memref<3080x16xf32, #tpu.memory_space<hbm>>
        %dma_wait3A_94 = arith.constant 0 : i32
        %dma_wait3A_95 = tpu.memref_slice %arg11[%multiple_of3A_76, %dma_wait3A_94] : memref<50048x16xf32, #tpu.memory_space<vmem_shared>> -> memref<3080x16xf32, #tpu.memory_space<vmem_shared>>
        tpu.wait_dma2 semaphore(%run_scoped3A : memref<!tpu.dma_semaphore, #tpu.memory_space<semaphore_mem>>) src(%dma_wait3A_95 : memref<3080x16xf32, #tpu.memory_space<vmem_shared>>) dst(%dma_wait3A_93 : memref<3080x16xf32, #tpu.memory_space<hbm>>)
        tpu.yield
      }) : () -> ()
    } else {
    }
    %barrier3A_87 = arith.constant 0 : index
    tpu.barrier barrier_id(%barrier3A_87)
    return
  }
}

#map = affine_map<(d0, d1) -> (0)>
#map1 = affine_map<(d0, d1) -> (0, 0)>
#map2 = affine_map<(d0, d1) -> (0, 0, 0)>
module attributes {stable_mosaic.version = 14 : i64} {
  func.func @_sc_agg_body(%arg0: i32, %arg1: i32, %arg2: memref<800768xi32, #tpu.memory_space<hbm>>, %arg3: memref<800768xi32, #tpu.memory_space<hbm>>, %arg4: memref<900000x16xf32, #tpu.memory_space<hbm>>, %arg5: memref<6x50000x16xf32, #tpu.memory_space<hbm>>, %arg6: memref<128xi32, #tpu.memory_space<vmem>>, %arg7: memref<128xi32, #tpu.memory_space<vmem>>, %arg8: memref<128xi32, #tpu.memory_space<vmem>>, %arg9: memref<128x16xf32, #tpu.memory_space<vmem>>, %arg10: memref<3128x16xf32, #tpu.memory_space<vmem>>, %arg11: memref<50048x16xf32, #tpu.memory_space<vmem_shared>>, %arg12: memref<!tpu.dma_semaphore, #tpu.memory_space<semaphore_mem>>) attributes {dimension_semantics = [#tpu.dimension_semantics<core_parallel>, #tpu.dimension_semantics<subcore_parallel>], iteration_bounds = array<i64: 2, 16>, scalar_prefetch = 0 : i64, scratch_operands = 7 : i64, tpu.core_type = #tpu.core_type<sc_vector_subcore>, window_params = [{transform_indices = #map}, {transform_indices = #map}, {transform_indices = #map1}, {transform_indices = #map2}]} {
    %broadcast_in_dim3A = arith.constant 0.000000e+00 : f32
    %broadcast_in_dim3A_0 = vector.broadcast %broadcast_in_dim3A : f32 to vector<16xf32>
    %scan3A = arith.constant 0 : i32
    %scan3A_1 = arith.constant 0 : i32
    %scan3A_2 = arith.constant 3128 : i32
    %scan3A_3 = arith.addi %scan3A_1, %scan3A_2 : i32
    %scan3A_4 = arith.constant 1 : i32
    scf.for %scan3A_88 = %scan3A_1 to %scan3A_3 step %scan3A_4  : i32 {
      %swap3A = arith.index_cast %scan3A_88 : i32 to index
      %swap3A_89 = arith.constant 0 : index
      %swap3A_90 = tpu.vector_load %arg10[%swap3A, %swap3A_89] {strides = array<i32>} : memref<3128x16xf32, #tpu.memory_space<vmem>>, vector<1x16xf32>,
      %swap3A_91 = vector.shape_cast %swap3A_90 : vector<1x16xf32> to vector<16xf32>
      %swap3A_92 = vector.shape_cast %broadcast_in_dim3A_0 : vector<16xf32> to vector<1x16xf32>
      tpu.vector_store %arg10[%swap3A, %swap3A_89], %swap3A_92 {strides = array<i32>} : memref<3128x16xf32, #tpu.memory_space<vmem>>, vector<1x16xf32>,
    }
    %scan3A_5 = arith.constant 3128 : i32
    %mul3A = arith.constant 3 : i32
    %mul3A_6 = arith.muli %arg0, %mul3A : i32
    %add3A = arith.constant 0 : i32
    %add3A_7 = arith.addi %mul3A_6, %add3A : i32
    %mul3A_8 = arith.constant 3128 : i32
    %mul3A_9 = arith.muli %arg1, %mul3A_8 : i32
    "tpu.region"() ({
      %run_scoped3A = tpu.sem_alloc : memref<!tpu.dma_semaphore, #tpu.memory_space<semaphore_mem>>
      %dma_start3A = arith.constant 0 : i32
      %dma_start3A_88 = tpu.memref_slice %arg11[%mul3A_9, %dma_start3A] : memref<50048x16xf32, #tpu.memory_space<vmem_shared>> -> memref<3128x16xf32, #tpu.memory_space<vmem_shared>>
      %dma_start3A_89 = arith.constant 0 : i32
      %dma_start3A_90 = tpu.memref_slice %arg11[%mul3A_9, %dma_start3A_89] : memref<50048x16xf32, #tpu.memory_space<vmem_shared>> -> memref<3128x16xf32, #tpu.memory_space<vmem_shared>>
      tpu.enqueue_dma source(%arg10 : memref<3128x16xf32, #tpu.memory_space<vmem>>) target(%dma_start3A_90 : memref<3128x16xf32, #tpu.memory_space<vmem_shared>>) target_semaphore(%run_scoped3A : memref<!tpu.dma_semaphore, #tpu.memory_space<semaphore_mem>>)
      %dma_wait3A = arith.constant 0 : i32
      %dma_wait3A_91 = tpu.memref_slice %arg11[%mul3A_9, %dma_wait3A] : memref<50048x16xf32, #tpu.memory_space<vmem_shared>> -> memref<3128x16xf32, #tpu.memory_space<vmem_shared>>
      %dma_wait3A_92 = arith.constant 0 : i32
      %dma_wait3A_93 = tpu.memref_slice %arg11[%mul3A_9, %dma_wait3A_92] : memref<50048x16xf32, #tpu.memory_space<vmem_shared>> -> memref<3128x16xf32, #tpu.memory_space<vmem_shared>>
      tpu.wait_dma2 semaphore(%run_scoped3A : memref<!tpu.dma_semaphore, #tpu.memory_space<semaphore_mem>>) src(%arg10 : memref<3128x16xf32, #tpu.memory_space<vmem>>) dst(%dma_wait3A_93 : memref<3128x16xf32, #tpu.memory_space<vmem_shared>>)
      tpu.yield
    }) : () -> ()
    %barrier3A = arith.constant 0 : index
    tpu.barrier barrier_id(%barrier3A)
    %mul3A_10 = arith.constant 50048 : i32
    %mul3A_11 = arith.muli %arg1, %mul3A_10 : i32
    %scan3A_12 = arith.constant 0 : i32
    %scan3A_13 = arith.constant 0 : i32
    %scan3A_14 = arith.constant 391 : i32
    %scan3A_15 = arith.addi %scan3A_13, %scan3A_14 : i32
    %scan3A_16 = arith.constant 1 : i32
    scf.for %scan3A_88 = %scan3A_13 to %scan3A_15 step %scan3A_16  : i32 {
      %mul3A_89 = arith.constant 128 : i32
      %mul3A_90 = arith.muli %scan3A_88, %mul3A_89 : i32
      %add3A_91 = arith.addi %mul3A_11, %mul3A_90 : i32
      "tpu.region"() ({
        %run_scoped3A = tpu.sem_alloc : memref<!tpu.dma_semaphore, #tpu.memory_space<semaphore_mem>>
        %dma_start3A_190 = tpu.memref_slice %arg2[%add3A_91] : memref<800768xi32, #tpu.memory_space<hbm>> -> memref<128xi32, #tpu.memory_space<hbm>>
        %dma_start3A_191 = tpu.memref_slice %arg2[%add3A_91] : memref<800768xi32, #tpu.memory_space<hbm>> -> memref<128xi32, #tpu.memory_space<hbm>>
        tpu.enqueue_dma source(%dma_start3A_191 : memref<128xi32, #tpu.memory_space<hbm>>) target(%arg6 : memref<128xi32, #tpu.memory_space<vmem>>) target_semaphore(%run_scoped3A : memref<!tpu.dma_semaphore, #tpu.memory_space<semaphore_mem>>)
        %dma_wait3A_192 = tpu.memref_slice %arg2[%add3A_91] : memref<800768xi32, #tpu.memory_space<hbm>> -> memref<128xi32, #tpu.memory_space<hbm>>
        %dma_wait3A_193 = tpu.memref_slice %arg2[%add3A_91] : memref<800768xi32, #tpu.memory_space<hbm>> -> memref<128xi32, #tpu.memory_space<hbm>>
        tpu.wait_dma2 semaphore(%run_scoped3A : memref<!tpu.dma_semaphore, #tpu.memory_space<semaphore_mem>>) src(%dma_wait3A_193 : memref<128xi32, #tpu.memory_space<hbm>>) dst(%arg6 : memref<128xi32, #tpu.memory_space<vmem>>)
        tpu.yield
      }) : () -> ()
      "tpu.region"() ({
        %run_scoped3A = tpu.sem_alloc : memref<!tpu.dma_semaphore, #tpu.memory_space<semaphore_mem>>
        %dma_start3A_190 = tpu.memref_slice %arg3[%add3A_91] : memref<800768xi32, #tpu.memory_space<hbm>> -> memref<128xi32, #tpu.memory_space<hbm>>
        %dma_start3A_191 = tpu.memref_slice %arg3[%add3A_91] : memref<800768xi32, #tpu.memory_space<hbm>> -> memref<128xi32, #tpu.memory_space<hbm>>
        tpu.enqueue_dma source(%dma_start3A_191 : memref<128xi32, #tpu.memory_space<hbm>>) target(%arg7 : memref<128xi32, #tpu.memory_space<vmem>>) target_semaphore(%run_scoped3A : memref<!tpu.dma_semaphore, #tpu.memory_space<semaphore_mem>>)
        %dma_wait3A_192 = tpu.memref_slice %arg3[%add3A_91] : memref<800768xi32, #tpu.memory_space<hbm>> -> memref<128xi32, #tpu.memory_space<hbm>>
        %dma_wait3A_193 = tpu.memref_slice %arg3[%add3A_91] : memref<800768xi32, #tpu.memory_space<hbm>> -> memref<128xi32, #tpu.memory_space<hbm>>
        tpu.wait_dma2 semaphore(%run_scoped3A : memref<!tpu.dma_semaphore, #tpu.memory_space<semaphore_mem>>) src(%dma_wait3A_193 : memref<128xi32, #tpu.memory_space<hbm>>) dst(%arg7 : memref<128xi32, #tpu.memory_space<vmem>>)
        tpu.yield
      }) : () -> ()
      %get3A = arith.constant 0 : index
      %get3A_92 = tpu.vector_load %arg6[%get3A] {strides = array<i32>} : memref<128xi32, #tpu.memory_space<vmem>>, vector<16xi32>,
      %get3A_93 = vector.shape_cast %get3A_92 : vector<16xi32> to vector<16xi32>
      %mul3A_94 = arith.constant 6 : i32
      %mul3A_95 = vector.broadcast %mul3A_94 : i32 to vector<16xi32>
      %mul3A_96 = arith.muli %get3A_93, %mul3A_95 : vector<16xi32>
      %add3A_97 = vector.broadcast %add3A_7 : i32 to vector<16xi32>
      %add3A_98 = arith.addi %mul3A_96, %add3A_97 : vector<16xi32>
      %swap3A = arith.constant 0 : index
      %swap3A_99 = tpu.vector_load %arg8[%swap3A] {strides = array<i32>} : memref<128xi32, #tpu.memory_space<vmem>>, vector<16xi32>,
      %swap3A_100 = vector.shape_cast %swap3A_99 : vector<16xi32> to vector<16xi32>
      %swap3A_101 = vector.shape_cast %add3A_98 : vector<16xi32> to vector<16xi32>
      tpu.vector_store %arg8[%swap3A], %swap3A_101 {strides = array<i32>} : memref<128xi32, #tpu.memory_space<vmem>>, vector<16xi32>,
      %get3A_102 = arith.constant 16 : index
      %get3A_103 = tpu.vector_load %arg6[%get3A_102] {strides = array<i32>} : memref<128xi32, #tpu.memory_space<vmem>>, vector<16xi32>,
      %get3A_104 = vector.shape_cast %get3A_103 : vector<16xi32> to vector<16xi32>
      %mul3A_105 = arith.constant 6 : i32
      %mul3A_106 = vector.broadcast %mul3A_105 : i32 to vector<16xi32>
      %mul3A_107 = arith.muli %get3A_104, %mul3A_106 : vector<16xi32>
      %add3A_108 = vector.broadcast %add3A_7 : i32 to vector<16xi32>
      %add3A_109 = arith.addi %mul3A_107, %add3A_108 : vector<16xi32>
      %swap3A_110 = arith.constant 16 : index
      %swap3A_111 = tpu.vector_load %arg8[%swap3A_110] {strides = array<i32>} : memref<128xi32, #tpu.memory_space<vmem>>, vector<16xi32>,
      %swap3A_112 = vector.shape_cast %swap3A_111 : vector<16xi32> to vector<16xi32>
      %swap3A_113 = vector.shape_cast %add3A_109 : vector<16xi32> to vector<16xi32>
      tpu.vector_store %arg8[%swap3A_110], %swap3A_113 {strides = array<i32>} : memref<128xi32, #tpu.memory_space<vmem>>, vector<16xi32>,
      %get3A_114 = arith.constant 32 : index
      %get3A_115 = tpu.vector_load %arg6[%get3A_114] {strides = array<i32>} : memref<128xi32, #tpu.memory_space<vmem>>, vector<16xi32>,
      %get3A_116 = vector.shape_cast %get3A_115 : vector<16xi32> to vector<16xi32>
      %mul3A_117 = arith.constant 6 : i32
      %mul3A_118 = vector.broadcast %mul3A_117 : i32 to vector<16xi32>
      %mul3A_119 = arith.muli %get3A_116, %mul3A_118 : vector<16xi32>
      %add3A_120 = vector.broadcast %add3A_7 : i32 to vector<16xi32>
      %add3A_121 = arith.addi %mul3A_119, %add3A_120 : vector<16xi32>
      %swap3A_122 = arith.constant 32 : index
      %swap3A_123 = tpu.vector_load %arg8[%swap3A_122] {strides = array<i32>} : memref<128xi32, #tpu.memory_space<vmem>>, vector<16xi32>,
      %swap3A_124 = vector.shape_cast %swap3A_123 : vector<16xi32> to vector<16xi32>
      %swap3A_125 = vector.shape_cast %add3A_121 : vector<16xi32> to vector<16xi32>
      tpu.vector_store %arg8[%swap3A_122], %swap3A_125 {strides = array<i32>} : memref<128xi32, #tpu.memory_space<vmem>>, vector<16xi32>,
      %get3A_126 = arith.constant 48 : index
      %get3A_127 = tpu.vector_load %arg6[%get3A_126] {strides = array<i32>} : memref<128xi32, #tpu.memory_space<vmem>>, vector<16xi32>,
      %get3A_128 = vector.shape_cast %get3A_127 : vector<16xi32> to vector<16xi32>
      %mul3A_129 = arith.constant 6 : i32
      %mul3A_130 = vector.broadcast %mul3A_129 : i32 to vector<16xi32>
      %mul3A_131 = arith.muli %get3A_128, %mul3A_130 : vector<16xi32>
      %add3A_132 = vector.broadcast %add3A_7 : i32 to vector<16xi32>
      %add3A_133 = arith.addi %mul3A_131, %add3A_132 : vector<16xi32>
      %swap3A_134 = arith.constant 48 : index
      %swap3A_135 = tpu.vector_load %arg8[%swap3A_134] {strides = array<i32>} : memref<128xi32, #tpu.memory_space<vmem>>, vector<16xi32>,
      %swap3A_136 = vector.shape_cast %swap3A_135 : vector<16xi32> to vector<16xi32>
      %swap3A_137 = vector.shape_cast %add3A_133 : vector<16xi32> to vector<16xi32>
      tpu.vector_store %arg8[%swap3A_134], %swap3A_137 {strides = array<i32>} : memref<128xi32, #tpu.memory_space<vmem>>, vector<16xi32>,
      %get3A_138 = arith.constant 64 : index
      %get3A_139 = tpu.vector_load %arg6[%get3A_138] {strides = array<i32>} : memref<128xi32, #tpu.memory_space<vmem>>, vector<16xi32>,
      %get3A_140 = vector.shape_cast %get3A_139 : vector<16xi32> to vector<16xi32>
      %mul3A_141 = arith.constant 6 : i32
      %mul3A_142 = vector.broadcast %mul3A_141 : i32 to vector<16xi32>
      %mul3A_143 = arith.muli %get3A_140, %mul3A_142 : vector<16xi32>
      %add3A_144 = vector.broadcast %add3A_7 : i32 to vector<16xi32>
      %add3A_145 = arith.addi %mul3A_143, %add3A_144 : vector<16xi32>
      %swap3A_146 = arith.constant 64 : index
      %swap3A_147 = tpu.vector_load %arg8[%swap3A_146] {strides = array<i32>} : memref<128xi32, #tpu.memory_space<vmem>>, vector<16xi32>,
      %swap3A_148 = vector.shape_cast %swap3A_147 : vector<16xi32> to vector<16xi32>
      %swap3A_149 = vector.shape_cast %add3A_145 : vector<16xi32> to vector<16xi32>
      tpu.vector_store %arg8[%swap3A_146], %swap3A_149 {strides = array<i32>} : memref<128xi32, #tpu.memory_space<vmem>>, vector<16xi32>,
      %get3A_150 = arith.constant 80 : index
      %get3A_151 = tpu.vector_load %arg6[%get3A_150] {strides = array<i32>} : memref<128xi32, #tpu.memory_space<vmem>>, vector<16xi32>,
      %get3A_152 = vector.shape_cast %get3A_151 : vector<16xi32> to vector<16xi32>
      %mul3A_153 = arith.constant 6 : i32
      %mul3A_154 = vector.broadcast %mul3A_153 : i32 to vector<16xi32>
      %mul3A_155 = arith.muli %get3A_152, %mul3A_154 : vector<16xi32>
      %add3A_156 = vector.broadcast %add3A_7 : i32 to vector<16xi32>
      %add3A_157 = arith.addi %mul3A_155, %add3A_156 : vector<16xi32>
      %swap3A_158 = arith.constant 80 : index
      %swap3A_159 = tpu.vector_load %arg8[%swap3A_158] {strides = array<i32>} : memref<128xi32, #tpu.memory_space<vmem>>, vector<16xi32>,
      %swap3A_160 = vector.shape_cast %swap3A_159 : vector<16xi32> to vector<16xi32>
      %swap3A_161 = vector.shape_cast %add3A_157 : vector<16xi32> to vector<16xi32>
      tpu.vector_store %arg8[%swap3A_158], %swap3A_161 {strides = array<i32>} : memref<128xi32, #tpu.memory_space<vmem>>, vector<16xi32>,
      %get3A_162 = arith.constant 96 : index
      %get3A_163 = tpu.vector_load %arg6[%get3A_162] {strides = array<i32>} : memref<128xi32, #tpu.memory_space<vmem>>, vector<16xi32>,
      %get3A_164 = vector.shape_cast %get3A_163 : vector<16xi32> to vector<16xi32>
      %mul3A_165 = arith.constant 6 : i32
      %mul3A_166 = vector.broadcast %mul3A_165 : i32 to vector<16xi32>
      %mul3A_167 = arith.muli %get3A_164, %mul3A_166 : vector<16xi32>
      %add3A_168 = vector.broadcast %add3A_7 : i32 to vector<16xi32>
      %add3A_169 = arith.addi %mul3A_167, %add3A_168 : vector<16xi32>
      %swap3A_170 = arith.constant 96 : index
      %swap3A_171 = tpu.vector_load %arg8[%swap3A_170] {strides = array<i32>} : memref<128xi32, #tpu.memory_space<vmem>>, vector<16xi32>,
      %swap3A_172 = vector.shape_cast %swap3A_171 : vector<16xi32> to vector<16xi32>
      %swap3A_173 = vector.shape_cast %add3A_169 : vector<16xi32> to vector<16xi32>
      tpu.vector_store %arg8[%swap3A_170], %swap3A_173 {strides = array<i32>} : memref<128xi32, #tpu.memory_space<vmem>>, vector<16xi32>,
      %get3A_174 = arith.constant 112 : index
      %get3A_175 = tpu.vector_load %arg6[%get3A_174] {strides = array<i32>} : memref<128xi32, #tpu.memory_space<vmem>>, vector<16xi32>,
      %get3A_176 = vector.shape_cast %get3A_175 : vector<16xi32> to vector<16xi32>
      %mul3A_177 = arith.constant 6 : i32
      %mul3A_178 = vector.broadcast %mul3A_177 : i32 to vector<16xi32>
      %mul3A_179 = arith.muli %get3A_176, %mul3A_178 : vector<16xi32>
      %add3A_180 = vector.broadcast %add3A_7 : i32 to vector<16xi32>
      %add3A_181 = arith.addi %mul3A_179, %add3A_180 : vector<16xi32>
      %swap3A_182 = arith.constant 112 : index
      %swap3A_183 = tpu.vector_load %arg8[%swap3A_182] {strides = array<i32>} : memref<128xi32, #tpu.memory_space<vmem>>, vector<16xi32>,
      %swap3A_184 = vector.shape_cast %swap3A_183 : vector<16xi32> to vector<16xi32>
      %swap3A_185 = vector.shape_cast %add3A_181 : vector<16xi32> to vector<16xi32>
      tpu.vector_store %arg8[%swap3A_182], %swap3A_185 {strides = array<i32>} : memref<128xi32, #tpu.memory_space<vmem>>, vector<16xi32>,
      %dma_start3A = arith.constant 0 : i32
      %dma_start3A_186 = arith.constant 0 : i32
      %dma_start3A_187 = tpu.memref_slice %arg4[%dma_start3A, %dma_start3A_186] : memref<900000x16xf32, #tpu.memory_space<hbm>> -> memref<900000x16xf32, #tpu.memory_space<hbm>>
      tpu.enqueue_indirect_dma source(%dma_start3A_187 : memref<900000x16xf32, #tpu.memory_space<hbm>>) target(%arg9 : memref<128x16xf32, #tpu.memory_space<vmem>>) offsets(%arg8 : memref<128xi32, #tpu.memory_space<vmem>>) semaphore(%arg12 : memref<!tpu.dma_semaphore, #tpu.memory_space<semaphore_mem>>)
      %dma_wait3A = arith.constant 0 : i32
      %dma_wait3A_188 = arith.constant 0 : i32
      %dma_wait3A_189 = tpu.memref_slice %arg4[%dma_wait3A, %dma_wait3A_188] : memref<900000x16xf32, #tpu.memory_space<hbm>> -> memref<900000x16xf32, #tpu.memory_space<hbm>>
      tpu.wait_indirect_dma semaphore(%arg12 : memref<!tpu.dma_semaphore, #tpu.memory_space<semaphore_mem>>) src(%dma_wait3A_189 : memref<900000x16xf32, #tpu.memory_space<hbm>>) dst(%arg9 : memref<128x16xf32, #tpu.memory_space<vmem>>)
      "tpu.region"() ({
        %run_scoped3A = tpu.sem_alloc : memref<!tpu.dma_semaphore, #tpu.memory_space<semaphore_mem>>
        %dma_start3A_190 = arith.constant 0 : i32
        %dma_start3A_191 = arith.constant 0 : i32
        %dma_start3A_192 = tpu.memref_slice %arg11[%dma_start3A_190, %dma_start3A_191] : memref<50048x16xf32, #tpu.memory_space<vmem_shared>> -> memref<50048x16xf32, #tpu.memory_space<vmem_shared>>
        tpu.enqueue_indirect_dma source(%arg9 : memref<128x16xf32, #tpu.memory_space<vmem>>) target(%dma_start3A_192 : memref<50048x16xf32, #tpu.memory_space<vmem_shared>>) offsets(%arg7 : memref<128xi32, #tpu.memory_space<vmem>>) semaphore(%run_scoped3A : memref<!tpu.dma_semaphore, #tpu.memory_space<semaphore_mem>>) {add = true}
        %dma_wait3A_193 = arith.constant 0 : i32
        %dma_wait3A_194 = arith.constant 0 : i32
        %dma_wait3A_195 = tpu.memref_slice %arg11[%dma_wait3A_193, %dma_wait3A_194] : memref<50048x16xf32, #tpu.memory_space<vmem_shared>> -> memref<50048x16xf32, #tpu.memory_space<vmem_shared>>
        tpu.wait_indirect_dma semaphore(%run_scoped3A : memref<!tpu.dma_semaphore, #tpu.memory_space<semaphore_mem>>) src(%arg9 : memref<128x16xf32, #tpu.memory_space<vmem>>) dst(%dma_wait3A_195 : memref<50048x16xf32, #tpu.memory_space<vmem_shared>>)
        tpu.yield
      }) : () -> ()
    }
    %scan3A_17 = arith.constant 391 : i32
    %barrier3A_18 = arith.constant 0 : index
    tpu.barrier barrier_id(%barrier3A_18)
    %mul3A_19 = arith.constant 3128 : i32
    %mul3A_20 = arith.muli %arg1, %mul3A_19 : i32
    %multiple_of3A = tpu.assume_multiple %mul3A_20, 8 : i32
    %lt3A = arith.constant 15 : i32
    %lt3A_21 = arith.cmpi slt, %arg1, %lt3A : i32
    %convert_element_type3A = arith.extui %lt3A_21 : i1 to i32
    %cond3A = arith.constant 0 : i32
    %cond3A_22 = arith.cmpi ne, %convert_element_type3A, %cond3A : i32
    scf.if %cond3A_22 {
      "tpu.region"() ({
        %run_scoped3A = tpu.sem_alloc : memref<!tpu.dma_semaphore, #tpu.memory_space<semaphore_mem>>
        %dma_start3A = arith.constant 0 : i32
        %dma_start3A_88 = tpu.memref_slice %arg5[%add3A_7, %multiple_of3A, %dma_start3A] : memref<6x50000x16xf32, #tpu.memory_space<hbm>> -> memref<1x3128x16xf32, #tpu.memory_space<hbm>>
        %dma_start3A_89 = tpu.memref_squeeze %dma_start3A_88 : memref<1x3128x16xf32, #tpu.memory_space<hbm>> -> memref<3128x16xf32, #tpu.memory_space<hbm>>
        %dma_start3A_90 = arith.constant 0 : i32
        %dma_start3A_91 = tpu.memref_slice %arg11[%multiple_of3A, %dma_start3A_90] : memref<50048x16xf32, #tpu.memory_space<vmem_shared>> -> memref<3128x16xf32, #tpu.memory_space<vmem_shared>>
        tpu.enqueue_dma source(%dma_start3A_91 : memref<3128x16xf32, #tpu.memory_space<vmem_shared>>) target(%dma_start3A_89 : memref<3128x16xf32, #tpu.memory_space<hbm>>) target_semaphore(%run_scoped3A : memref<!tpu.dma_semaphore, #tpu.memory_space<semaphore_mem>>)
        %dma_wait3A = arith.constant 0 : i32
        %dma_wait3A_92 = tpu.memref_slice %arg5[%add3A_7, %multiple_of3A, %dma_wait3A] : memref<6x50000x16xf32, #tpu.memory_space<hbm>> -> memref<1x3128x16xf32, #tpu.memory_space<hbm>>
        %dma_wait3A_93 = tpu.memref_squeeze %dma_wait3A_92 : memref<1x3128x16xf32, #tpu.memory_space<hbm>> -> memref<3128x16xf32, #tpu.memory_space<hbm>>
        %dma_wait3A_94 = arith.constant 0 : i32
        %dma_wait3A_95 = tpu.memref_slice %arg11[%multiple_of3A, %dma_wait3A_94] : memref<50048x16xf32, #tpu.memory_space<vmem_shared>> -> memref<3128x16xf32, #tpu.memory_space<vmem_shared>>
        tpu.wait_dma2 semaphore(%run_scoped3A : memref<!tpu.dma_semaphore, #tpu.memory_space<semaphore_mem>>) src(%dma_wait3A_95 : memref<3128x16xf32, #tpu.memory_space<vmem_shared>>) dst(%dma_wait3A_93 : memref<3128x16xf32, #tpu.memory_space<hbm>>)
        tpu.yield
      }) : () -> ()
    } else {
    }
    %eq3A = arith.constant 15 : i32
    %eq3A_23 = arith.cmpi eq, %arg1, %eq3A : i32
    %convert_element_type3A_24 = arith.extui %eq3A_23 : i1 to i32
    %cond3A_25 = arith.constant 0 : i32
    %cond3A_26 = arith.cmpi ne, %convert_element_type3A_24, %cond3A_25 : i32
    scf.if %cond3A_26 {
      "tpu.region"() ({
        %run_scoped3A = tpu.sem_alloc : memref<!tpu.dma_semaphore, #tpu.memory_space<semaphore_mem>>
        %dma_start3A = arith.constant 0 : i32
        %dma_start3A_88 = tpu.memref_slice %arg5[%add3A_7, %multiple_of3A, %dma_start3A] : memref<6x50000x16xf32, #tpu.memory_space<hbm>> -> memref<1x3080x16xf32, #tpu.memory_space<hbm>>
        %dma_start3A_89 = tpu.memref_squeeze %dma_start3A_88 : memref<1x3080x16xf32, #tpu.memory_space<hbm>> -> memref<3080x16xf32, #tpu.memory_space<hbm>>
        %dma_start3A_90 = arith.constant 0 : i32
        %dma_start3A_91 = tpu.memref_slice %arg11[%multiple_of3A, %dma_start3A_90] : memref<50048x16xf32, #tpu.memory_space<vmem_shared>> -> memref<3080x16xf32, #tpu.memory_space<vmem_shared>>
        tpu.enqueue_dma source(%dma_start3A_91 : memref<3080x16xf32, #tpu.memory_space<vmem_shared>>) target(%dma_start3A_89 : memref<3080x16xf32, #tpu.memory_space<hbm>>) target_semaphore(%run_scoped3A : memref<!tpu.dma_semaphore, #tpu.memory_space<semaphore_mem>>)
        %dma_wait3A = arith.constant 0 : i32
        %dma_wait3A_92 = tpu.memref_slice %arg5[%add3A_7, %multiple_of3A, %dma_wait3A] : memref<6x50000x16xf32, #tpu.memory_space<hbm>> -> memref<1x3080x16xf32, #tpu.memory_space<hbm>>
        %dma_wait3A_93 = tpu.memref_squeeze %dma_wait3A_92 : memref<1x3080x16xf32, #tpu.memory_space<hbm>> -> memref<3080x16xf32, #tpu.memory_space<hbm>>
        %dma_wait3A_94 = arith.constant 0 : i32
        %dma_wait3A_95 = tpu.memref_slice %arg11[%multiple_of3A, %dma_wait3A_94] : memref<50048x16xf32, #tpu.memory_space<vmem_shared>> -> memref<3080x16xf32, #tpu.memory_space<vmem_shared>>
        tpu.wait_dma2 semaphore(%run_scoped3A : memref<!tpu.dma_semaphore, #tpu.memory_space<semaphore_mem>>) src(%dma_wait3A_95 : memref<3080x16xf32, #tpu.memory_space<vmem_shared>>) dst(%dma_wait3A_93 : memref<3080x16xf32, #tpu.memory_space<hbm>>)
        tpu.yield
      }) : () -> ()
    } else {
    }
    %barrier3A_27 = arith.constant 0 : index
    tpu.barrier barrier_id(%barrier3A_27)
    %mul3A_28 = arith.constant 3 : i32
    %mul3A_29 = arith.muli %arg0, %mul3A_28 : i32
    %add3A_30 = arith.constant 1 : i32
    %add3A_31 = arith.addi %mul3A_29, %add3A_30 : i32
    %mul3A_32 = arith.constant 3128 : i32
    %mul3A_33 = arith.muli %arg1, %mul3A_32 : i32
    "tpu.region"() ({
      %run_scoped3A = tpu.sem_alloc : memref<!tpu.dma_semaphore, #tpu.memory_space<semaphore_mem>>
      %dma_start3A = arith.constant 0 : i32
      %dma_start3A_88 = tpu.memref_slice %arg11[%mul3A_33, %dma_start3A] : memref<50048x16xf32, #tpu.memory_space<vmem_shared>> -> memref<3128x16xf32, #tpu.memory_space<vmem_shared>>
      %dma_start3A_89 = arith.constant 0 : i32
      %dma_start3A_90 = tpu.memref_slice %arg11[%mul3A_33, %dma_start3A_89] : memref<50048x16xf32, #tpu.memory_space<vmem_shared>> -> memref<3128x16xf32, #tpu.memory_space<vmem_shared>>
      tpu.enqueue_dma source(%arg10 : memref<3128x16xf32, #tpu.memory_space<vmem>>) target(%dma_start3A_90 : memref<3128x16xf32, #tpu.memory_space<vmem_shared>>) target_semaphore(%run_scoped3A : memref<!tpu.dma_semaphore, #tpu.memory_space<semaphore_mem>>)
      %dma_wait3A = arith.constant 0 : i32
      %dma_wait3A_91 = tpu.memref_slice %arg11[%mul3A_33, %dma_wait3A] : memref<50048x16xf32, #tpu.memory_space<vmem_shared>> -> memref<3128x16xf32, #tpu.memory_space<vmem_shared>>
      %dma_wait3A_92 = arith.constant 0 : i32
      %dma_wait3A_93 = tpu.memref_slice %arg11[%mul3A_33, %dma_wait3A_92] : memref<50048x16xf32, #tpu.memory_space<vmem_shared>> -> memref<3128x16xf32, #tpu.memory_space<vmem_shared>>
      tpu.wait_dma2 semaphore(%run_scoped3A : memref<!tpu.dma_semaphore, #tpu.memory_space<semaphore_mem>>) src(%arg10 : memref<3128x16xf32, #tpu.memory_space<vmem>>) dst(%dma_wait3A_93 : memref<3128x16xf32, #tpu.memory_space<vmem_shared>>)
      tpu.yield
    }) : () -> ()
    %barrier3A_34 = arith.constant 0 : index
    tpu.barrier barrier_id(%barrier3A_34)
    %mul3A_35 = arith.constant 50048 : i32
    %mul3A_36 = arith.muli %arg1, %mul3A_35 : i32
    %scan3A_37 = arith.constant 0 : i32
    %scan3A_38 = arith.constant 0 : i32
    %scan3A_39 = arith.constant 391 : i32
    %scan3A_40 = arith.addi %scan3A_38, %scan3A_39 : i32
    %scan3A_41 = arith.constant 1 : i32
    scf.for %scan3A_88 = %scan3A_38 to %scan3A_40 step %scan3A_41  : i32 {
      %mul3A_89 = arith.constant 128 : i32
      %mul3A_90 = arith.muli %scan3A_88, %mul3A_89 : i32
      %add3A_91 = arith.addi %mul3A_36, %mul3A_90 : i32
      "tpu.region"() ({
        %run_scoped3A = tpu.sem_alloc : memref<!tpu.dma_semaphore, #tpu.memory_space<semaphore_mem>>
        %dma_start3A_190 = tpu.memref_slice %arg2[%add3A_91] : memref<800768xi32, #tpu.memory_space<hbm>> -> memref<128xi32, #tpu.memory_space<hbm>>
        %dma_start3A_191 = tpu.memref_slice %arg2[%add3A_91] : memref<800768xi32, #tpu.memory_space<hbm>> -> memref<128xi32, #tpu.memory_space<hbm>>
        tpu.enqueue_dma source(%dma_start3A_191 : memref<128xi32, #tpu.memory_space<hbm>>) target(%arg6 : memref<128xi32, #tpu.memory_space<vmem>>) target_semaphore(%run_scoped3A : memref<!tpu.dma_semaphore, #tpu.memory_space<semaphore_mem>>)
        %dma_wait3A_192 = tpu.memref_slice %arg2[%add3A_91] : memref<800768xi32, #tpu.memory_space<hbm>> -> memref<128xi32, #tpu.memory_space<hbm>>
        %dma_wait3A_193 = tpu.memref_slice %arg2[%add3A_91] : memref<800768xi32, #tpu.memory_space<hbm>> -> memref<128xi32, #tpu.memory_space<hbm>>
        tpu.wait_dma2 semaphore(%run_scoped3A : memref<!tpu.dma_semaphore, #tpu.memory_space<semaphore_mem>>) src(%dma_wait3A_193 : memref<128xi32, #tpu.memory_space<hbm>>) dst(%arg6 : memref<128xi32, #tpu.memory_space<vmem>>)
        tpu.yield
      }) : () -> ()
      "tpu.region"() ({
        %run_scoped3A = tpu.sem_alloc : memref<!tpu.dma_semaphore, #tpu.memory_space<semaphore_mem>>
        %dma_start3A_190 = tpu.memref_slice %arg3[%add3A_91] : memref<800768xi32, #tpu.memory_space<hbm>> -> memref<128xi32, #tpu.memory_space<hbm>>
        %dma_start3A_191 = tpu.memref_slice %arg3[%add3A_91] : memref<800768xi32, #tpu.memory_space<hbm>> -> memref<128xi32, #tpu.memory_space<hbm>>
        tpu.enqueue_dma source(%dma_start3A_191 : memref<128xi32, #tpu.memory_space<hbm>>) target(%arg7 : memref<128xi32, #tpu.memory_space<vmem>>) target_semaphore(%run_scoped3A : memref<!tpu.dma_semaphore, #tpu.memory_space<semaphore_mem>>)
        %dma_wait3A_192 = tpu.memref_slice %arg3[%add3A_91] : memref<800768xi32, #tpu.memory_space<hbm>> -> memref<128xi32, #tpu.memory_space<hbm>>
        %dma_wait3A_193 = tpu.memref_slice %arg3[%add3A_91] : memref<800768xi32, #tpu.memory_space<hbm>> -> memref<128xi32, #tpu.memory_space<hbm>>
        tpu.wait_dma2 semaphore(%run_scoped3A : memref<!tpu.dma_semaphore, #tpu.memory_space<semaphore_mem>>) src(%dma_wait3A_193 : memref<128xi32, #tpu.memory_space<hbm>>) dst(%arg7 : memref<128xi32, #tpu.memory_space<vmem>>)
        tpu.yield
      }) : () -> ()
      %get3A = arith.constant 0 : index
      %get3A_92 = tpu.vector_load %arg6[%get3A] {strides = array<i32>} : memref<128xi32, #tpu.memory_space<vmem>>, vector<16xi32>,
      %get3A_93 = vector.shape_cast %get3A_92 : vector<16xi32> to vector<16xi32>
      %mul3A_94 = arith.constant 6 : i32
      %mul3A_95 = vector.broadcast %mul3A_94 : i32 to vector<16xi32>
      %mul3A_96 = arith.muli %get3A_93, %mul3A_95 : vector<16xi32>
      %add3A_97 = vector.broadcast %add3A_31 : i32 to vector<16xi32>
      %add3A_98 = arith.addi %mul3A_96, %add3A_97 : vector<16xi32>
      %swap3A = arith.constant 0 : index
      %swap3A_99 = tpu.vector_load %arg8[%swap3A] {strides = array<i32>} : memref<128xi32, #tpu.memory_space<vmem>>, vector<16xi32>,
      %swap3A_100 = vector.shape_cast %swap3A_99 : vector<16xi32> to vector<16xi32>
      %swap3A_101 = vector.shape_cast %add3A_98 : vector<16xi32> to vector<16xi32>
      tpu.vector_store %arg8[%swap3A], %swap3A_101 {strides = array<i32>} : memref<128xi32, #tpu.memory_space<vmem>>, vector<16xi32>,
      %get3A_102 = arith.constant 16 : index
      %get3A_103 = tpu.vector_load %arg6[%get3A_102] {strides = array<i32>} : memref<128xi32, #tpu.memory_space<vmem>>, vector<16xi32>,
      %get3A_104 = vector.shape_cast %get3A_103 : vector<16xi32> to vector<16xi32>
      %mul3A_105 = arith.constant 6 : i32
      %mul3A_106 = vector.broadcast %mul3A_105 : i32 to vector<16xi32>
      %mul3A_107 = arith.muli %get3A_104, %mul3A_106 : vector<16xi32>
      %add3A_108 = vector.broadcast %add3A_31 : i32 to vector<16xi32>
      %add3A_109 = arith.addi %mul3A_107, %add3A_108 : vector<16xi32>
      %swap3A_110 = arith.constant 16 : index
      %swap3A_111 = tpu.vector_load %arg8[%swap3A_110] {strides = array<i32>} : memref<128xi32, #tpu.memory_space<vmem>>, vector<16xi32>,
      %swap3A_112 = vector.shape_cast %swap3A_111 : vector<16xi32> to vector<16xi32>
      %swap3A_113 = vector.shape_cast %add3A_109 : vector<16xi32> to vector<16xi32>
      tpu.vector_store %arg8[%swap3A_110], %swap3A_113 {strides = array<i32>} : memref<128xi32, #tpu.memory_space<vmem>>, vector<16xi32>,
      %get3A_114 = arith.constant 32 : index
      %get3A_115 = tpu.vector_load %arg6[%get3A_114] {strides = array<i32>} : memref<128xi32, #tpu.memory_space<vmem>>, vector<16xi32>,
      %get3A_116 = vector.shape_cast %get3A_115 : vector<16xi32> to vector<16xi32>
      %mul3A_117 = arith.constant 6 : i32
      %mul3A_118 = vector.broadcast %mul3A_117 : i32 to vector<16xi32>
      %mul3A_119 = arith.muli %get3A_116, %mul3A_118 : vector<16xi32>
      %add3A_120 = vector.broadcast %add3A_31 : i32 to vector<16xi32>
      %add3A_121 = arith.addi %mul3A_119, %add3A_120 : vector<16xi32>
      %swap3A_122 = arith.constant 32 : index
      %swap3A_123 = tpu.vector_load %arg8[%swap3A_122] {strides = array<i32>} : memref<128xi32, #tpu.memory_space<vmem>>, vector<16xi32>,
      %swap3A_124 = vector.shape_cast %swap3A_123 : vector<16xi32> to vector<16xi32>
      %swap3A_125 = vector.shape_cast %add3A_121 : vector<16xi32> to vector<16xi32>
      tpu.vector_store %arg8[%swap3A_122], %swap3A_125 {strides = array<i32>} : memref<128xi32, #tpu.memory_space<vmem>>, vector<16xi32>,
      %get3A_126 = arith.constant 48 : index
      %get3A_127 = tpu.vector_load %arg6[%get3A_126] {strides = array<i32>} : memref<128xi32, #tpu.memory_space<vmem>>, vector<16xi32>,
      %get3A_128 = vector.shape_cast %get3A_127 : vector<16xi32> to vector<16xi32>
      %mul3A_129 = arith.constant 6 : i32
      %mul3A_130 = vector.broadcast %mul3A_129 : i32 to vector<16xi32>
      %mul3A_131 = arith.muli %get3A_128, %mul3A_130 : vector<16xi32>
      %add3A_132 = vector.broadcast %add3A_31 : i32 to vector<16xi32>
      %add3A_133 = arith.addi %mul3A_131, %add3A_132 : vector<16xi32>
      %swap3A_134 = arith.constant 48 : index
      %swap3A_135 = tpu.vector_load %arg8[%swap3A_134] {strides = array<i32>} : memref<128xi32, #tpu.memory_space<vmem>>, vector<16xi32>,
      %swap3A_136 = vector.shape_cast %swap3A_135 : vector<16xi32> to vector<16xi32>
      %swap3A_137 = vector.shape_cast %add3A_133 : vector<16xi32> to vector<16xi32>
      tpu.vector_store %arg8[%swap3A_134], %swap3A_137 {strides = array<i32>} : memref<128xi32, #tpu.memory_space<vmem>>, vector<16xi32>,
      %get3A_138 = arith.constant 64 : index
      %get3A_139 = tpu.vector_load %arg6[%get3A_138] {strides = array<i32>} : memref<128xi32, #tpu.memory_space<vmem>>, vector<16xi32>,
      %get3A_140 = vector.shape_cast %get3A_139 : vector<16xi32> to vector<16xi32>
      %mul3A_141 = arith.constant 6 : i32
      %mul3A_142 = vector.broadcast %mul3A_141 : i32 to vector<16xi32>
      %mul3A_143 = arith.muli %get3A_140, %mul3A_142 : vector<16xi32>
      %add3A_144 = vector.broadcast %add3A_31 : i32 to vector<16xi32>
      %add3A_145 = arith.addi %mul3A_143, %add3A_144 : vector<16xi32>
      %swap3A_146 = arith.constant 64 : index
      %swap3A_147 = tpu.vector_load %arg8[%swap3A_146] {strides = array<i32>} : memref<128xi32, #tpu.memory_space<vmem>>, vector<16xi32>,
      %swap3A_148 = vector.shape_cast %swap3A_147 : vector<16xi32> to vector<16xi32>
      %swap3A_149 = vector.shape_cast %add3A_145 : vector<16xi32> to vector<16xi32>
      tpu.vector_store %arg8[%swap3A_146], %swap3A_149 {strides = array<i32>} : memref<128xi32, #tpu.memory_space<vmem>>, vector<16xi32>,
      %get3A_150 = arith.constant 80 : index
      %get3A_151 = tpu.vector_load %arg6[%get3A_150] {strides = array<i32>} : memref<128xi32, #tpu.memory_space<vmem>>, vector<16xi32>,
      %get3A_152 = vector.shape_cast %get3A_151 : vector<16xi32> to vector<16xi32>
      %mul3A_153 = arith.constant 6 : i32
      %mul3A_154 = vector.broadcast %mul3A_153 : i32 to vector<16xi32>
      %mul3A_155 = arith.muli %get3A_152, %mul3A_154 : vector<16xi32>
      %add3A_156 = vector.broadcast %add3A_31 : i32 to vector<16xi32>
      %add3A_157 = arith.addi %mul3A_155, %add3A_156 : vector<16xi32>
      %swap3A_158 = arith.constant 80 : index
      %swap3A_159 = tpu.vector_load %arg8[%swap3A_158] {strides = array<i32>} : memref<128xi32, #tpu.memory_space<vmem>>, vector<16xi32>,
      %swap3A_160 = vector.shape_cast %swap3A_159 : vector<16xi32> to vector<16xi32>
      %swap3A_161 = vector.shape_cast %add3A_157 : vector<16xi32> to vector<16xi32>
      tpu.vector_store %arg8[%swap3A_158], %swap3A_161 {strides = array<i32>} : memref<128xi32, #tpu.memory_space<vmem>>, vector<16xi32>,
      %get3A_162 = arith.constant 96 : index
      %get3A_163 = tpu.vector_load %arg6[%get3A_162] {strides = array<i32>} : memref<128xi32, #tpu.memory_space<vmem>>, vector<16xi32>,
      %get3A_164 = vector.shape_cast %get3A_163 : vector<16xi32> to vector<16xi32>
      %mul3A_165 = arith.constant 6 : i32
      %mul3A_166 = vector.broadcast %mul3A_165 : i32 to vector<16xi32>
      %mul3A_167 = arith.muli %get3A_164, %mul3A_166 : vector<16xi32>
      %add3A_168 = vector.broadcast %add3A_31 : i32 to vector<16xi32>
      %add3A_169 = arith.addi %mul3A_167, %add3A_168 : vector<16xi32>
      %swap3A_170 = arith.constant 96 : index
      %swap3A_171 = tpu.vector_load %arg8[%swap3A_170] {strides = array<i32>} : memref<128xi32, #tpu.memory_space<vmem>>, vector<16xi32>,
      %swap3A_172 = vector.shape_cast %swap3A_171 : vector<16xi32> to vector<16xi32>
      %swap3A_173 = vector.shape_cast %add3A_169 : vector<16xi32> to vector<16xi32>
      tpu.vector_store %arg8[%swap3A_170], %swap3A_173 {strides = array<i32>} : memref<128xi32, #tpu.memory_space<vmem>>, vector<16xi32>,
      %get3A_174 = arith.constant 112 : index
      %get3A_175 = tpu.vector_load %arg6[%get3A_174] {strides = array<i32>} : memref<128xi32, #tpu.memory_space<vmem>>, vector<16xi32>,
      %get3A_176 = vector.shape_cast %get3A_175 : vector<16xi32> to vector<16xi32>
      %mul3A_177 = arith.constant 6 : i32
      %mul3A_178 = vector.broadcast %mul3A_177 : i32 to vector<16xi32>
      %mul3A_179 = arith.muli %get3A_176, %mul3A_178 : vector<16xi32>
      %add3A_180 = vector.broadcast %add3A_31 : i32 to vector<16xi32>
      %add3A_181 = arith.addi %mul3A_179, %add3A_180 : vector<16xi32>
      %swap3A_182 = arith.constant 112 : index
      %swap3A_183 = tpu.vector_load %arg8[%swap3A_182] {strides = array<i32>} : memref<128xi32, #tpu.memory_space<vmem>>, vector<16xi32>,
      %swap3A_184 = vector.shape_cast %swap3A_183 : vector<16xi32> to vector<16xi32>
      %swap3A_185 = vector.shape_cast %add3A_181 : vector<16xi32> to vector<16xi32>
      tpu.vector_store %arg8[%swap3A_182], %swap3A_185 {strides = array<i32>} : memref<128xi32, #tpu.memory_space<vmem>>, vector<16xi32>,
      %dma_start3A = arith.constant 0 : i32
      %dma_start3A_186 = arith.constant 0 : i32
      %dma_start3A_187 = tpu.memref_slice %arg4[%dma_start3A, %dma_start3A_186] : memref<900000x16xf32, #tpu.memory_space<hbm>> -> memref<900000x16xf32, #tpu.memory_space<hbm>>
      tpu.enqueue_indirect_dma source(%dma_start3A_187 : memref<900000x16xf32, #tpu.memory_space<hbm>>) target(%arg9 : memref<128x16xf32, #tpu.memory_space<vmem>>) offsets(%arg8 : memref<128xi32, #tpu.memory_space<vmem>>) semaphore(%arg12 : memref<!tpu.dma_semaphore, #tpu.memory_space<semaphore_mem>>)
      %dma_wait3A = arith.constant 0 : i32
      %dma_wait3A_188 = arith.constant 0 : i32
      %dma_wait3A_189 = tpu.memref_slice %arg4[%dma_wait3A, %dma_wait3A_188] : memref<900000x16xf32, #tpu.memory_space<hbm>> -> memref<900000x16xf32, #tpu.memory_space<hbm>>
      tpu.wait_indirect_dma semaphore(%arg12 : memref<!tpu.dma_semaphore, #tpu.memory_space<semaphore_mem>>) src(%dma_wait3A_189 : memref<900000x16xf32, #tpu.memory_space<hbm>>) dst(%arg9 : memref<128x16xf32, #tpu.memory_space<vmem>>)
      "tpu.region"() ({
        %run_scoped3A = tpu.sem_alloc : memref<!tpu.dma_semaphore, #tpu.memory_space<semaphore_mem>>
        %dma_start3A_190 = arith.constant 0 : i32
        %dma_start3A_191 = arith.constant 0 : i32
        %dma_start3A_192 = tpu.memref_slice %arg11[%dma_start3A_190, %dma_start3A_191] : memref<50048x16xf32, #tpu.memory_space<vmem_shared>> -> memref<50048x16xf32, #tpu.memory_space<vmem_shared>>
        tpu.enqueue_indirect_dma source(%arg9 : memref<128x16xf32, #tpu.memory_space<vmem>>) target(%dma_start3A_192 : memref<50048x16xf32, #tpu.memory_space<vmem_shared>>) offsets(%arg7 : memref<128xi32, #tpu.memory_space<vmem>>) semaphore(%run_scoped3A : memref<!tpu.dma_semaphore, #tpu.memory_space<semaphore_mem>>) {add = true}
        %dma_wait3A_193 = arith.constant 0 : i32
        %dma_wait3A_194 = arith.constant 0 : i32
        %dma_wait3A_195 = tpu.memref_slice %arg11[%dma_wait3A_193, %dma_wait3A_194] : memref<50048x16xf32, #tpu.memory_space<vmem_shared>> -> memref<50048x16xf32, #tpu.memory_space<vmem_shared>>
        tpu.wait_indirect_dma semaphore(%run_scoped3A : memref<!tpu.dma_semaphore, #tpu.memory_space<semaphore_mem>>) src(%arg9 : memref<128x16xf32, #tpu.memory_space<vmem>>) dst(%dma_wait3A_195 : memref<50048x16xf32, #tpu.memory_space<vmem_shared>>)
        tpu.yield
      }) : () -> ()
    }
    %scan3A_42 = arith.constant 391 : i32
    %barrier3A_43 = arith.constant 0 : index
    tpu.barrier barrier_id(%barrier3A_43)
    %mul3A_44 = arith.constant 3128 : i32
    %mul3A_45 = arith.muli %arg1, %mul3A_44 : i32
    %multiple_of3A_46 = tpu.assume_multiple %mul3A_45, 8 : i32
    %lt3A_47 = arith.constant 15 : i32
    %lt3A_48 = arith.cmpi slt, %arg1, %lt3A_47 : i32
    %convert_element_type3A_49 = arith.extui %lt3A_48 : i1 to i32
    %cond3A_50 = arith.constant 0 : i32
    %cond3A_51 = arith.cmpi ne, %convert_element_type3A_49, %cond3A_50 : i32
    scf.if %cond3A_51 {
      "tpu.region"() ({
        %run_scoped3A = tpu.sem_alloc : memref<!tpu.dma_semaphore, #tpu.memory_space<semaphore_mem>>
        %dma_start3A = arith.constant 0 : i32
        %dma_start3A_88 = tpu.memref_slice %arg5[%add3A_31, %multiple_of3A_46, %dma_start3A] : memref<6x50000x16xf32, #tpu.memory_space<hbm>> -> memref<1x3128x16xf32, #tpu.memory_space<hbm>>
        %dma_start3A_89 = tpu.memref_squeeze %dma_start3A_88 : memref<1x3128x16xf32, #tpu.memory_space<hbm>> -> memref<3128x16xf32, #tpu.memory_space<hbm>>
        %dma_start3A_90 = arith.constant 0 : i32
        %dma_start3A_91 = tpu.memref_slice %arg11[%multiple_of3A_46, %dma_start3A_90] : memref<50048x16xf32, #tpu.memory_space<vmem_shared>> -> memref<3128x16xf32, #tpu.memory_space<vmem_shared>>
        tpu.enqueue_dma source(%dma_start3A_91 : memref<3128x16xf32, #tpu.memory_space<vmem_shared>>) target(%dma_start3A_89 : memref<3128x16xf32, #tpu.memory_space<hbm>>) target_semaphore(%run_scoped3A : memref<!tpu.dma_semaphore, #tpu.memory_space<semaphore_mem>>)
        %dma_wait3A = arith.constant 0 : i32
        %dma_wait3A_92 = tpu.memref_slice %arg5[%add3A_31, %multiple_of3A_46, %dma_wait3A] : memref<6x50000x16xf32, #tpu.memory_space<hbm>> -> memref<1x3128x16xf32, #tpu.memory_space<hbm>>
        %dma_wait3A_93 = tpu.memref_squeeze %dma_wait3A_92 : memref<1x3128x16xf32, #tpu.memory_space<hbm>> -> memref<3128x16xf32, #tpu.memory_space<hbm>>
        %dma_wait3A_94 = arith.constant 0 : i32
        %dma_wait3A_95 = tpu.memref_slice %arg11[%multiple_of3A_46, %dma_wait3A_94] : memref<50048x16xf32, #tpu.memory_space<vmem_shared>> -> memref<3128x16xf32, #tpu.memory_space<vmem_shared>>
        tpu.wait_dma2 semaphore(%run_scoped3A : memref<!tpu.dma_semaphore, #tpu.memory_space<semaphore_mem>>) src(%dma_wait3A_95 : memref<3128x16xf32, #tpu.memory_space<vmem_shared>>) dst(%dma_wait3A_93 : memref<3128x16xf32, #tpu.memory_space<hbm>>)
        tpu.yield
      }) : () -> ()
    } else {
    }
    %eq3A_52 = arith.constant 15 : i32
    %eq3A_53 = arith.cmpi eq, %arg1, %eq3A_52 : i32
    %convert_element_type3A_54 = arith.extui %eq3A_53 : i1 to i32
    %cond3A_55 = arith.constant 0 : i32
    %cond3A_56 = arith.cmpi ne, %convert_element_type3A_54, %cond3A_55 : i32
    scf.if %cond3A_56 {
      "tpu.region"() ({
        %run_scoped3A = tpu.sem_alloc : memref<!tpu.dma_semaphore, #tpu.memory_space<semaphore_mem>>
        %dma_start3A = arith.constant 0 : i32
        %dma_start3A_88 = tpu.memref_slice %arg5[%add3A_31, %multiple_of3A_46, %dma_start3A] : memref<6x50000x16xf32, #tpu.memory_space<hbm>> -> memref<1x3080x16xf32, #tpu.memory_space<hbm>>
        %dma_start3A_89 = tpu.memref_squeeze %dma_start3A_88 : memref<1x3080x16xf32, #tpu.memory_space<hbm>> -> memref<3080x16xf32, #tpu.memory_space<hbm>>
        %dma_start3A_90 = arith.constant 0 : i32
        %dma_start3A_91 = tpu.memref_slice %arg11[%multiple_of3A_46, %dma_start3A_90] : memref<50048x16xf32, #tpu.memory_space<vmem_shared>> -> memref<3080x16xf32, #tpu.memory_space<vmem_shared>>
        tpu.enqueue_dma source(%dma_start3A_91 : memref<3080x16xf32, #tpu.memory_space<vmem_shared>>) target(%dma_start3A_89 : memref<3080x16xf32, #tpu.memory_space<hbm>>) target_semaphore(%run_scoped3A : memref<!tpu.dma_semaphore, #tpu.memory_space<semaphore_mem>>)
        %dma_wait3A = arith.constant 0 : i32
        %dma_wait3A_92 = tpu.memref_slice %arg5[%add3A_31, %multiple_of3A_46, %dma_wait3A] : memref<6x50000x16xf32, #tpu.memory_space<hbm>> -> memref<1x3080x16xf32, #tpu.memory_space<hbm>>
        %dma_wait3A_93 = tpu.memref_squeeze %dma_wait3A_92 : memref<1x3080x16xf32, #tpu.memory_space<hbm>> -> memref<3080x16xf32, #tpu.memory_space<hbm>>
        %dma_wait3A_94 = arith.constant 0 : i32
        %dma_wait3A_95 = tpu.memref_slice %arg11[%multiple_of3A_46, %dma_wait3A_94] : memref<50048x16xf32, #tpu.memory_space<vmem_shared>> -> memref<3080x16xf32, #tpu.memory_space<vmem_shared>>
        tpu.wait_dma2 semaphore(%run_scoped3A : memref<!tpu.dma_semaphore, #tpu.memory_space<semaphore_mem>>) src(%dma_wait3A_95 : memref<3080x16xf32, #tpu.memory_space<vmem_shared>>) dst(%dma_wait3A_93 : memref<3080x16xf32, #tpu.memory_space<hbm>>)
        tpu.yield
      }) : () -> ()
    } else {
    }
    %barrier3A_57 = arith.constant 0 : index
    tpu.barrier barrier_id(%barrier3A_57)
    %mul3A_58 = arith.constant 3 : i32
    %mul3A_59 = arith.muli %arg0, %mul3A_58 : i32
    %add3A_60 = arith.constant 2 : i32
    %add3A_61 = arith.addi %mul3A_59, %add3A_60 : i32
    %mul3A_62 = arith.constant 3128 : i32
    %mul3A_63 = arith.muli %arg1, %mul3A_62 : i32
    "tpu.region"() ({
      %run_scoped3A = tpu.sem_alloc : memref<!tpu.dma_semaphore, #tpu.memory_space<semaphore_mem>>
      %dma_start3A = arith.constant 0 : i32
      %dma_start3A_88 = tpu.memref_slice %arg11[%mul3A_63, %dma_start3A] : memref<50048x16xf32, #tpu.memory_space<vmem_shared>> -> memref<3128x16xf32, #tpu.memory_space<vmem_shared>>
      %dma_start3A_89 = arith.constant 0 : i32
      %dma_start3A_90 = tpu.memref_slice %arg11[%mul3A_63, %dma_start3A_89] : memref<50048x16xf32, #tpu.memory_space<vmem_shared>> -> memref<3128x16xf32, #tpu.memory_space<vmem_shared>>
      tpu.enqueue_dma source(%arg10 : memref<3128x16xf32, #tpu.memory_space<vmem>>) target(%dma_start3A_90 : memref<3128x16xf32, #tpu.memory_space<vmem_shared>>) target_semaphore(%run_scoped3A : memref<!tpu.dma_semaphore, #tpu.memory_space<semaphore_mem>>)
      %dma_wait3A = arith.constant 0 : i32
      %dma_wait3A_91 = tpu.memref_slice %arg11[%mul3A_63, %dma_wait3A] : memref<50048x16xf32, #tpu.memory_space<vmem_shared>> -> memref<3128x16xf32, #tpu.memory_space<vmem_shared>>
      %dma_wait3A_92 = arith.constant 0 : i32
      %dma_wait3A_93 = tpu.memref_slice %arg11[%mul3A_63, %dma_wait3A_92] : memref<50048x16xf32, #tpu.memory_space<vmem_shared>> -> memref<3128x16xf32, #tpu.memory_space<vmem_shared>>
      tpu.wait_dma2 semaphore(%run_scoped3A : memref<!tpu.dma_semaphore, #tpu.memory_space<semaphore_mem>>) src(%arg10 : memref<3128x16xf32, #tpu.memory_space<vmem>>) dst(%dma_wait3A_93 : memref<3128x16xf32, #tpu.memory_space<vmem_shared>>)
      tpu.yield
    }) : () -> ()
    %barrier3A_64 = arith.constant 0 : index
    tpu.barrier barrier_id(%barrier3A_64)
    %mul3A_65 = arith.constant 50048 : i32
    %mul3A_66 = arith.muli %arg1, %mul3A_65 : i32
    %scan3A_67 = arith.constant 0 : i32
    %scan3A_68 = arith.constant 0 : i32
    %scan3A_69 = arith.constant 391 : i32
    %scan3A_70 = arith.addi %scan3A_68, %scan3A_69 : i32
    %scan3A_71 = arith.constant 1 : i32
    scf.for %scan3A_88 = %scan3A_68 to %scan3A_70 step %scan3A_71  : i32 {
      %mul3A_89 = arith.constant 128 : i32
      %mul3A_90 = arith.muli %scan3A_88, %mul3A_89 : i32
      %add3A_91 = arith.addi %mul3A_66, %mul3A_90 : i32
      "tpu.region"() ({
        %run_scoped3A = tpu.sem_alloc : memref<!tpu.dma_semaphore, #tpu.memory_space<semaphore_mem>>
        %dma_start3A_190 = tpu.memref_slice %arg2[%add3A_91] : memref<800768xi32, #tpu.memory_space<hbm>> -> memref<128xi32, #tpu.memory_space<hbm>>
        %dma_start3A_191 = tpu.memref_slice %arg2[%add3A_91] : memref<800768xi32, #tpu.memory_space<hbm>> -> memref<128xi32, #tpu.memory_space<hbm>>
        tpu.enqueue_dma source(%dma_start3A_191 : memref<128xi32, #tpu.memory_space<hbm>>) target(%arg6 : memref<128xi32, #tpu.memory_space<vmem>>) target_semaphore(%run_scoped3A : memref<!tpu.dma_semaphore, #tpu.memory_space<semaphore_mem>>)
        %dma_wait3A_192 = tpu.memref_slice %arg2[%add3A_91] : memref<800768xi32, #tpu.memory_space<hbm>> -> memref<128xi32, #tpu.memory_space<hbm>>
        %dma_wait3A_193 = tpu.memref_slice %arg2[%add3A_91] : memref<800768xi32, #tpu.memory_space<hbm>> -> memref<128xi32, #tpu.memory_space<hbm>>
        tpu.wait_dma2 semaphore(%run_scoped3A : memref<!tpu.dma_semaphore, #tpu.memory_space<semaphore_mem>>) src(%dma_wait3A_193 : memref<128xi32, #tpu.memory_space<hbm>>) dst(%arg6 : memref<128xi32, #tpu.memory_space<vmem>>)
        tpu.yield
      }) : () -> ()
      "tpu.region"() ({
        %run_scoped3A = tpu.sem_alloc : memref<!tpu.dma_semaphore, #tpu.memory_space<semaphore_mem>>
        %dma_start3A_190 = tpu.memref_slice %arg3[%add3A_91] : memref<800768xi32, #tpu.memory_space<hbm>> -> memref<128xi32, #tpu.memory_space<hbm>>
        %dma_start3A_191 = tpu.memref_slice %arg3[%add3A_91] : memref<800768xi32, #tpu.memory_space<hbm>> -> memref<128xi32, #tpu.memory_space<hbm>>
        tpu.enqueue_dma source(%dma_start3A_191 : memref<128xi32, #tpu.memory_space<hbm>>) target(%arg7 : memref<128xi32, #tpu.memory_space<vmem>>) target_semaphore(%run_scoped3A : memref<!tpu.dma_semaphore, #tpu.memory_space<semaphore_mem>>)
        %dma_wait3A_192 = tpu.memref_slice %arg3[%add3A_91] : memref<800768xi32, #tpu.memory_space<hbm>> -> memref<128xi32, #tpu.memory_space<hbm>>
        %dma_wait3A_193 = tpu.memref_slice %arg3[%add3A_91] : memref<800768xi32, #tpu.memory_space<hbm>> -> memref<128xi32, #tpu.memory_space<hbm>>
        tpu.wait_dma2 semaphore(%run_scoped3A : memref<!tpu.dma_semaphore, #tpu.memory_space<semaphore_mem>>) src(%dma_wait3A_193 : memref<128xi32, #tpu.memory_space<hbm>>) dst(%arg7 : memref<128xi32, #tpu.memory_space<vmem>>)
        tpu.yield
      }) : () -> ()
      %get3A = arith.constant 0 : index
      %get3A_92 = tpu.vector_load %arg6[%get3A] {strides = array<i32>} : memref<128xi32, #tpu.memory_space<vmem>>, vector<16xi32>,
      %get3A_93 = vector.shape_cast %get3A_92 : vector<16xi32> to vector<16xi32>
      %mul3A_94 = arith.constant 6 : i32
      %mul3A_95 = vector.broadcast %mul3A_94 : i32 to vector<16xi32>
      %mul3A_96 = arith.muli %get3A_93, %mul3A_95 : vector<16xi32>
      %add3A_97 = vector.broadcast %add3A_61 : i32 to vector<16xi32>
      %add3A_98 = arith.addi %mul3A_96, %add3A_97 : vector<16xi32>
      %swap3A = arith.constant 0 : index
      %swap3A_99 = tpu.vector_load %arg8[%swap3A] {strides = array<i32>} : memref<128xi32, #tpu.memory_space<vmem>>, vector<16xi32>,
      %swap3A_100 = vector.shape_cast %swap3A_99 : vector<16xi32> to vector<16xi32>
      %swap3A_101 = vector.shape_cast %add3A_98 : vector<16xi32> to vector<16xi32>
      tpu.vector_store %arg8[%swap3A], %swap3A_101 {strides = array<i32>} : memref<128xi32, #tpu.memory_space<vmem>>, vector<16xi32>,
      %get3A_102 = arith.constant 16 : index
      %get3A_103 = tpu.vector_load %arg6[%get3A_102] {strides = array<i32>} : memref<128xi32, #tpu.memory_space<vmem>>, vector<16xi32>,
      %get3A_104 = vector.shape_cast %get3A_103 : vector<16xi32> to vector<16xi32>
      %mul3A_105 = arith.constant 6 : i32
      %mul3A_106 = vector.broadcast %mul3A_105 : i32 to vector<16xi32>
      %mul3A_107 = arith.muli %get3A_104, %mul3A_106 : vector<16xi32>
      %add3A_108 = vector.broadcast %add3A_61 : i32 to vector<16xi32>
      %add3A_109 = arith.addi %mul3A_107, %add3A_108 : vector<16xi32>
      %swap3A_110 = arith.constant 16 : index
      %swap3A_111 = tpu.vector_load %arg8[%swap3A_110] {strides = array<i32>} : memref<128xi32, #tpu.memory_space<vmem>>, vector<16xi32>,
      %swap3A_112 = vector.shape_cast %swap3A_111 : vector<16xi32> to vector<16xi32>
      %swap3A_113 = vector.shape_cast %add3A_109 : vector<16xi32> to vector<16xi32>
      tpu.vector_store %arg8[%swap3A_110], %swap3A_113 {strides = array<i32>} : memref<128xi32, #tpu.memory_space<vmem>>, vector<16xi32>,
      %get3A_114 = arith.constant 32 : index
      %get3A_115 = tpu.vector_load %arg6[%get3A_114] {strides = array<i32>} : memref<128xi32, #tpu.memory_space<vmem>>, vector<16xi32>,
      %get3A_116 = vector.shape_cast %get3A_115 : vector<16xi32> to vector<16xi32>
      %mul3A_117 = arith.constant 6 : i32
      %mul3A_118 = vector.broadcast %mul3A_117 : i32 to vector<16xi32>
      %mul3A_119 = arith.muli %get3A_116, %mul3A_118 : vector<16xi32>
      %add3A_120 = vector.broadcast %add3A_61 : i32 to vector<16xi32>
      %add3A_121 = arith.addi %mul3A_119, %add3A_120 : vector<16xi32>
      %swap3A_122 = arith.constant 32 : index
      %swap3A_123 = tpu.vector_load %arg8[%swap3A_122] {strides = array<i32>} : memref<128xi32, #tpu.memory_space<vmem>>, vector<16xi32>,
      %swap3A_124 = vector.shape_cast %swap3A_123 : vector<16xi32> to vector<16xi32>
      %swap3A_125 = vector.shape_cast %add3A_121 : vector<16xi32> to vector<16xi32>
      tpu.vector_store %arg8[%swap3A_122], %swap3A_125 {strides = array<i32>} : memref<128xi32, #tpu.memory_space<vmem>>, vector<16xi32>,
      %get3A_126 = arith.constant 48 : index
      %get3A_127 = tpu.vector_load %arg6[%get3A_126] {strides = array<i32>} : memref<128xi32, #tpu.memory_space<vmem>>, vector<16xi32>,
      %get3A_128 = vector.shape_cast %get3A_127 : vector<16xi32> to vector<16xi32>
      %mul3A_129 = arith.constant 6 : i32
      %mul3A_130 = vector.broadcast %mul3A_129 : i32 to vector<16xi32>
      %mul3A_131 = arith.muli %get3A_128, %mul3A_130 : vector<16xi32>
      %add3A_132 = vector.broadcast %add3A_61 : i32 to vector<16xi32>
      %add3A_133 = arith.addi %mul3A_131, %add3A_132 : vector<16xi32>
      %swap3A_134 = arith.constant 48 : index
      %swap3A_135 = tpu.vector_load %arg8[%swap3A_134] {strides = array<i32>} : memref<128xi32, #tpu.memory_space<vmem>>, vector<16xi32>,
      %swap3A_136 = vector.shape_cast %swap3A_135 : vector<16xi32> to vector<16xi32>
      %swap3A_137 = vector.shape_cast %add3A_133 : vector<16xi32> to vector<16xi32>
      tpu.vector_store %arg8[%swap3A_134], %swap3A_137 {strides = array<i32>} : memref<128xi32, #tpu.memory_space<vmem>>, vector<16xi32>,
      %get3A_138 = arith.constant 64 : index
      %get3A_139 = tpu.vector_load %arg6[%get3A_138] {strides = array<i32>} : memref<128xi32, #tpu.memory_space<vmem>>, vector<16xi32>,
      %get3A_140 = vector.shape_cast %get3A_139 : vector<16xi32> to vector<16xi32>
      %mul3A_141 = arith.constant 6 : i32
      %mul3A_142 = vector.broadcast %mul3A_141 : i32 to vector<16xi32>
      %mul3A_143 = arith.muli %get3A_140, %mul3A_142 : vector<16xi32>
      %add3A_144 = vector.broadcast %add3A_61 : i32 to vector<16xi32>
      %add3A_145 = arith.addi %mul3A_143, %add3A_144 : vector<16xi32>
      %swap3A_146 = arith.constant 64 : index
      %swap3A_147 = tpu.vector_load %arg8[%swap3A_146] {strides = array<i32>} : memref<128xi32, #tpu.memory_space<vmem>>, vector<16xi32>,
      %swap3A_148 = vector.shape_cast %swap3A_147 : vector<16xi32> to vector<16xi32>
      %swap3A_149 = vector.shape_cast %add3A_145 : vector<16xi32> to vector<16xi32>
      tpu.vector_store %arg8[%swap3A_146], %swap3A_149 {strides = array<i32>} : memref<128xi32, #tpu.memory_space<vmem>>, vector<16xi32>,
      %get3A_150 = arith.constant 80 : index
      %get3A_151 = tpu.vector_load %arg6[%get3A_150] {strides = array<i32>} : memref<128xi32, #tpu.memory_space<vmem>>, vector<16xi32>,
      %get3A_152 = vector.shape_cast %get3A_151 : vector<16xi32> to vector<16xi32>
      %mul3A_153 = arith.constant 6 : i32
      %mul3A_154 = vector.broadcast %mul3A_153 : i32 to vector<16xi32>
      %mul3A_155 = arith.muli %get3A_152, %mul3A_154 : vector<16xi32>
      %add3A_156 = vector.broadcast %add3A_61 : i32 to vector<16xi32>
      %add3A_157 = arith.addi %mul3A_155, %add3A_156 : vector<16xi32>
      %swap3A_158 = arith.constant 80 : index
      %swap3A_159 = tpu.vector_load %arg8[%swap3A_158] {strides = array<i32>} : memref<128xi32, #tpu.memory_space<vmem>>, vector<16xi32>,
      %swap3A_160 = vector.shape_cast %swap3A_159 : vector<16xi32> to vector<16xi32>
      %swap3A_161 = vector.shape_cast %add3A_157 : vector<16xi32> to vector<16xi32>
      tpu.vector_store %arg8[%swap3A_158], %swap3A_161 {strides = array<i32>} : memref<128xi32, #tpu.memory_space<vmem>>, vector<16xi32>,
      %get3A_162 = arith.constant 96 : index
      %get3A_163 = tpu.vector_load %arg6[%get3A_162] {strides = array<i32>} : memref<128xi32, #tpu.memory_space<vmem>>, vector<16xi32>,
      %get3A_164 = vector.shape_cast %get3A_163 : vector<16xi32> to vector<16xi32>
      %mul3A_165 = arith.constant 6 : i32
      %mul3A_166 = vector.broadcast %mul3A_165 : i32 to vector<16xi32>
      %mul3A_167 = arith.muli %get3A_164, %mul3A_166 : vector<16xi32>
      %add3A_168 = vector.broadcast %add3A_61 : i32 to vector<16xi32>
      %add3A_169 = arith.addi %mul3A_167, %add3A_168 : vector<16xi32>
      %swap3A_170 = arith.constant 96 : index
      %swap3A_171 = tpu.vector_load %arg8[%swap3A_170] {strides = array<i32>} : memref<128xi32, #tpu.memory_space<vmem>>, vector<16xi32>,
      %swap3A_172 = vector.shape_cast %swap3A_171 : vector<16xi32> to vector<16xi32>
      %swap3A_173 = vector.shape_cast %add3A_169 : vector<16xi32> to vector<16xi32>
      tpu.vector_store %arg8[%swap3A_170], %swap3A_173 {strides = array<i32>} : memref<128xi32, #tpu.memory_space<vmem>>, vector<16xi32>,
      %get3A_174 = arith.constant 112 : index
      %get3A_175 = tpu.vector_load %arg6[%get3A_174] {strides = array<i32>} : memref<128xi32, #tpu.memory_space<vmem>>, vector<16xi32>,
      %get3A_176 = vector.shape_cast %get3A_175 : vector<16xi32> to vector<16xi32>
      %mul3A_177 = arith.constant 6 : i32
      %mul3A_178 = vector.broadcast %mul3A_177 : i32 to vector<16xi32>
      %mul3A_179 = arith.muli %get3A_176, %mul3A_178 : vector<16xi32>
      %add3A_180 = vector.broadcast %add3A_61 : i32 to vector<16xi32>
      %add3A_181 = arith.addi %mul3A_179, %add3A_180 : vector<16xi32>
      %swap3A_182 = arith.constant 112 : index
      %swap3A_183 = tpu.vector_load %arg8[%swap3A_182] {strides = array<i32>} : memref<128xi32, #tpu.memory_space<vmem>>, vector<16xi32>,
      %swap3A_184 = vector.shape_cast %swap3A_183 : vector<16xi32> to vector<16xi32>
      %swap3A_185 = vector.shape_cast %add3A_181 : vector<16xi32> to vector<16xi32>
      tpu.vector_store %arg8[%swap3A_182], %swap3A_185 {strides = array<i32>} : memref<128xi32, #tpu.memory_space<vmem>>, vector<16xi32>,
      %dma_start3A = arith.constant 0 : i32
      %dma_start3A_186 = arith.constant 0 : i32
      %dma_start3A_187 = tpu.memref_slice %arg4[%dma_start3A, %dma_start3A_186] : memref<900000x16xf32, #tpu.memory_space<hbm>> -> memref<900000x16xf32, #tpu.memory_space<hbm>>
      tpu.enqueue_indirect_dma source(%dma_start3A_187 : memref<900000x16xf32, #tpu.memory_space<hbm>>) target(%arg9 : memref<128x16xf32, #tpu.memory_space<vmem>>) offsets(%arg8 : memref<128xi32, #tpu.memory_space<vmem>>) semaphore(%arg12 : memref<!tpu.dma_semaphore, #tpu.memory_space<semaphore_mem>>)
      %dma_wait3A = arith.constant 0 : i32
      %dma_wait3A_188 = arith.constant 0 : i32
      %dma_wait3A_189 = tpu.memref_slice %arg4[%dma_wait3A, %dma_wait3A_188] : memref<900000x16xf32, #tpu.memory_space<hbm>> -> memref<900000x16xf32, #tpu.memory_space<hbm>>
      tpu.wait_indirect_dma semaphore(%arg12 : memref<!tpu.dma_semaphore, #tpu.memory_space<semaphore_mem>>) src(%dma_wait3A_189 : memref<900000x16xf32, #tpu.memory_space<hbm>>) dst(%arg9 : memref<128x16xf32, #tpu.memory_space<vmem>>)
      "tpu.region"() ({
        %run_scoped3A = tpu.sem_alloc : memref<!tpu.dma_semaphore, #tpu.memory_space<semaphore_mem>>
        %dma_start3A_190 = arith.constant 0 : i32
        %dma_start3A_191 = arith.constant 0 : i32
        %dma_start3A_192 = tpu.memref_slice %arg11[%dma_start3A_190, %dma_start3A_191] : memref<50048x16xf32, #tpu.memory_space<vmem_shared>> -> memref<50048x16xf32, #tpu.memory_space<vmem_shared>>
        tpu.enqueue_indirect_dma source(%arg9 : memref<128x16xf32, #tpu.memory_space<vmem>>) target(%dma_start3A_192 : memref<50048x16xf32, #tpu.memory_space<vmem_shared>>) offsets(%arg7 : memref<128xi32, #tpu.memory_space<vmem>>) semaphore(%run_scoped3A : memref<!tpu.dma_semaphore, #tpu.memory_space<semaphore_mem>>) {add = true}
        %dma_wait3A_193 = arith.constant 0 : i32
        %dma_wait3A_194 = arith.constant 0 : i32
        %dma_wait3A_195 = tpu.memref_slice %arg11[%dma_wait3A_193, %dma_wait3A_194] : memref<50048x16xf32, #tpu.memory_space<vmem_shared>> -> memref<50048x16xf32, #tpu.memory_space<vmem_shared>>
        tpu.wait_indirect_dma semaphore(%run_scoped3A : memref<!tpu.dma_semaphore, #tpu.memory_space<semaphore_mem>>) src(%arg9 : memref<128x16xf32, #tpu.memory_space<vmem>>) dst(%dma_wait3A_195 : memref<50048x16xf32, #tpu.memory_space<vmem_shared>>)
        tpu.yield
      }) : () -> ()
    }
    %scan3A_72 = arith.constant 391 : i32
    %barrier3A_73 = arith.constant 0 : index
    tpu.barrier barrier_id(%barrier3A_73)
    %mul3A_74 = arith.constant 3128 : i32
    %mul3A_75 = arith.muli %arg1, %mul3A_74 : i32
    %multiple_of3A_76 = tpu.assume_multiple %mul3A_75, 8 : i32
    %lt3A_77 = arith.constant 15 : i32
    %lt3A_78 = arith.cmpi slt, %arg1, %lt3A_77 : i32
    %convert_element_type3A_79 = arith.extui %lt3A_78 : i1 to i32
    %cond3A_80 = arith.constant 0 : i32
    %cond3A_81 = arith.cmpi ne, %convert_element_type3A_79, %cond3A_80 : i32
    scf.if %cond3A_81 {
      "tpu.region"() ({
        %run_scoped3A = tpu.sem_alloc : memref<!tpu.dma_semaphore, #tpu.memory_space<semaphore_mem>>
        %dma_start3A = arith.constant 0 : i32
        %dma_start3A_88 = tpu.memref_slice %arg5[%add3A_61, %multiple_of3A_76, %dma_start3A] : memref<6x50000x16xf32, #tpu.memory_space<hbm>> -> memref<1x3128x16xf32, #tpu.memory_space<hbm>>
        %dma_start3A_89 = tpu.memref_squeeze %dma_start3A_88 : memref<1x3128x16xf32, #tpu.memory_space<hbm>> -> memref<3128x16xf32, #tpu.memory_space<hbm>>
        %dma_start3A_90 = arith.constant 0 : i32
        %dma_start3A_91 = tpu.memref_slice %arg11[%multiple_of3A_76, %dma_start3A_90] : memref<50048x16xf32, #tpu.memory_space<vmem_shared>> -> memref<3128x16xf32, #tpu.memory_space<vmem_shared>>
        tpu.enqueue_dma source(%dma_start3A_91 : memref<3128x16xf32, #tpu.memory_space<vmem_shared>>) target(%dma_start3A_89 : memref<3128x16xf32, #tpu.memory_space<hbm>>) target_semaphore(%run_scoped3A : memref<!tpu.dma_semaphore, #tpu.memory_space<semaphore_mem>>)
        %dma_wait3A = arith.constant 0 : i32
        %dma_wait3A_92 = tpu.memref_slice %arg5[%add3A_61, %multiple_of3A_76, %dma_wait3A] : memref<6x50000x16xf32, #tpu.memory_space<hbm>> -> memref<1x3128x16xf32, #tpu.memory_space<hbm>>
        %dma_wait3A_93 = tpu.memref_squeeze %dma_wait3A_92 : memref<1x3128x16xf32, #tpu.memory_space<hbm>> -> memref<3128x16xf32, #tpu.memory_space<hbm>>
        %dma_wait3A_94 = arith.constant 0 : i32
        %dma_wait3A_95 = tpu.memref_slice %arg11[%multiple_of3A_76, %dma_wait3A_94] : memref<50048x16xf32, #tpu.memory_space<vmem_shared>> -> memref<3128x16xf32, #tpu.memory_space<vmem_shared>>
        tpu.wait_dma2 semaphore(%run_scoped3A : memref<!tpu.dma_semaphore, #tpu.memory_space<semaphore_mem>>) src(%dma_wait3A_95 : memref<3128x16xf32, #tpu.memory_space<vmem_shared>>) dst(%dma_wait3A_93 : memref<3128x16xf32, #tpu.memory_space<hbm>>)
        tpu.yield
      }) : () -> ()
    } else {
    }
    %eq3A_82 = arith.constant 15 : i32
    %eq3A_83 = arith.cmpi eq, %arg1, %eq3A_82 : i32
    %convert_element_type3A_84 = arith.extui %eq3A_83 : i1 to i32
    %cond3A_85 = arith.constant 0 : i32
    %cond3A_86 = arith.cmpi ne, %convert_element_type3A_84, %cond3A_85 : i32
    scf.if %cond3A_86 {
      "tpu.region"() ({
        %run_scoped3A = tpu.sem_alloc : memref<!tpu.dma_semaphore, #tpu.memory_space<semaphore_mem>>
        %dma_start3A = arith.constant 0 : i32
        %dma_start3A_88 = tpu.memref_slice %arg5[%add3A_61, %multiple_of3A_76, %dma_start3A] : memref<6x50000x16xf32, #tpu.memory_space<hbm>> -> memref<1x3080x16xf32, #tpu.memory_space<hbm>>
        %dma_start3A_89 = tpu.memref_squeeze %dma_start3A_88 : memref<1x3080x16xf32, #tpu.memory_space<hbm>> -> memref<3080x16xf32, #tpu.memory_space<hbm>>
        %dma_start3A_90 = arith.constant 0 : i32
        %dma_start3A_91 = tpu.memref_slice %arg11[%multiple_of3A_76, %dma_start3A_90] : memref<50048x16xf32, #tpu.memory_space<vmem_shared>> -> memref<3080x16xf32, #tpu.memory_space<vmem_shared>>
        tpu.enqueue_dma source(%dma_start3A_91 : memref<3080x16xf32, #tpu.memory_space<vmem_shared>>) target(%dma_start3A_89 : memref<3080x16xf32, #tpu.memory_space<hbm>>) target_semaphore(%run_scoped3A : memref<!tpu.dma_semaphore, #tpu.memory_space<semaphore_mem>>)
        %dma_wait3A = arith.constant 0 : i32
        %dma_wait3A_92 = tpu.memref_slice %arg5[%add3A_61, %multiple_of3A_76, %dma_wait3A] : memref<6x50000x16xf32, #tpu.memory_space<hbm>> -> memref<1x3080x16xf32, #tpu.memory_space<hbm>>
        %dma_wait3A_93 = tpu.memref_squeeze %dma_wait3A_92 : memref<1x3080x16xf32, #tpu.memory_space<hbm>> -> memref<3080x16xf32, #tpu.memory_space<hbm>>
        %dma_wait3A_94 = arith.constant 0 : i32
        %dma_wait3A_95 = tpu.memref_slice %arg11[%multiple_of3A_76, %dma_wait3A_94] : memref<50048x16xf32, #tpu.memory_space<vmem_shared>> -> memref<3080x16xf32, #tpu.memory_space<vmem_shared>>
        tpu.wait_dma2 semaphore(%run_scoped3A : memref<!tpu.dma_semaphore, #tpu.memory_space<semaphore_mem>>) src(%dma_wait3A_95 : memref<3080x16xf32, #tpu.memory_space<vmem_shared>>) dst(%dma_wait3A_93 : memref<3080x16xf32, #tpu.memory_space<hbm>>)
        tpu.yield
      }) : () -> ()
    } else {
    }
    %barrier3A_87 = arith.constant 0 : index
    tpu.barrier barrier_id(%barrier3A_87)
    return
  }
}

module attributes {stable_mosaic.version = 14 : i64} {
  func.func @_y_body(%arg0: i32, %arg1: memref<1000x96xf32, #tpu.memory_space<vmem>>, %arg2: memref<3x96x96xf32, #tpu.memory_space<vmem>>, %arg3: memref<3x1x96xf32, #tpu.memory_space<vmem>>, %arg4: memref<3x1000x96xf32, #tpu.memory_space<vmem>>) attributes {dimension_semantics = [#tpu.dimension_semantics<arbitrary>], iteration_bounds = array<i64: 50>, scalar_prefetch = 0 : i64, scratch_operands = 0 : i64, tpu.core_type = #tpu.core_type<tc>, window_params = [{transform_indices = @transform_0, window_bounds = array<i64: 1000, 96>}, {pipeline_mode = #tpu.pipeline_mode<synchronous>, transform_indices = @transform_1, window_bounds = array<i64: 3, 96, 96>}, {pipeline_mode = #tpu.pipeline_mode<synchronous>, transform_indices = @transform_2, window_bounds = array<i64: 3, 1, 96>}, {transform_indices = @transform_3, window_bounds = array<i64: 3, 1000, 96>}]} {
    %get3A = arith.constant 0 : index
    %get3A_0 = arith.constant 0 : index
    %get3A_1 = vector.load %arg1[%get3A, %get3A_0] : memref<1000x96xf32, #tpu.memory_space<vmem>>, vector<1000x96xf32>
    %get3A_2 = arith.constant 0 : index
    %get3A_3 = arith.constant 0 : index
    %get3A_4 = arith.constant 0 : index
    %get3A_5 = vector.load %arg2[%get3A_2, %get3A_3, %get3A_4] : memref<3x96x96xf32, #tpu.memory_space<vmem>>, vector<1x96x96xf32>
    %get3A_6 = vector.shape_cast %get3A_5 : vector<1x96x96xf32> to vector<96x96xf32>
    %dot_general3A = arith.constant dense<0.000000e+00> : vector<1000x96xf32>
    %dot_general3A_7 = tpu.matmul %get3A_1, %get3A_6, %dot_general3A {dimension_numbers = #tpu.dot_dimension_numbers<[1], [1], [0], [0], [0, 0, 1, 0], [], []>, transpose_lhs_hint = false} : vector<1000x96xf32>, vector<96x96xf32>, vector<1000x96xf32> -> vector<1000x96xf32>
    %get3A_8 = arith.constant 0 : index
    %get3A_9 = arith.constant 0 : index
    %get3A_10 = arith.constant 0 : index
    %get3A_11 = vector.load %arg3[%get3A_8, %get3A_9, %get3A_10] : memref<3x1x96xf32, #tpu.memory_space<vmem>>, vector<1x1x96xf32>
    %get3A_12 = vector.shape_cast %get3A_11 : vector<1x1x96xf32> to vector<1x96xf32>
    %add3A = vector.broadcast %get3A_12 : vector<1x96xf32> to vector<1000x96xf32>
    %add3A_13 = arith.addf %dot_general3A_7, %add3A : vector<1000x96xf32>
    %swap3A = arith.constant 0 : index
    %swap3A_14 = arith.constant 0 : index
    %swap3A_15 = arith.constant 0 : index
    %swap3A_16 = vector.load %arg4[%swap3A, %swap3A_14, %swap3A_15] : memref<3x1000x96xf32, #tpu.memory_space<vmem>>, vector<1x1000x96xf32>
    %swap3A_17 = vector.shape_cast %swap3A_16 : vector<1x1000x96xf32> to vector<1000x96xf32>
    %swap3A_18 = vector.shape_cast %add3A_13 : vector<1000x96xf32> to vector<1x1000x96xf32>
    tpu.vector_store %arg4[%swap3A, %swap3A_14, %swap3A_15], %swap3A_18 {strides = array<i32>} : memref<3x1000x96xf32, #tpu.memory_space<vmem>>, vector<1x1000x96xf32>,
    %get3A_19 = arith.constant 1 : index
    %get3A_20 = arith.constant 0 : index
    %get3A_21 = arith.constant 0 : index
    %get3A_22 = vector.load %arg2[%get3A_19, %get3A_20, %get3A_21] : memref<3x96x96xf32, #tpu.memory_space<vmem>>, vector<1x96x96xf32>
    %get3A_23 = vector.shape_cast %get3A_22 : vector<1x96x96xf32> to vector<96x96xf32>
    %dot_general3A_24 = arith.constant dense<0.000000e+00> : vector<1000x96xf32>
    %dot_general3A_25 = tpu.matmul %get3A_1, %get3A_23, %dot_general3A_24 {dimension_numbers = #tpu.dot_dimension_numbers<[1], [1], [0], [0], [0, 0, 1, 0], [], []>, transpose_lhs_hint = false} : vector<1000x96xf32>, vector<96x96xf32>, vector<1000x96xf32> -> vector<1000x96xf32>
    %get3A_26 = arith.constant 1 : index
    %get3A_27 = arith.constant 0 : index
    %get3A_28 = arith.constant 0 : index
    %get3A_29 = vector.load %arg3[%get3A_26, %get3A_27, %get3A_28] : memref<3x1x96xf32, #tpu.memory_space<vmem>>, vector<1x1x96xf32>
    %get3A_30 = vector.shape_cast %get3A_29 : vector<1x1x96xf32> to vector<1x96xf32>
    %add3A_31 = vector.broadcast %get3A_30 : vector<1x96xf32> to vector<1000x96xf32>
    %add3A_32 = arith.addf %dot_general3A_25, %add3A_31 : vector<1000x96xf32>
    %swap3A_33 = arith.constant 1 : index
    %swap3A_34 = arith.constant 0 : index
    %swap3A_35 = arith.constant 0 : index
    %swap3A_36 = vector.load %arg4[%swap3A_33, %swap3A_34, %swap3A_35] : memref<3x1000x96xf32, #tpu.memory_space<vmem>>, vector<1x1000x96xf32>
    %swap3A_37 = vector.shape_cast %swap3A_36 : vector<1x1000x96xf32> to vector<1000x96xf32>
    %swap3A_38 = vector.shape_cast %add3A_32 : vector<1000x96xf32> to vector<1x1000x96xf32>
    tpu.vector_store %arg4[%swap3A_33, %swap3A_34, %swap3A_35], %swap3A_38 {strides = array<i32>} : memref<3x1000x96xf32, #tpu.memory_space<vmem>>, vector<1x1000x96xf32>,
    %get3A_39 = arith.constant 2 : index
    %get3A_40 = arith.constant 0 : index
    %get3A_41 = arith.constant 0 : index
    %get3A_42 = vector.load %arg2[%get3A_39, %get3A_40, %get3A_41] : memref<3x96x96xf32, #tpu.memory_space<vmem>>, vector<1x96x96xf32>
    %get3A_43 = vector.shape_cast %get3A_42 : vector<1x96x96xf32> to vector<96x96xf32>
    %dot_general3A_44 = arith.constant dense<0.000000e+00> : vector<1000x96xf32>
    %dot_general3A_45 = tpu.matmul %get3A_1, %get3A_43, %dot_general3A_44 {dimension_numbers = #tpu.dot_dimension_numbers<[1], [1], [0], [0], [0, 0, 1, 0], [], []>, transpose_lhs_hint = false} : vector<1000x96xf32>, vector<96x96xf32>, vector<1000x96xf32> -> vector<1000x96xf32>
    %get3A_46 = arith.constant 2 : index
    %get3A_47 = arith.constant 0 : index
    %get3A_48 = arith.constant 0 : index
    %get3A_49 = vector.load %arg3[%get3A_46, %get3A_47, %get3A_48] : memref<3x1x96xf32, #tpu.memory_space<vmem>>, vector<1x1x96xf32>
    %get3A_50 = vector.shape_cast %get3A_49 : vector<1x1x96xf32> to vector<1x96xf32>
    %add3A_51 = vector.broadcast %get3A_50 : vector<1x96xf32> to vector<1000x96xf32>
    %add3A_52 = arith.addf %dot_general3A_45, %add3A_51 : vector<1000x96xf32>
    %swap3A_53 = arith.constant 2 : index
    %swap3A_54 = arith.constant 0 : index
    %swap3A_55 = arith.constant 0 : index
    %swap3A_56 = vector.load %arg4[%swap3A_53, %swap3A_54, %swap3A_55] : memref<3x1000x96xf32, #tpu.memory_space<vmem>>, vector<1x1000x96xf32>
    %swap3A_57 = vector.shape_cast %swap3A_56 : vector<1x1000x96xf32> to vector<1000x96xf32>
    %swap3A_58 = vector.shape_cast %add3A_52 : vector<1000x96xf32> to vector<1x1000x96xf32>
    tpu.vector_store %arg4[%swap3A_53, %swap3A_54, %swap3A_55], %swap3A_58 {strides = array<i32>} : memref<3x1000x96xf32, #tpu.memory_space<vmem>>, vector<1x1000x96xf32>,
    return
  }
  func.func @transform_0(%arg0: i32) -> (i32, i32) {
    %c0_i32 = arith.constant 0 : i32
    %c0_i32_0 = arith.constant 0 : i32
    return %arg0, %c0_i32 : i32, i32
  }
  func.func @transform_1(%arg0: i32) -> (i32, i32, i32) {
    %c0_i32 = arith.constant 0 : i32
    %c0_i32_0 = arith.constant 0 : i32
    %c0_i32_1 = arith.constant 0 : i32
    %c0_i32_2 = arith.constant 0 : i32
    return %c0_i32, %c0_i32_0, %c0_i32_1 : i32, i32, i32
  }
  func.func @transform_2(%arg0: i32) -> (i32, i32, i32) {
    %c0_i32 = arith.constant 0 : i32
    %c0_i32_0 = arith.constant 0 : i32
    %c0_i32_1 = arith.constant 0 : i32
    %c0_i32_2 = arith.constant 0 : i32
    return %c0_i32, %c0_i32_0, %c0_i32_1 : i32, i32, i32
  }
  func.func @transform_3(%arg0: i32) -> (i32, i32, i32) {
    %c0_i32 = arith.constant 0 : i32
    %c0_i32_0 = arith.constant 0 : i32
    %c0_i32_1 = arith.constant 0 : i32
    return %c0_i32, %arg0, %c0_i32_0 : i32, i32, i32
  }
}

module attributes {stable_mosaic.version = 14 : i64} {
  func.func @_gru_body(%arg0: i32, %arg1: memref<6x1000x16xf32, #tpu.memory_space<vmem>>, %arg2: memref<1000x96xf32, #tpu.memory_space<vmem>>, %arg3: memref<288x96xf32, #tpu.memory_space<vmem>>, %arg4: memref<288x96xf32, #tpu.memory_space<vmem>>, %arg5: memref<1x288xf32, #tpu.memory_space<vmem>>, %arg6: memref<1x288xf32, #tpu.memory_space<vmem>>, %arg7: memref<3x96x96xf32, #tpu.memory_space<vmem>>, %arg8: memref<3x1x96xf32, #tpu.memory_space<vmem>>, %arg9: memref<1000x96xf32, #tpu.memory_space<vmem>>, %arg10: memref<3x1000x96xf32, #tpu.memory_space<vmem>>) attributes {dimension_semantics = [#tpu.dimension_semantics<arbitrary>], iteration_bounds = array<i64: 50>, scalar_prefetch = 0 : i64, scratch_operands = 0 : i64, tpu.core_type = #tpu.core_type<tc>, window_params = [{transform_indices = @transform_0, window_bounds = array<i64: 6, 1000, 16>}, {transform_indices = @transform_1, window_bounds = array<i64: 1000, 96>}, {pipeline_mode = #tpu.pipeline_mode<synchronous>, transform_indices = @transform_2, window_bounds = array<i64: 288, 96>}, {pipeline_mode = #tpu.pipeline_mode<synchronous>, transform_indices = @transform_3, window_bounds = array<i64: 288, 96>}, {pipeline_mode = #tpu.pipeline_mode<synchronous>, transform_indices = @transform_4, window_bounds = array<i64: 1, 288>}, {pipeline_mode = #tpu.pipeline_mode<synchronous>, transform_indices = @transform_5, window_bounds = array<i64: 1, 288>}, {pipeline_mode = #tpu.pipeline_mode<synchronous>, transform_indices = @transform_6, window_bounds = array<i64: 3, 96, 96>}, {pipeline_mode = #tpu.pipeline_mode<synchronous>, transform_indices = @transform_7, window_bounds = array<i64: 3, 1, 96>}, {transform_indices = @transform_8, window_bounds = array<i64: 1000, 96>}, {transform_indices = @transform_9, window_bounds = array<i64: 3, 1000, 96>}]} {
    %get3A = arith.constant 0 : index
    %get3A_0 = arith.constant 0 : index
    %get3A_1 = arith.constant 0 : index
    %get3A_2 = vector.load %arg1[%get3A, %get3A_0, %get3A_1] : memref<6x1000x16xf32, #tpu.memory_space<vmem>>, vector<1x1000x16xf32>
    %get3A_3 = vector.shape_cast %get3A_2 : vector<1x1000x16xf32> to vector<1000x16xf32>
    %get3A_4 = arith.constant 1 : index
    %get3A_5 = arith.constant 0 : index
    %get3A_6 = arith.constant 0 : index
    %get3A_7 = vector.load %arg1[%get3A_4, %get3A_5, %get3A_6] : memref<6x1000x16xf32, #tpu.memory_space<vmem>>, vector<1x1000x16xf32>
    %get3A_8 = vector.shape_cast %get3A_7 : vector<1x1000x16xf32> to vector<1000x16xf32>
    %get3A_9 = arith.constant 2 : index
    %get3A_10 = arith.constant 0 : index
    %get3A_11 = arith.constant 0 : index
    %get3A_12 = vector.load %arg1[%get3A_9, %get3A_10, %get3A_11] : memref<6x1000x16xf32, #tpu.memory_space<vmem>>, vector<1x1000x16xf32>
    %get3A_13 = vector.shape_cast %get3A_12 : vector<1x1000x16xf32> to vector<1000x16xf32>
    %get3A_14 = arith.constant 3 : index
    %get3A_15 = arith.constant 0 : index
    %get3A_16 = arith.constant 0 : index
    %get3A_17 = vector.load %arg1[%get3A_14, %get3A_15, %get3A_16] : memref<6x1000x16xf32, #tpu.memory_space<vmem>>, vector<1x1000x16xf32>
    %get3A_18 = vector.shape_cast %get3A_17 : vector<1x1000x16xf32> to vector<1000x16xf32>
    %get3A_19 = arith.constant 4 : index
    %get3A_20 = arith.constant 0 : index
    %get3A_21 = arith.constant 0 : index
    %get3A_22 = vector.load %arg1[%get3A_19, %get3A_20, %get3A_21] : memref<6x1000x16xf32, #tpu.memory_space<vmem>>, vector<1x1000x16xf32>
    %get3A_23 = vector.shape_cast %get3A_22 : vector<1x1000x16xf32> to vector<1000x16xf32>
    %get3A_24 = arith.constant 5 : index
    %get3A_25 = arith.constant 0 : index
    %get3A_26 = arith.constant 0 : index
    %get3A_27 = vector.load %arg1[%get3A_24, %get3A_25, %get3A_26] : memref<6x1000x16xf32, #tpu.memory_space<vmem>>, vector<1x1000x16xf32>
    %get3A_28 = vector.shape_cast %get3A_27 : vector<1x1000x16xf32> to vector<1000x16xf32>
    %concatenate3A = tpu.concatenate %get3A_3, %get3A_8, %get3A_13, %get3A_18, %get3A_23, %get3A_28 in 1 : vector<1000x16xf32>, vector<1000x16xf32>, vector<1000x16xf32>, vector<1000x16xf32>, vector<1000x16xf32>, vector<1000x16xf32> -> vector<1000x96xf32>
    %get3A_29 = arith.constant 0 : index
    %get3A_30 = arith.constant 0 : index
    %get3A_31 = vector.load %arg2[%get3A_29, %get3A_30] : memref<1000x96xf32, #tpu.memory_space<vmem>>, vector<1000x96xf32>
    %get3A_32 = arith.constant 0 : index
    %get3A_33 = arith.constant 0 : index
    %get3A_34 = vector.load %arg3[%get3A_32, %get3A_33] : memref<288x96xf32, #tpu.memory_space<vmem>>, vector<288x96xf32>
    %dot_general3A = arith.constant dense<0.000000e+00> : vector<1000x288xf32>
    %dot_general3A_35 = tpu.matmul %concatenate3A, %get3A_34, %dot_general3A {dimension_numbers = #tpu.dot_dimension_numbers<[1], [1], [0], [0], [0, 0, 1, 0], [], []>, transpose_lhs_hint = false} : vector<1000x96xf32>, vector<288x96xf32>, vector<1000x288xf32> -> vector<1000x288xf32>
    %get3A_36 = arith.constant 0 : index
    %get3A_37 = arith.constant 0 : index
    %get3A_38 = vector.load %arg5[%get3A_36, %get3A_37] : memref<1x288xf32, #tpu.memory_space<vmem>>, vector<1x288xf32>
    %add3A = vector.broadcast %get3A_38 : vector<1x288xf32> to vector<1000x288xf32>
    %add3A_39 = arith.addf %dot_general3A_35, %add3A : vector<1000x288xf32>
    %get3A_40 = arith.constant 0 : index
    %get3A_41 = arith.constant 0 : index
    %get3A_42 = vector.load %arg4[%get3A_40, %get3A_41] : memref<288x96xf32, #tpu.memory_space<vmem>>, vector<288x96xf32>
    %dot_general3A_43 = arith.constant dense<0.000000e+00> : vector<1000x288xf32>
    %dot_general3A_44 = tpu.matmul %get3A_31, %get3A_42, %dot_general3A_43 {dimension_numbers = #tpu.dot_dimension_numbers<[1], [1], [0], [0], [0, 0, 1, 0], [], []>, transpose_lhs_hint = false} : vector<1000x96xf32>, vector<288x96xf32>, vector<1000x288xf32> -> vector<1000x288xf32>
    %get3A_45 = arith.constant 0 : index
    %get3A_46 = arith.constant 0 : index
    %get3A_47 = vector.load %arg6[%get3A_45, %get3A_46] : memref<1x288xf32, #tpu.memory_space<vmem>>, vector<1x288xf32>
    %add3A_48 = vector.broadcast %get3A_47 : vector<1x288xf32> to vector<1000x288xf32>
    %add3A_49 = arith.addf %dot_general3A_44, %add3A_48 : vector<1000x288xf32>
    %slice3A = vector.extract_strided_slice %add3A_39 {offsets = [0, 0], sizes = [1000, 96], strides = [1, 1]} : vector<1000x288xf32> to vector<1000x96xf32>
    %slice3A_50 = vector.extract_strided_slice %add3A_49 {offsets = [0, 0], sizes = [1000, 96], strides = [1, 1]} : vector<1000x288xf32> to vector<1000x96xf32>
    %add3A_51 = arith.addf %slice3A, %slice3A_50 : vector<1000x96xf32>
    %logistic3A = arith.negf %add3A_51 : vector<1000x96xf32>
    %logistic3A_52 = math.exp %logistic3A : vector<1000x96xf32>
    %logistic3A_53 = arith.constant 1.000000e+00 : f32
    %logistic3A_54 = vector.broadcast %logistic3A_53 : f32 to vector<1000x96xf32>
    %logistic3A_55 = arith.addf %logistic3A_54, %logistic3A_52 : vector<1000x96xf32>
    %logistic3A_56 = arith.divf %logistic3A_54, %logistic3A_55 : vector<1000x96xf32>
    %slice3A_57 = vector.extract_strided_slice %add3A_39 {offsets = [0, 96], sizes = [1000, 96], strides = [1, 1]} : vector<1000x288xf32> to vector<1000x96xf32>
    %slice3A_58 = vector.extract_strided_slice %add3A_49 {offsets = [0, 96], sizes = [1000, 96], strides = [1, 1]} : vector<1000x288xf32> to vector<1000x96xf32>
    %add3A_59 = arith.addf %slice3A_57, %slice3A_58 : vector<1000x96xf32>
    %logistic3A_60 = arith.negf %add3A_59 : vector<1000x96xf32>
    %logistic3A_61 = math.exp %logistic3A_60 : vector<1000x96xf32>
    %logistic3A_62 = arith.constant 1.000000e+00 : f32
    %logistic3A_63 = vector.broadcast %logistic3A_62 : f32 to vector<1000x96xf32>
    %logistic3A_64 = arith.addf %logistic3A_63, %logistic3A_61 : vector<1000x96xf32>
    %logistic3A_65 = arith.divf %logistic3A_63, %logistic3A_64 : vector<1000x96xf32>
    %slice3A_66 = vector.extract_strided_slice %add3A_39 {offsets = [0, 192], sizes = [1000, 96], strides = [1, 1]} : vector<1000x288xf32> to vector<1000x96xf32>
    %slice3A_67 = vector.extract_strided_slice %add3A_49 {offsets = [0, 192], sizes = [1000, 96], strides = [1, 1]} : vector<1000x288xf32> to vector<1000x96xf32>
    %mul3A = arith.mulf %logistic3A_56, %slice3A_67 : vector<1000x96xf32>
    %add3A_68 = arith.addf %slice3A_66, %mul3A : vector<1000x96xf32>
    %tanh3A = math.tanh %add3A_68 : vector<1000x96xf32>
    %sub3A = arith.constant 1.000000e+00 : f32
    %sub3A_69 = vector.broadcast %sub3A : f32 to vector<1000x96xf32>
    %sub3A_70 = arith.subf %sub3A_69, %logistic3A_65 : vector<1000x96xf32>
    %mul3A_71 = arith.mulf %sub3A_70, %tanh3A : vector<1000x96xf32>
    %mul3A_72 = arith.mulf %logistic3A_65, %get3A_31 : vector<1000x96xf32>
    %add3A_73 = arith.addf %mul3A_71, %mul3A_72 : vector<1000x96xf32>
    %swap3A = arith.constant 0 : index
    %swap3A_74 = arith.constant 0 : index
    %swap3A_75 = vector.load %arg9[%swap3A, %swap3A_74] : memref<1000x96xf32, #tpu.memory_space<vmem>>, vector<1000x96xf32>
    tpu.vector_store %arg9[%swap3A, %swap3A_74], %add3A_73 {strides = array<i32>} : memref<1000x96xf32, #tpu.memory_space<vmem>>, vector<1000x96xf32>,
    %get3A_76 = arith.constant 0 : index
    %get3A_77 = arith.constant 0 : index
    %get3A_78 = arith.constant 0 : index
    %get3A_79 = vector.load %arg7[%get3A_76, %get3A_77, %get3A_78] : memref<3x96x96xf32, #tpu.memory_space<vmem>>, vector<1x96x96xf32>
    %get3A_80 = vector.shape_cast %get3A_79 : vector<1x96x96xf32> to vector<96x96xf32>
    %dot_general3A_81 = arith.constant dense<0.000000e+00> : vector<1000x96xf32>
    %dot_general3A_82 = tpu.matmul %add3A_73, %get3A_80, %dot_general3A_81 {dimension_numbers = #tpu.dot_dimension_numbers<[1], [1], [0], [0], [0, 0, 1, 0], [], []>, transpose_lhs_hint = false} : vector<1000x96xf32>, vector<96x96xf32>, vector<1000x96xf32> -> vector<1000x96xf32>
    %get3A_83 = arith.constant 0 : index
    %get3A_84 = arith.constant 0 : index
    %get3A_85 = arith.constant 0 : index
    %get3A_86 = vector.load %arg8[%get3A_83, %get3A_84, %get3A_85] : memref<3x1x96xf32, #tpu.memory_space<vmem>>, vector<1x1x96xf32>
    %get3A_87 = vector.shape_cast %get3A_86 : vector<1x1x96xf32> to vector<1x96xf32>
    %add3A_88 = vector.broadcast %get3A_87 : vector<1x96xf32> to vector<1000x96xf32>
    %add3A_89 = arith.addf %dot_general3A_82, %add3A_88 : vector<1000x96xf32>
    %swap3A_90 = arith.constant 0 : index
    %swap3A_91 = arith.constant 0 : index
    %swap3A_92 = arith.constant 0 : index
    %swap3A_93 = vector.load %arg10[%swap3A_90, %swap3A_91, %swap3A_92] : memref<3x1000x96xf32, #tpu.memory_space<vmem>>, vector<1x1000x96xf32>
    %swap3A_94 = vector.shape_cast %swap3A_93 : vector<1x1000x96xf32> to vector<1000x96xf32>
    %swap3A_95 = vector.shape_cast %add3A_89 : vector<1000x96xf32> to vector<1x1000x96xf32>
    tpu.vector_store %arg10[%swap3A_90, %swap3A_91, %swap3A_92], %swap3A_95 {strides = array<i32>} : memref<3x1000x96xf32, #tpu.memory_space<vmem>>, vector<1x1000x96xf32>,
    %get3A_96 = arith.constant 1 : index
    %get3A_97 = arith.constant 0 : index
    %get3A_98 = arith.constant 0 : index
    %get3A_99 = vector.load %arg7[%get3A_96, %get3A_97, %get3A_98] : memref<3x96x96xf32, #tpu.memory_space<vmem>>, vector<1x96x96xf32>
    %get3A_100 = vector.shape_cast %get3A_99 : vector<1x96x96xf32> to vector<96x96xf32>
    %dot_general3A_101 = arith.constant dense<0.000000e+00> : vector<1000x96xf32>
    %dot_general3A_102 = tpu.matmul %add3A_73, %get3A_100, %dot_general3A_101 {dimension_numbers = #tpu.dot_dimension_numbers<[1], [1], [0], [0], [0, 0, 1, 0], [], []>, transpose_lhs_hint = false} : vector<1000x96xf32>, vector<96x96xf32>, vector<1000x96xf32> -> vector<1000x96xf32>
    %get3A_103 = arith.constant 1 : index
    %get3A_104 = arith.constant 0 : index
    %get3A_105 = arith.constant 0 : index
    %get3A_106 = vector.load %arg8[%get3A_103, %get3A_104, %get3A_105] : memref<3x1x96xf32, #tpu.memory_space<vmem>>, vector<1x1x96xf32>
    %get3A_107 = vector.shape_cast %get3A_106 : vector<1x1x96xf32> to vector<1x96xf32>
    %add3A_108 = vector.broadcast %get3A_107 : vector<1x96xf32> to vector<1000x96xf32>
    %add3A_109 = arith.addf %dot_general3A_102, %add3A_108 : vector<1000x96xf32>
    %swap3A_110 = arith.constant 1 : index
    %swap3A_111 = arith.constant 0 : index
    %swap3A_112 = arith.constant 0 : index
    %swap3A_113 = vector.load %arg10[%swap3A_110, %swap3A_111, %swap3A_112] : memref<3x1000x96xf32, #tpu.memory_space<vmem>>, vector<1x1000x96xf32>
    %swap3A_114 = vector.shape_cast %swap3A_113 : vector<1x1000x96xf32> to vector<1000x96xf32>
    %swap3A_115 = vector.shape_cast %add3A_109 : vector<1000x96xf32> to vector<1x1000x96xf32>
    tpu.vector_store %arg10[%swap3A_110, %swap3A_111, %swap3A_112], %swap3A_115 {strides = array<i32>} : memref<3x1000x96xf32, #tpu.memory_space<vmem>>, vector<1x1000x96xf32>,
    %get3A_116 = arith.constant 2 : index
    %get3A_117 = arith.constant 0 : index
    %get3A_118 = arith.constant 0 : index
    %get3A_119 = vector.load %arg7[%get3A_116, %get3A_117, %get3A_118] : memref<3x96x96xf32, #tpu.memory_space<vmem>>, vector<1x96x96xf32>
    %get3A_120 = vector.shape_cast %get3A_119 : vector<1x96x96xf32> to vector<96x96xf32>
    %dot_general3A_121 = arith.constant dense<0.000000e+00> : vector<1000x96xf32>
    %dot_general3A_122 = tpu.matmul %add3A_73, %get3A_120, %dot_general3A_121 {dimension_numbers = #tpu.dot_dimension_numbers<[1], [1], [0], [0], [0, 0, 1, 0], [], []>, transpose_lhs_hint = false} : vector<1000x96xf32>, vector<96x96xf32>, vector<1000x96xf32> -> vector<1000x96xf32>
    %get3A_123 = arith.constant 2 : index
    %get3A_124 = arith.constant 0 : index
    %get3A_125 = arith.constant 0 : index
    %get3A_126 = vector.load %arg8[%get3A_123, %get3A_124, %get3A_125] : memref<3x1x96xf32, #tpu.memory_space<vmem>>, vector<1x1x96xf32>
    %get3A_127 = vector.shape_cast %get3A_126 : vector<1x1x96xf32> to vector<1x96xf32>
    %add3A_128 = vector.broadcast %get3A_127 : vector<1x96xf32> to vector<1000x96xf32>
    %add3A_129 = arith.addf %dot_general3A_122, %add3A_128 : vector<1000x96xf32>
    %swap3A_130 = arith.constant 2 : index
    %swap3A_131 = arith.constant 0 : index
    %swap3A_132 = arith.constant 0 : index
    %swap3A_133 = vector.load %arg10[%swap3A_130, %swap3A_131, %swap3A_132] : memref<3x1000x96xf32, #tpu.memory_space<vmem>>, vector<1x1000x96xf32>
    %swap3A_134 = vector.shape_cast %swap3A_133 : vector<1x1000x96xf32> to vector<1000x96xf32>
    %swap3A_135 = vector.shape_cast %add3A_129 : vector<1000x96xf32> to vector<1x1000x96xf32>
    tpu.vector_store %arg10[%swap3A_130, %swap3A_131, %swap3A_132], %swap3A_135 {strides = array<i32>} : memref<3x1000x96xf32, #tpu.memory_space<vmem>>, vector<1x1000x96xf32>,
    return
  }
  func.func @transform_0(%arg0: i32) -> (i32, i32, i32) {
    %c0_i32 = arith.constant 0 : i32
    %c0_i32_0 = arith.constant 0 : i32
    %c0_i32_1 = arith.constant 0 : i32
    return %c0_i32, %arg0, %c0_i32_0 : i32, i32, i32
  }
  func.func @transform_1(%arg0: i32) -> (i32, i32) {
    %c0_i32 = arith.constant 0 : i32
    %c0_i32_0 = arith.constant 0 : i32
    return %arg0, %c0_i32 : i32, i32
  }
  func.func @transform_2(%arg0: i32) -> (i32, i32) {
    %c0_i32 = arith.constant 0 : i32
    %c0_i32_0 = arith.constant 0 : i32
    %c0_i32_1 = arith.constant 0 : i32
    return %c0_i32, %c0_i32_0 : i32, i32
  }
  func.func @transform_3(%arg0: i32) -> (i32, i32) {
    %c0_i32 = arith.constant 0 : i32
    %c0_i32_0 = arith.constant 0 : i32
    %c0_i32_1 = arith.constant 0 : i32
    return %c0_i32, %c0_i32_0 : i32, i32
  }
  func.func @transform_4(%arg0: i32) -> (i32, i32) {
    %c0_i32 = arith.constant 0 : i32
    %c0_i32_0 = arith.constant 0 : i32
    %c0_i32_1 = arith.constant 0 : i32
    return %c0_i32, %c0_i32_0 : i32, i32
  }
  func.func @transform_5(%arg0: i32) -> (i32, i32) {
    %c0_i32 = arith.constant 0 : i32
    %c0_i32_0 = arith.constant 0 : i32
    %c0_i32_1 = arith.constant 0 : i32
    return %c0_i32, %c0_i32_0 : i32, i32
  }
  func.func @transform_6(%arg0: i32) -> (i32, i32, i32) {
    %c0_i32 = arith.constant 0 : i32
    %c0_i32_0 = arith.constant 0 : i32
    %c0_i32_1 = arith.constant 0 : i32
    %c0_i32_2 = arith.constant 0 : i32
    return %c0_i32, %c0_i32_0, %c0_i32_1 : i32, i32, i32
  }
  func.func @transform_7(%arg0: i32) -> (i32, i32, i32) {
    %c0_i32 = arith.constant 0 : i32
    %c0_i32_0 = arith.constant 0 : i32
    %c0_i32_1 = arith.constant 0 : i32
    %c0_i32_2 = arith.constant 0 : i32
    return %c0_i32, %c0_i32_0, %c0_i32_1 : i32, i32, i32
  }
  func.func @transform_8(%arg0: i32) -> (i32, i32) {
    %c0_i32 = arith.constant 0 : i32
    %c0_i32_0 = arith.constant 0 : i32
    return %arg0, %c0_i32 : i32, i32
  }
  func.func @transform_9(%arg0: i32) -> (i32, i32, i32) {
    %c0_i32 = arith.constant 0 : i32
    %c0_i32_0 = arith.constant 0 : i32
    %c0_i32_1 = arith.constant 0 : i32
    return %c0_i32, %arg0, %c0_i32_0 : i32, i32, i32
  }
}

module attributes {stable_mosaic.version = 14 : i64} {
  func.func @_gru_last_body(%arg0: i32, %arg1: memref<6x1000x16xf32, #tpu.memory_space<vmem>>, %arg2: memref<1000x96xf32, #tpu.memory_space<vmem>>, %arg3: memref<288x96xf32, #tpu.memory_space<vmem>>, %arg4: memref<288x96xf32, #tpu.memory_space<vmem>>, %arg5: memref<1x288xf32, #tpu.memory_space<vmem>>, %arg6: memref<1x288xf32, #tpu.memory_space<vmem>>, %arg7: memref<1000x96xf32, #tpu.memory_space<vmem>>) attributes {dimension_semantics = [#tpu.dimension_semantics<arbitrary>], iteration_bounds = array<i64: 50>, scalar_prefetch = 0 : i64, scratch_operands = 0 : i64, tpu.core_type = #tpu.core_type<tc>, window_params = [{transform_indices = @transform_0, window_bounds = array<i64: 6, 1000, 16>}, {transform_indices = @transform_1, window_bounds = array<i64: 1000, 96>}, {pipeline_mode = #tpu.pipeline_mode<synchronous>, transform_indices = @transform_2, window_bounds = array<i64: 288, 96>}, {pipeline_mode = #tpu.pipeline_mode<synchronous>, transform_indices = @transform_3, window_bounds = array<i64: 288, 96>}, {pipeline_mode = #tpu.pipeline_mode<synchronous>, transform_indices = @transform_4, window_bounds = array<i64: 1, 288>}, {pipeline_mode = #tpu.pipeline_mode<synchronous>, transform_indices = @transform_5, window_bounds = array<i64: 1, 288>}, {transform_indices = @transform_6, window_bounds = array<i64: 1000, 96>}]} {
    %get3A = arith.constant 0 : index
    %get3A_0 = arith.constant 0 : index
    %get3A_1 = arith.constant 0 : index
    %get3A_2 = vector.load %arg1[%get3A, %get3A_0, %get3A_1] : memref<6x1000x16xf32, #tpu.memory_space<vmem>>, vector<1x1000x16xf32>
    %get3A_3 = vector.shape_cast %get3A_2 : vector<1x1000x16xf32> to vector<1000x16xf32>
    %get3A_4 = arith.constant 1 : index
    %get3A_5 = arith.constant 0 : index
    %get3A_6 = arith.constant 0 : index
    %get3A_7 = vector.load %arg1[%get3A_4, %get3A_5, %get3A_6] : memref<6x1000x16xf32, #tpu.memory_space<vmem>>, vector<1x1000x16xf32>
    %get3A_8 = vector.shape_cast %get3A_7 : vector<1x1000x16xf32> to vector<1000x16xf32>
    %get3A_9 = arith.constant 2 : index
    %get3A_10 = arith.constant 0 : index
    %get3A_11 = arith.constant 0 : index
    %get3A_12 = vector.load %arg1[%get3A_9, %get3A_10, %get3A_11] : memref<6x1000x16xf32, #tpu.memory_space<vmem>>, vector<1x1000x16xf32>
    %get3A_13 = vector.shape_cast %get3A_12 : vector<1x1000x16xf32> to vector<1000x16xf32>
    %get3A_14 = arith.constant 3 : index
    %get3A_15 = arith.constant 0 : index
    %get3A_16 = arith.constant 0 : index
    %get3A_17 = vector.load %arg1[%get3A_14, %get3A_15, %get3A_16] : memref<6x1000x16xf32, #tpu.memory_space<vmem>>, vector<1x1000x16xf32>
    %get3A_18 = vector.shape_cast %get3A_17 : vector<1x1000x16xf32> to vector<1000x16xf32>
    %get3A_19 = arith.constant 4 : index
    %get3A_20 = arith.constant 0 : index
    %get3A_21 = arith.constant 0 : index
    %get3A_22 = vector.load %arg1[%get3A_19, %get3A_20, %get3A_21] : memref<6x1000x16xf32, #tpu.memory_space<vmem>>, vector<1x1000x16xf32>
    %get3A_23 = vector.shape_cast %get3A_22 : vector<1x1000x16xf32> to vector<1000x16xf32>
    %get3A_24 = arith.constant 5 : index
    %get3A_25 = arith.constant 0 : index
    %get3A_26 = arith.constant 0 : index
    %get3A_27 = vector.load %arg1[%get3A_24, %get3A_25, %get3A_26] : memref<6x1000x16xf32, #tpu.memory_space<vmem>>, vector<1x1000x16xf32>
    %get3A_28 = vector.shape_cast %get3A_27 : vector<1x1000x16xf32> to vector<1000x16xf32>
    %concatenate3A = tpu.concatenate %get3A_3, %get3A_8, %get3A_13, %get3A_18, %get3A_23, %get3A_28 in 1 : vector<1000x16xf32>, vector<1000x16xf32>, vector<1000x16xf32>, vector<1000x16xf32>, vector<1000x16xf32>, vector<1000x16xf32> -> vector<1000x96xf32>
    %get3A_29 = arith.constant 0 : index
    %get3A_30 = arith.constant 0 : index
    %get3A_31 = vector.load %arg2[%get3A_29, %get3A_30] : memref<1000x96xf32, #tpu.memory_space<vmem>>, vector<1000x96xf32>
    %get3A_32 = arith.constant 0 : index
    %get3A_33 = arith.constant 0 : index
    %get3A_34 = vector.load %arg3[%get3A_32, %get3A_33] : memref<288x96xf32, #tpu.memory_space<vmem>>, vector<288x96xf32>
    %dot_general3A = arith.constant dense<0.000000e+00> : vector<1000x288xf32>
    %dot_general3A_35 = tpu.matmul %concatenate3A, %get3A_34, %dot_general3A {dimension_numbers = #tpu.dot_dimension_numbers<[1], [1], [0], [0], [0, 0, 1, 0], [], []>, transpose_lhs_hint = false} : vector<1000x96xf32>, vector<288x96xf32>, vector<1000x288xf32> -> vector<1000x288xf32>
    %get3A_36 = arith.constant 0 : index
    %get3A_37 = arith.constant 0 : index
    %get3A_38 = vector.load %arg5[%get3A_36, %get3A_37] : memref<1x288xf32, #tpu.memory_space<vmem>>, vector<1x288xf32>
    %add3A = vector.broadcast %get3A_38 : vector<1x288xf32> to vector<1000x288xf32>
    %add3A_39 = arith.addf %dot_general3A_35, %add3A : vector<1000x288xf32>
    %get3A_40 = arith.constant 0 : index
    %get3A_41 = arith.constant 0 : index
    %get3A_42 = vector.load %arg4[%get3A_40, %get3A_41] : memref<288x96xf32, #tpu.memory_space<vmem>>, vector<288x96xf32>
    %dot_general3A_43 = arith.constant dense<0.000000e+00> : vector<1000x288xf32>
    %dot_general3A_44 = tpu.matmul %get3A_31, %get3A_42, %dot_general3A_43 {dimension_numbers = #tpu.dot_dimension_numbers<[1], [1], [0], [0], [0, 0, 1, 0], [], []>, transpose_lhs_hint = false} : vector<1000x96xf32>, vector<288x96xf32>, vector<1000x288xf32> -> vector<1000x288xf32>
    %get3A_45 = arith.constant 0 : index
    %get3A_46 = arith.constant 0 : index
    %get3A_47 = vector.load %arg6[%get3A_45, %get3A_46] : memref<1x288xf32, #tpu.memory_space<vmem>>, vector<1x288xf32>
    %add3A_48 = vector.broadcast %get3A_47 : vector<1x288xf32> to vector<1000x288xf32>
    %add3A_49 = arith.addf %dot_general3A_44, %add3A_48 : vector<1000x288xf32>
    %slice3A = vector.extract_strided_slice %add3A_39 {offsets = [0, 0], sizes = [1000, 96], strides = [1, 1]} : vector<1000x288xf32> to vector<1000x96xf32>
    %slice3A_50 = vector.extract_strided_slice %add3A_49 {offsets = [0, 0], sizes = [1000, 96], strides = [1, 1]} : vector<1000x288xf32> to vector<1000x96xf32>
    %add3A_51 = arith.addf %slice3A, %slice3A_50 : vector<1000x96xf32>
    %logistic3A = arith.negf %add3A_51 : vector<1000x96xf32>
    %logistic3A_52 = math.exp %logistic3A : vector<1000x96xf32>
    %logistic3A_53 = arith.constant 1.000000e+00 : f32
    %logistic3A_54 = vector.broadcast %logistic3A_53 : f32 to vector<1000x96xf32>
    %logistic3A_55 = arith.addf %logistic3A_54, %logistic3A_52 : vector<1000x96xf32>
    %logistic3A_56 = arith.divf %logistic3A_54, %logistic3A_55 : vector<1000x96xf32>
    %slice3A_57 = vector.extract_strided_slice %add3A_39 {offsets = [0, 96], sizes = [1000, 96], strides = [1, 1]} : vector<1000x288xf32> to vector<1000x96xf32>
    %slice3A_58 = vector.extract_strided_slice %add3A_49 {offsets = [0, 96], sizes = [1000, 96], strides = [1, 1]} : vector<1000x288xf32> to vector<1000x96xf32>
    %add3A_59 = arith.addf %slice3A_57, %slice3A_58 : vector<1000x96xf32>
    %logistic3A_60 = arith.negf %add3A_59 : vector<1000x96xf32>
    %logistic3A_61 = math.exp %logistic3A_60 : vector<1000x96xf32>
    %logistic3A_62 = arith.constant 1.000000e+00 : f32
    %logistic3A_63 = vector.broadcast %logistic3A_62 : f32 to vector<1000x96xf32>
    %logistic3A_64 = arith.addf %logistic3A_63, %logistic3A_61 : vector<1000x96xf32>
    %logistic3A_65 = arith.divf %logistic3A_63, %logistic3A_64 : vector<1000x96xf32>
    %slice3A_66 = vector.extract_strided_slice %add3A_39 {offsets = [0, 192], sizes = [1000, 96], strides = [1, 1]} : vector<1000x288xf32> to vector<1000x96xf32>
    %slice3A_67 = vector.extract_strided_slice %add3A_49 {offsets = [0, 192], sizes = [1000, 96], strides = [1, 1]} : vector<1000x288xf32> to vector<1000x96xf32>
    %mul3A = arith.mulf %logistic3A_56, %slice3A_67 : vector<1000x96xf32>
    %add3A_68 = arith.addf %slice3A_66, %mul3A : vector<1000x96xf32>
    %tanh3A = math.tanh %add3A_68 : vector<1000x96xf32>
    %sub3A = arith.constant 1.000000e+00 : f32
    %sub3A_69 = vector.broadcast %sub3A : f32 to vector<1000x96xf32>
    %sub3A_70 = arith.subf %sub3A_69, %logistic3A_65 : vector<1000x96xf32>
    %mul3A_71 = arith.mulf %sub3A_70, %tanh3A : vector<1000x96xf32>
    %mul3A_72 = arith.mulf %logistic3A_65, %get3A_31 : vector<1000x96xf32>
    %add3A_73 = arith.addf %mul3A_71, %mul3A_72 : vector<1000x96xf32>
    %swap3A = arith.constant 0 : index
    %swap3A_74 = arith.constant 0 : index
    %swap3A_75 = vector.load %arg7[%swap3A, %swap3A_74] : memref<1000x96xf32, #tpu.memory_space<vmem>>, vector<1000x96xf32>
    tpu.vector_store %arg7[%swap3A, %swap3A_74], %add3A_73 {strides = array<i32>} : memref<1000x96xf32, #tpu.memory_space<vmem>>, vector<1000x96xf32>,
    return
  }
  func.func @transform_0(%arg0: i32) -> (i32, i32, i32) {
    %c0_i32 = arith.constant 0 : i32
    %c0_i32_0 = arith.constant 0 : i32
    %c0_i32_1 = arith.constant 0 : i32
    return %c0_i32, %arg0, %c0_i32_0 : i32, i32, i32
  }
  func.func @transform_1(%arg0: i32) -> (i32, i32) {
    %c0_i32 = arith.constant 0 : i32
    %c0_i32_0 = arith.constant 0 : i32
    return %arg0, %c0_i32 : i32, i32
  }
  func.func @transform_2(%arg0: i32) -> (i32, i32) {
    %c0_i32 = arith.constant 0 : i32
    %c0_i32_0 = arith.constant 0 : i32
    %c0_i32_1 = arith.constant 0 : i32
    return %c0_i32, %c0_i32_0 : i32, i32
  }
  func.func @transform_3(%arg0: i32) -> (i32, i32) {
    %c0_i32 = arith.constant 0 : i32
    %c0_i32_0 = arith.constant 0 : i32
    %c0_i32_1 = arith.constant 0 : i32
    return %c0_i32, %c0_i32_0 : i32, i32
  }
  func.func @transform_4(%arg0: i32) -> (i32, i32) {
    %c0_i32 = arith.constant 0 : i32
    %c0_i32_0 = arith.constant 0 : i32
    %c0_i32_1 = arith.constant 0 : i32
    return %c0_i32, %c0_i32_0 : i32, i32
  }
  func.func @transform_5(%arg0: i32) -> (i32, i32) {
    %c0_i32 = arith.constant 0 : i32
    %c0_i32_0 = arith.constant 0 : i32
    %c0_i32_1 = arith.constant 0 : i32
    return %c0_i32, %c0_i32_0 : i32, i32
  }
  func.func @transform_6(%arg0: i32) -> (i32, i32) {
    %c0_i32 = arith.constant 0 : i32
    %c0_i32_0 = arith.constant 0 : i32
    return %arg0, %c0_i32 : i32, i32
  }
}

module attributes {stable_mosaic.version = 14 : i64} {
  func.func @_pool_body(%arg0: i32, %arg1: memref<1000x96xf32, #tpu.memory_space<vmem>>, %arg2: memref<1x1x1000xi32, #tpu.memory_space<vmem>>, %arg3: memref<128x96xf32, #tpu.memory_space<vmem>>, %arg4: memref<1x128xf32, #tpu.memory_space<vmem>>, %arg5: memref<1x128xf32, #tpu.memory_space<vmem>>, %arg6: memref<1x1xf32, #tpu.memory_space<vmem>>, %arg7: memref<1x64xf32, #tpu.memory_space<vmem>>, %arg8: memref<64x96xf32, #tpu.memory_space<vmem>>, %arg9: memref<64x128xf32, #tpu.memory_space<vmem>>) attributes {dimension_semantics = [#tpu.dimension_semantics<arbitrary>], iteration_bounds = array<i64: 50>, scalar_prefetch = 0 : i64, scratch_operands = 2 : i64, tpu.core_type = #tpu.core_type<tc>, window_params = [{transform_indices = @transform_0, window_bounds = array<i64: 1000, 96>}, {transform_indices = @transform_1, window_bounds = array<i64: 1, 1, 1000>}, {pipeline_mode = #tpu.pipeline_mode<synchronous>, transform_indices = @transform_2, window_bounds = array<i64: 128, 96>}, {pipeline_mode = #tpu.pipeline_mode<synchronous>, transform_indices = @transform_3, window_bounds = array<i64: 1, 128>}, {pipeline_mode = #tpu.pipeline_mode<synchronous>, transform_indices = @transform_4, window_bounds = array<i64: 1, 128>}, {pipeline_mode = #tpu.pipeline_mode<synchronous>, transform_indices = @transform_5, window_bounds = array<i64: 1, 1>}, {pipeline_mode = #tpu.pipeline_mode<synchronous>, transform_indices = @transform_6, window_bounds = array<i64: 1, 64>}]} {
    %eq3A = arith.constant 0 : i32
    %eq3A_0 = arith.cmpi eq, %arg0, %eq3A : i32
    %convert_element_type3A = arith.extui %eq3A_0 : i1 to i32
    %cond3A = arith.constant 0 : i32
    %cond3A_1 = arith.cmpi ne, %convert_element_type3A, %cond3A : i32
    scf.if %cond3A_1 {
      %broadcast_in_dim3A_34 = arith.constant 0.000000e+00 : f32
      %broadcast_in_dim3A_35 = vector.broadcast %broadcast_in_dim3A_34 : f32 to vector<64x96xf32>
      %swap3A_36 = arith.constant 0 : index
      %swap3A_37 = arith.constant 0 : index
      %swap3A_38 = vector.load %arg8[%swap3A_36, %swap3A_37] : memref<64x96xf32, #tpu.memory_space<vmem>>, vector<64x96xf32>
      tpu.vector_store %arg8[%swap3A_36, %swap3A_37], %broadcast_in_dim3A_35 {strides = array<i32>} : memref<64x96xf32, #tpu.memory_space<vmem>>, vector<64x96xf32>,
      %broadcast_in_dim3A_39 = arith.constant 0.000000e+00 : f32
      %broadcast_in_dim3A_40 = vector.broadcast %broadcast_in_dim3A_39 : f32 to vector<64x128xf32>
      %swap3A_41 = arith.constant 0 : index
      %swap3A_42 = arith.constant 0 : index
      %swap3A_43 = vector.load %arg9[%swap3A_41, %swap3A_42] : memref<64x128xf32, #tpu.memory_space<vmem>>, vector<64x128xf32>
      tpu.vector_store %arg9[%swap3A_41, %swap3A_42], %broadcast_in_dim3A_40 {strides = array<i32>} : memref<64x128xf32, #tpu.memory_space<vmem>>, vector<64x128xf32>,
    } else {
    }
    %get3A = arith.constant 0 : index
    %get3A_2 = arith.constant 0 : index
    %get3A_3 = arith.constant 0 : index
    %get3A_4 = vector.load %arg2[%get3A, %get3A_2, %get3A_3] : memref<1x1x1000xi32, #tpu.memory_space<vmem>>, vector<1x1x1000xi32>
    %get3A_5 = vector.shape_cast %get3A_4 : vector<1x1x1000xi32> to vector<1x1000xi32>
    %iota3A = tpu.iota {dimensions = array<i32: 0>} : vector<64x1000xi32>
    %eq3A_6 = vector.broadcast %get3A_5 : vector<1x1000xi32> to vector<64x1000xi32>
    %eq3A_7 = arith.cmpi eq, %iota3A, %eq3A_6 : vector<64x1000xi32>
    %convert_element_type3A_8 = arith.extui %eq3A_7 : vector<64x1000xi1> to vector<64x1000xi32>
    %convert_element_type3A_9 = arith.sitofp %convert_element_type3A_8 : vector<64x1000xi32> to vector<64x1000xf32>
    %get3A_10 = arith.constant 0 : index
    %get3A_11 = arith.constant 0 : index
    %get3A_12 = vector.load %arg8[%get3A_10, %get3A_11] : memref<64x96xf32, #tpu.memory_space<vmem>>, vector<64x96xf32>
    %get3A_13 = arith.constant 0 : index
    %get3A_14 = arith.constant 0 : index
    %get3A_15 = vector.load %arg1[%get3A_13, %get3A_14] : memref<1000x96xf32, #tpu.memory_space<vmem>>, vector<1000x96xf32>
    %dot_general3A = arith.constant dense<0.000000e+00> : vector<64x96xf32>
    %dot_general3A_16 = tpu.matmul %convert_element_type3A_9, %get3A_15, %dot_general3A {dimension_numbers = #tpu.dot_dimension_numbers<[1], [0], [0], [1], [0, 0, 1, 1], [], []>, transpose_lhs_hint = false} : vector<64x1000xf32>, vector<1000x96xf32>, vector<64x96xf32> -> vector<64x96xf32>
    %add3A = arith.addf %get3A_12, %dot_general3A_16 : vector<64x96xf32>
    %swap3A = arith.constant 0 : index
    %swap3A_17 = arith.constant 0 : index
    %swap3A_18 = vector.load %arg8[%swap3A, %swap3A_17] : memref<64x96xf32, #tpu.memory_space<vmem>>, vector<64x96xf32>
    tpu.vector_store %arg8[%swap3A, %swap3A_17], %add3A {strides = array<i32>} : memref<64x96xf32, #tpu.memory_space<vmem>>, vector<64x96xf32>,
    %get3A_19 = arith.constant 0 : index
    %get3A_20 = arith.constant 0 : index
    %get3A_21 = vector.load %arg9[%get3A_19, %get3A_20] : memref<64x128xf32, #tpu.memory_space<vmem>>, vector<64x128xf32>
    %reduce_sum3A = arith.constant dense<0.000000e+00> : vector<64xf32>
    %reduce_sum3A_22 = vector.multi_reduction <add>, %convert_element_type3A_9, %reduce_sum3A [1] : vector<64x1000xf32> to vector<64xf32>
    %broadcast_in_dim3A = vector.shape_cast %reduce_sum3A_22 : vector<64xf32> to vector<64x1xf32>
    %broadcast_in_dim3A_23 = vector.shape_cast %broadcast_in_dim3A : vector<64x1xf32> to vector<64x1xf32>
    %broadcast_in_dim3A_24 = vector.broadcast %broadcast_in_dim3A_23 : vector<64x1xf32> to vector<64x128xf32>
    %add3A_25 = arith.addf %get3A_21, %broadcast_in_dim3A_24 : vector<64x128xf32>
    %swap3A_26 = arith.constant 0 : index
    %swap3A_27 = arith.constant 0 : index
    %swap3A_28 = vector.load %arg9[%swap3A_26, %swap3A_27] : memref<64x128xf32, #tpu.memory_space<vmem>>, vector<64x128xf32>
    tpu.vector_store %arg9[%swap3A_26, %swap3A_27], %add3A_25 {strides = array<i32>} : memref<64x128xf32, #tpu.memory_space<vmem>>, vector<64x128xf32>,
    %eq3A_29 = arith.constant 49 : i32
    %eq3A_30 = arith.cmpi eq, %arg0, %eq3A_29 : i32
    %convert_element_type3A_31 = arith.extui %eq3A_30 : i1 to i32
    %cond3A_32 = arith.constant 0 : i32
    %cond3A_33 = arith.cmpi ne, %convert_element_type3A_31, %cond3A_32 : i32
    scf.if %cond3A_33 {
      %get3A_34 = arith.constant 0 : index
      %get3A_35 = arith.constant 0 : index
      %get3A_36 = vector.load %arg8[%get3A_34, %get3A_35] : memref<64x96xf32, #tpu.memory_space<vmem>>, vector<64x96xf32>
      %get3A_37 = arith.constant 0 : index
      %get3A_38 = arith.constant 0 : index
      %get3A_39 = vector.load %arg9[%get3A_37, %get3A_38] : memref<64x128xf32, #tpu.memory_space<vmem>>, vector<64x128xf32>
      %slice3A = vector.extract_strided_slice %get3A_39 {offsets = [0, 0], sizes = [64, 96], strides = [1, 1]} : vector<64x128xf32> to vector<64x96xf32>
      %max3A = arith.constant 1.000000e+00 : f32
      %max3A_40 = vector.broadcast %max3A : f32 to vector<64x96xf32>
      %max3A_41 = arith.maximumf %slice3A, %max3A_40 : vector<64x96xf32>
      %div3A = arith.divf %get3A_36, %max3A_41 : vector<64x96xf32>
      %get3A_42 = arith.constant 0 : index
      %get3A_43 = arith.constant 0 : index
      %get3A_44 = vector.load %arg3[%get3A_42, %get3A_43] : memref<128x96xf32, #tpu.memory_space<vmem>>, vector<128x96xf32>
      %dot_general3A_45 = arith.constant dense<0.000000e+00> : vector<64x128xf32>
      %dot_general3A_46 = tpu.matmul %div3A, %get3A_44, %dot_general3A_45 {dimension_numbers = #tpu.dot_dimension_numbers<[1], [1], [0], [0], [0, 0, 1, 0], [], []>, transpose_lhs_hint = false} : vector<64x96xf32>, vector<128x96xf32>, vector<64x128xf32> -> vector<64x128xf32>
      %get3A_47 = arith.constant 0 : index
      %get3A_48 = arith.constant 0 : index
      %get3A_49 = vector.load %arg4[%get3A_47, %get3A_48] : memref<1x128xf32, #tpu.memory_space<vmem>>, vector<1x128xf32>
      %add3A_50 = vector.broadcast %get3A_49 : vector<1x128xf32> to vector<64x128xf32>
      %add3A_51 = arith.addf %dot_general3A_46, %add3A_50 : vector<64x128xf32>
      %max3A_52 = arith.constant 0.000000e+00 : f32
      %max3A_53 = vector.broadcast %max3A_52 : f32 to vector<64x128xf32>
      %max3A_54 = arith.maximumf %add3A_51, %max3A_53 : vector<64x128xf32>
      %get3A_55 = arith.constant 0 : index
      %get3A_56 = arith.constant 0 : index
      %get3A_57 = vector.load %arg5[%get3A_55, %get3A_56] : memref<1x128xf32, #tpu.memory_space<vmem>>, vector<1x128xf32>
      %dot_general3A_58 = arith.constant dense<0.000000e+00> : vector<64x1xf32>
      %dot_general3A_59 = tpu.matmul %max3A_54, %get3A_57, %dot_general3A_58 {dimension_numbers = #tpu.dot_dimension_numbers<[1], [1], [0], [0], [0, 0, 1, 0], [], []>, transpose_lhs_hint = false} : vector<64x128xf32>, vector<1x128xf32>, vector<64x1xf32> -> vector<64x1xf32>
      %reshape3A = vector.shape_cast %dot_general3A_59 : vector<64x1xf32> to vector<1x64xf32>
      %get3A_60 = arith.constant 0 : index
      %get3A_61 = arith.constant 0 : index
      %get3A_62 = vector.load %arg6[%get3A_60, %get3A_61] : memref<1x1xf32, #tpu.memory_space<vmem>>, vector<1x1xf32>
      %add3A_63 = vector.broadcast %get3A_62 : vector<1x1xf32> to vector<1x64xf32>
      %add3A_64 = arith.addf %reshape3A, %add3A_63 : vector<1x64xf32>
      %swap3A_65 = arith.constant 0 : index
      %swap3A_66 = arith.constant 0 : index
      %swap3A_67 = vector.load %arg7[%swap3A_65, %swap3A_66] : memref<1x64xf32, #tpu.memory_space<vmem>>, vector<1x64xf32>
      tpu.vector_store %arg7[%swap3A_65, %swap3A_66], %add3A_64 {strides = array<i32>} : memref<1x64xf32, #tpu.memory_space<vmem>>, vector<1x64xf32>,
    } else {
    }
    return
  }
  func.func @transform_0(%arg0: i32) -> (i32, i32) {
    %c0_i32 = arith.constant 0 : i32
    %c0_i32_0 = arith.constant 0 : i32
    return %arg0, %c0_i32 : i32, i32
  }
  func.func @transform_1(%arg0: i32) -> (i32, i32, i32) {
    %c0_i32 = arith.constant 0 : i32
    %c0_i32_0 = arith.constant 0 : i32
    %c0_i32_1 = arith.constant 0 : i32
    return %arg0, %c0_i32, %c0_i32_0 : i32, i32, i32
  }
  func.func @transform_2(%arg0: i32) -> (i32, i32) {
    %c0_i32 = arith.constant 0 : i32
    %c0_i32_0 = arith.constant 0 : i32
    %c0_i32_1 = arith.constant 0 : i32
    return %c0_i32, %c0_i32_0 : i32, i32
  }
  func.func @transform_3(%arg0: i32) -> (i32, i32) {
    %c0_i32 = arith.constant 0 : i32
    %c0_i32_0 = arith.constant 0 : i32
    %c0_i32_1 = arith.constant 0 : i32
    return %c0_i32, %c0_i32_0 : i32, i32
  }
  func.func @transform_4(%arg0: i32) -> (i32, i32) {
    %c0_i32 = arith.constant 0 : i32
    %c0_i32_0 = arith.constant 0 : i32
    %c0_i32_1 = arith.constant 0 : i32
    return %c0_i32, %c0_i32_0 : i32, i32
  }
  func.func @transform_5(%arg0: i32) -> (i32, i32) {
    %c0_i32 = arith.constant 0 : i32
    %c0_i32_0 = arith.constant 0 : i32
    %c0_i32_1 = arith.constant 0 : i32
    return %c0_i32, %c0_i32_0 : i32, i32
  }
  func.func @transform_6(%arg0: i32) -> (i32, i32) {
    %c0_i32 = arith.constant 0 : i32
    %c0_i32_0 = arith.constant 0 : i32
    %c0_i32_1 = arith.constant 0 : i32
    return %c0_i32, %c0_i32_0 : i32, i32
  }
}

</mosaic_0001>

<sc_bundles>
// kernel: kernel.12.cloned.1.call-start
scs
__scs_entry_jumppad:
0x0: {  	(pc) =	sbr.rel $0x88, $3  }
0x1: {  	(tag) =	ssettag $0x0;
	lr =	simm.s32 $0x1  }
0x2: {  	[smem:$0x3F8F] =	sst lr;
	_ =	strace $0xD0000000  }
0x3: {  	_ = 	snop  }
0x4: {  	_ = 	snop  }
0x5: {  	_ = 	snop  }
0x6: {  	_ = 	snop  }
0x7: {  	_ = 	snop  }
__scs_overlays_trampoline_lowered:
0x8: {  	[smem:$0x3F9E] =	sst s0  }
0x9: {  	[smem:$0x3F9F] =	sst s1  }
0xa: {  	[smem:$0x3FA0] =	sst s2  }
0xb: {  	[smem:$0x3FA1] =	sst s3  }
0xc: {  	[smem:$0x3FA2] =	sst s4  }
0xd: {  	[smem:$0x3FA3] =	sst s5  }
0xe: {  	[smem:$0x3FA4] =	sst s6  }
0xf: {  	[smem:$0x3FA5] =	sst s7  }
0x10: {  	[smem:$0x3FA6] =	sst s8  }
0x11: {  	[smem:$0x3FA7] =	sst s9;
	s0 =	simm.s32 @!p0 $0x0  }
0x12: {  	s1 =	sld [smem:$0x3F8D];
	s0 =	simm.s32 @p0 $0x1  }
0x13: {  	[smem:$0x3FA8] =	sst s0;
	s0 =	simm.s32 @!p1 $0x0  }
0x14: {  	s2 =	sld [smem:$0x3F8C];
	s0 =	simm.s32 @p1 $0x1  }
0x15: {  	[smem:$0x3FA9] =	sst s0;
	s0 =	simm.s32 @!p2 $0x0  }
0x16: {  	s3 =	sld [smem:$0x3FDB];
	s0 =	simm.s32 @p2 $0x1  }
0x17: {  	s4 =	simm.s32 $0x1BF5;
	[smem:$0x3FAB] =	sst s0  }
0x18: {  	s0 =	sld [smem:$0x3F8E];
	_ =	swait.ge [sflag:s4], $0x0  }
0x19: {  	s7 =	sld [smem:$0x3F8F]  }
0x1a: {  	s8 =	sadd.s32 $0xFFFFE003, lr  }
0x1b: {  	s9 =	sadd.s32 $0xFFFFFEF7, lr;
	s5 =	simm.s32 $0xFFFFFFFF;
	p2 =	slt.u32 s8, $0xFFFFF086  }
0x1c: {  	p1 =	slt.u32 s9, $0xF7A;
	s5 =	simm.s32 @!p2 $0x0  }
0x1d: {  	s5 =	simm.s32 @p1 $0x1;
	p0 =	seq.s32 s7, s2  }
0x1e: {  	s7 =	smul.u32 @!p0 $0xF7A, s2;
	p2 =	seq.s32 @!p0 s5, $0x0  }
0x1f: {  	s9 =	smul.u32 $0xF7A, s1;
	s8 =	simm.s32 @!p0 $0x1BF5;
	p2 =	por !p2, p0  }
0x20: {  	[sflag:s8] =	ssyncset.s32 @!p0 $0xFFFFF086;
	s6 =	sadd.s32 @!p0 s3, s7;
	s7 =	simm.s32 @!p0 $0x108  }
0x21: {  	s3 =	sadd.s32 s3, s9;
	s6 =	sadd.s32 @!p0 $0x88, s6;
	s7 =	simm.s32 @p2 $0x1082  }
0x22: {  	[simem:s7], [sflag:s8] =	dma.local @!p0 [hbm:s6], $0xF7A  }
0x23: {  	s9 =	sor.u32 $0xD0000000, s2;
	s6 =	simm.s32 $0x108;
	_ =	swait.ge @!p0 [sflag:s8], $0x0  }
0x24: {  	s3 =	sadd.s32 $0x88, s3;
	s6 =	simm.s32 @!p1 $0x1082;
	[sflag:s4] =	ssyncset.s32 $0xFFFFF086  }
0x25: {  	[simem:s6], [sflag:s4] =	dma.local [hbm:s3], $0xF7A  }
0x26: {  	[smem:$0x3F8F] =	sst s1;
	(tag) =	ssettag s2;
	_ =	strace s9  }
0x27: {  	s1 =	sld [smem:$0x3F9F]  }
0x28: {  	s2 =	sld [smem:$0x3FA0]  }
0x29: {  	s4 =	sld [smem:$0x3FA2]  }
0x2a: {  	p0 =	seq.s32 s5, $0x0;
	s5 =	sld [smem:$0x3FA3]  }
0x2b: {  	s6 =	sld [smem:$0x3FA4]  }
0x2c: {  	s7 =	sld [smem:$0x3FA5]  }
0x2d: {  	s3 =	simm.s32 $0x108;
	s8 =	sld [smem:$0x3FA6]  }
0x2e: {  	s3 =	simm.s32 @!p0 $0x1082;
	s9 =	sld [smem:$0x3FA7]  }
0x2f: {  	lr =	sadd.s32 s0, s3;
	s0 =	sld [smem:$0x3F9E]  }
0x30: {  	s3 =	sld [smem:$0x3FA1]  }
0x31: {  	[smem:$0x3FAA] =	sst s10  }
0x32: {  	s10 =	sld [smem:$0x3FA8];
	_ =	sdelay $0x3  }
0x33: {  	p0 =	seq.s32 s10, $0x1;
	s10 =	sld [smem:$0x3FAA];
	_ =	sdelay $0x3  }
0x34: {  	[smem:$0x3FAA] =	sst s10  }
0x35: {  	s10 =	sld [smem:$0x3FA9];
	_ =	sdelay $0x3  }
0x36: {  	p1 =	seq.s32 s10, $0x1;
	s10 =	sld [smem:$0x3FAA];
	_ =	sdelay $0x3  }
0x37: {  	[smem:$0x3FAA] =	sst s10  }
0x38: {  	s10 =	sld [smem:$0x3FAB]  }
0x39: {  	_ = 	snop;
	(pc) =	sbr.ind lr, $3  }
0x3a: {  	_ = 	snop  }
0x3b: {  	_ = 	snop  }
0x3c: {  	p2 =	seq.s32 s10, $0x1;
	s10 =	sld [smem:$0x3FAA]  }
0x3d: {  	_ =	shalt  }
0x3e: {  	_ =	shalt  }
0x3f: {  	_ =	shalt  }
0x40: {  	_ =	shalt  }
0x41: {  	_ =	shalt  }
0x42: {  	_ =	shalt  }
0x43: {  	_ =	shalt  }
0x44: {  	_ =	shalt  }
0x45: {  	_ =	shalt  }
0x46: {  	_ =	shalt  }
0x47: {  	_ =	shalt  }
0x48: {  	_ =	shalt  }
0x49: {  	_ =	shalt  }
0x4a: {  	_ =	shalt  }
0x4b: {  	_ =	shalt  }
0x4c: {  	_ =	shalt  }
0x4d: {  	_ =	shalt  }
0x4e: {  	_ =	shalt  }
0x4f: {  	_ =	shalt  }
0x50: {  	_ =	shalt  }
0x51: {  	_ =	shalt  }
0x52: {  	_ =	shalt  }
0x53: {  	_ =	shalt  }
0x54: {  	_ =	shalt  }
0x55: {  	_ =	shalt  }
0x56: {  	_ =	shalt  }
0x57: {  	_ =	shalt  }
0x58: {  	_ =	shalt  }
0x59: {  	_ =	shalt  }
0x5a: {  	_ =	shalt  }
0x5b: {  	_ =	shalt  }
0x5c: {  	_ =	shalt  }
0x5d: {  	_ =	shalt  }
0x5e: {  	_ =	shalt  }
0x5f: {  	_ =	shalt  }
0x60: {  	_ =	shalt  }
0x61: {  	_ =	shalt  }
0x62: {  	_ =	shalt  }
0x63: {  	_ =	shalt  }
0x64: {  	_ =	shalt  }
0x65: {  	_ =	shalt  }
0x66: {  	_ =	shalt  }
0x67: {  	_ =	shalt  }
0x68: {  	_ =	shalt  }
0x69: {  	_ =	shalt  }
0x6a: {  	_ =	shalt  }
0x6b: {  	_ =	shalt  }
0x6c: {  	_ =	shalt  }
0x6d: {  	_ =	shalt  }
0x6e: {  	_ =	shalt  }
0x6f: {  	_ =	shalt  }
0x70: {  	_ =	shalt  }
0x71: {  	_ =	shalt  }
0x72: {  	_ =	shalt  }
0x73: {  	_ =	shalt  }
0x74: {  	_ =	shalt  }
0x75: {  	_ =	shalt  }
0x76: {  	_ =	shalt  }
0x77: {  	_ =	shalt  }
0x78: {  	_ =	shalt  }
0x79: {  	_ =	shalt  }
0x7a: {  	_ =	shalt  }
0x7b: {  	_ =	shalt  }
0x7c: {  	_ =	shalt  }
0x7d: {  	_ =	shalt  }
0x7e: {  	_ =	shalt  }
0x7f: {  	_ =	shalt  }
0x80: {  	_ =	shalt  }
0x81: {  	_ =	shalt  }
0x82: {  	_ =	shalt  }
0x83: {  	_ =	shalt  }
0x84: {  	_ =	shalt  }
0x85: {  	_ =	shalt  }
0x86: {  	_ =	shalt  }
0x87: {  	_ =	shalt  }
.Lfunc_end0:
.L_simem_size_0:
called_computation_lowered:
.L_overlay_start_0:
0x88: {  	s2 =	sld [smem:$0x3FD9]  }
0x89: {  	s3 =	sld [smem:$0x3FFE];
	_ =	sdelay $0x1  }
0x8a: {  	s1 =	srdreg.scid  }
0x8b: {  	s0 =	sand.u32 $0x1, s1  }
0x8c: {  	s16 =	sshll.u32 s0, $0xA;
	s2 =	sadd.s32 s3, s2  }
0x8d: {  	s2 =	sadd.s32 s2, s16  }
0x8e: {  	[smem:$0x3FB6] =	sst s2  }
0x8f: {  	_ = 	snop  }
0x90: {  	(tm) =	ssettm $0x1  }
0x91: {  	s17 =	sld [smem:$0x3FFB];
	_ =	sdelay $0x3  }
0x92: {  	_ =	strace s17  }
0x93: {  	s2 =	sld [smem:$0x3FFC];
	_ =	sdelay $0x3  }
0x94: {  	_ =	strace s2  }
0x95: {  	s2 =	sld [smem:$0x3FFD];
	_ =	sdelay $0x3  }
0x96: {  	_ =	strace s2  }
0x97: {  	_ =	strace $0x8FFFFFFF  }
0x98: {  	s18 =	sld [smem:$0x3FDB];
	_ =	sdelay $0x1  }
0x99: {  	s19 =	simm.s32 $_scs_section_size  }
0x9a: {  	s4 =	simm.s32 $_size__tile_overlayer_lowered;
	s5 =	simm.s32 $_tile_overlayer_lowered  }
0x9b: {  	s22 =	simm.s32 $0x1BFF;
	s21 =	sshll.u32 s5, $0x1;
	s2 =	sadd.s32 s19, s18  }
0x9c: {  	s6 =	simm.s32 $0x0;
	s20 =	sshll.u32 s4, $0x1;
	s4 =	sadd.s32 s21, s2  }
0x9d: {  	[timem:s6], [sflag:s22] =	dma.local [hbm:s4], s20  }
0x9e: {  	_ =	swait.ge [sflag:s22], s20  }
0x9f: {  	s3 =	ssub.s32 $0x0, s20;
	[sflag:s22] =	ssyncset.done $0x0  }
0xa0: {  	[sflag:s22] =	ssyncadd.s32 s3;
	_ =	sdelay $0x1  }
0xa1: {  	s23 =	simm.s32 $0x1B8B  }
0xa2: {  	_ =	swait.ge [sflag:s23], $0x1  }
0xa3: {  	[sflag:s23] =	ssyncset.done $0x0  }
0xa4: {  	s25 =	simm.s32 $0x1B8E;
	s24 =	sld [smem:$0x3FFE];
	[sflag:s23] =	ssyncadd.s32 $0xFFFFFFFF  }
0xa5: {  	s26 =	simm.s32 $execute0_lowered;
	[smem:$0x3FD2] =	sst s25  }
0xa6: {  	s4 =	sshll.u32 s26, $0x1;
	_ =	strace $0x80000046;
	[dreg:$0x1] =	wrdreg $0xFFFFFFFF  }
0xa7: {  	s28 =	simm.s32 $_size_execute0_lowered;
	s2 =	sadd.s32 s2, s4;
	[dreg:$0x0] =	wrdreg $0x0  }
0xa8: {  	s4 =	sshll.u32 s28, $0x1;
	[dreg:$0x2] =	wrdreg s2  }
0xa9: {  	[dreg:$0x3] =	wrdreg s4  }
0xaa: {  	[dreg:$0x4] =	wrdreg $0xC0  }
0xab: {  	_ =	task [dreg:s6], $0x5FFFF  }
0xac: {  	[dreg:$0x1] =	wrdreg $0xFFFFFFFF  }
0xad: {  	[dreg:$0x0] =	wrdreg $0x60  }
0xae: {  	[dreg:$0x2] =	wrdreg s24  }
0xaf: {  	[dreg:$0x3] =	wrdreg $0xCD000  }
0xb0: {  	[dreg:$0x4] =	wrdreg $0x9  }
0xb1: {  	_ =	task.clear_ibuf [dreg:s6], $0x5FFFF;
	_ =	strace $0x90000046  }
0xb2: {  	s29 =	simm.s32 $0x9;
	_ =	strace $0x80000048  }
0xb3: {  	_ =	swait.ge [sflag:s29], $0x1  }
0xb4: {  	[sflag:s29] =	ssyncadd.s32 $0xFFFFFFFF  }
0xb5: {  	_ =	strace $0x90000048  }
0xb6: {  	_ =	sfence  }
0xb7: {  	s30 =	sld [smem:$0x0];
	_ =	sdelay $0x2  }
0xb8: {  	s31 =	sshll.u32 s1, $0xD;
	s1 =	sshrl.u32 s1, $0x2  }
0xb9: {  	s3 =	sand.u32 $0x4000, s31;
	s1 =	sadd.s32 s1, s30  }
0xba: {  	s0 =	sor.u32 s3, s0;
	s1 =	sshll.u32 s1, $0x11  }
0xbb: {  	s0 =	sor.u32 s1, s0  }
0xbc: {  	s0 =	sadd.s32 $0x8F2B, s0  }
0xbd: {  	[sflag:s0] =	ssyncadd.remote.s32 $0x1  }
0xbe: {  	_ =	sfence.sel $0xFFFF  }
0xbf: {  	[dreg:$0x0] =	wrdreg $0xFFFFFFFF;
	(pc) =	sbr.abs _section_cstart, $3  }
0xc0: {  	[dreg:$0x1] =	wrdreg $0xFFFFFFFF  }
0xc1: {  	_ =	task.clear_ibuf [dreg:s6], $0x2FFFF;
	_ =	strace $0x9FFFFFFF  }
0xc2: {  	(tm) =	ssettm $0x7FFFFFFF  }
0xc3: {  	_ =	shalt  }
tec
execute0_lowered:
.L_overlay_start_1:
0x0: {  	(tag) =	ssettag $0x1  }
0x1: {  	s5 =	rddreg [dreg:$0x0]  }
0x2: {  	s2 =	rddreg [dreg:$0x1]  }
0x3: {  	s0 =	rddreg [dreg:$0x2];
	s3 =	simm.s32 $0x0;
	s1 =	stileid.u32  }
0x4: {  	s4 =	srdreg.scid;
	s16 =	simm.s32 $0x2;
	s18 =	simm.s32 $0x100  }
0x5: {  	s19 =	simm.s32 $0x180;
	[smem:$0x7FF] =	sst s3;
	s6 =	smul.u32 $0x1870, s1  }
0x6: {  	s7 =	sand.u32 $0x1, s4;
	s9 =	smul.u32 $0xC380, s1;
	s4 =	sadd.s32 $0x313E00, s5  }
0x7: {  	s11 =	sadd.s32 $0xFAE00, s5;
	p0 =	seq.s32 s1, $0xF;
	s17 =	smul.u32 $0x3, s7  }
0x8: {  	_ =	strace $0x80000047;
	s24 =	ssub.s32 $0x2, s7;
	s10 =	smul.u32 $0x249F00, s7  }
0x9: {  	s14 =	sadd.s32 s6, s5;
	s8 =	sshrl.u32 s24, $0x1;
	s5 =	sadd.s32 s9, s2  }
0xa: {  	s12 =	ssub.s32 s24, s8;
	s20 =	sadd.s32 $0x1, s17;
	s25 =	sadd.s32 s9, s10  }
0xb: {  	s7 =	sshrl.u32 s10, $0x3;
	s10 =	sadd.s32 $0x186A00, s10;
	s21 =	sadd.s32 $0x2, s17  }
0xc: {  	v0 =	vmov s17;
	s17 =	simm.s32 $0x80;
	s26 =	smul.u32 $0xC3500, s20;
	s6 =	sshrl.u32 s25, $0x3  }
0xd: {  	s7 =	sadd.s32 s11, s7;
	s29 =	sadd.s32 s9, s10;
	s31 =	sshrl.u32 s10, $0x3  }
0xe: {  	s12 =	smax.u32 s12, $0x1;
	v1 =	vmov s20;
	v2 =	vmov s21;
	s20 =	simm.s32 $0x1;
	s21 =	simm.s32 $0x0  }
0xf: {  	s6 =	sadd.s32 s11, s6;
	s7 =	sadd.s32 $0x16E90, s7;
	s30 =	sshrl.u32 s29, $0x3  }
0x10: {  	s13 =	sadd.s32 s9, s26;
	s15 =	sshrl.u32 s26, $0x3;
	s10 =	sadd.s32 s11, s30  }
0x11: {  	s13 =	sshrl.u32 s13, $0x3;
	s28 =	sadd.s32 s11, s15;
	s15 =	simm.s32 $0x980  }
0x12: {  	s8 =	sadd.s32 s11, s13;
	s9 =	sadd.s32 $0x16E90, s28;
	s11 =	sadd.s32 s11, s31  }
0x13: {  	v3 =	vimm.f32 $0.0e+00;
	s13 =	sadd.s32 $0xE2600, s14;
	s14 =	sadd.s32 $0xC9E00, s14;
	s11 =	sadd.s32 $0x16E90, s11  }
.LBB2_1:
0x14: {  	s22 =	simm.s32 $0x40;
	s23 =	simm.s32 $0x0  }
.LBB2_2:
0x15: {  	p1 =	sne.s32 s22, $0x30DC0;
	[tilespmem:s23+$0x980] =	vst v3;
	s23 =	smov.u32 s22;
	s22 =	sadd.s32 $0x40, s22  }
.Ltmp0:
0x16: {  	(pc) =	sbr.rel @p1 .LBB2_2-.Ltmp0, $2  }
0x17: {  	_ =	sdelay $0x2  }
0x18: {  	s23 =	sshra.s32 s23, $0x2  }
0x19: {  	[tilespmem:s23+$0x980] =	vst v3  }
0x1a: {  	[spmem:s5] =	stream.linear.scatter [tilespmem:s15], [sflag:$0x2], $0xC380, $0x38;
	[tilespmem:$0x19080] =	vst v63  }
0x1b: {  	_ =	swait.ge [sflag:s16], $0xC380  }
0x1c: {  	[sflag:s16] =	ssyncset.done $0x0  }
0x1d: {  	[sflag:s16] =	ssyncadd.s32 $0xFFFF3C80  }
0x1e: {  	s22 =	sadd.s32 $0x0, s14;
	[bflag:$0x0] =	sbarrier.arrive $0xFFFF  }
0x1f: {  	[tilespmem:s3], [sflag:$0x2] =	stream.linear.gather [hbm4b:s22+s3], $0x80, $0x38;
	[tilespmem:$0x19080] =	vst v63  }
0x20: {  	_ =	swait.ge [sflag:s16], $0x80  }
0x21: {  	[sflag:s16] =	ssyncset.done $0x0  }
0x22: {  	s31 =	sadd.s32 $0x0, s13;
	[sflag:s16] =	ssyncadd.s32 $0xFFFFFF80  }
0x23: {  	[tilespmem:s17], [sflag:$0x2] =	stream.linear.gather [hbm4b:s31+s3], $0x80, $0x38;
	[tilespmem:$0x19080] =	vst v63  }
0x24: {  	_ =	swait.ge [sflag:s16], $0x80  }
0x25: {  	[sflag:s16] =	ssyncset.done $0x0  }
0x26: {  	[sflag:s16] =	ssyncadd.s32 $0xFFFFFF80  }
0x27: {  	v4 =	vld [tilespmem:$0x50]  }
0x28: {  	v5 =	vld [tilespmem:$0x60]  }
0x29: {  	v7 =	vld [tilespmem:$0x10]  }
0x2a: {  	v6 =	vld [tilespmem:$0x20];
	_ =	sdelay $0x1  }
0x2b: {  	v8 =	vld [tilespmem:$0x40]  }
0x2c: {  	v9 =	vld [tilespmem:$0x0];
	v4 =	vmul.u32 $0x6, v4  }
0x2d: {  	v10 =	vld [tilespmem:$0x30];
	v7 =	vmul.u32 $0x6, v7  }
0x2e: {  	v11 =	vld [tilespmem:$0x70];
	v5 =	vmul.u32 $0x6, v5;
	v6 =	vmul.u32 $0x6, v6;
	v4 =	vadd.s32 v0, v4  }
0x2f: {  	v7 =	vadd.s32 v0, v7;
	[tilespmem:$0x150] =	vst v4  }
0x30: {  	v4 =	vadd.s32 v0, v5;
	v5 =	vadd.s32 v0, v6;
	v6 =	vmul.u32 $0x6, v8;
	[tilespmem:$0x110] =	vst v7  }
0x31: {  	[tilespmem:$0x160] =	vst v4;
	v4 =	vmul.u32 $0x6, v9  }
0x32: {  	[tilespmem:$0x120] =	vst v5;
	v5 =	vmul.u32 $0x6, v10;
	v6 =	vadd.s32 v0, v6  }
0x33: {  	v7 =	vadd.s32 v0, v4;
	[tilespmem:$0x140] =	vst v6;
	v4 =	vmul.u32 $0x6, v11  }
0x34: {  	s22 =	simm.s32 $0x10;
	v5 =	vadd.s32 v0, v5;
	[tilespmem:$0x100] =	vst v7  }
.LBB2_4:
0x35: {  	p1 =	sne.s32 s22, $0x1860;
	[tilespmem:$0x130] =	vst v5;
	v4 =	vadd.s32 v0, v4;
	s23 =	smov.u32 s22;
	s22 =	sadd.s32 $0x10, s22  }
0x36: {  	[tilespmem:$0x170] =	vst v4  }
0x37: {  	[tilespmem:s19], [sflag:$0x1] =	stream.indirect.gather [hbm4b:s4+s17], $0x10, s18, s17, $0xb8;
	[tilespmem:$0x19080] =	vst v63  }
0x38: {  	_ =	swait.ge [sflag:s20], $0x800  }
0x39: {  	[sflag:s20] =	ssyncset.done $0x0  }
0x3a: {  	[sflag:s20] =	ssyncadd.s32 $0xFFFFF800  }
0x3b: {  	[spmem:s2] =	stream.indirect.scatter.add.f32 [tilespmem:s19], [sflag:$0x2], $0x10, s17, s17, $0xb8;
	[tilespmem:$0x19080] =	vst v63  }
0x3c: {  	s24 =	sadd.s32 s23, s14;
	_ =	swait.ge [sflag:s16], $0x800  }
0x3d: {  	[sflag:s16] =	ssyncset.done $0x0  }
0x3e: {  	[sflag:s16] =	ssyncadd.s32 $0xFFFFF800  }
0x3f: {  	[tilespmem:s3], [sflag:$0x2] =	stream.linear.gather [hbm4b:s24+s3], $0x80, $0x38;
	[tilespmem:$0x19080] =	vst v63  }
0x40: {  	_ =	swait.ge [sflag:s16], $0x80  }
0x41: {  	[sflag:s16] =	ssyncset.done $0x0  }
0x42: {  	s23 =	sadd.s32 s23, s13;
	[sflag:s16] =	ssyncadd.s32 $0xFFFFFF80  }
0x43: {  	[tilespmem:s17], [sflag:$0x2] =	stream.linear.gather [hbm4b:s23+s3], $0x80, $0x38;
	[tilespmem:$0x19080] =	vst v63  }
0x44: {  	_ =	swait.ge [sflag:s16], $0x80  }
0x45: {  	[sflag:s16] =	ssyncset.done $0x0  }
0x46: {  	[sflag:s16] =	ssyncadd.s32 $0xFFFFFF80  }
0x47: {  	v4 =	vld [tilespmem:$0x50]  }
0x48: {  	v5 =	vld [tilespmem:$0x60]  }
0x49: {  	v6 =	vld [tilespmem:$0x20]  }
0x4a: {  	v7 =	vld [tilespmem:$0x10]  }
0x4b: {  	v8 =	vld [tilespmem:$0x40]  }
0x4c: {  	v9 =	vld [tilespmem:$0x0];
	v4 =	vmul.u32 $0x6, v4  }
0x4d: {  	v10 =	vld [tilespmem:$0x30];
	v5 =	vmul.u32 $0x6, v5  }
0x4e: {  	v6 =	vmul.u32 $0x6, v6;
	v4 =	vadd.s32 v0, v4;
	v11 =	vld [tilespmem:$0x70]  }
0x4f: {  	v7 =	vmul.u32 $0x6, v7;
	[tilespmem:$0x150] =	vst v4;
	v4 =	vadd.s32 v0, v5  }
.Ltmp1:
0x50: {  	v5 =	vadd.s32 v0, v6;
	v6 =	vmul.u32 $0x6, v8;
	[tilespmem:$0x160] =	vst v4;
	(pc) =	sbr.rel @p1 .LBB2_4-.Ltmp1, $4  }
0x51: {  	v4 =	vmul.u32 $0x6, v9;
	v7 =	vadd.s32 v0, v7;
	[tilespmem:$0x120] =	vst v5  }
0x52: {  	[tilespmem:$0x110] =	vst v7;
	v5 =	vmul.u32 $0x6, v10;
	v6 =	vadd.s32 v0, v6  }
0x53: {  	v7 =	vadd.s32 v0, v4;
	[tilespmem:$0x140] =	vst v6;
	v4 =	vmul.u32 $0x6, v11  }
0x54: {  	[tilespmem:$0x100] =	vst v7;
	v5 =	vadd.s32 v0, v5  }
0x55: {  	[tilespmem:$0x130] =	vst v5;
	v4 =	vadd.s32 v0, v4  }
0x56: {  	[tilespmem:$0x170] =	vst v4  }
0x57: {  	[tilespmem:s19], [sflag:$0x1] =	stream.indirect.gather [hbm4b:s4+s17], $0x10, s18, s17, $0xb8;
	[tilespmem:$0x19080] =	vst v63  }
0x58: {  	_ =	swait.ge [sflag:s20], $0x800  }
0x59: {  	[sflag:s20] =	ssyncset.done $0x0  }
0x5a: {  	[sflag:s20] =	ssyncadd.s32 $0xFFFFF800  }
0x5b: {  	[spmem:s2] =	stream.indirect.scatter.add.f32 [tilespmem:s19], [sflag:$0x2], $0x10, s17, s17, $0xb8;
	[tilespmem:$0x19080] =	vst v63  }
0x5c: {  	_ =	swait.ge [sflag:s16], $0x800  }
0x5d: {  	[sflag:s16] =	ssyncset.done $0x0  }
0x5e: {  	[sflag:s16] =	ssyncadd.s32 $0xFFFFF800  }
0x5f: {  	s22 =	sshrl.u32 @p0 s5, $0x3;
	s23 =	simm.s32 @p0 $0x1FC2;
	[bflag:$0x0] =	sbarrier.arrive $0xFFFF  }
0x60: {  	[hbm:s7], [sflag:s23] =	dma.local @p0 [spmem:s22], $0x1810  }
0x61: {  	s23 =	simm.s32 @p0 $0x2  }
0x62: {  	_ =	swait.ge @p0 [sflag:s23], $0x1810  }
0x63: {  	s24 =	sshll.u32 @!p0 s1, $0x6;
	s25 =	simm.s32 @!p0 $0x2;
	[sflag:s23] =	ssyncset.done @p0 $0x0  }
0x64: {  	[sflag:s23] =	ssyncadd.s32 @p0 $0xFFFFE7F0;
	s23 =	sor.u32 @!p0 $0x1C02, s24;
	s24 =	sshrl.u32 @!p0 s5, $0x3  }
0x65: {  	[hbm:s6], [sflag:s23] =	dma.local @!p0 [spmem:s24], $0x1870  }
0x66: {  	_ =	swait.ge @!p0 [sflag:s25], $0x1870  }
0x67: {  	[sflag:s25] =	ssyncset.done @!p0 $0x0  }
0x68: {  	[sflag:s25] =	ssyncadd.s32 @!p0 $0xFFFFE790  }
0x69: {  	[bflag:$0x0] =	sbarrier.arrive $0xFFFF  }
0x6a: {  	[spmem:s5] =	stream.linear.scatter [tilespmem:s15], [sflag:$0x2], $0xC380, $0x38;
	[tilespmem:$0x19080] =	vst v63  }
0x6b: {  	_ =	swait.ge [sflag:s16], $0xC380  }
0x6c: {  	[sflag:s16] =	ssyncset.done $0x0  }
0x6d: {  	[sflag:s16] =	ssyncadd.s32 $0xFFFF3C80  }
0x6e: {  	s30 =	sadd.s32 $0x0, s14;
	[bflag:$0x0] =	sbarrier.arrive $0xFFFF  }
0x6f: {  	[tilespmem:s3], [sflag:$0x2] =	stream.linear.gather [hbm4b:s30+s3], $0x80, $0x38;
	[tilespmem:$0x19080] =	vst v63  }
0x70: {  	_ =	swait.ge [sflag:s16], $0x80  }
0x71: {  	[sflag:s16] =	ssyncset.done $0x0  }
0x72: {  	s31 =	sadd.s32 $0x0, s13;
	[sflag:s16] =	ssyncadd.s32 $0xFFFFFF80  }
0x73: {  	[tilespmem:s17], [sflag:$0x2] =	stream.linear.gather [hbm4b:s31+s3], $0x80, $0x38;
	[tilespmem:$0x19080] =	vst v63  }
0x74: {  	_ =	swait.ge [sflag:s16], $0x80  }
0x75: {  	[sflag:s16] =	ssyncset.done $0x0  }
0x76: {  	[sflag:s16] =	ssyncadd.s32 $0xFFFFFF80  }
0x77: {  	v4 =	vld [tilespmem:$0x50]  }
0x78: {  	v5 =	vld [tilespmem:$0x60]  }
0x79: {  	v7 =	vld [tilespmem:$0x10]  }
0x7a: {  	v6 =	vld [tilespmem:$0x20];
	_ =	sdelay $0x1  }
0x7b: {  	v8 =	vld [tilespmem:$0x40]  }
0x7c: {  	v9 =	vld [tilespmem:$0x0];
	v4 =	vmul.u32 $0x6, v4  }
0x7d: {  	v10 =	vld [tilespmem:$0x30];
	v7 =	vmul.u32 $0x6, v7  }
0x7e: {  	v11 =	vld [tilespmem:$0x70];
	v5 =	vmul.u32 $0x6, v5;
	v6 =	vmul.u32 $0x6, v6;
	v4 =	vadd.s32 v1, v4  }
0x7f: {  	v7 =	vadd.s32 v1, v7;
	[tilespmem:$0x150] =	vst v4  }
0x80: {  	v4 =	vadd.s32 v1, v5;
	v5 =	vadd.s32 v1, v6;
	v6 =	vmul.u32 $0x6, v8;
	[tilespmem:$0x110] =	vst v7  }
0x81: {  	[tilespmem:$0x160] =	vst v4;
	v4 =	vmul.u32 $0x6, v9  }
0x82: {  	[tilespmem:$0x120] =	vst v5;
	v5 =	vmul.u32 $0x6, v10;
	v6 =	vadd.s32 v1, v6  }
0x83: {  	v7 =	vadd.s32 v1, v4;
	[tilespmem:$0x140] =	vst v6;
	v4 =	vmul.u32 $0x6, v11  }
0x84: {  	s25 =	simm.s32 $0x10;
	v5 =	vadd.s32 v1, v5;
	[tilespmem:$0x100] =	vst v7  }
.LBB2_6:
0x85: {  	p1 =	sne.s32 s25, $0x1860;
	[tilespmem:$0x130] =	vst v5;
	v4 =	vadd.s32 v1, v4;
	s26 =	smov.u32 s25;
	s25 =	sadd.s32 $0x10, s25  }
0x86: {  	[tilespmem:$0x170] =	vst v4  }
0x87: {  	[tilespmem:s19], [sflag:$0x1] =	stream.indirect.gather [hbm4b:s4+s17], $0x10, s18, s17, $0xb8;
	[tilespmem:$0x19080] =	vst v63  }
0x88: {  	_ =	swait.ge [sflag:s20], $0x800  }
0x89: {  	[sflag:s20] =	ssyncset.done $0x0  }
0x8a: {  	[sflag:s20] =	ssyncadd.s32 $0xFFFFF800  }
0x8b: {  	[spmem:s2] =	stream.indirect.scatter.add.f32 [tilespmem:s19], [sflag:$0x2], $0x10, s17, s17, $0xb8;
	[tilespmem:$0x19080] =	vst v63  }
0x8c: {  	s28 =	sadd.s32 s26, s14;
	_ =	swait.ge [sflag:s16], $0x800  }
0x8d: {  	[sflag:s16] =	ssyncset.done $0x0  }
0x8e: {  	[sflag:s16] =	ssyncadd.s32 $0xFFFFF800  }
0x8f: {  	[tilespmem:s3], [sflag:$0x2] =	stream.linear.gather [hbm4b:s28+s3], $0x80, $0x38;
	[tilespmem:$0x19080] =	vst v63  }
0x90: {  	_ =	swait.ge [sflag:s16], $0x80  }
0x91: {  	[sflag:s16] =	ssyncset.done $0x0  }
0x92: {  	s26 =	sadd.s32 s26, s13;
	[sflag:s16] =	ssyncadd.s32 $0xFFFFFF80  }
0x93: {  	[tilespmem:s17], [sflag:$0x2] =	stream.linear.gather [hbm4b:s26+s3], $0x80, $0x38;
	[tilespmem:$0x19080] =	vst v63  }
0x94: {  	_ =	swait.ge [sflag:s16], $0x80  }
0x95: {  	[sflag:s16] =	ssyncset.done $0x0  }
0x96: {  	[sflag:s16] =	ssyncadd.s32 $0xFFFFFF80  }
0x97: {  	v4 =	vld [tilespmem:$0x50]  }
0x98: {  	v5 =	vld [tilespmem:$0x60]  }
0x99: {  	v6 =	vld [tilespmem:$0x20]  }
0x9a: {  	v7 =	vld [tilespmem:$0x10]  }
0x9b: {  	v8 =	vld [tilespmem:$0x40]  }
0x9c: {  	v9 =	vld [tilespmem:$0x0];
	v4 =	vmul.u32 $0x6, v4  }
0x9d: {  	v10 =	vld [tilespmem:$0x30];
	v5 =	vmul.u32 $0x6, v5  }
0x9e: {  	v6 =	vmul.u32 $0x6, v6;
	v4 =	vadd.s32 v1, v4;
	v11 =	vld [tilespmem:$0x70]  }
0x9f: {  	v7 =	vmul.u32 $0x6, v7;
	[tilespmem:$0x150] =	vst v4;
	v4 =	vadd.s32 v1, v5  }
.Ltmp2:
0xa0: {  	v5 =	vadd.s32 v1, v6;
	v6 =	vmul.u32 $0x6, v8;
	[tilespmem:$0x160] =	vst v4;
	(pc) =	sbr.rel @p1 .LBB2_6-.Ltmp2, $4  }
0xa1: {  	v4 =	vmul.u32 $0x6, v9;
	v7 =	vadd.s32 v1, v7;
	[tilespmem:$0x120] =	vst v5  }
0xa2: {  	[tilespmem:$0x110] =	vst v7;
	v5 =	vmul.u32 $0x6, v10;
	v6 =	vadd.s32 v1, v6  }
0xa3: {  	v7 =	vadd.s32 v1, v4;
	[tilespmem:$0x140] =	vst v6;
	v4 =	vmul.u32 $0x6, v11  }
0xa4: {  	[tilespmem:$0x100] =	vst v7;
	v5 =	vadd.s32 v1, v5  }
0xa5: {  	[tilespmem:$0x130] =	vst v5;
	v4 =	vadd.s32 v1, v4  }
0xa6: {  	[tilespmem:$0x170] =	vst v4  }
0xa7: {  	[tilespmem:s19], [sflag:$0x1] =	stream.indirect.gather [hbm4b:s4+s17], $0x10, s18, s17, $0xb8;
	[tilespmem:$0x19080] =	vst v63  }
0xa8: {  	_ =	swait.ge [sflag:s20], $0x800  }
0xa9: {  	[sflag:s20] =	ssyncset.done $0x0  }
0xaa: {  	[sflag:s20] =	ssyncadd.s32 $0xFFFFF800  }
0xab: {  	[spmem:s2] =	stream.indirect.scatter.add.f32 [tilespmem:s19], [sflag:$0x2], $0x10, s17, s17, $0xb8;
	[tilespmem:$0x19080] =	vst v63  }
0xac: {  	_ =	swait.ge [sflag:s16], $0x800  }
0xad: {  	[sflag:s16] =	ssyncset.done $0x0  }
0xae: {  	[sflag:s16] =	ssyncadd.s32 $0xFFFFF800  }
0xaf: {  	s25 =	simm.s32 @p0 $0x1FC2;
	[bflag:$0x0] =	sbarrier.arrive $0xFFFF  }
0xb0: {  	[hbm:s9], [sflag:s25] =	dma.local @p0 [spmem:s22], $0x1810  }
0xb1: {  	s25 =	simm.s32 @p0 $0x2  }
0xb2: {  	_ =	swait.ge @p0 [sflag:s25], $0x1810  }
0xb3: {  	[sflag:s25] =	ssyncset.done @p0 $0x0  }
0xb4: {  	[sflag:s25] =	ssyncadd.s32 @p0 $0xFFFFE7F0;
	s25 =	simm.s32 @!p0 $0x2  }
0xb5: {  	[hbm:s8], [sflag:s23] =	dma.local @!p0 [spmem:s24], $0x1870  }
0xb6: {  	_ =	swait.ge @!p0 [sflag:s25], $0x1870  }
0xb7: {  	[sflag:s25] =	ssyncset.done @!p0 $0x0  }
0xb8: {  	[sflag:s25] =	ssyncadd.s32 @!p0 $0xFFFFE790  }
0xb9: {  	[bflag:$0x0] =	sbarrier.arrive $0xFFFF  }
0xba: {  	[spmem:s5] =	stream.linear.scatter [tilespmem:s15], [sflag:$0x2], $0xC380, $0x38;
	[tilespmem:$0x19080] =	vst v63  }
0xbb: {  	_ =	swait.ge [sflag:s16], $0xC380  }
0xbc: {  	[sflag:s16] =	ssyncset.done $0x0  }
0xbd: {  	[sflag:s16] =	ssyncadd.s32 $0xFFFF3C80  }
0xbe: {  	s30 =	sadd.s32 $0x0, s14;
	[bflag:$0x0] =	sbarrier.arrive $0xFFFF  }
0xbf: {  	[tilespmem:s3], [sflag:$0x2] =	stream.linear.gather [hbm4b:s30+s3], $0x80, $0x38;
	[tilespmem:$0x19080] =	vst v63  }
0xc0: {  	_ =	swait.ge [sflag:s16], $0x80  }
0xc1: {  	[sflag:s16] =	ssyncset.done $0x0  }
0xc2: {  	s31 =	sadd.s32 $0x0, s13;
	[sflag:s16] =	ssyncadd.s32 $0xFFFFFF80  }
0xc3: {  	[tilespmem:s17], [sflag:$0x2] =	stream.linear.gather [hbm4b:s31+s3], $0x80, $0x38;
	[tilespmem:$0x19080] =	vst v63  }
0xc4: {  	_ =	swait.ge [sflag:s16], $0x80  }
0xc5: {  	[sflag:s16] =	ssyncset.done $0x0  }
0xc6: {  	[sflag:s16] =	ssyncadd.s32 $0xFFFFFF80  }
0xc7: {  	v4 =	vld [tilespmem:$0x50]  }
0xc8: {  	v5 =	vld [tilespmem:$0x60]  }
0xc9: {  	v7 =	vld [tilespmem:$0x10]  }
0xca: {  	v6 =	vld [tilespmem:$0x20];
	_ =	sdelay $0x1  }
0xcb: {  	v8 =	vld [tilespmem:$0x40]  }
0xcc: {  	v9 =	vld [tilespmem:$0x0];
	v4 =	vmul.u32 $0x6, v4  }
0xcd: {  	v10 =	vld [tilespmem:$0x30];
	v7 =	vmul.u32 $0x6, v7  }
0xce: {  	v11 =	vld [tilespmem:$0x70];
	v5 =	vmul.u32 $0x6, v5;
	v6 =	vmul.u32 $0x6, v6;
	v4 =	vadd.s32 v2, v4  }
0xcf: {  	v7 =	vadd.s32 v2, v7;
	[tilespmem:$0x150] =	vst v4  }
0xd0: {  	v4 =	vadd.s32 v2, v5;
	v5 =	vadd.s32 v2, v6;
	v6 =	vmul.u32 $0x6, v8;
	[tilespmem:$0x110] =	vst v7  }
0xd1: {  	[tilespmem:$0x160] =	vst v4;
	v4 =	vmul.u32 $0x6, v9  }
0xd2: {  	[tilespmem:$0x120] =	vst v5;
	v5 =	vmul.u32 $0x6, v10;
	v6 =	vadd.s32 v2, v6  }
0xd3: {  	v7 =	vadd.s32 v2, v4;
	[tilespmem:$0x140] =	vst v6;
	v4 =	vmul.u32 $0x6, v11  }
0xd4: {  	s25 =	simm.s32 $0x10;
	v5 =	vadd.s32 v2, v5;
	[tilespmem:$0x100] =	vst v7  }
.LBB2_8:
0xd5: {  	p1 =	sne.s32 s25, $0x1860;
	[tilespmem:$0x130] =	vst v5;
	v4 =	vadd.s32 v2, v4;
	s26 =	smov.u32 s25;
	s25 =	sadd.s32 $0x10, s25  }
0xd6: {  	[tilespmem:$0x170] =	vst v4  }
0xd7: {  	[tilespmem:s19], [sflag:$0x1] =	stream.indirect.gather [hbm4b:s4+s17], $0x10, s18, s17, $0xb8;
	[tilespmem:$0x19080] =	vst v63  }
0xd8: {  	_ =	swait.ge [sflag:s20], $0x800  }
0xd9: {  	[sflag:s20] =	ssyncset.done $0x0  }
0xda: {  	[sflag:s20] =	ssyncadd.s32 $0xFFFFF800  }
0xdb: {  	[spmem:s2] =	stream.indirect.scatter.add.f32 [tilespmem:s19], [sflag:$0x2], $0x10, s17, s17, $0xb8;
	[tilespmem:$0x19080] =	vst v63  }
0xdc: {  	s28 =	sadd.s32 s26, s14;
	_ =	swait.ge [sflag:s16], $0x800  }
0xdd: {  	[sflag:s16] =	ssyncset.done $0x0  }
0xde: {  	[sflag:s16] =	ssyncadd.s32 $0xFFFFF800  }
0xdf: {  	[tilespmem:s3], [sflag:$0x2] =	stream.linear.gather [hbm4b:s28+s3], $0x80, $0x38;
	[tilespmem:$0x19080] =	vst v63  }
0xe0: {  	_ =	swait.ge [sflag:s16], $0x80  }
0xe1: {  	[sflag:s16] =	ssyncset.done $0x0  }
0xe2: {  	s26 =	sadd.s32 s26, s13;
	[sflag:s16] =	ssyncadd.s32 $0xFFFFFF80  }
0xe3: {  	[tilespmem:s17], [sflag:$0x2] =	stream.linear.gather [hbm4b:s26+s3], $0x80, $0x38;
	[tilespmem:$0x19080] =	vst v63  }
0xe4: {  	_ =	swait.ge [sflag:s16], $0x80  }
0xe5: {  	[sflag:s16] =	ssyncset.done $0x0  }
0xe6: {  	[sflag:s16] =	ssyncadd.s32 $0xFFFFFF80  }
0xe7: {  	v4 =	vld [tilespmem:$0x50]  }
0xe8: {  	v5 =	vld [tilespmem:$0x60]  }
0xe9: {  	v6 =	vld [tilespmem:$0x20]  }
0xea: {  	v7 =	vld [tilespmem:$0x10]  }
0xeb: {  	v8 =	vld [tilespmem:$0x40]  }
0xec: {  	v9 =	vld [tilespmem:$0x0];
	v4 =	vmul.u32 $0x6, v4  }
0xed: {  	v10 =	vld [tilespmem:$0x30];
	v5 =	vmul.u32 $0x6, v5  }
0xee: {  	v6 =	vmul.u32 $0x6, v6;
	v4 =	vadd.s32 v2, v4;
	v11 =	vld [tilespmem:$0x70]  }
0xef: {  	v7 =	vmul.u32 $0x6, v7;
	[tilespmem:$0x150] =	vst v4;
	v4 =	vadd.s32 v2, v5  }
.Ltmp3:
0xf0: {  	v5 =	vadd.s32 v2, v6;
	v6 =	vmul.u32 $0x6, v8;
	[tilespmem:$0x160] =	vst v4;
	(pc) =	sbr.rel @p1 .LBB2_8-.Ltmp3, $4  }
0xf1: {  	v4 =	vmul.u32 $0x6, v9;
	v7 =	vadd.s32 v2, v7;
	[tilespmem:$0x120] =	vst v5  }
0xf2: {  	[tilespmem:$0x110] =	vst v7;
	v5 =	vmul.u32 $0x6, v10;
	v6 =	vadd.s32 v2, v6  }
0xf3: {  	v7 =	vadd.s32 v2, v4;
	[tilespmem:$0x140] =	vst v6;
	v4 =	vmul.u32 $0x6, v11  }
0xf4: {  	[tilespmem:$0x100] =	vst v7;
	v5 =	vadd.s32 v2, v5  }
0xf5: {  	[tilespmem:$0x130] =	vst v5;
	v4 =	vadd.s32 v2, v4  }
0xf6: {  	[tilespmem:$0x170] =	vst v4  }
0xf7: {  	[tilespmem:s19], [sflag:$0x1] =	stream.indirect.gather [hbm4b:s4+s17], $0x10, s18, s17, $0xb8;
	[tilespmem:$0x19080] =	vst v63  }
0xf8: {  	_ =	swait.ge [sflag:s20], $0x800  }
0xf9: {  	[sflag:s20] =	ssyncset.done $0x0  }
0xfa: {  	[sflag:s20] =	ssyncadd.s32 $0xFFFFF800  }
0xfb: {  	[spmem:s2] =	stream.indirect.scatter.add.f32 [tilespmem:s19], [sflag:$0x2], $0x10, s17, s17, $0xb8;
	[tilespmem:$0x19080] =	vst v63  }
0xfc: {  	_ =	swait.ge [sflag:s16], $0x800  }
0xfd: {  	[sflag:s16] =	ssyncset.done $0x0  }
0xfe: {  	[sflag:s16] =	ssyncadd.s32 $0xFFFFF800  }
0xff: {  	s25 =	simm.s32 @p0 $0x1FC2;
	[bflag:$0x0] =	sbarrier.arrive $0xFFFF  }
0x100: {  	[hbm:s11], [sflag:s25] =	dma.local @p0 [spmem:s22], $0x1810  }
0x101: {  	s22 =	simm.s32 @p0 $0x2  }
0x102: {  	_ =	swait.ge @p0 [sflag:s22], $0x1810  }
0x103: {  	s21 =	sadd.s32 $0x1, s21;
	[sflag:s22] =	ssyncset.done @p0 $0x0  }
0x104: {  	p1 =	sne.s32 s21, s12;
	[sflag:s22] =	ssyncadd.s32 @p0 $0xFFFFE7F0;
	s22 =	simm.s32 @!p0 $0x2  }
0x105: {  	[hbm:s10], [sflag:s23] =	dma.local @!p0 [spmem:s24], $0x1870  }
.Ltmp4:
0x106: {  	_ =	swait.ge @!p0 [sflag:s22], $0x1870;
	(pc) =	sbr.rel @p1 .LBB2_1-.Ltmp4, $3  }
0x107: {  	[sflag:s22] =	ssyncset.done @!p0 $0x0  }
0x108: {  	[sflag:s22] =	ssyncadd.s32 @!p0 $0xFFFFE790  }
0x109: {  	[bflag:$0x0] =	sbarrier.arrive $0xFFFF;
	_ =	sdelay $0x1  }
0x10a: {  	_ =	sfence.sel $0x180000  }
0x10b: {  	[bflag:$0x0] =	sbarrier.arrive $0xFFFF  }
0x10c: {  	p0 =	sne.s32 s1, $0x0;
	_ =	strace $0x90000047  }
0x10d: {  	s0 =	sadd.s32 @!p0 $0x100000, s0;
	[bflag:$0x2] =	sbarrier.arrive $0xFFFF  }
0x10e: {  	[sflag:s0] =	ssyncadd.tile.s32 @!p0 $0x1;
	_ =	shalt  }
.Lfunc_end2:
_tile_overlayer_lowered:
.L_overlay_start_2:
0x10f: {  	(tag) =	ssettag $0x2  }
0x110: {  	s0 =	rddreg [dreg:$0x0];
	s2 =	stileid.u32  }
0x111: {  	s1 =	rddreg [dreg:$0x1];
	p0 =	sne.s32 s2, $0x0  }
0x112: {  	s3 =	rddreg [dreg:$0x2];
	[bflag:$0x3] =	sbarrier.arrive $0xFFFF;
	s2 =	simm.s32 @!p0 $0x1C02  }
0x113: {  	[timem:s3], [sflag:s2] =	dma.local @!p0 [hbm:s0], s1  }
0x114: {  	s0 =	simm.s32 @!p0 $0x2  }
0x115: {  	_ =	swait.ge @!p0 [sflag:s0], s1  }
0x116: {  	s1 =	ssub.s32 @!p0 $0x0, s1;
	[sflag:s0] =	ssyncset.done @!p0 $0x0  }
0x117: {  	[sflag:s0] =	ssyncadd.s32 @!p0 s1  }
0x118: {  	[bflag:$0x3] =	sbarrier.arrive $0xFFFF  }
0x119: {  	_ =	shalt  }

// kernel: kernel.15.cloned.1.call-start
scs
__scs_entry_jumppad:
0x0: {  	(pc) =	sbr.rel $0x88, $3  }
0x1: {  	(tag) =	ssettag $0x0;
	lr =	simm.s32 $0x1  }
0x2: {  	[smem:$0x3F8F] =	sst lr;
	_ =	strace $0xD0000000  }
0x3: {  	_ = 	snop  }
0x4: {  	_ = 	snop  }
0x5: {  	_ = 	snop  }
0x6: {  	_ = 	snop  }
0x7: {  	_ = 	snop  }
__scs_overlays_trampoline_lowered:
0x8: {  	[smem:$0x3F9E] =	sst s0  }
0x9: {  	[smem:$0x3F9F] =	sst s1  }
0xa: {  	[smem:$0x3FA0] =	sst s2  }
0xb: {  	[smem:$0x3FA1] =	sst s3  }
0xc: {  	[smem:$0x3FA2] =	sst s4  }
0xd: {  	[smem:$0x3FA3] =	sst s5  }
0xe: {  	[smem:$0x3FA4] =	sst s6  }
0xf: {  	[smem:$0x3FA5] =	sst s7  }
0x10: {  	[smem:$0x3FA6] =	sst s8  }
0x11: {  	[smem:$0x3FA7] =	sst s9;
	s0 =	simm.s32 @!p0 $0x0  }
0x12: {  	s1 =	sld [smem:$0x3F8D];
	s0 =	simm.s32 @p0 $0x1  }
0x13: {  	[smem:$0x3FA8] =	sst s0;
	s0 =	simm.s32 @!p1 $0x0  }
0x14: {  	s2 =	sld [smem:$0x3F8C];
	s0 =	simm.s32 @p1 $0x1  }
0x15: {  	[smem:$0x3FA9] =	sst s0;
	s0 =	simm.s32 @!p2 $0x0  }
0x16: {  	s3 =	sld [smem:$0x3FDB];
	s0 =	simm.s32 @p2 $0x1  }
0x17: {  	s4 =	simm.s32 $0x1BF5;
	[smem:$0x3FAB] =	sst s0  }
0x18: {  	s0 =	sld [smem:$0x3F8E];
	_ =	swait.ge [sflag:s4], $0x0  }
0x19: {  	s7 =	sld [smem:$0x3F8F]  }
0x1a: {  	s8 =	sadd.s32 $0xFFFFE003, lr  }
0x1b: {  	s9 =	sadd.s32 $0xFFFFFEF7, lr;
	s5 =	simm.s32 $0xFFFFFFFF;
	p2 =	slt.u32 s8, $0xFFFFF086  }
0x1c: {  	p1 =	slt.u32 s9, $0xF7A;
	s5 =	simm.s32 @!p2 $0x0  }
0x1d: {  	s5 =	simm.s32 @p1 $0x1;
	p0 =	seq.s32 s7, s2  }
0x1e: {  	s7 =	smul.u32 @!p0 $0xF7A, s2;
	p2 =	seq.s32 @!p0 s5, $0x0  }
0x1f: {  	s9 =	smul.u32 $0xF7A, s1;
	s8 =	simm.s32 @!p0 $0x1BF5;
	p2 =	por !p2, p0  }
0x20: {  	[sflag:s8] =	ssyncset.s32 @!p0 $0xFFFFF086;
	s6 =	sadd.s32 @!p0 s3, s7;
	s7 =	simm.s32 @!p0 $0x108  }
0x21: {  	s3 =	sadd.s32 s3, s9;
	s6 =	sadd.s32 @!p0 $0x88, s6;
	s7 =	simm.s32 @p2 $0x1082  }
0x22: {  	[simem:s7], [sflag:s8] =	dma.local @!p0 [hbm:s6], $0xF7A  }
0x23: {  	s9 =	sor.u32 $0xD0000000, s2;
	s6 =	simm.s32 $0x108;
	_ =	swait.ge @!p0 [sflag:s8], $0x0  }
0x24: {  	s3 =	sadd.s32 $0x88, s3;
	s6 =	simm.s32 @!p1 $0x1082;
	[sflag:s4] =	ssyncset.s32 $0xFFFFF086  }
0x25: {  	[simem:s6], [sflag:s4] =	dma.local [hbm:s3], $0xF7A  }
0x26: {  	[smem:$0x3F8F] =	sst s1;
	(tag) =	ssettag s2;
	_ =	strace s9  }
0x27: {  	s1 =	sld [smem:$0x3F9F]  }
0x28: {  	s2 =	sld [smem:$0x3FA0]  }
0x29: {  	s4 =	sld [smem:$0x3FA2]  }
0x2a: {  	p0 =	seq.s32 s5, $0x0;
	s5 =	sld [smem:$0x3FA3]  }
0x2b: {  	s6 =	sld [smem:$0x3FA4]  }
0x2c: {  	s7 =	sld [smem:$0x3FA5]  }
0x2d: {  	s3 =	simm.s32 $0x108;
	s8 =	sld [smem:$0x3FA6]  }
0x2e: {  	s3 =	simm.s32 @!p0 $0x1082;
	s9 =	sld [smem:$0x3FA7]  }
0x2f: {  	lr =	sadd.s32 s0, s3;
	s0 =	sld [smem:$0x3F9E]  }
0x30: {  	s3 =	sld [smem:$0x3FA1]  }
0x31: {  	[smem:$0x3FAA] =	sst s10  }
0x32: {  	s10 =	sld [smem:$0x3FA8];
	_ =	sdelay $0x3  }
0x33: {  	p0 =	seq.s32 s10, $0x1;
	s10 =	sld [smem:$0x3FAA];
	_ =	sdelay $0x3  }
0x34: {  	[smem:$0x3FAA] =	sst s10  }
0x35: {  	s10 =	sld [smem:$0x3FA9];
	_ =	sdelay $0x3  }
0x36: {  	p1 =	seq.s32 s10, $0x1;
	s10 =	sld [smem:$0x3FAA];
	_ =	sdelay $0x3  }
0x37: {  	[smem:$0x3FAA] =	sst s10  }
0x38: {  	s10 =	sld [smem:$0x3FAB]  }
0x39: {  	_ = 	snop;
	(pc) =	sbr.ind lr, $3  }
0x3a: {  	_ = 	snop  }
0x3b: {  	_ = 	snop  }
0x3c: {  	p2 =	seq.s32 s10, $0x1;
	s10 =	sld [smem:$0x3FAA]  }
0x3d: {  	_ =	shalt  }
0x3e: {  	_ =	shalt  }
0x3f: {  	_ =	shalt  }
0x40: {  	_ =	shalt  }
0x41: {  	_ =	shalt  }
0x42: {  	_ =	shalt  }
0x43: {  	_ =	shalt  }
0x44: {  	_ =	shalt  }
0x45: {  	_ =	shalt  }
0x46: {  	_ =	shalt  }
0x47: {  	_ =	shalt  }
0x48: {  	_ =	shalt  }
0x49: {  	_ =	shalt  }
0x4a: {  	_ =	shalt  }
0x4b: {  	_ =	shalt  }
0x4c: {  	_ =	shalt  }
0x4d: {  	_ =	shalt  }
0x4e: {  	_ =	shalt  }
0x4f: {  	_ =	shalt  }
0x50: {  	_ =	shalt  }
0x51: {  	_ =	shalt  }
0x52: {  	_ =	shalt  }
0x53: {  	_ =	shalt  }
0x54: {  	_ =	shalt  }
0x55: {  	_ =	shalt  }
0x56: {  	_ =	shalt  }
0x57: {  	_ =	shalt  }
0x58: {  	_ =	shalt  }
0x59: {  	_ =	shalt  }
0x5a: {  	_ =	shalt  }
0x5b: {  	_ =	shalt  }
0x5c: {  	_ =	shalt  }
0x5d: {  	_ =	shalt  }
0x5e: {  	_ =	shalt  }
0x5f: {  	_ =	shalt  }
0x60: {  	_ =	shalt  }
0x61: {  	_ =	shalt  }
0x62: {  	_ =	shalt  }
0x63: {  	_ =	shalt  }
0x64: {  	_ =	shalt  }
0x65: {  	_ =	shalt  }
0x66: {  	_ =	shalt  }
0x67: {  	_ =	shalt  }
0x68: {  	_ =	shalt  }
0x69: {  	_ =	shalt  }
0x6a: {  	_ =	shalt  }
0x6b: {  	_ =	shalt  }
0x6c: {  	_ =	shalt  }
0x6d: {  	_ =	shalt  }
0x6e: {  	_ =	shalt  }
0x6f: {  	_ =	shalt  }
0x70: {  	_ =	shalt  }
0x71: {  	_ =	shalt  }
0x72: {  	_ =	shalt  }
0x73: {  	_ =	shalt  }
0x74: {  	_ =	shalt  }
0x75: {  	_ =	shalt  }
0x76: {  	_ =	shalt  }
0x77: {  	_ =	shalt  }
0x78: {  	_ =	shalt  }
0x79: {  	_ =	shalt  }
0x7a: {  	_ =	shalt  }
0x7b: {  	_ =	shalt  }
0x7c: {  	_ =	shalt  }
0x7d: {  	_ =	shalt  }
0x7e: {  	_ =	shalt  }
0x7f: {  	_ =	shalt  }
0x80: {  	_ =	shalt  }
0x81: {  	_ =	shalt  }
0x82: {  	_ =	shalt  }
0x83: {  	_ =	shalt  }
0x84: {  	_ =	shalt  }
0x85: {  	_ =	shalt  }
0x86: {  	_ =	shalt  }
0x87: {  	_ =	shalt  }
.Lfunc_end0:
.L_simem_size_0:
called_computation.1_lowered:
.L_overlay_start_0:
0x88: {  	s2 =	sld [smem:$0x3FD9]  }
0x89: {  	s3 =	sld [smem:$0x3FFE];
	_ =	sdelay $0x1  }
0x8a: {  	s1 =	srdreg.scid  }
0x8b: {  	s0 =	sand.u32 $0x1, s1  }
0x8c: {  	s16 =	sshll.u32 s0, $0xA;
	s2 =	sadd.s32 s3, s2  }
0x8d: {  	s2 =	sadd.s32 s2, s16  }
0x8e: {  	[smem:$0x3FB6] =	sst s2  }
0x8f: {  	_ = 	snop  }
0x90: {  	(tm) =	ssettm $0x1  }
0x91: {  	s17 =	sld [smem:$0x3FFB];
	_ =	sdelay $0x3  }
0x92: {  	_ =	strace s17  }
0x93: {  	s2 =	sld [smem:$0x3FFC];
	_ =	sdelay $0x3  }
0x94: {  	_ =	strace s2  }
0x95: {  	s2 =	sld [smem:$0x3FFD];
	_ =	sdelay $0x3  }
0x96: {  	_ =	strace s2  }
0x97: {  	_ =	strace $0x8FFFFFFF  }
0x98: {  	s18 =	sld [smem:$0x3FDB];
	_ =	sdelay $0x1  }
0x99: {  	s19 =	simm.s32 $_scs_section_size  }
0x9a: {  	s4 =	simm.s32 $_size__tile_overlayer_lowered;
	s5 =	simm.s32 $_tile_overlayer_lowered  }
0x9b: {  	s22 =	simm.s32 $0x1BFF;
	s21 =	sshll.u32 s5, $0x1;
	s2 =	sadd.s32 s19, s18  }
0x9c: {  	s6 =	simm.s32 $0x0;
	s20 =	sshll.u32 s4, $0x1;
	s4 =	sadd.s32 s21, s2  }
0x9d: {  	[timem:s6], [sflag:s22] =	dma.local [hbm:s4], s20  }
0x9e: {  	_ =	swait.ge [sflag:s22], s20  }
0x9f: {  	s3 =	ssub.s32 $0x0, s20;
	[sflag:s22] =	ssyncset.done $0x0  }
0xa0: {  	[sflag:s22] =	ssyncadd.s32 s3;
	_ =	sdelay $0x1  }
0xa1: {  	s23 =	simm.s32 $0x1B8B  }
0xa2: {  	_ =	swait.ge [sflag:s23], $0x1  }
0xa3: {  	[sflag:s23] =	ssyncset.done $0x0  }
0xa4: {  	s25 =	simm.s32 $0x1B8E;
	s24 =	sld [smem:$0x3FFE];
	[sflag:s23] =	ssyncadd.s32 $0xFFFFFFFF  }
0xa5: {  	s26 =	simm.s32 $execute0_lowered;
	[smem:$0x3FD2] =	sst s25  }
0xa6: {  	s4 =	sshll.u32 s26, $0x1;
	_ =	strace $0x80000049;
	[dreg:$0x1] =	wrdreg $0xFFFFFFFF  }
0xa7: {  	s28 =	simm.s32 $_size_execute0_lowered;
	s2 =	sadd.s32 s2, s4;
	[dreg:$0x0] =	wrdreg $0x0  }
0xa8: {  	s4 =	sshll.u32 s28, $0x1;
	[dreg:$0x2] =	wrdreg s2  }
0xa9: {  	[dreg:$0x3] =	wrdreg s4  }
0xaa: {  	[dreg:$0x4] =	wrdreg $0xC0  }
0xab: {  	_ =	task [dreg:s6], $0x5FFFF  }
0xac: {  	[dreg:$0x1] =	wrdreg $0xFFFFFFFF  }
0xad: {  	[dreg:$0x0] =	wrdreg $0x60  }
0xae: {  	[dreg:$0x2] =	wrdreg s24  }
0xaf: {  	[dreg:$0x3] =	wrdreg $0xCD000  }
0xb0: {  	[dreg:$0x4] =	wrdreg $0x9  }
0xb1: {  	_ =	task.clear_ibuf [dreg:s6], $0x5FFFF;
	_ =	strace $0x90000049  }
0xb2: {  	s29 =	simm.s32 $0x9;
	_ =	strace $0x8000004B  }
0xb3: {  	_ =	swait.ge [sflag:s29], $0x1  }
0xb4: {  	[sflag:s29] =	ssyncadd.s32 $0xFFFFFFFF  }
0xb5: {  	_ =	strace $0x9000004B  }
0xb6: {  	_ =	sfence  }
0xb7: {  	s30 =	sld [smem:$0x0];
	_ =	sdelay $0x2  }
0xb8: {  	s31 =	sshll.u32 s1, $0xD;
	s1 =	sshrl.u32 s1, $0x2  }
0xb9: {  	s3 =	sand.u32 $0x4000, s31;
	s1 =	sadd.s32 s1, s30  }
0xba: {  	s0 =	sor.u32 s3, s0;
	s1 =	sshll.u32 s1, $0x11  }
0xbb: {  	s0 =	sor.u32 s1, s0  }
0xbc: {  	s0 =	sadd.s32 $0x8F2B, s0  }
0xbd: {  	[sflag:s0] =	ssyncadd.remote.s32 $0x1  }
0xbe: {  	_ =	sfence.sel $0xFFFF  }
0xbf: {  	[dreg:$0x0] =	wrdreg $0xFFFFFFFF;
	(pc) =	sbr.abs _section_cstart, $3  }
0xc0: {  	[dreg:$0x1] =	wrdreg $0xFFFFFFFF  }
0xc1: {  	_ =	task.clear_ibuf [dreg:s6], $0x2FFFF;
	_ =	strace $0x9FFFFFFF  }
0xc2: {  	(tm) =	ssettm $0x7FFFFFFF  }
0xc3: {  	_ =	shalt  }
tec
execute0_lowered:
.L_overlay_start_1:
0x0: {  	(tag) =	ssettag $0x1  }
0x1: {  	s5 =	rddreg [dreg:$0x0]  }
0x2: {  	s2 =	rddreg [dreg:$0x1]  }
0x3: {  	s0 =	rddreg [dreg:$0x2];
	s3 =	simm.s32 $0x0;
	s1 =	stileid.u32  }
0x4: {  	s4 =	srdreg.scid;
	s16 =	simm.s32 $0x2;
	s18 =	simm.s32 $0x100  }
0x5: {  	s19 =	simm.s32 $0x180;
	[smem:$0x7FF] =	sst s3;
	s6 =	smul.u32 $0x1870, s1  }
0x6: {  	s7 =	sand.u32 $0x1, s4;
	s9 =	smul.u32 $0xC380, s1;
	s4 =	sadd.s32 $0xFAE00, s5  }
0x7: {  	s11 =	sadd.s32 $0x5E00, s5;
	p0 =	seq.s32 s1, $0xF;
	s17 =	smul.u32 $0x3, s7  }
0x8: {  	_ =	strace $0x8000004A;
	s24 =	ssub.s32 $0x2, s7;
	s10 =	smul.u32 $0x249F00, s7  }
0x9: {  	s14 =	sadd.s32 s6, s5;
	s8 =	sshrl.u32 s24, $0x1;
	s5 =	sadd.s32 s9, s2  }
0xa: {  	s12 =	ssub.s32 s24, s8;
	s20 =	sadd.s32 $0x1, s17;
	s25 =	sadd.s32 s9, s10  }
0xb: {  	s7 =	sshrl.u32 s10, $0x3;
	s10 =	sadd.s32 $0x186A00, s10;
	s21 =	sadd.s32 $0x2, s17  }
0xc: {  	v0 =	vmov s17;
	s17 =	simm.s32 $0x80;
	s26 =	smul.u32 $0xC3500, s20;
	s6 =	sshrl.u32 s25, $0x3  }
0xd: {  	s7 =	sadd.s32 s11, s7;
	s29 =	sadd.s32 s9, s10;
	s31 =	sshrl.u32 s10, $0x3  }
0xe: {  	s12 =	smax.u32 s12, $0x1;
	v1 =	vmov s20;
	v2 =	vmov s21;
	s20 =	simm.s32 $0x1;
	s21 =	simm.s32 $0x0  }
0xf: {  	s6 =	sadd.s32 s11, s6;
	s7 =	sadd.s32 $0x16E90, s7;
	s30 =	sshrl.u32 s29, $0x3  }
0x10: {  	s13 =	sadd.s32 s9, s26;
	s15 =	sshrl.u32 s26, $0x3;
	s10 =	sadd.s32 s11, s30  }
0x11: {  	s13 =	sshrl.u32 s13, $0x3;
	s28 =	sadd.s32 s11, s15;
	s15 =	simm.s32 $0x980  }
0x12: {  	s8 =	sadd.s32 s11, s13;
	s9 =	sadd.s32 $0x16E90, s28;
	s11 =	sadd.s32 s11, s31  }
0x13: {  	v3 =	vimm.f32 $0.0e+00;
	s13 =	sadd.s32 $0xE2600, s14;
	s14 =	sadd.s32 $0xC9E00, s14;
	s11 =	sadd.s32 $0x16E90, s11  }
.LBB2_1:
0x14: {  	s22 =	simm.s32 $0x40;
	s23 =	simm.s32 $0x0  }
.LBB2_2:
0x15: {  	p1 =	sne.s32 s22, $0x30DC0;
	[tilespmem:s23+$0x980] =	vst v3;
	s23 =	smov.u32 s22;
	s22 =	sadd.s32 $0x40, s22  }
.Ltmp0:
0x16: {  	(pc) =	sbr.rel @p1 .LBB2_2-.Ltmp0, $2  }
0x17: {  	_ =	sdelay $0x2  }
0x18: {  	s23 =	sshra.s32 s23, $0x2  }
0x19: {  	[tilespmem:s23+$0x980] =	vst v3  }
0x1a: {  	[spmem:s5] =	stream.linear.scatter [tilespmem:s15], [sflag:$0x2], $0xC380, $0x38;
	[tilespmem:$0x19080] =	vst v63  }
0x1b: {  	_ =	swait.ge [sflag:s16], $0xC380  }
0x1c: {  	[sflag:s16] =	ssyncset.done $0x0  }
0x1d: {  	[sflag:s16] =	ssyncadd.s32 $0xFFFF3C80  }
0x1e: {  	s22 =	sadd.s32 $0x0, s14;
	[bflag:$0x0] =	sbarrier.arrive $0xFFFF  }
0x1f: {  	[tilespmem:s3], [sflag:$0x2] =	stream.linear.gather [hbm4b:s22+s3], $0x80, $0x38;
	[tilespmem:$0x19080] =	vst v63  }
0x20: {  	_ =	swait.ge [sflag:s16], $0x80  }
0x21: {  	[sflag:s16] =	ssyncset.done $0x0  }
0x22: {  	s31 =	sadd.s32 $0x0, s13;
	[sflag:s16] =	ssyncadd.s32 $0xFFFFFF80  }
0x23: {  	[tilespmem:s17], [sflag:$0x2] =	stream.linear.gather [hbm4b:s31+s3], $0x80, $0x38;
	[tilespmem:$0x19080] =	vst v63  }
0x24: {  	_ =	swait.ge [sflag:s16], $0x80  }
0x25: {  	[sflag:s16] =	ssyncset.done $0x0  }
0x26: {  	[sflag:s16] =	ssyncadd.s32 $0xFFFFFF80  }
0x27: {  	v4 =	vld [tilespmem:$0x50]  }
0x28: {  	v5 =	vld [tilespmem:$0x60]  }
0x29: {  	v7 =	vld [tilespmem:$0x10]  }
0x2a: {  	v6 =	vld [tilespmem:$0x20];
	_ =	sdelay $0x1  }
0x2b: {  	v8 =	vld [tilespmem:$0x40]  }
0x2c: {  	v9 =	vld [tilespmem:$0x0];
	v4 =	vmul.u32 $0x6, v4  }
0x2d: {  	v10 =	vld [tilespmem:$0x30];
	v7 =	vmul.u32 $0x6, v7  }
0x2e: {  	v11 =	vld [tilespmem:$0x70];
	v5 =	vmul.u32 $0x6, v5;
	v6 =	vmul.u32 $0x6, v6;
	v4 =	vadd.s32 v0, v4  }
0x2f: {  	v7 =	vadd.s32 v0, v7;
	[tilespmem:$0x150] =	vst v4  }
0x30: {  	v4 =	vadd.s32 v0, v5;
	v5 =	vadd.s32 v0, v6;
	v6 =	vmul.u32 $0x6, v8;
	[tilespmem:$0x110] =	vst v7  }
0x31: {  	[tilespmem:$0x160] =	vst v4;
	v4 =	vmul.u32 $0x6, v9  }
0x32: {  	[tilespmem:$0x120] =	vst v5;
	v5 =	vmul.u32 $0x6, v10;
	v6 =	vadd.s32 v0, v6  }
0x33: {  	v7 =	vadd.s32 v0, v4;
	[tilespmem:$0x140] =	vst v6;
	v4 =	vmul.u32 $0x6, v11  }
0x34: {  	s22 =	simm.s32 $0x10;
	v5 =	vadd.s32 v0, v5;
	[tilespmem:$0x100] =	vst v7  }
.LBB2_4:
0x35: {  	p1 =	sne.s32 s22, $0x1860;
	[tilespmem:$0x130] =	vst v5;
	v4 =	vadd.s32 v0, v4;
	s23 =	smov.u32 s22;
	s22 =	sadd.s32 $0x10, s22  }
0x36: {  	[tilespmem:$0x170] =	vst v4  }
0x37: {  	[tilespmem:s19], [sflag:$0x1] =	stream.indirect.gather [hbm4b:s4+s17], $0x10, s18, s17, $0xb8;
	[tilespmem:$0x19080] =	vst v63  }
0x38: {  	_ =	swait.ge [sflag:s20], $0x800  }
0x39: {  	[sflag:s20] =	ssyncset.done $0x0  }
0x3a: {  	[sflag:s20] =	ssyncadd.s32 $0xFFFFF800  }
0x3b: {  	[spmem:s2] =	stream.indirect.scatter.add.f32 [tilespmem:s19], [sflag:$0x2], $0x10, s17, s17, $0xb8;
	[tilespmem:$0x19080] =	vst v63  }
0x3c: {  	s24 =	sadd.s32 s23, s14;
	_ =	swait.ge [sflag:s16], $0x800  }
0x3d: {  	[sflag:s16] =	ssyncset.done $0x0  }
0x3e: {  	[sflag:s16] =	ssyncadd.s32 $0xFFFFF800  }
0x3f: {  	[tilespmem:s3], [sflag:$0x2] =	stream.linear.gather [hbm4b:s24+s3], $0x80, $0x38;
	[tilespmem:$0x19080] =	vst v63  }
0x40: {  	_ =	swait.ge [sflag:s16], $0x80  }
0x41: {  	[sflag:s16] =	ssyncset.done $0x0  }
0x42: {  	s23 =	sadd.s32 s23, s13;
	[sflag:s16] =	ssyncadd.s32 $0xFFFFFF80  }
0x43: {  	[tilespmem:s17], [sflag:$0x2] =	stream.linear.gather [hbm4b:s23+s3], $0x80, $0x38;
	[tilespmem:$0x19080] =	vst v63  }
0x44: {  	_ =	swait.ge [sflag:s16], $0x80  }
0x45: {  	[sflag:s16] =	ssyncset.done $0x0  }
0x46: {  	[sflag:s16] =	ssyncadd.s32 $0xFFFFFF80  }
0x47: {  	v4 =	vld [tilespmem:$0x50]  }
0x48: {  	v5 =	vld [tilespmem:$0x60]  }
0x49: {  	v6 =	vld [tilespmem:$0x20]  }
0x4a: {  	v7 =	vld [tilespmem:$0x10]  }
0x4b: {  	v8 =	vld [tilespmem:$0x40]  }
0x4c: {  	v9 =	vld [tilespmem:$0x0];
	v4 =	vmul.u32 $0x6, v4  }
0x4d: {  	v10 =	vld [tilespmem:$0x30];
	v5 =	vmul.u32 $0x6, v5  }
0x4e: {  	v6 =	vmul.u32 $0x6, v6;
	v4 =	vadd.s32 v0, v4;
	v11 =	vld [tilespmem:$0x70]  }
0x4f: {  	v7 =	vmul.u32 $0x6, v7;
	[tilespmem:$0x150] =	vst v4;
	v4 =	vadd.s32 v0, v5  }
.Ltmp1:
0x50: {  	v5 =	vadd.s32 v0, v6;
	v6 =	vmul.u32 $0x6, v8;
	[tilespmem:$0x160] =	vst v4;
	(pc) =	sbr.rel @p1 .LBB2_4-.Ltmp1, $4  }
0x51: {  	v4 =	vmul.u32 $0x6, v9;
	v7 =	vadd.s32 v0, v7;
	[tilespmem:$0x120] =	vst v5  }
0x52: {  	[tilespmem:$0x110] =	vst v7;
	v5 =	vmul.u32 $0x6, v10;
	v6 =	vadd.s32 v0, v6  }
0x53: {  	v7 =	vadd.s32 v0, v4;
	[tilespmem:$0x140] =	vst v6;
	v4 =	vmul.u32 $0x6, v11  }
0x54: {  	[tilespmem:$0x100] =	vst v7;
	v5 =	vadd.s32 v0, v5  }
0x55: {  	[tilespmem:$0x130] =	vst v5;
	v4 =	vadd.s32 v0, v4  }
0x56: {  	[tilespmem:$0x170] =	vst v4  }
0x57: {  	[tilespmem:s19], [sflag:$0x1] =	stream.indirect.gather [hbm4b:s4+s17], $0x10, s18, s17, $0xb8;
	[tilespmem:$0x19080] =	vst v63  }
0x58: {  	_ =	swait.ge [sflag:s20], $0x800  }
0x59: {  	[sflag:s20] =	ssyncset.done $0x0  }
0x5a: {  	[sflag:s20] =	ssyncadd.s32 $0xFFFFF800  }
0x5b: {  	[spmem:s2] =	stream.indirect.scatter.add.f32 [tilespmem:s19], [sflag:$0x2], $0x10, s17, s17, $0xb8;
	[tilespmem:$0x19080] =	vst v63  }
0x5c: {  	_ =	swait.ge [sflag:s16], $0x800  }
0x5d: {  	[sflag:s16] =	ssyncset.done $0x0  }
0x5e: {  	[sflag:s16] =	ssyncadd.s32 $0xFFFFF800  }
0x5f: {  	s22 =	sshrl.u32 @p0 s5, $0x3;
	s23 =	simm.s32 @p0 $0x1FC2;
	[bflag:$0x0] =	sbarrier.arrive $0xFFFF  }
0x60: {  	[hbm:s7], [sflag:s23] =	dma.local @p0 [spmem:s22], $0x1810  }
0x61: {  	s23 =	simm.s32 @p0 $0x2  }
0x62: {  	_ =	swait.ge @p0 [sflag:s23], $0x1810  }
0x63: {  	s24 =	sshll.u32 @!p0 s1, $0x6;
	s25 =	simm.s32 @!p0 $0x2;
	[sflag:s23] =	ssyncset.done @p0 $0x0  }
0x64: {  	[sflag:s23] =	ssyncadd.s32 @p0 $0xFFFFE7F0;
	s23 =	sor.u32 @!p0 $0x1C02, s24;
	s24 =	sshrl.u32 @!p0 s5, $0x3  }
0x65: {  	[hbm:s6], [sflag:s23] =	dma.local @!p0 [spmem:s24], $0x1870  }
0x66: {  	_ =	swait.ge @!p0 [sflag:s25], $0x1870  }
0x67: {  	[sflag:s25] =	ssyncset.done @!p0 $0x0  }
0x68: {  	[sflag:s25] =	ssyncadd.s32 @!p0 $0xFFFFE790  }
0x69: {  	[bflag:$0x0] =	sbarrier.arrive $0xFFFF  }
0x6a: {  	[spmem:s5] =	stream.linear.scatter [tilespmem:s15], [sflag:$0x2], $0xC380, $0x38;
	[tilespmem:$0x19080] =	vst v63  }
0x6b: {  	_ =	swait.ge [sflag:s16], $0xC380  }
0x6c: {  	[sflag:s16] =	ssyncset.done $0x0  }
0x6d: {  	[sflag:s16] =	ssyncadd.s32 $0xFFFF3C80  }
0x6e: {  	s30 =	sadd.s32 $0x0, s14;
	[bflag:$0x0] =	sbarrier.arrive $0xFFFF  }
0x6f: {  	[tilespmem:s3], [sflag:$0x2] =	stream.linear.gather [hbm4b:s30+s3], $0x80, $0x38;
	[tilespmem:$0x19080] =	vst v63  }
0x70: {  	_ =	swait.ge [sflag:s16], $0x80  }
0x71: {  	[sflag:s16] =	ssyncset.done $0x0  }
0x72: {  	s31 =	sadd.s32 $0x0, s13;
	[sflag:s16] =	ssyncadd.s32 $0xFFFFFF80  }
0x73: {  	[tilespmem:s17], [sflag:$0x2] =	stream.linear.gather [hbm4b:s31+s3], $0x80, $0x38;
	[tilespmem:$0x19080] =	vst v63  }
0x74: {  	_ =	swait.ge [sflag:s16], $0x80  }
0x75: {  	[sflag:s16] =	ssyncset.done $0x0  }
0x76: {  	[sflag:s16] =	ssyncadd.s32 $0xFFFFFF80  }
0x77: {  	v4 =	vld [tilespmem:$0x50]  }
0x78: {  	v5 =	vld [tilespmem:$0x60]  }
0x79: {  	v7 =	vld [tilespmem:$0x10]  }
0x7a: {  	v6 =	vld [tilespmem:$0x20];
	_ =	sdelay $0x1  }
0x7b: {  	v8 =	vld [tilespmem:$0x40]  }
0x7c: {  	v9 =	vld [tilespmem:$0x0];
	v4 =	vmul.u32 $0x6, v4  }
0x7d: {  	v10 =	vld [tilespmem:$0x30];
	v7 =	vmul.u32 $0x6, v7  }
0x7e: {  	v11 =	vld [tilespmem:$0x70];
	v5 =	vmul.u32 $0x6, v5;
	v6 =	vmul.u32 $0x6, v6;
	v4 =	vadd.s32 v1, v4  }
0x7f: {  	v7 =	vadd.s32 v1, v7;
	[tilespmem:$0x150] =	vst v4  }
0x80: {  	v4 =	vadd.s32 v1, v5;
	v5 =	vadd.s32 v1, v6;
	v6 =	vmul.u32 $0x6, v8;
	[tilespmem:$0x110] =	vst v7  }
0x81: {  	[tilespmem:$0x160] =	vst v4;
	v4 =	vmul.u32 $0x6, v9  }
0x82: {  	[tilespmem:$0x120] =	vst v5;
	v5 =	vmul.u32 $0x6, v10;
	v6 =	vadd.s32 v1, v6  }
0x83: {  	v7 =	vadd.s32 v1, v4;
	[tilespmem:$0x140] =	vst v6;
	v4 =	vmul.u32 $0x6, v11  }
0x84: {  	s25 =	simm.s32 $0x10;
	v5 =	vadd.s32 v1, v5;
	[tilespmem:$0x100] =	vst v7  }
.LBB2_6:
0x85: {  	p1 =	sne.s32 s25, $0x1860;
	[tilespmem:$0x130] =	vst v5;
	v4 =	vadd.s32 v1, v4;
	s26 =	smov.u32 s25;
	s25 =	sadd.s32 $0x10, s25  }
0x86: {  	[tilespmem:$0x170] =	vst v4  }
0x87: {  	[tilespmem:s19], [sflag:$0x1] =	stream.indirect.gather [hbm4b:s4+s17], $0x10, s18, s17, $0xb8;
	[tilespmem:$0x19080] =	vst v63  }
0x88: {  	_ =	swait.ge [sflag:s20], $0x800  }
0x89: {  	[sflag:s20] =	ssyncset.done $0x0  }
0x8a: {  	[sflag:s20] =	ssyncadd.s32 $0xFFFFF800  }
0x8b: {  	[spmem:s2] =	stream.indirect.scatter.add.f32 [tilespmem:s19], [sflag:$0x2], $0x10, s17, s17, $0xb8;
	[tilespmem:$0x19080] =	vst v63  }
0x8c: {  	s28 =	sadd.s32 s26, s14;
	_ =	swait.ge [sflag:s16], $0x800  }
0x8d: {  	[sflag:s16] =	ssyncset.done $0x0  }
0x8e: {  	[sflag:s16] =	ssyncadd.s32 $0xFFFFF800  }
0x8f: {  	[tilespmem:s3], [sflag:$0x2] =	stream.linear.gather [hbm4b:s28+s3], $0x80, $0x38;
	[tilespmem:$0x19080] =	vst v63  }
0x90: {  	_ =	swait.ge [sflag:s16], $0x80  }
0x91: {  	[sflag:s16] =	ssyncset.done $0x0  }
0x92: {  	s26 =	sadd.s32 s26, s13;
	[sflag:s16] =	ssyncadd.s32 $0xFFFFFF80  }
0x93: {  	[tilespmem:s17], [sflag:$0x2] =	stream.linear.gather [hbm4b:s26+s3], $0x80, $0x38;
	[tilespmem:$0x19080] =	vst v63  }
0x94: {  	_ =	swait.ge [sflag:s16], $0x80  }
0x95: {  	[sflag:s16] =	ssyncset.done $0x0  }
0x96: {  	[sflag:s16] =	ssyncadd.s32 $0xFFFFFF80  }
0x97: {  	v4 =	vld [tilespmem:$0x50]  }
0x98: {  	v5 =	vld [tilespmem:$0x60]  }
0x99: {  	v6 =	vld [tilespmem:$0x20]  }
0x9a: {  	v7 =	vld [tilespmem:$0x10]  }
0x9b: {  	v8 =	vld [tilespmem:$0x40]  }
0x9c: {  	v9 =	vld [tilespmem:$0x0];
	v4 =	vmul.u32 $0x6, v4  }
0x9d: {  	v10 =	vld [tilespmem:$0x30];
	v5 =	vmul.u32 $0x6, v5  }
0x9e: {  	v6 =	vmul.u32 $0x6, v6;
	v4 =	vadd.s32 v1, v4;
	v11 =	vld [tilespmem:$0x70]  }
0x9f: {  	v7 =	vmul.u32 $0x6, v7;
	[tilespmem:$0x150] =	vst v4;
	v4 =	vadd.s32 v1, v5  }
.Ltmp2:
0xa0: {  	v5 =	vadd.s32 v1, v6;
	v6 =	vmul.u32 $0x6, v8;
	[tilespmem:$0x160] =	vst v4;
	(pc) =	sbr.rel @p1 .LBB2_6-.Ltmp2, $4  }
0xa1: {  	v4 =	vmul.u32 $0x6, v9;
	v7 =	vadd.s32 v1, v7;
	[tilespmem:$0x120] =	vst v5  }
0xa2: {  	[tilespmem:$0x110] =	vst v7;
	v5 =	vmul.u32 $0x6, v10;
	v6 =	vadd.s32 v1, v6  }
0xa3: {  	v7 =	vadd.s32 v1, v4;
	[tilespmem:$0x140] =	vst v6;
	v4 =	vmul.u32 $0x6, v11  }
0xa4: {  	[tilespmem:$0x100] =	vst v7;
	v5 =	vadd.s32 v1, v5  }
0xa5: {  	[tilespmem:$0x130] =	vst v5;
	v4 =	vadd.s32 v1, v4  }
0xa6: {  	[tilespmem:$0x170] =	vst v4  }
0xa7: {  	[tilespmem:s19], [sflag:$0x1] =	stream.indirect.gather [hbm4b:s4+s17], $0x10, s18, s17, $0xb8;
	[tilespmem:$0x19080] =	vst v63  }
0xa8: {  	_ =	swait.ge [sflag:s20], $0x800  }
0xa9: {  	[sflag:s20] =	ssyncset.done $0x0  }
0xaa: {  	[sflag:s20] =	ssyncadd.s32 $0xFFFFF800  }
0xab: {  	[spmem:s2] =	stream.indirect.scatter.add.f32 [tilespmem:s19], [sflag:$0x2], $0x10, s17, s17, $0xb8;
	[tilespmem:$0x19080] =	vst v63  }
0xac: {  	_ =	swait.ge [sflag:s16], $0x800  }
0xad: {  	[sflag:s16] =	ssyncset.done $0x0  }
0xae: {  	[sflag:s16] =	ssyncadd.s32 $0xFFFFF800  }
0xaf: {  	s25 =	simm.s32 @p0 $0x1FC2;
	[bflag:$0x0] =	sbarrier.arrive $0xFFFF  }
0xb0: {  	[hbm:s9], [sflag:s25] =	dma.local @p0 [spmem:s22], $0x1810  }
0xb1: {  	s25 =	simm.s32 @p0 $0x2  }
0xb2: {  	_ =	swait.ge @p0 [sflag:s25], $0x1810  }
0xb3: {  	[sflag:s25] =	ssyncset.done @p0 $0x0  }
0xb4: {  	[sflag:s25] =	ssyncadd.s32 @p0 $0xFFFFE7F0;
	s25 =	simm.s32 @!p0 $0x2  }
0xb5: {  	[hbm:s8], [sflag:s23] =	dma.local @!p0 [spmem:s24], $0x1870  }
0xb6: {  	_ =	swait.ge @!p0 [sflag:s25], $0x1870  }
0xb7: {  	[sflag:s25] =	ssyncset.done @!p0 $0x0  }
0xb8: {  	[sflag:s25] =	ssyncadd.s32 @!p0 $0xFFFFE790  }
0xb9: {  	[bflag:$0x0] =	sbarrier.arrive $0xFFFF  }
0xba: {  	[spmem:s5] =	stream.linear.scatter [tilespmem:s15], [sflag:$0x2], $0xC380, $0x38;
	[tilespmem:$0x19080] =	vst v63  }
0xbb: {  	_ =	swait.ge [sflag:s16], $0xC380  }
0xbc: {  	[sflag:s16] =	ssyncset.done $0x0  }
0xbd: {  	[sflag:s16] =	ssyncadd.s32 $0xFFFF3C80  }
0xbe: {  	s30 =	sadd.s32 $0x0, s14;
	[bflag:$0x0] =	sbarrier.arrive $0xFFFF  }
0xbf: {  	[tilespmem:s3], [sflag:$0x2] =	stream.linear.gather [hbm4b:s30+s3], $0x80, $0x38;
	[tilespmem:$0x19080] =	vst v63  }
0xc0: {  	_ =	swait.ge [sflag:s16], $0x80  }
0xc1: {  	[sflag:s16] =	ssyncset.done $0x0  }
0xc2: {  	s31 =	sadd.s32 $0x0, s13;
	[sflag:s16] =	ssyncadd.s32 $0xFFFFFF80  }
0xc3: {  	[tilespmem:s17], [sflag:$0x2] =	stream.linear.gather [hbm4b:s31+s3], $0x80, $0x38;
	[tilespmem:$0x19080] =	vst v63  }
0xc4: {  	_ =	swait.ge [sflag:s16], $0x80  }
0xc5: {  	[sflag:s16] =	ssyncset.done $0x0  }
0xc6: {  	[sflag:s16] =	ssyncadd.s32 $0xFFFFFF80  }
0xc7: {  	v4 =	vld [tilespmem:$0x50]  }
0xc8: {  	v5 =	vld [tilespmem:$0x60]  }
0xc9: {  	v7 =	vld [tilespmem:$0x10]  }
0xca: {  	v6 =	vld [tilespmem:$0x20];
	_ =	sdelay $0x1  }
0xcb: {  	v8 =	vld [tilespmem:$0x40]  }
0xcc: {  	v9 =	vld [tilespmem:$0x0];
	v4 =	vmul.u32 $0x6, v4  }
0xcd: {  	v10 =	vld [tilespmem:$0x30];
	v7 =	vmul.u32 $0x6, v7  }
0xce: {  	v11 =	vld [tilespmem:$0x70];
	v5 =	vmul.u32 $0x6, v5;
	v6 =	vmul.u32 $0x6, v6;
	v4 =	vadd.s32 v2, v4  }
0xcf: {  	v7 =	vadd.s32 v2, v7;
	[tilespmem:$0x150] =	vst v4  }
0xd0: {  	v4 =	vadd.s32 v2, v5;
	v5 =	vadd.s32 v2, v6;
	v6 =	vmul.u32 $0x6, v8;
	[tilespmem:$0x110] =	vst v7  }
0xd1: {  	[tilespmem:$0x160] =	vst v4;
	v4 =	vmul.u32 $0x6, v9  }
0xd2: {  	[tilespmem:$0x120] =	vst v5;
	v5 =	vmul.u32 $0x6, v10;
	v6 =	vadd.s32 v2, v6  }
0xd3: {  	v7 =	vadd.s32 v2, v4;
	[tilespmem:$0x140] =	vst v6;
	v4 =	vmul.u32 $0x6, v11  }
0xd4: {  	s25 =	simm.s32 $0x10;
	v5 =	vadd.s32 v2, v5;
	[tilespmem:$0x100] =	vst v7  }
.LBB2_8:
0xd5: {  	p1 =	sne.s32 s25, $0x1860;
	[tilespmem:$0x130] =	vst v5;
	v4 =	vadd.s32 v2, v4;
	s26 =	smov.u32 s25;
	s25 =	sadd.s32 $0x10, s25  }
0xd6: {  	[tilespmem:$0x170] =	vst v4  }
0xd7: {  	[tilespmem:s19], [sflag:$0x1] =	stream.indirect.gather [hbm4b:s4+s17], $0x10, s18, s17, $0xb8;
	[tilespmem:$0x19080] =	vst v63  }
0xd8: {  	_ =	swait.ge [sflag:s20], $0x800  }
0xd9: {  	[sflag:s20] =	ssyncset.done $0x0  }
0xda: {  	[sflag:s20] =	ssyncadd.s32 $0xFFFFF800  }
0xdb: {  	[spmem:s2] =	stream.indirect.scatter.add.f32 [tilespmem:s19], [sflag:$0x2], $0x10, s17, s17, $0xb8;
	[tilespmem:$0x19080] =	vst v63  }
0xdc: {  	s28 =	sadd.s32 s26, s14;
	_ =	swait.ge [sflag:s16], $0x800  }
0xdd: {  	[sflag:s16] =	ssyncset.done $0x0  }
0xde: {  	[sflag:s16] =	ssyncadd.s32 $0xFFFFF800  }
0xdf: {  	[tilespmem:s3], [sflag:$0x2] =	stream.linear.gather [hbm4b:s28+s3], $0x80, $0x38;
	[tilespmem:$0x19080] =	vst v63  }
0xe0: {  	_ =	swait.ge [sflag:s16], $0x80  }
0xe1: {  	[sflag:s16] =	ssyncset.done $0x0  }
0xe2: {  	s26 =	sadd.s32 s26, s13;
	[sflag:s16] =	ssyncadd.s32 $0xFFFFFF80  }
0xe3: {  	[tilespmem:s17], [sflag:$0x2] =	stream.linear.gather [hbm4b:s26+s3], $0x80, $0x38;
	[tilespmem:$0x19080] =	vst v63  }
0xe4: {  	_ =	swait.ge [sflag:s16], $0x80  }
0xe5: {  	[sflag:s16] =	ssyncset.done $0x0  }
0xe6: {  	[sflag:s16] =	ssyncadd.s32 $0xFFFFFF80  }
0xe7: {  	v4 =	vld [tilespmem:$0x50]  }
0xe8: {  	v5 =	vld [tilespmem:$0x60]  }
0xe9: {  	v6 =	vld [tilespmem:$0x20]  }
0xea: {  	v7 =	vld [tilespmem:$0x10]  }
0xeb: {  	v8 =	vld [tilespmem:$0x40]  }
0xec: {  	v9 =	vld [tilespmem:$0x0];
	v4 =	vmul.u32 $0x6, v4  }
0xed: {  	v10 =	vld [tilespmem:$0x30];
	v5 =	vmul.u32 $0x6, v5  }
0xee: {  	v6 =	vmul.u32 $0x6, v6;
	v4 =	vadd.s32 v2, v4;
	v11 =	vld [tilespmem:$0x70]  }
0xef: {  	v7 =	vmul.u32 $0x6, v7;
	[tilespmem:$0x150] =	vst v4;
	v4 =	vadd.s32 v2, v5  }
.Ltmp3:
0xf0: {  	v5 =	vadd.s32 v2, v6;
	v6 =	vmul.u32 $0x6, v8;
	[tilespmem:$0x160] =	vst v4;
	(pc) =	sbr.rel @p1 .LBB2_8-.Ltmp3, $4  }
0xf1: {  	v4 =	vmul.u32 $0x6, v9;
	v7 =	vadd.s32 v2, v7;
	[tilespmem:$0x120] =	vst v5  }
0xf2: {  	[tilespmem:$0x110] =	vst v7;
	v5 =	vmul.u32 $0x6, v10;
	v6 =	vadd.s32 v2, v6  }
0xf3: {  	v7 =	vadd.s32 v2, v4;
	[tilespmem:$0x140] =	vst v6;
	v4 =	vmul.u32 $0x6, v11  }
0xf4: {  	[tilespmem:$0x100] =	vst v7;
	v5 =	vadd.s32 v2, v5  }
0xf5: {  	[tilespmem:$0x130] =	vst v5;
	v4 =	vadd.s32 v2, v4  }
0xf6: {  	[tilespmem:$0x170] =	vst v4  }
0xf7: {  	[tilespmem:s19], [sflag:$0x1] =	stream.indirect.gather [hbm4b:s4+s17], $0x10, s18, s17, $0xb8;
	[tilespmem:$0x19080] =	vst v63  }
0xf8: {  	_ =	swait.ge [sflag:s20], $0x800  }
0xf9: {  	[sflag:s20] =	ssyncset.done $0x0  }
0xfa: {  	[sflag:s20] =	ssyncadd.s32 $0xFFFFF800  }
0xfb: {  	[spmem:s2] =	stream.indirect.scatter.add.f32 [tilespmem:s19], [sflag:$0x2], $0x10, s17, s17, $0xb8;
	[tilespmem:$0x19080] =	vst v63  }
0xfc: {  	_ =	swait.ge [sflag:s16], $0x800  }
0xfd: {  	[sflag:s16] =	ssyncset.done $0x0  }
0xfe: {  	[sflag:s16] =	ssyncadd.s32 $0xFFFFF800  }
0xff: {  	s25 =	simm.s32 @p0 $0x1FC2;
	[bflag:$0x0] =	sbarrier.arrive $0xFFFF  }
0x100: {  	[hbm:s11], [sflag:s25] =	dma.local @p0 [spmem:s22], $0x1810  }
0x101: {  	s22 =	simm.s32 @p0 $0x2  }
0x102: {  	_ =	swait.ge @p0 [sflag:s22], $0x1810  }
0x103: {  	s21 =	sadd.s32 $0x1, s21;
	[sflag:s22] =	ssyncset.done @p0 $0x0  }
0x104: {  	p1 =	sne.s32 s21, s12;
	[sflag:s22] =	ssyncadd.s32 @p0 $0xFFFFE7F0;
	s22 =	simm.s32 @!p0 $0x2  }
0x105: {  	[hbm:s10], [sflag:s23] =	dma.local @!p0 [spmem:s24], $0x1870  }
.Ltmp4:
0x106: {  	_ =	swait.ge @!p0 [sflag:s22], $0x1870;
	(pc) =	sbr.rel @p1 .LBB2_1-.Ltmp4, $3  }
0x107: {  	[sflag:s22] =	ssyncset.done @!p0 $0x0  }
0x108: {  	[sflag:s22] =	ssyncadd.s32 @!p0 $0xFFFFE790  }
0x109: {  	[bflag:$0x0] =	sbarrier.arrive $0xFFFF;
	_ =	sdelay $0x1  }
0x10a: {  	_ =	sfence.sel $0x180000  }
0x10b: {  	[bflag:$0x0] =	sbarrier.arrive $0xFFFF  }
0x10c: {  	p0 =	sne.s32 s1, $0x0;
	_ =	strace $0x9000004A  }
0x10d: {  	s0 =	sadd.s32 @!p0 $0x100000, s0;
	[bflag:$0x2] =	sbarrier.arrive $0xFFFF  }
0x10e: {  	[sflag:s0] =	ssyncadd.tile.s32 @!p0 $0x1;
	_ =	shalt  }
.Lfunc_end2:
_tile_overlayer_lowered:
.L_overlay_start_2:
0x10f: {  	(tag) =	ssettag $0x2  }
0x110: {  	s0 =	rddreg [dreg:$0x0];
	s2 =	stileid.u32  }
0x111: {  	s1 =	rddreg [dreg:$0x1];
	p0 =	sne.s32 s2, $0x0  }
0x112: {  	s3 =	rddreg [dreg:$0x2];
	[bflag:$0x3] =	sbarrier.arrive $0xFFFF;
	s2 =	simm.s32 @!p0 $0x1C02  }
0x113: {  	[timem:s3], [sflag:s2] =	dma.local @!p0 [hbm:s0], s1  }
0x114: {  	s0 =	simm.s32 @!p0 $0x2  }
0x115: {  	_ =	swait.ge @!p0 [sflag:s0], s1  }
0x116: {  	s1 =	ssub.s32 @!p0 $0x0, s1;
	[sflag:s0] =	ssyncset.done @!p0 $0x0  }
0x117: {  	[sflag:s0] =	ssyncadd.s32 @!p0 s1  }
0x118: {  	[bflag:$0x3] =	sbarrier.arrive $0xFFFF  }
0x119: {  	_ =	shalt  }

// kernel: kernel.18.cloned.1.call-start
scs
__scs_entry_jumppad:
0x0: {  	(pc) =	sbr.rel $0x88, $3  }
0x1: {  	(tag) =	ssettag $0x0;
	lr =	simm.s32 $0x1  }
0x2: {  	[smem:$0x3F8F] =	sst lr;
	_ =	strace $0xD0000000  }
0x3: {  	_ = 	snop  }
0x4: {  	_ = 	snop  }
0x5: {  	_ = 	snop  }
0x6: {  	_ = 	snop  }
0x7: {  	_ = 	snop  }
__scs_overlays_trampoline_lowered:
0x8: {  	[smem:$0x3F9E] =	sst s0  }
0x9: {  	[smem:$0x3F9F] =	sst s1  }
0xa: {  	[smem:$0x3FA0] =	sst s2  }
0xb: {  	[smem:$0x3FA1] =	sst s3  }
0xc: {  	[smem:$0x3FA2] =	sst s4  }
0xd: {  	[smem:$0x3FA3] =	sst s5  }
0xe: {  	[smem:$0x3FA4] =	sst s6  }
0xf: {  	[smem:$0x3FA5] =	sst s7  }
0x10: {  	[smem:$0x3FA6] =	sst s8  }
0x11: {  	[smem:$0x3FA7] =	sst s9;
	s0 =	simm.s32 @!p0 $0x0  }
0x12: {  	s1 =	sld [smem:$0x3F8D];
	s0 =	simm.s32 @p0 $0x1  }
0x13: {  	[smem:$0x3FA8] =	sst s0;
	s0 =	simm.s32 @!p1 $0x0  }
0x14: {  	s2 =	sld [smem:$0x3F8C];
	s0 =	simm.s32 @p1 $0x1  }
0x15: {  	[smem:$0x3FA9] =	sst s0;
	s0 =	simm.s32 @!p2 $0x0  }
0x16: {  	s3 =	sld [smem:$0x3FDB];
	s0 =	simm.s32 @p2 $0x1  }
0x17: {  	s4 =	simm.s32 $0x1BF5;
	[smem:$0x3FAB] =	sst s0  }
0x18: {  	s0 =	sld [smem:$0x3F8E];
	_ =	swait.ge [sflag:s4], $0x0  }
0x19: {  	s7 =	sld [smem:$0x3F8F]  }
0x1a: {  	s8 =	sadd.s32 $0xFFFFE003, lr  }
0x1b: {  	s9 =	sadd.s32 $0xFFFFFEF7, lr;
	s5 =	simm.s32 $0xFFFFFFFF;
	p2 =	slt.u32 s8, $0xFFFFF086  }
0x1c: {  	p1 =	slt.u32 s9, $0xF7A;
	s5 =	simm.s32 @!p2 $0x0  }
0x1d: {  	s5 =	simm.s32 @p1 $0x1;
	p0 =	seq.s32 s7, s2  }
0x1e: {  	s7 =	smul.u32 @!p0 $0xF7A, s2;
	p2 =	seq.s32 @!p0 s5, $0x0  }
0x1f: {  	s9 =	smul.u32 $0xF7A, s1;
	s8 =	simm.s32 @!p0 $0x1BF5;
	p2 =	por !p2, p0  }
0x20: {  	[sflag:s8] =	ssyncset.s32 @!p0 $0xFFFFF086;
	s6 =	sadd.s32 @!p0 s3, s7;
	s7 =	simm.s32 @!p0 $0x108  }
0x21: {  	s3 =	sadd.s32 s3, s9;
	s6 =	sadd.s32 @!p0 $0x88, s6;
	s7 =	simm.s32 @p2 $0x1082  }
0x22: {  	[simem:s7], [sflag:s8] =	dma.local @!p0 [hbm:s6], $0xF7A  }
0x23: {  	s9 =	sor.u32 $0xD0000000, s2;
	s6 =	simm.s32 $0x108;
	_ =	swait.ge @!p0 [sflag:s8], $0x0  }
0x24: {  	s3 =	sadd.s32 $0x88, s3;
	s6 =	simm.s32 @!p1 $0x1082;
	[sflag:s4] =	ssyncset.s32 $0xFFFFF086  }
0x25: {  	[simem:s6], [sflag:s4] =	dma.local [hbm:s3], $0xF7A  }
0x26: {  	[smem:$0x3F8F] =	sst s1;
	(tag) =	ssettag s2;
	_ =	strace s9  }
0x27: {  	s1 =	sld [smem:$0x3F9F]  }
0x28: {  	s2 =	sld [smem:$0x3FA0]  }
0x29: {  	s4 =	sld [smem:$0x3FA2]  }
0x2a: {  	p0 =	seq.s32 s5, $0x0;
	s5 =	sld [smem:$0x3FA3]  }
0x2b: {  	s6 =	sld [smem:$0x3FA4]  }
0x2c: {  	s7 =	sld [smem:$0x3FA5]  }
0x2d: {  	s3 =	simm.s32 $0x108;
	s8 =	sld [smem:$0x3FA6]  }
0x2e: {  	s3 =	simm.s32 @!p0 $0x1082;
	s9 =	sld [smem:$0x3FA7]  }
0x2f: {  	lr =	sadd.s32 s0, s3;
	s0 =	sld [smem:$0x3F9E]  }
0x30: {  	s3 =	sld [smem:$0x3FA1]  }
0x31: {  	[smem:$0x3FAA] =	sst s10  }
0x32: {  	s10 =	sld [smem:$0x3FA8];
	_ =	sdelay $0x3  }
0x33: {  	p0 =	seq.s32 s10, $0x1;
	s10 =	sld [smem:$0x3FAA];
	_ =	sdelay $0x3  }
0x34: {  	[smem:$0x3FAA] =	sst s10  }
0x35: {  	s10 =	sld [smem:$0x3FA9];
	_ =	sdelay $0x3  }
0x36: {  	p1 =	seq.s32 s10, $0x1;
	s10 =	sld [smem:$0x3FAA];
	_ =	sdelay $0x3  }
0x37: {  	[smem:$0x3FAA] =	sst s10  }
0x38: {  	s10 =	sld [smem:$0x3FAB]  }
0x39: {  	_ = 	snop;
	(pc) =	sbr.ind lr, $3  }
0x3a: {  	_ = 	snop  }
0x3b: {  	_ = 	snop  }
0x3c: {  	p2 =	seq.s32 s10, $0x1;
	s10 =	sld [smem:$0x3FAA]  }
0x3d: {  	_ =	shalt  }
0x3e: {  	_ =	shalt  }
0x3f: {  	_ =	shalt  }
0x40: {  	_ =	shalt  }
0x41: {  	_ =	shalt  }
0x42: {  	_ =	shalt  }
0x43: {  	_ =	shalt  }
0x44: {  	_ =	shalt  }
0x45: {  	_ =	shalt  }
0x46: {  	_ =	shalt  }
0x47: {  	_ =	shalt  }
0x48: {  	_ =	shalt  }
0x49: {  	_ =	shalt  }
0x4a: {  	_ =	shalt  }
0x4b: {  	_ =	shalt  }
0x4c: {  	_ =	shalt  }
0x4d: {  	_ =	shalt  }
0x4e: {  	_ =	shalt  }
0x4f: {  	_ =	shalt  }
0x50: {  	_ =	shalt  }
0x51: {  	_ =	shalt  }
0x52: {  	_ =	shalt  }
0x53: {  	_ =	shalt  }
0x54: {  	_ =	shalt  }
0x55: {  	_ =	shalt  }
0x56: {  	_ =	shalt  }
0x57: {  	_ =	shalt  }
0x58: {  	_ =	shalt  }
0x59: {  	_ =	shalt  }
0x5a: {  	_ =	shalt  }
0x5b: {  	_ =	shalt  }
0x5c: {  	_ =	shalt  }
0x5d: {  	_ =	shalt  }
0x5e: {  	_ =	shalt  }
0x5f: {  	_ =	shalt  }
0x60: {  	_ =	shalt  }
0x61: {  	_ =	shalt  }
0x62: {  	_ =	shalt  }
0x63: {  	_ =	shalt  }
0x64: {  	_ =	shalt  }
0x65: {  	_ =	shalt  }
0x66: {  	_ =	shalt  }
0x67: {  	_ =	shalt  }
0x68: {  	_ =	shalt  }
0x69: {  	_ =	shalt  }
0x6a: {  	_ =	shalt  }
0x6b: {  	_ =	shalt  }
0x6c: {  	_ =	shalt  }
0x6d: {  	_ =	shalt  }
0x6e: {  	_ =	shalt  }
0x6f: {  	_ =	shalt  }
0x70: {  	_ =	shalt  }
0x71: {  	_ =	shalt  }
0x72: {  	_ =	shalt  }
0x73: {  	_ =	shalt  }
0x74: {  	_ =	shalt  }
0x75: {  	_ =	shalt  }
0x76: {  	_ =	shalt  }
0x77: {  	_ =	shalt  }
0x78: {  	_ =	shalt  }
0x79: {  	_ =	shalt  }
0x7a: {  	_ =	shalt  }
0x7b: {  	_ =	shalt  }
0x7c: {  	_ =	shalt  }
0x7d: {  	_ =	shalt  }
0x7e: {  	_ =	shalt  }
0x7f: {  	_ =	shalt  }
0x80: {  	_ =	shalt  }
0x81: {  	_ =	shalt  }
0x82: {  	_ =	shalt  }
0x83: {  	_ =	shalt  }
0x84: {  	_ =	shalt  }
0x85: {  	_ =	shalt  }
0x86: {  	_ =	shalt  }
0x87: {  	_ =	shalt  }
.Lfunc_end0:
.L_simem_size_0:
called_computation.2_lowered:
.L_overlay_start_0:
0x88: {  	s2 =	sld [smem:$0x3FD9]  }
0x89: {  	s3 =	sld [smem:$0x3FFE];
	_ =	sdelay $0x1  }
0x8a: {  	s1 =	srdreg.scid  }
0x8b: {  	s0 =	sand.u32 $0x1, s1  }
0x8c: {  	s16 =	sshll.u32 s0, $0xA;
	s2 =	sadd.s32 s3, s2  }
0x8d: {  	s2 =	sadd.s32 s2, s16  }
0x8e: {  	[smem:$0x3FB6] =	sst s2  }
0x8f: {  	_ = 	snop  }
0x90: {  	(tm) =	ssettm $0x1  }
0x91: {  	s17 =	sld [smem:$0x3FFB];
	_ =	sdelay $0x3  }
0x92: {  	_ =	strace s17  }
0x93: {  	s2 =	sld [smem:$0x3FFC];
	_ =	sdelay $0x3  }
0x94: {  	_ =	strace s2  }
0x95: {  	s2 =	sld [smem:$0x3FFD];
	_ =	sdelay $0x3  }
0x96: {  	_ =	strace s2  }
0x97: {  	_ =	strace $0x8FFFFFFF  }
0x98: {  	s18 =	sld [smem:$0x3FDB];
	_ =	sdelay $0x1  }
0x99: {  	s19 =	simm.s32 $_scs_section_size  }
0x9a: {  	s4 =	simm.s32 $_size__tile_overlayer_lowered;
	s5 =	simm.s32 $_tile_overlayer_lowered  }
0x9b: {  	s22 =	simm.s32 $0x1BFF;
	s21 =	sshll.u32 s5, $0x1;
	s2 =	sadd.s32 s19, s18  }
0x9c: {  	s6 =	simm.s32 $0x0;
	s20 =	sshll.u32 s4, $0x1;
	s4 =	sadd.s32 s21, s2  }
0x9d: {  	[timem:s6], [sflag:s22] =	dma.local [hbm:s4], s20  }
0x9e: {  	_ =	swait.ge [sflag:s22], s20  }
0x9f: {  	s3 =	ssub.s32 $0x0, s20;
	[sflag:s22] =	ssyncset.done $0x0  }
0xa0: {  	[sflag:s22] =	ssyncadd.s32 s3;
	_ =	sdelay $0x1  }
0xa1: {  	s23 =	simm.s32 $0x1B8B  }
0xa2: {  	_ =	swait.ge [sflag:s23], $0x1  }
0xa3: {  	[sflag:s23] =	ssyncset.done $0x0  }
0xa4: {  	s25 =	simm.s32 $0x1B8E;
	s24 =	sld [smem:$0x3FFE];
	[sflag:s23] =	ssyncadd.s32 $0xFFFFFFFF  }
0xa5: {  	s26 =	simm.s32 $execute0_lowered;
	[smem:$0x3FD2] =	sst s25  }
0xa6: {  	s4 =	sshll.u32 s26, $0x1;
	_ =	strace $0x8000004C;
	[dreg:$0x1] =	wrdreg $0xFFFFFFFF  }
0xa7: {  	s28 =	simm.s32 $_size_execute0_lowered;
	s2 =	sadd.s32 s2, s4;
	[dreg:$0x0] =	wrdreg $0x0  }
0xa8: {  	s4 =	sshll.u32 s28, $0x1;
	[dreg:$0x2] =	wrdreg s2  }
0xa9: {  	[dreg:$0x3] =	wrdreg s4  }
0xaa: {  	[dreg:$0x4] =	wrdreg $0xC0  }
0xab: {  	_ =	task [dreg:s6], $0x5FFFF  }
0xac: {  	[dreg:$0x1] =	wrdreg $0xFFFFFFFF  }
0xad: {  	[dreg:$0x0] =	wrdreg $0x60  }
0xae: {  	[dreg:$0x2] =	wrdreg s24  }
0xaf: {  	[dreg:$0x3] =	wrdreg $0xCD000  }
0xb0: {  	[dreg:$0x4] =	wrdreg $0x9  }
0xb1: {  	_ =	task.clear_ibuf [dreg:s6], $0x5FFFF;
	_ =	strace $0x9000004C  }
0xb2: {  	s29 =	simm.s32 $0x9;
	_ =	strace $0x8000004E  }
0xb3: {  	_ =	swait.ge [sflag:s29], $0x1  }
0xb4: {  	[sflag:s29] =	ssyncadd.s32 $0xFFFFFFFF  }
0xb5: {  	_ =	strace $0x9000004E  }
0xb6: {  	_ =	sfence  }
0xb7: {  	s30 =	sld [smem:$0x0];
	_ =	sdelay $0x2  }
0xb8: {  	s31 =	sshll.u32 s1, $0xD;
	s1 =	sshrl.u32 s1, $0x2  }
0xb9: {  	s3 =	sand.u32 $0x4000, s31;
	s1 =	sadd.s32 s1, s30  }
0xba: {  	s0 =	sor.u32 s3, s0;
	s1 =	sshll.u32 s1, $0x11  }
0xbb: {  	s0 =	sor.u32 s1, s0  }
0xbc: {  	s0 =	sadd.s32 $0x8F2B, s0  }
0xbd: {  	[sflag:s0] =	ssyncadd.remote.s32 $0x1  }
0xbe: {  	_ =	sfence.sel $0xFFFF  }
0xbf: {  	[dreg:$0x0] =	wrdreg $0xFFFFFFFF;
	(pc) =	sbr.abs _section_cstart, $3  }
0xc0: {  	[dreg:$0x1] =	wrdreg $0xFFFFFFFF  }
0xc1: {  	_ =	task.clear_ibuf [dreg:s6], $0x2FFFF;
	_ =	strace $0x9FFFFFFF  }
0xc2: {  	(tm) =	ssettm $0x7FFFFFFF  }
0xc3: {  	_ =	shalt  }
tec
execute0_lowered:
.L_overlay_start_1:
0x0: {  	(tag) =	ssettag $0x1  }
0x1: {  	s5 =	rddreg [dreg:$0x0]  }
0x2: {  	s2 =	rddreg [dreg:$0x1]  }
0x3: {  	s0 =	rddreg [dreg:$0x2];
	s3 =	simm.s32 $0x0;
	s1 =	stileid.u32  }
0x4: {  	s4 =	srdreg.scid;
	s16 =	simm.s32 $0x2;
	s18 =	simm.s32 $0x100  }
0x5: {  	s19 =	simm.s32 $0x180;
	[smem:$0x7FF] =	sst s3;
	s6 =	smul.u32 $0x1870, s1  }
0x6: {  	s7 =	sand.u32 $0x1, s4;
	s9 =	smul.u32 $0xC380, s1;
	s4 =	sadd.s32 $0xFAE00, s5  }
0x7: {  	s11 =	sadd.s32 $0x2B2600, s5;
	p0 =	seq.s32 s1, $0xF;
	s17 =	smul.u32 $0x3, s7  }
0x8: {  	_ =	strace $0x8000004D;
	s24 =	ssub.s32 $0x2, s7;
	s10 =	smul.u32 $0x249F00, s7  }
0x9: {  	s14 =	sadd.s32 s6, s5;
	s8 =	sshrl.u32 s24, $0x1;
	s5 =	sadd.s32 s9, s2  }
0xa: {  	s12 =	ssub.s32 s24, s8;
	s20 =	sadd.s32 $0x1, s17;
	s25 =	sadd.s32 s9, s10  }
0xb: {  	s7 =	sshrl.u32 s10, $0x3;
	s10 =	sadd.s32 $0x186A00, s10;
	s21 =	sadd.s32 $0x2, s17  }
0xc: {  	v0 =	vmov s17;
	s17 =	simm.s32 $0x80;
	s26 =	smul.u32 $0xC3500, s20;
	s6 =	sshrl.u32 s25, $0x3  }
0xd: {  	s7 =	sadd.s32 s11, s7;
	s29 =	sadd.s32 s9, s10;
	s31 =	sshrl.u32 s10, $0x3  }
0xe: {  	s12 =	smax.u32 s12, $0x1;
	v1 =	vmov s20;
	v2 =	vmov s21;
	s20 =	simm.s32 $0x1;
	s21 =	simm.s32 $0x0  }
0xf: {  	s6 =	sadd.s32 s11, s6;
	s7 =	sadd.s32 $0x16E90, s7;
	s30 =	sshrl.u32 s29, $0x3  }
0x10: {  	s13 =	sadd.s32 s9, s26;
	s15 =	sshrl.u32 s26, $0x3;
	s10 =	sadd.s32 s11, s30  }
0x11: {  	s13 =	sshrl.u32 s13, $0x3;
	s28 =	sadd.s32 s11, s15;
	s15 =	simm.s32 $0x980  }
0x12: {  	s8 =	sadd.s32 s11, s13;
	s9 =	sadd.s32 $0x16E90, s28;
	s11 =	sadd.s32 s11, s31  }
0x13: {  	v3 =	vimm.f32 $0.0e+00;
	s13 =	sadd.s32 $0xE2600, s14;
	s14 =	sadd.s32 $0xC9E00, s14;
	s11 =	sadd.s32 $0x16E90, s11  }
.LBB2_1:
0x14: {  	s22 =	simm.s32 $0x40;
	s23 =	simm.s32 $0x0  }
.LBB2_2:
0x15: {  	p1 =	sne.s32 s22, $0x30DC0;
	[tilespmem:s23+$0x980] =	vst v3;
	s23 =	smov.u32 s22;
	s22 =	sadd.s32 $0x40, s22  }
.Ltmp0:
0x16: {  	(pc) =	sbr.rel @p1 .LBB2_2-.Ltmp0, $2  }
0x17: {  	_ =	sdelay $0x2  }
0x18: {  	s23 =	sshra.s32 s23, $0x2  }
0x19: {  	[tilespmem:s23+$0x980] =	vst v3  }
0x1a: {  	[spmem:s5] =	stream.linear.scatter [tilespmem:s15], [sflag:$0x2], $0xC380, $0x38;
	[tilespmem:$0x19080] =	vst v63  }
0x1b: {  	_ =	swait.ge [sflag:s16], $0xC380  }
0x1c: {  	[sflag:s16] =	ssyncset.done $0x0  }
0x1d: {  	[sflag:s16] =	ssyncadd.s32 $0xFFFF3C80  }
0x1e: {  	s22 =	sadd.s32 $0x0, s14;
	[bflag:$0x0] =	sbarrier.arrive $0xFFFF  }
0x1f: {  	[tilespmem:s3], [sflag:$0x2] =	stream.linear.gather [hbm4b:s22+s3], $0x80, $0x38;
	[tilespmem:$0x19080] =	vst v63  }
0x20: {  	_ =	swait.ge [sflag:s16], $0x80  }
0x21: {  	[sflag:s16] =	ssyncset.done $0x0  }
0x22: {  	s31 =	sadd.s32 $0x0, s13;
	[sflag:s16] =	ssyncadd.s32 $0xFFFFFF80  }
0x23: {  	[tilespmem:s17], [sflag:$0x2] =	stream.linear.gather [hbm4b:s31+s3], $0x80, $0x38;
	[tilespmem:$0x19080] =	vst v63  }
0x24: {  	_ =	swait.ge [sflag:s16], $0x80  }
0x25: {  	[sflag:s16] =	ssyncset.done $0x0  }
0x26: {  	[sflag:s16] =	ssyncadd.s32 $0xFFFFFF80  }
0x27: {  	v4 =	vld [tilespmem:$0x50]  }
0x28: {  	v5 =	vld [tilespmem:$0x60]  }
0x29: {  	v7 =	vld [tilespmem:$0x10]  }
0x2a: {  	v6 =	vld [tilespmem:$0x20];
	_ =	sdelay $0x1  }
0x2b: {  	v8 =	vld [tilespmem:$0x40]  }
0x2c: {  	v9 =	vld [tilespmem:$0x0];
	v4 =	vmul.u32 $0x6, v4  }
0x2d: {  	v10 =	vld [tilespmem:$0x30];
	v7 =	vmul.u32 $0x6, v7  }
0x2e: {  	v11 =	vld [tilespmem:$0x70];
	v5 =	vmul.u32 $0x6, v5;
	v6 =	vmul.u32 $0x6, v6;
	v4 =	vadd.s32 v0, v4  }
0x2f: {  	v7 =	vadd.s32 v0, v7;
	[tilespmem:$0x150] =	vst v4  }
0x30: {  	v4 =	vadd.s32 v0, v5;
	v5 =	vadd.s32 v0, v6;
	v6 =	vmul.u32 $0x6, v8;
	[tilespmem:$0x110] =	vst v7  }
0x31: {  	[tilespmem:$0x160] =	vst v4;
	v4 =	vmul.u32 $0x6, v9  }
0x32: {  	[tilespmem:$0x120] =	vst v5;
	v5 =	vmul.u32 $0x6, v10;
	v6 =	vadd.s32 v0, v6  }
0x33: {  	v7 =	vadd.s32 v0, v4;
	[tilespmem:$0x140] =	vst v6;
	v4 =	vmul.u32 $0x6, v11  }
0x34: {  	s22 =	simm.s32 $0x10;
	v5 =	vadd.s32 v0, v5;
	[tilespmem:$0x100] =	vst v7  }
.LBB2_4:
0x35: {  	p1 =	sne.s32 s22, $0x1860;
	[tilespmem:$0x130] =	vst v5;
	v4 =	vadd.s32 v0, v4;
	s23 =	smov.u32 s22;
	s22 =	sadd.s32 $0x10, s22  }
0x36: {  	[tilespmem:$0x170] =	vst v4  }
0x37: {  	[tilespmem:s19], [sflag:$0x1] =	stream.indirect.gather [hbm4b:s4+s17], $0x10, s18, s17, $0xb8;
	[tilespmem:$0x19080] =	vst v63  }
0x38: {  	_ =	swait.ge [sflag:s20], $0x800  }
0x39: {  	[sflag:s20] =	ssyncset.done $0x0  }
0x3a: {  	[sflag:s20] =	ssyncadd.s32 $0xFFFFF800  }
0x3b: {  	[spmem:s2] =	stream.indirect.scatter.add.f32 [tilespmem:s19], [sflag:$0x2], $0x10, s17, s17, $0xb8;
	[tilespmem:$0x19080] =	vst v63  }
0x3c: {  	s24 =	sadd.s32 s23, s14;
	_ =	swait.ge [sflag:s16], $0x800  }
0x3d: {  	[sflag:s16] =	ssyncset.done $0x0  }
0x3e: {  	[sflag:s16] =	ssyncadd.s32 $0xFFFFF800  }
0x3f: {  	[tilespmem:s3], [sflag:$0x2] =	stream.linear.gather [hbm4b:s24+s3], $0x80, $0x38;
	[tilespmem:$0x19080] =	vst v63  }
0x40: {  	_ =	swait.ge [sflag:s16], $0x80  }
0x41: {  	[sflag:s16] =	ssyncset.done $0x0  }
0x42: {  	s23 =	sadd.s32 s23, s13;
	[sflag:s16] =	ssyncadd.s32 $0xFFFFFF80  }
0x43: {  	[tilespmem:s17], [sflag:$0x2] =	stream.linear.gather [hbm4b:s23+s3], $0x80, $0x38;
	[tilespmem:$0x19080] =	vst v63  }
0x44: {  	_ =	swait.ge [sflag:s16], $0x80  }
0x45: {  	[sflag:s16] =	ssyncset.done $0x0  }
0x46: {  	[sflag:s16] =	ssyncadd.s32 $0xFFFFFF80  }
0x47: {  	v4 =	vld [tilespmem:$0x50]  }
0x48: {  	v5 =	vld [tilespmem:$0x60]  }
0x49: {  	v6 =	vld [tilespmem:$0x20]  }
0x4a: {  	v7 =	vld [tilespmem:$0x10]  }
0x4b: {  	v8 =	vld [tilespmem:$0x40]  }
0x4c: {  	v9 =	vld [tilespmem:$0x0];
	v4 =	vmul.u32 $0x6, v4  }
0x4d: {  	v10 =	vld [tilespmem:$0x30];
	v5 =	vmul.u32 $0x6, v5  }
0x4e: {  	v6 =	vmul.u32 $0x6, v6;
	v4 =	vadd.s32 v0, v4;
	v11 =	vld [tilespmem:$0x70]  }
0x4f: {  	v7 =	vmul.u32 $0x6, v7;
	[tilespmem:$0x150] =	vst v4;
	v4 =	vadd.s32 v0, v5  }
.Ltmp1:
0x50: {  	v5 =	vadd.s32 v0, v6;
	v6 =	vmul.u32 $0x6, v8;
	[tilespmem:$0x160] =	vst v4;
	(pc) =	sbr.rel @p1 .LBB2_4-.Ltmp1, $4  }
0x51: {  	v4 =	vmul.u32 $0x6, v9;
	v7 =	vadd.s32 v0, v7;
	[tilespmem:$0x120] =	vst v5  }
0x52: {  	[tilespmem:$0x110] =	vst v7;
	v5 =	vmul.u32 $0x6, v10;
	v6 =	vadd.s32 v0, v6  }
0x53: {  	v7 =	vadd.s32 v0, v4;
	[tilespmem:$0x140] =	vst v6;
	v4 =	vmul.u32 $0x6, v11  }
0x54: {  	[tilespmem:$0x100] =	vst v7;
	v5 =	vadd.s32 v0, v5  }
0x55: {  	[tilespmem:$0x130] =	vst v5;
	v4 =	vadd.s32 v0, v4  }
0x56: {  	[tilespmem:$0x170] =	vst v4  }
0x57: {  	[tilespmem:s19], [sflag:$0x1] =	stream.indirect.gather [hbm4b:s4+s17], $0x10, s18, s17, $0xb8;
	[tilespmem:$0x19080] =	vst v63  }
0x58: {  	_ =	swait.ge [sflag:s20], $0x800  }
0x59: {  	[sflag:s20] =	ssyncset.done $0x0  }
0x5a: {  	[sflag:s20] =	ssyncadd.s32 $0xFFFFF800  }
0x5b: {  	[spmem:s2] =	stream.indirect.scatter.add.f32 [tilespmem:s19], [sflag:$0x2], $0x10, s17, s17, $0xb8;
	[tilespmem:$0x19080] =	vst v63  }
0x5c: {  	_ =	swait.ge [sflag:s16], $0x800  }
0x5d: {  	[sflag:s16] =	ssyncset.done $0x0  }
0x5e: {  	[sflag:s16] =	ssyncadd.s32 $0xFFFFF800  }
0x5f: {  	s22 =	sshrl.u32 @p0 s5, $0x3;
	s23 =	simm.s32 @p0 $0x1FC2;
	[bflag:$0x0] =	sbarrier.arrive $0xFFFF  }
0x60: {  	[hbm:s7], [sflag:s23] =	dma.local @p0 [spmem:s22], $0x1810  }
0x61: {  	s23 =	simm.s32 @p0 $0x2  }
0x62: {  	_ =	swait.ge @p0 [sflag:s23], $0x1810  }
0x63: {  	s24 =	sshll.u32 @!p0 s1, $0x6;
	s25 =	simm.s32 @!p0 $0x2;
	[sflag:s23] =	ssyncset.done @p0 $0x0  }
0x64: {  	[sflag:s23] =	ssyncadd.s32 @p0 $0xFFFFE7F0;
	s23 =	sor.u32 @!p0 $0x1C02, s24;
	s24 =	sshrl.u32 @!p0 s5, $0x3  }
0x65: {  	[hbm:s6], [sflag:s23] =	dma.local @!p0 [spmem:s24], $0x1870  }
0x66: {  	_ =	swait.ge @!p0 [sflag:s25], $0x1870  }
0x67: {  	[sflag:s25] =	ssyncset.done @!p0 $0x0  }
0x68: {  	[sflag:s25] =	ssyncadd.s32 @!p0 $0xFFFFE790  }
0x69: {  	[bflag:$0x0] =	sbarrier.arrive $0xFFFF  }
0x6a: {  	[spmem:s5] =	stream.linear.scatter [tilespmem:s15], [sflag:$0x2], $0xC380, $0x38;
	[tilespmem:$0x19080] =	vst v63  }
0x6b: {  	_ =	swait.ge [sflag:s16], $0xC380  }
0x6c: {  	[sflag:s16] =	ssyncset.done $0x0  }
0x6d: {  	[sflag:s16] =	ssyncadd.s32 $0xFFFF3C80  }
0x6e: {  	s30 =	sadd.s32 $0x0, s14;
	[bflag:$0x0] =	sbarrier.arrive $0xFFFF  }
0x6f: {  	[tilespmem:s3], [sflag:$0x2] =	stream.linear.gather [hbm4b:s30+s3], $0x80, $0x38;
	[tilespmem:$0x19080] =	vst v63  }
0x70: {  	_ =	swait.ge [sflag:s16], $0x80  }
0x71: {  	[sflag:s16] =	ssyncset.done $0x0  }
0x72: {  	s31 =	sadd.s32 $0x0, s13;
	[sflag:s16] =	ssyncadd.s32 $0xFFFFFF80  }
0x73: {  	[tilespmem:s17], [sflag:$0x2] =	stream.linear.gather [hbm4b:s31+s3], $0x80, $0x38;
	[tilespmem:$0x19080] =	vst v63  }
0x74: {  	_ =	swait.ge [sflag:s16], $0x80  }
0x75: {  	[sflag:s16] =	ssyncset.done $0x0  }
0x76: {  	[sflag:s16] =	ssyncadd.s32 $0xFFFFFF80  }
0x77: {  	v4 =	vld [tilespmem:$0x50]  }
0x78: {  	v5 =	vld [tilespmem:$0x60]  }
0x79: {  	v7 =	vld [tilespmem:$0x10]  }
0x7a: {  	v6 =	vld [tilespmem:$0x20];
	_ =	sdelay $0x1  }
0x7b: {  	v8 =	vld [tilespmem:$0x40]  }
0x7c: {  	v9 =	vld [tilespmem:$0x0];
	v4 =	vmul.u32 $0x6, v4  }
0x7d: {  	v10 =	vld [tilespmem:$0x30];
	v7 =	vmul.u32 $0x6, v7  }
0x7e: {  	v11 =	vld [tilespmem:$0x70];
	v5 =	vmul.u32 $0x6, v5;
	v6 =	vmul.u32 $0x6, v6;
	v4 =	vadd.s32 v1, v4  }
0x7f: {  	v7 =	vadd.s32 v1, v7;
	[tilespmem:$0x150] =	vst v4  }
0x80: {  	v4 =	vadd.s32 v1, v5;
	v5 =	vadd.s32 v1, v6;
	v6 =	vmul.u32 $0x6, v8;
	[tilespmem:$0x110] =	vst v7  }
0x81: {  	[tilespmem:$0x160] =	vst v4;
	v4 =	vmul.u32 $0x6, v9  }
0x82: {  	[tilespmem:$0x120] =	vst v5;
	v5 =	vmul.u32 $0x6, v10;
	v6 =	vadd.s32 v1, v6  }
0x83: {  	v7 =	vadd.s32 v1, v4;
	[tilespmem:$0x140] =	vst v6;
	v4 =	vmul.u32 $0x6, v11  }
0x84: {  	s25 =	simm.s32 $0x10;
	v5 =	vadd.s32 v1, v5;
	[tilespmem:$0x100] =	vst v7  }
.LBB2_6:
0x85: {  	p1 =	sne.s32 s25, $0x1860;
	[tilespmem:$0x130] =	vst v5;
	v4 =	vadd.s32 v1, v4;
	s26 =	smov.u32 s25;
	s25 =	sadd.s32 $0x10, s25  }
0x86: {  	[tilespmem:$0x170] =	vst v4  }
0x87: {  	[tilespmem:s19], [sflag:$0x1] =	stream.indirect.gather [hbm4b:s4+s17], $0x10, s18, s17, $0xb8;
	[tilespmem:$0x19080] =	vst v63  }
0x88: {  	_ =	swait.ge [sflag:s20], $0x800  }
0x89: {  	[sflag:s20] =	ssyncset.done $0x0  }
0x8a: {  	[sflag:s20] =	ssyncadd.s32 $0xFFFFF800  }
0x8b: {  	[spmem:s2] =	stream.indirect.scatter.add.f32 [tilespmem:s19], [sflag:$0x2], $0x10, s17, s17, $0xb8;
	[tilespmem:$0x19080] =	vst v63  }
0x8c: {  	s28 =	sadd.s32 s26, s14;
	_ =	swait.ge [sflag:s16], $0x800  }
0x8d: {  	[sflag:s16] =	ssyncset.done $0x0  }
0x8e: {  	[sflag:s16] =	ssyncadd.s32 $0xFFFFF800  }
0x8f: {  	[tilespmem:s3], [sflag:$0x2] =	stream.linear.gather [hbm4b:s28+s3], $0x80, $0x38;
	[tilespmem:$0x19080] =	vst v63  }
0x90: {  	_ =	swait.ge [sflag:s16], $0x80  }
0x91: {  	[sflag:s16] =	ssyncset.done $0x0  }
0x92: {  	s26 =	sadd.s32 s26, s13;
	[sflag:s16] =	ssyncadd.s32 $0xFFFFFF80  }
0x93: {  	[tilespmem:s17], [sflag:$0x2] =	stream.linear.gather [hbm4b:s26+s3], $0x80, $0x38;
	[tilespmem:$0x19080] =	vst v63  }
0x94: {  	_ =	swait.ge [sflag:s16], $0x80  }
0x95: {  	[sflag:s16] =	ssyncset.done $0x0  }
0x96: {  	[sflag:s16] =	ssyncadd.s32 $0xFFFFFF80  }
0x97: {  	v4 =	vld [tilespmem:$0x50]  }
0x98: {  	v5 =	vld [tilespmem:$0x60]  }
0x99: {  	v6 =	vld [tilespmem:$0x20]  }
0x9a: {  	v7 =	vld [tilespmem:$0x10]  }
0x9b: {  	v8 =	vld [tilespmem:$0x40]  }
0x9c: {  	v9 =	vld [tilespmem:$0x0];
	v4 =	vmul.u32 $0x6, v4  }
0x9d: {  	v10 =	vld [tilespmem:$0x30];
	v5 =	vmul.u32 $0x6, v5  }
0x9e: {  	v6 =	vmul.u32 $0x6, v6;
	v4 =	vadd.s32 v1, v4;
	v11 =	vld [tilespmem:$0x70]  }
0x9f: {  	v7 =	vmul.u32 $0x6, v7;
	[tilespmem:$0x150] =	vst v4;
	v4 =	vadd.s32 v1, v5  }
.Ltmp2:
0xa0: {  	v5 =	vadd.s32 v1, v6;
	v6 =	vmul.u32 $0x6, v8;
	[tilespmem:$0x160] =	vst v4;
	(pc) =	sbr.rel @p1 .LBB2_6-.Ltmp2, $4  }
0xa1: {  	v4 =	vmul.u32 $0x6, v9;
	v7 =	vadd.s32 v1, v7;
	[tilespmem:$0x120] =	vst v5  }
0xa2: {  	[tilespmem:$0x110] =	vst v7;
	v5 =	vmul.u32 $0x6, v10;
	v6 =	vadd.s32 v1, v6  }
0xa3: {  	v7 =	vadd.s32 v1, v4;
	[tilespmem:$0x140] =	vst v6;
	v4 =	vmul.u32 $0x6, v11  }
0xa4: {  	[tilespmem:$0x100] =	vst v7;
	v5 =	vadd.s32 v1, v5  }
0xa5: {  	[tilespmem:$0x130] =	vst v5;
	v4 =	vadd.s32 v1, v4  }
0xa6: {  	[tilespmem:$0x170] =	vst v4  }
0xa7: {  	[tilespmem:s19], [sflag:$0x1] =	stream.indirect.gather [hbm4b:s4+s17], $0x10, s18, s17, $0xb8;
	[tilespmem:$0x19080] =	vst v63  }
0xa8: {  	_ =	swait.ge [sflag:s20], $0x800  }
0xa9: {  	[sflag:s20] =	ssyncset.done $0x0  }
0xaa: {  	[sflag:s20] =	ssyncadd.s32 $0xFFFFF800  }
0xab: {  	[spmem:s2] =	stream.indirect.scatter.add.f32 [tilespmem:s19], [sflag:$0x2], $0x10, s17, s17, $0xb8;
	[tilespmem:$0x19080] =	vst v63  }
0xac: {  	_ =	swait.ge [sflag:s16], $0x800  }
0xad: {  	[sflag:s16] =	ssyncset.done $0x0  }
0xae: {  	[sflag:s16] =	ssyncadd.s32 $0xFFFFF800  }
0xaf: {  	s25 =	simm.s32 @p0 $0x1FC2;
	[bflag:$0x0] =	sbarrier.arrive $0xFFFF  }
0xb0: {  	[hbm:s9], [sflag:s25] =	dma.local @p0 [spmem:s22], $0x1810  }
0xb1: {  	s25 =	simm.s32 @p0 $0x2  }
0xb2: {  	_ =	swait.ge @p0 [sflag:s25], $0x1810  }
0xb3: {  	[sflag:s25] =	ssyncset.done @p0 $0x0  }
0xb4: {  	[sflag:s25] =	ssyncadd.s32 @p0 $0xFFFFE7F0;
	s25 =	simm.s32 @!p0 $0x2  }
0xb5: {  	[hbm:s8], [sflag:s23] =	dma.local @!p0 [spmem:s24], $0x1870  }
0xb6: {  	_ =	swait.ge @!p0 [sflag:s25], $0x1870  }
0xb7: {  	[sflag:s25] =	ssyncset.done @!p0 $0x0  }
0xb8: {  	[sflag:s25] =	ssyncadd.s32 @!p0 $0xFFFFE790  }
0xb9: {  	[bflag:$0x0] =	sbarrier.arrive $0xFFFF  }
0xba: {  	[spmem:s5] =	stream.linear.scatter [tilespmem:s15], [sflag:$0x2], $0xC380, $0x38;
	[tilespmem:$0x19080] =	vst v63  }
0xbb: {  	_ =	swait.ge [sflag:s16], $0xC380  }
0xbc: {  	[sflag:s16] =	ssyncset.done $0x0  }
0xbd: {  	[sflag:s16] =	ssyncadd.s32 $0xFFFF3C80  }
0xbe: {  	s30 =	sadd.s32 $0x0, s14;
	[bflag:$0x0] =	sbarrier.arrive $0xFFFF  }
0xbf: {  	[tilespmem:s3], [sflag:$0x2] =	stream.linear.gather [hbm4b:s30+s3], $0x80, $0x38;
	[tilespmem:$0x19080] =	vst v63  }
0xc0: {  	_ =	swait.ge [sflag:s16], $0x80  }
0xc1: {  	[sflag:s16] =	ssyncset.done $0x0  }
0xc2: {  	s31 =	sadd.s32 $0x0, s13;
	[sflag:s16] =	ssyncadd.s32 $0xFFFFFF80  }
0xc3: {  	[tilespmem:s17], [sflag:$0x2] =	stream.linear.gather [hbm4b:s31+s3], $0x80, $0x38;
	[tilespmem:$0x19080] =	vst v63  }
0xc4: {  	_ =	swait.ge [sflag:s16], $0x80  }
0xc5: {  	[sflag:s16] =	ssyncset.done $0x0  }
0xc6: {  	[sflag:s16] =	ssyncadd.s32 $0xFFFFFF80  }
0xc7: {  	v4 =	vld [tilespmem:$0x50]  }
0xc8: {  	v5 =	vld [tilespmem:$0x60]  }
0xc9: {  	v7 =	vld [tilespmem:$0x10]  }
0xca: {  	v6 =	vld [tilespmem:$0x20];
	_ =	sdelay $0x1  }
0xcb: {  	v8 =	vld [tilespmem:$0x40]  }
0xcc: {  	v9 =	vld [tilespmem:$0x0];
	v4 =	vmul.u32 $0x6, v4  }
0xcd: {  	v10 =	vld [tilespmem:$0x30];
	v7 =	vmul.u32 $0x6, v7  }
0xce: {  	v11 =	vld [tilespmem:$0x70];
	v5 =	vmul.u32 $0x6, v5;
	v6 =	vmul.u32 $0x6, v6;
	v4 =	vadd.s32 v2, v4  }
0xcf: {  	v7 =	vadd.s32 v2, v7;
	[tilespmem:$0x150] =	vst v4  }
0xd0: {  	v4 =	vadd.s32 v2, v5;
	v5 =	vadd.s32 v2, v6;
	v6 =	vmul.u32 $0x6, v8;
	[tilespmem:$0x110] =	vst v7  }
0xd1: {  	[tilespmem:$0x160] =	vst v4;
	v4 =	vmul.u32 $0x6, v9  }
0xd2: {  	[tilespmem:$0x120] =	vst v5;
	v5 =	vmul.u32 $0x6, v10;
	v6 =	vadd.s32 v2, v6  }
0xd3: {  	v7 =	vadd.s32 v2, v4;
	[tilespmem:$0x140] =	vst v6;
	v4 =	vmul.u32 $0x6, v11  }
0xd4: {  	s25 =	simm.s32 $0x10;
	v5 =	vadd.s32 v2, v5;
	[tilespmem:$0x100] =	vst v7  }
.LBB2_8:
0xd5: {  	p1 =	sne.s32 s25, $0x1860;
	[tilespmem:$0x130] =	vst v5;
	v4 =	vadd.s32 v2, v4;
	s26 =	smov.u32 s25;
	s25 =	sadd.s32 $0x10, s25  }
0xd6: {  	[tilespmem:$0x170] =	vst v4  }
0xd7: {  	[tilespmem:s19], [sflag:$0x1] =	stream.indirect.gather [hbm4b:s4+s17], $0x10, s18, s17, $0xb8;
	[tilespmem:$0x19080] =	vst v63  }
0xd8: {  	_ =	swait.ge [sflag:s20], $0x800  }
0xd9: {  	[sflag:s20] =	ssyncset.done $0x0  }
0xda: {  	[sflag:s20] =	ssyncadd.s32 $0xFFFFF800  }
0xdb: {  	[spmem:s2] =	stream.indirect.scatter.add.f32 [tilespmem:s19], [sflag:$0x2], $0x10, s17, s17, $0xb8;
	[tilespmem:$0x19080] =	vst v63  }
0xdc: {  	s28 =	sadd.s32 s26, s14;
	_ =	swait.ge [sflag:s16], $0x800  }
0xdd: {  	[sflag:s16] =	ssyncset.done $0x0  }
0xde: {  	[sflag:s16] =	ssyncadd.s32 $0xFFFFF800  }
0xdf: {  	[tilespmem:s3], [sflag:$0x2] =	stream.linear.gather [hbm4b:s28+s3], $0x80, $0x38;
	[tilespmem:$0x19080] =	vst v63  }
0xe0: {  	_ =	swait.ge [sflag:s16], $0x80  }
0xe1: {  	[sflag:s16] =	ssyncset.done $0x0  }
0xe2: {  	s26 =	sadd.s32 s26, s13;
	[sflag:s16] =	ssyncadd.s32 $0xFFFFFF80  }
0xe3: {  	[tilespmem:s17], [sflag:$0x2] =	stream.linear.gather [hbm4b:s26+s3], $0x80, $0x38;
	[tilespmem:$0x19080] =	vst v63  }
0xe4: {  	_ =	swait.ge [sflag:s16], $0x80  }
0xe5: {  	[sflag:s16] =	ssyncset.done $0x0  }
0xe6: {  	[sflag:s16] =	ssyncadd.s32 $0xFFFFFF80  }
0xe7: {  	v4 =	vld [tilespmem:$0x50]  }
0xe8: {  	v5 =	vld [tilespmem:$0x60]  }
0xe9: {  	v6 =	vld [tilespmem:$0x20]  }
0xea: {  	v7 =	vld [tilespmem:$0x10]  }
0xeb: {  	v8 =	vld [tilespmem:$0x40]  }
0xec: {  	v9 =	vld [tilespmem:$0x0];
	v4 =	vmul.u32 $0x6, v4  }
0xed: {  	v10 =	vld [tilespmem:$0x30];
	v5 =	vmul.u32 $0x6, v5  }
0xee: {  	v6 =	vmul.u32 $0x6, v6;
	v4 =	vadd.s32 v2, v4;
	v11 =	vld [tilespmem:$0x70]  }
0xef: {  	v7 =	vmul.u32 $0x6, v7;
	[tilespmem:$0x150] =	vst v4;
	v4 =	vadd.s32 v2, v5  }
.Ltmp3:
0xf0: {  	v5 =	vadd.s32 v2, v6;
	v6 =	vmul.u32 $0x6, v8;
	[tilespmem:$0x160] =	vst v4;
	(pc) =	sbr.rel @p1 .LBB2_8-.Ltmp3, $4  }
0xf1: {  	v4 =	vmul.u32 $0x6, v9;
	v7 =	vadd.s32 v2, v7;
	[tilespmem:$0x120] =	vst v5  }
0xf2: {  	[tilespmem:$0x110] =	vst v7;
	v5 =	vmul.u32 $0x6, v10;
	v6 =	vadd.s32 v2, v6  }
0xf3: {  	v7 =	vadd.s32 v2, v4;
	[tilespmem:$0x140] =	vst v6;
	v4 =	vmul.u32 $0x6, v11  }
0xf4: {  	[tilespmem:$0x100] =	vst v7;
	v5 =	vadd.s32 v2, v5  }
0xf5: {  	[tilespmem:$0x130] =	vst v5;
	v4 =	vadd.s32 v2, v4  }
0xf6: {  	[tilespmem:$0x170] =	vst v4  }
0xf7: {  	[tilespmem:s19], [sflag:$0x1] =	stream.indirect.gather [hbm4b:s4+s17], $0x10, s18, s17, $0xb8;
	[tilespmem:$0x19080] =	vst v63  }
0xf8: {  	_ =	swait.ge [sflag:s20], $0x800  }
0xf9: {  	[sflag:s20] =	ssyncset.done $0x0  }
0xfa: {  	[sflag:s20] =	ssyncadd.s32 $0xFFFFF800  }
0xfb: {  	[spmem:s2] =	stream.indirect.scatter.add.f32 [tilespmem:s19], [sflag:$0x2], $0x10, s17, s17, $0xb8;
	[tilespmem:$0x19080] =	vst v63  }
0xfc: {  	_ =	swait.ge [sflag:s16], $0x800  }
0xfd: {  	[sflag:s16] =	ssyncset.done $0x0  }
0xfe: {  	[sflag:s16] =	ssyncadd.s32 $0xFFFFF800  }
0xff: {  	s25 =	simm.s32 @p0 $0x1FC2;
	[bflag:$0x0] =	sbarrier.arrive $0xFFFF  }
0x100: {  	[hbm:s11], [sflag:s25] =	dma.local @p0 [spmem:s22], $0x1810  }
0x101: {  	s22 =	simm.s32 @p0 $0x2  }
0x102: {  	_ =	swait.ge @p0 [sflag:s22], $0x1810  }
0x103: {  	s21 =	sadd.s32 $0x1, s21;
	[sflag:s22] =	ssyncset.done @p0 $0x0  }
0x104: {  	p1 =	sne.s32 s21, s12;
	[sflag:s22] =	ssyncadd.s32 @p0 $0xFFFFE7F0;
	s22 =	simm.s32 @!p0 $0x2  }
0x105: {  	[hbm:s10], [sflag:s23] =	dma.local @!p0 [spmem:s24], $0x1870  }
.Ltmp4:
0x106: {  	_ =	swait.ge @!p0 [sflag:s22], $0x1870;
	(pc) =	sbr.rel @p1 .LBB2_1-.Ltmp4, $3  }
0x107: {  	[sflag:s22] =	ssyncset.done @!p0 $0x0  }
0x108: {  	[sflag:s22] =	ssyncadd.s32 @!p0 $0xFFFFE790  }
0x109: {  	[bflag:$0x0] =	sbarrier.arrive $0xFFFF;
	_ =	sdelay $0x1  }
0x10a: {  	_ =	sfence.sel $0x180000  }
0x10b: {  	[bflag:$0x0] =	sbarrier.arrive $0xFFFF  }
0x10c: {  	p0 =	sne.s32 s1, $0x0;
	_ =	strace $0x9000004D  }
0x10d: {  	s0 =	sadd.s32 @!p0 $0x100000, s0;
	[bflag:$0x2] =	sbarrier.arrive $0xFFFF  }
0x10e: {  	[sflag:s0] =	ssyncadd.tile.s32 @!p0 $0x1;
	_ =	shalt  }
.Lfunc_end2:
_tile_overlayer_lowered:
.L_overlay_start_2:
0x10f: {  	(tag) =	ssettag $0x2  }
0x110: {  	s0 =	rddreg [dreg:$0x0];
	s2 =	stileid.u32  }
0x111: {  	s1 =	rddreg [dreg:$0x1];
	p0 =	sne.s32 s2, $0x0  }
0x112: {  	s3 =	rddreg [dreg:$0x2];
	[bflag:$0x3] =	sbarrier.arrive $0xFFFF;
	s2 =	simm.s32 @!p0 $0x1C02  }
0x113: {  	[timem:s3], [sflag:s2] =	dma.local @!p0 [hbm:s0], s1  }
0x114: {  	s0 =	simm.s32 @!p0 $0x2  }
0x115: {  	_ =	swait.ge @!p0 [sflag:s0], s1  }
0x116: {  	s1 =	ssub.s32 @!p0 $0x0, s1;
	[sflag:s0] =	ssyncset.done @!p0 $0x0  }
0x117: {  	[sflag:s0] =	ssyncadd.s32 @!p0 s1  }
0x118: {  	[bflag:$0x3] =	sbarrier.arrive $0xFFFF  }
0x119: {  	_ =	shalt  }

// kernel: kernel.21.cloned.1.call-start
scs
__scs_entry_jumppad:
0x0: {  	(pc) =	sbr.rel $0x88, $3  }
0x1: {  	(tag) =	ssettag $0x0;
	lr =	simm.s32 $0x1  }
0x2: {  	[smem:$0x3F8F] =	sst lr;
	_ =	strace $0xD0000000  }
0x3: {  	_ = 	snop  }
0x4: {  	_ = 	snop  }
0x5: {  	_ = 	snop  }
0x6: {  	_ = 	snop  }
0x7: {  	_ = 	snop  }
__scs_overlays_trampoline_lowered:
0x8: {  	[smem:$0x3F9E] =	sst s0  }
0x9: {  	[smem:$0x3F9F] =	sst s1  }
0xa: {  	[smem:$0x3FA0] =	sst s2  }
0xb: {  	[smem:$0x3FA1] =	sst s3  }
0xc: {  	[smem:$0x3FA2] =	sst s4  }
0xd: {  	[smem:$0x3FA3] =	sst s5  }
0xe: {  	[smem:$0x3FA4] =	sst s6  }
0xf: {  	[smem:$0x3FA5] =	sst s7  }
0x10: {  	[smem:$0x3FA6] =	sst s8  }
0x11: {  	[smem:$0x3FA7] =	sst s9;
	s0 =	simm.s32 @!p0 $0x0  }
0x12: {  	s1 =	sld [smem:$0x3F8D];
	s0 =	simm.s32 @p0 $0x1  }
0x13: {  	[smem:$0x3FA8] =	sst s0;
	s0 =	simm.s32 @!p1 $0x0  }
0x14: {  	s2 =	sld [smem:$0x3F8C];
	s0 =	simm.s32 @p1 $0x1  }
0x15: {  	[smem:$0x3FA9] =	sst s0;
	s0 =	simm.s32 @!p2 $0x0  }
0x16: {  	s3 =	sld [smem:$0x3FDB];
	s0 =	simm.s32 @p2 $0x1  }
0x17: {  	s4 =	simm.s32 $0x1BF5;
	[smem:$0x3FAB] =	sst s0  }
0x18: {  	s0 =	sld [smem:$0x3F8E];
	_ =	swait.ge [sflag:s4], $0x0  }
0x19: {  	s7 =	sld [smem:$0x3F8F]  }
0x1a: {  	s8 =	sadd.s32 $0xFFFFE003, lr  }
0x1b: {  	s9 =	sadd.s32 $0xFFFFFEF7, lr;
	s5 =	simm.s32 $0xFFFFFFFF;
	p2 =	slt.u32 s8, $0xFFFFF086  }
0x1c: {  	p1 =	slt.u32 s9, $0xF7A;
	s5 =	simm.s32 @!p2 $0x0  }
0x1d: {  	s5 =	simm.s32 @p1 $0x1;
	p0 =	seq.s32 s7, s2  }
0x1e: {  	s7 =	smul.u32 @!p0 $0xF7A, s2;
	p2 =	seq.s32 @!p0 s5, $0x0  }
0x1f: {  	s9 =	smul.u32 $0xF7A, s1;
	s8 =	simm.s32 @!p0 $0x1BF5;
	p2 =	por !p2, p0  }
0x20: {  	[sflag:s8] =	ssyncset.s32 @!p0 $0xFFFFF086;
	s6 =	sadd.s32 @!p0 s3, s7;
	s7 =	simm.s32 @!p0 $0x108  }
0x21: {  	s3 =	sadd.s32 s3, s9;
	s6 =	sadd.s32 @!p0 $0x88, s6;
	s7 =	simm.s32 @p2 $0x1082  }
0x22: {  	[simem:s7], [sflag:s8] =	dma.local @!p0 [hbm:s6], $0xF7A  }
0x23: {  	s9 =	sor.u32 $0xD0000000, s2;
	s6 =	simm.s32 $0x108;
	_ =	swait.ge @!p0 [sflag:s8], $0x0  }
0x24: {  	s3 =	sadd.s32 $0x88, s3;
	s6 =	simm.s32 @!p1 $0x1082;
	[sflag:s4] =	ssyncset.s32 $0xFFFFF086  }
0x25: {  	[simem:s6], [sflag:s4] =	dma.local [hbm:s3], $0xF7A  }
0x26: {  	[smem:$0x3F8F] =	sst s1;
	(tag) =	ssettag s2;
	_ =	strace s9  }
0x27: {  	s1 =	sld [smem:$0x3F9F]  }
0x28: {  	s2 =	sld [smem:$0x3FA0]  }
0x29: {  	s4 =	sld [smem:$0x3FA2]  }
0x2a: {  	p0 =	seq.s32 s5, $0x0;
	s5 =	sld [smem:$0x3FA3]  }
0x2b: {  	s6 =	sld [smem:$0x3FA4]  }
0x2c: {  	s7 =	sld [smem:$0x3FA5]  }
0x2d: {  	s3 =	simm.s32 $0x108;
	s8 =	sld [smem:$0x3FA6]  }
0x2e: {  	s3 =	simm.s32 @!p0 $0x1082;
	s9 =	sld [smem:$0x3FA7]  }
0x2f: {  	lr =	sadd.s32 s0, s3;
	s0 =	sld [smem:$0x3F9E]  }
0x30: {  	s3 =	sld [smem:$0x3FA1]  }
0x31: {  	[smem:$0x3FAA] =	sst s10  }
0x32: {  	s10 =	sld [smem:$0x3FA8];
	_ =	sdelay $0x3  }
0x33: {  	p0 =	seq.s32 s10, $0x1;
	s10 =	sld [smem:$0x3FAA];
	_ =	sdelay $0x3  }
0x34: {  	[smem:$0x3FAA] =	sst s10  }
0x35: {  	s10 =	sld [smem:$0x3FA9];
	_ =	sdelay $0x3  }
0x36: {  	p1 =	seq.s32 s10, $0x1;
	s10 =	sld [smem:$0x3FAA];
	_ =	sdelay $0x3  }
0x37: {  	[smem:$0x3FAA] =	sst s10  }
0x38: {  	s10 =	sld [smem:$0x3FAB]  }
0x39: {  	_ = 	snop;
	(pc) =	sbr.ind lr, $3  }
0x3a: {  	_ = 	snop  }
0x3b: {  	_ = 	snop  }
0x3c: {  	p2 =	seq.s32 s10, $0x1;
	s10 =	sld [smem:$0x3FAA]  }
0x3d: {  	_ =	shalt  }
0x3e: {  	_ =	shalt  }
0x3f: {  	_ =	shalt  }
0x40: {  	_ =	shalt  }
0x41: {  	_ =	shalt  }
0x42: {  	_ =	shalt  }
0x43: {  	_ =	shalt  }
0x44: {  	_ =	shalt  }
0x45: {  	_ =	shalt  }
0x46: {  	_ =	shalt  }
0x47: {  	_ =	shalt  }
0x48: {  	_ =	shalt  }
0x49: {  	_ =	shalt  }
0x4a: {  	_ =	shalt  }
0x4b: {  	_ =	shalt  }
0x4c: {  	_ =	shalt  }
0x4d: {  	_ =	shalt  }
0x4e: {  	_ =	shalt  }
0x4f: {  	_ =	shalt  }
0x50: {  	_ =	shalt  }
0x51: {  	_ =	shalt  }
0x52: {  	_ =	shalt  }
0x53: {  	_ =	shalt  }
0x54: {  	_ =	shalt  }
0x55: {  	_ =	shalt  }
0x56: {  	_ =	shalt  }
0x57: {  	_ =	shalt  }
0x58: {  	_ =	shalt  }
0x59: {  	_ =	shalt  }
0x5a: {  	_ =	shalt  }
0x5b: {  	_ =	shalt  }
0x5c: {  	_ =	shalt  }
0x5d: {  	_ =	shalt  }
0x5e: {  	_ =	shalt  }
0x5f: {  	_ =	shalt  }
0x60: {  	_ =	shalt  }
0x61: {  	_ =	shalt  }
0x62: {  	_ =	shalt  }
0x63: {  	_ =	shalt  }
0x64: {  	_ =	shalt  }
0x65: {  	_ =	shalt  }
0x66: {  	_ =	shalt  }
0x67: {  	_ =	shalt  }
0x68: {  	_ =	shalt  }
0x69: {  	_ =	shalt  }
0x6a: {  	_ =	shalt  }
0x6b: {  	_ =	shalt  }
0x6c: {  	_ =	shalt  }
0x6d: {  	_ =	shalt  }
0x6e: {  	_ =	shalt  }
0x6f: {  	_ =	shalt  }
0x70: {  	_ =	shalt  }
0x71: {  	_ =	shalt  }
0x72: {  	_ =	shalt  }
0x73: {  	_ =	shalt  }
0x74: {  	_ =	shalt  }
0x75: {  	_ =	shalt  }
0x76: {  	_ =	shalt  }
0x77: {  	_ =	shalt  }
0x78: {  	_ =	shalt  }
0x79: {  	_ =	shalt  }
0x7a: {  	_ =	shalt  }
0x7b: {  	_ =	shalt  }
0x7c: {  	_ =	shalt  }
0x7d: {  	_ =	shalt  }
0x7e: {  	_ =	shalt  }
0x7f: {  	_ =	shalt  }
0x80: {  	_ =	shalt  }
0x81: {  	_ =	shalt  }
0x82: {  	_ =	shalt  }
0x83: {  	_ =	shalt  }
0x84: {  	_ =	shalt  }
0x85: {  	_ =	shalt  }
0x86: {  	_ =	shalt  }
0x87: {  	_ =	shalt  }
.Lfunc_end0:
.L_simem_size_0:
called_computation.3_lowered:
.L_overlay_start_0:
0x88: {  	s2 =	sld [smem:$0x3FD9]  }
0x89: {  	s3 =	sld [smem:$0x3FFE];
	_ =	sdelay $0x1  }
0x8a: {  	s1 =	srdreg.scid  }
0x8b: {  	s0 =	sand.u32 $0x1, s1  }
0x8c: {  	s16 =	sshll.u32 s0, $0xA;
	s2 =	sadd.s32 s3, s2  }
0x8d: {  	s2 =	sadd.s32 s2, s16  }
0x8e: {  	[smem:$0x3FB6] =	sst s2  }
0x8f: {  	_ = 	snop  }
0x90: {  	(tm) =	ssettm $0x1  }
0x91: {  	s17 =	sld [smem:$0x3FFB];
	_ =	sdelay $0x3  }
0x92: {  	_ =	strace s17  }
0x93: {  	s2 =	sld [smem:$0x3FFC];
	_ =	sdelay $0x3  }
0x94: {  	_ =	strace s2  }
0x95: {  	s2 =	sld [smem:$0x3FFD];
	_ =	sdelay $0x3  }
0x96: {  	_ =	strace s2  }
0x97: {  	_ =	strace $0x8FFFFFFF  }
0x98: {  	s18 =	sld [smem:$0x3FDB];
	_ =	sdelay $0x1  }
0x99: {  	s19 =	simm.s32 $_scs_section_size  }
0x9a: {  	s4 =	simm.s32 $_size__tile_overlayer_lowered;
	s5 =	simm.s32 $_tile_overlayer_lowered  }
0x9b: {  	s22 =	simm.s32 $0x1BFF;
	s21 =	sshll.u32 s5, $0x1;
	s2 =	sadd.s32 s19, s18  }
0x9c: {  	s6 =	simm.s32 $0x0;
	s20 =	sshll.u32 s4, $0x1;
	s4 =	sadd.s32 s21, s2  }
0x9d: {  	[timem:s6], [sflag:s22] =	dma.local [hbm:s4], s20  }
0x9e: {  	_ =	swait.ge [sflag:s22], s20  }
0x9f: {  	s3 =	ssub.s32 $0x0, s20;
	[sflag:s22] =	ssyncset.done $0x0  }
0xa0: {  	[sflag:s22] =	ssyncadd.s32 s3;
	_ =	sdelay $0x1  }
0xa1: {  	s23 =	simm.s32 $0x1B8B  }
0xa2: {  	_ =	swait.ge [sflag:s23], $0x1  }
0xa3: {  	[sflag:s23] =	ssyncset.done $0x0  }
0xa4: {  	s25 =	simm.s32 $0x1B8E;
	s24 =	sld [smem:$0x3FFE];
	[sflag:s23] =	ssyncadd.s32 $0xFFFFFFFF  }
0xa5: {  	s26 =	simm.s32 $execute0_lowered;
	[smem:$0x3FD2] =	sst s25  }
0xa6: {  	s4 =	sshll.u32 s26, $0x1;
	_ =	strace $0x8000004F;
	[dreg:$0x1] =	wrdreg $0xFFFFFFFF  }
0xa7: {  	s28 =	simm.s32 $_size_execute0_lowered;
	s2 =	sadd.s32 s2, s4;
	[dreg:$0x0] =	wrdreg $0x0  }
0xa8: {  	s4 =	sshll.u32 s28, $0x1;
	[dreg:$0x2] =	wrdreg s2  }
0xa9: {  	[dreg:$0x3] =	wrdreg s4  }
0xaa: {  	[dreg:$0x4] =	wrdreg $0xC0  }
0xab: {  	_ =	task [dreg:s6], $0x5FFFF  }
0xac: {  	[dreg:$0x1] =	wrdreg $0xFFFFFFFF  }
0xad: {  	[dreg:$0x0] =	wrdreg $0x60  }
0xae: {  	[dreg:$0x2] =	wrdreg s24  }
0xaf: {  	[dreg:$0x3] =	wrdreg $0xCD000  }
0xb0: {  	[dreg:$0x4] =	wrdreg $0x9  }
0xb1: {  	_ =	task.clear_ibuf [dreg:s6], $0x5FFFF;
	_ =	strace $0x9000004F  }
0xb2: {  	s29 =	simm.s32 $0x9;
	_ =	strace $0x80000051  }
0xb3: {  	_ =	swait.ge [sflag:s29], $0x1  }
0xb4: {  	[sflag:s29] =	ssyncadd.s32 $0xFFFFFFFF  }
0xb5: {  	_ =	strace $0x90000051  }
0xb6: {  	_ =	sfence  }
0xb7: {  	s30 =	sld [smem:$0x0];
	_ =	sdelay $0x2  }
0xb8: {  	s31 =	sshll.u32 s1, $0xD;
	s1 =	sshrl.u32 s1, $0x2  }
0xb9: {  	s3 =	sand.u32 $0x4000, s31;
	s1 =	sadd.s32 s1, s30  }
0xba: {  	s0 =	sor.u32 s3, s0;
	s1 =	sshll.u32 s1, $0x11  }
0xbb: {  	s0 =	sor.u32 s1, s0  }
0xbc: {  	s0 =	sadd.s32 $0x8F2B, s0  }
0xbd: {  	[sflag:s0] =	ssyncadd.remote.s32 $0x1  }
0xbe: {  	_ =	sfence.sel $0xFFFF  }
0xbf: {  	[dreg:$0x0] =	wrdreg $0xFFFFFFFF;
	(pc) =	sbr.abs _section_cstart, $3  }
0xc0: {  	[dreg:$0x1] =	wrdreg $0xFFFFFFFF  }
0xc1: {  	_ =	task.clear_ibuf [dreg:s6], $0x2FFFF;
	_ =	strace $0x9FFFFFFF  }
0xc2: {  	(tm) =	ssettm $0x7FFFFFFF  }
0xc3: {  	_ =	shalt  }
tec
execute0_lowered:
.L_overlay_start_1:
0x0: {  	(tag) =	ssettag $0x1  }
0x1: {  	s5 =	rddreg [dreg:$0x0]  }
0x2: {  	s2 =	rddreg [dreg:$0x1]  }
0x3: {  	s0 =	rddreg [dreg:$0x2];
	s3 =	simm.s32 $0x0;
	s1 =	stileid.u32  }
0x4: {  	s4 =	srdreg.scid;
	s16 =	simm.s32 $0x2;
	s18 =	simm.s32 $0x100  }
0x5: {  	s19 =	simm.s32 $0x180;
	[smem:$0x7FF] =	sst s3;
	s6 =	smul.u32 $0x1870, s1  }
0x6: {  	s7 =	sand.u32 $0x1, s4;
	s9 =	smul.u32 $0xC380, s1;
	s4 =	sadd.s32 $0x344E00, s5  }
0x7: {  	s11 =	sadd.s32 $0x5E00, s5;
	p0 =	seq.s32 s1, $0xF;
	s17 =	smul.u32 $0x3, s7  }
0x8: {  	_ =	strace $0x80000050;
	s24 =	ssub.s32 $0x2, s7;
	s10 =	smul.u32 $0x249F00, s7  }
0x9: {  	s14 =	sadd.s32 s6, s5;
	s8 =	sshrl.u32 s24, $0x1;
	s5 =	sadd.s32 s9, s2  }
0xa: {  	s12 =	ssub.s32 s24, s8;
	s20 =	sadd.s32 $0x1, s17;
	s25 =	sadd.s32 s9, s10  }
0xb: {  	s7 =	sshrl.u32 s10, $0x3;
	s10 =	sadd.s32 $0x186A00, s10;
	s21 =	sadd.s32 $0x2, s17  }
0xc: {  	v0 =	vmov s17;
	s17 =	simm.s32 $0x80;
	s26 =	smul.u32 $0xC3500, s20;
	s6 =	sshrl.u32 s25, $0x3  }
0xd: {  	s7 =	sadd.s32 s11, s7;
	s29 =	sadd.s32 s9, s10;
	s31 =	sshrl.u32 s10, $0x3  }
0xe: {  	s12 =	smax.u32 s12, $0x1;
	v1 =	vmov s20;
	v2 =	vmov s21;
	s20 =	simm.s32 $0x1;
	s21 =	simm.s32 $0x0  }
0xf: {  	s6 =	sadd.s32 s11, s6;
	s7 =	sadd.s32 $0x16E90, s7;
	s30 =	sshrl.u32 s29, $0x3  }
0x10: {  	s13 =	sadd.s32 s9, s26;
	s15 =	sshrl.u32 s26, $0x3;
	s10 =	sadd.s32 s11, s30  }
0x11: {  	s13 =	sshrl.u32 s13, $0x3;
	s28 =	sadd.s32 s11, s15;
	s15 =	simm.s32 $0x980  }
0x12: {  	s8 =	sadd.s32 s11, s13;
	s9 =	sadd.s32 $0x16E90, s28;
	s11 =	sadd.s32 s11, s31  }
0x13: {  	v3 =	vimm.f32 $0.0e+00;
	s13 =	sadd.s32 $0xE2600, s14;
	s14 =	sadd.s32 $0xC9E00, s14;
	s11 =	sadd.s32 $0x16E90, s11  }
.LBB2_1:
0x14: {  	s22 =	simm.s32 $0x40;
	s23 =	simm.s32 $0x0  }
.LBB2_2:
0x15: {  	p1 =	sne.s32 s22, $0x30DC0;
	[tilespmem:s23+$0x980] =	vst v3;
	s23 =	smov.u32 s22;
	s22 =	sadd.s32 $0x40, s22  }
.Ltmp0:
0x16: {  	(pc) =	sbr.rel @p1 .LBB2_2-.Ltmp0, $2  }
0x17: {  	_ =	sdelay $0x2  }
0x18: {  	s23 =	sshra.s32 s23, $0x2  }
0x19: {  	[tilespmem:s23+$0x980] =	vst v3  }
0x1a: {  	[spmem:s5] =	stream.linear.scatter [tilespmem:s15], [sflag:$0x2], $0xC380, $0x38;
	[tilespmem:$0x19080] =	vst v63  }
0x1b: {  	_ =	swait.ge [sflag:s16], $0xC380  }
0x1c: {  	[sflag:s16] =	ssyncset.done $0x0  }
0x1d: {  	[sflag:s16] =	ssyncadd.s32 $0xFFFF3C80  }
0x1e: {  	s22 =	sadd.s32 $0x0, s14;
	[bflag:$0x0] =	sbarrier.arrive $0xFFFF  }
0x1f: {  	[tilespmem:s3], [sflag:$0x2] =	stream.linear.gather [hbm4b:s22+s3], $0x80, $0x38;
	[tilespmem:$0x19080] =	vst v63  }
0x20: {  	_ =	swait.ge [sflag:s16], $0x80  }
0x21: {  	[sflag:s16] =	ssyncset.done $0x0  }
0x22: {  	s31 =	sadd.s32 $0x0, s13;
	[sflag:s16] =	ssyncadd.s32 $0xFFFFFF80  }
0x23: {  	[tilespmem:s17], [sflag:$0x2] =	stream.linear.gather [hbm4b:s31+s3], $0x80, $0x38;
	[tilespmem:$0x19080] =	vst v63  }
0x24: {  	_ =	swait.ge [sflag:s16], $0x80  }
0x25: {  	[sflag:s16] =	ssyncset.done $0x0  }
0x26: {  	[sflag:s16] =	ssyncadd.s32 $0xFFFFFF80  }
0x27: {  	v4 =	vld [tilespmem:$0x50]  }
0x28: {  	v5 =	vld [tilespmem:$0x60]  }
0x29: {  	v7 =	vld [tilespmem:$0x10]  }
0x2a: {  	v6 =	vld [tilespmem:$0x20];
	_ =	sdelay $0x1  }
0x2b: {  	v8 =	vld [tilespmem:$0x40]  }
0x2c: {  	v9 =	vld [tilespmem:$0x0];
	v4 =	vmul.u32 $0x6, v4  }
0x2d: {  	v10 =	vld [tilespmem:$0x30];
	v7 =	vmul.u32 $0x6, v7  }
0x2e: {  	v11 =	vld [tilespmem:$0x70];
	v5 =	vmul.u32 $0x6, v5;
	v6 =	vmul.u32 $0x6, v6;
	v4 =	vadd.s32 v0, v4  }
0x2f: {  	v7 =	vadd.s32 v0, v7;
	[tilespmem:$0x150] =	vst v4  }
0x30: {  	v4 =	vadd.s32 v0, v5;
	v5 =	vadd.s32 v0, v6;
	v6 =	vmul.u32 $0x6, v8;
	[tilespmem:$0x110] =	vst v7  }
0x31: {  	[tilespmem:$0x160] =	vst v4;
	v4 =	vmul.u32 $0x6, v9  }
0x32: {  	[tilespmem:$0x120] =	vst v5;
	v5 =	vmul.u32 $0x6, v10;
	v6 =	vadd.s32 v0, v6  }
0x33: {  	v7 =	vadd.s32 v0, v4;
	[tilespmem:$0x140] =	vst v6;
	v4 =	vmul.u32 $0x6, v11  }
0x34: {  	s22 =	simm.s32 $0x10;
	v5 =	vadd.s32 v0, v5;
	[tilespmem:$0x100] =	vst v7  }
.LBB2_4:
0x35: {  	p1 =	sne.s32 s22, $0x1860;
	[tilespmem:$0x130] =	vst v5;
	v4 =	vadd.s32 v0, v4;
	s23 =	smov.u32 s22;
	s22 =	sadd.s32 $0x10, s22  }
0x36: {  	[tilespmem:$0x170] =	vst v4  }
0x37: {  	[tilespmem:s19], [sflag:$0x1] =	stream.indirect.gather [hbm4b:s4+s17], $0x10, s18, s17, $0xb8;
	[tilespmem:$0x19080] =	vst v63  }
0x38: {  	_ =	swait.ge [sflag:s20], $0x800  }
0x39: {  	[sflag:s20] =	ssyncset.done $0x0  }
0x3a: {  	[sflag:s20] =	ssyncadd.s32 $0xFFFFF800  }
0x3b: {  	[spmem:s2] =	stream.indirect.scatter.add.f32 [tilespmem:s19], [sflag:$0x2], $0x10, s17, s17, $0xb8;
	[tilespmem:$0x19080] =	vst v63  }
0x3c: {  	s24 =	sadd.s32 s23, s14;
	_ =	swait.ge [sflag:s16], $0x800  }
0x3d: {  	[sflag:s16] =	ssyncset.done $0x0  }
0x3e: {  	[sflag:s16] =	ssyncadd.s32 $0xFFFFF800  }
0x3f: {  	[tilespmem:s3], [sflag:$0x2] =	stream.linear.gather [hbm4b:s24+s3], $0x80, $0x38;
	[tilespmem:$0x19080] =	vst v63  }
0x40: {  	_ =	swait.ge [sflag:s16], $0x80  }
0x41: {  	[sflag:s16] =	ssyncset.done $0x0  }
0x42: {  	s23 =	sadd.s32 s23, s13;
	[sflag:s16] =	ssyncadd.s32 $0xFFFFFF80  }
0x43: {  	[tilespmem:s17], [sflag:$0x2] =	stream.linear.gather [hbm4b:s23+s3], $0x80, $0x38;
	[tilespmem:$0x19080] =	vst v63  }
0x44: {  	_ =	swait.ge [sflag:s16], $0x80  }
0x45: {  	[sflag:s16] =	ssyncset.done $0x0  }
0x46: {  	[sflag:s16] =	ssyncadd.s32 $0xFFFFFF80  }
0x47: {  	v4 =	vld [tilespmem:$0x50]  }
0x48: {  	v5 =	vld [tilespmem:$0x60]  }
0x49: {  	v6 =	vld [tilespmem:$0x20]  }
0x4a: {  	v7 =	vld [tilespmem:$0x10]  }
0x4b: {  	v8 =	vld [tilespmem:$0x40]  }
0x4c: {  	v9 =	vld [tilespmem:$0x0];
	v4 =	vmul.u32 $0x6, v4  }
0x4d: {  	v10 =	vld [tilespmem:$0x30];
	v5 =	vmul.u32 $0x6, v5  }
0x4e: {  	v6 =	vmul.u32 $0x6, v6;
	v4 =	vadd.s32 v0, v4;
	v11 =	vld [tilespmem:$0x70]  }
0x4f: {  	v7 =	vmul.u32 $0x6, v7;
	[tilespmem:$0x150] =	vst v4;
	v4 =	vadd.s32 v0, v5  }
.Ltmp1:
0x50: {  	v5 =	vadd.s32 v0, v6;
	v6 =	vmul.u32 $0x6, v8;
	[tilespmem:$0x160] =	vst v4;
	(pc) =	sbr.rel @p1 .LBB2_4-.Ltmp1, $4  }
0x51: {  	v4 =	vmul.u32 $0x6, v9;
	v7 =	vadd.s32 v0, v7;
	[tilespmem:$0x120] =	vst v5  }
0x52: {  	[tilespmem:$0x110] =	vst v7;
	v5 =	vmul.u32 $0x6, v10;
	v6 =	vadd.s32 v0, v6  }
0x53: {  	v7 =	vadd.s32 v0, v4;
	[tilespmem:$0x140] =	vst v6;
	v4 =	vmul.u32 $0x6, v11  }
0x54: {  	[tilespmem:$0x100] =	vst v7;
	v5 =	vadd.s32 v0, v5  }
0x55: {  	[tilespmem:$0x130] =	vst v5;
	v4 =	vadd.s32 v0, v4  }
0x56: {  	[tilespmem:$0x170] =	vst v4  }
0x57: {  	[tilespmem:s19], [sflag:$0x1] =	stream.indirect.gather [hbm4b:s4+s17], $0x10, s18, s17, $0xb8;
	[tilespmem:$0x19080] =	vst v63  }
0x58: {  	_ =	swait.ge [sflag:s20], $0x800  }
0x59: {  	[sflag:s20] =	ssyncset.done $0x0  }
0x5a: {  	[sflag:s20] =	ssyncadd.s32 $0xFFFFF800  }
0x5b: {  	[spmem:s2] =	stream.indirect.scatter.add.f32 [tilespmem:s19], [sflag:$0x2], $0x10, s17, s17, $0xb8;
	[tilespmem:$0x19080] =	vst v63  }
0x5c: {  	_ =	swait.ge [sflag:s16], $0x800  }
0x5d: {  	[sflag:s16] =	ssyncset.done $0x0  }
0x5e: {  	[sflag:s16] =	ssyncadd.s32 $0xFFFFF800  }
0x5f: {  	s22 =	sshrl.u32 @p0 s5, $0x3;
	s23 =	simm.s32 @p0 $0x1FC2;
	[bflag:$0x0] =	sbarrier.arrive $0xFFFF  }
0x60: {  	[hbm:s7], [sflag:s23] =	dma.local @p0 [spmem:s22], $0x1810  }
0x61: {  	s23 =	simm.s32 @p0 $0x2  }
0x62: {  	_ =	swait.ge @p0 [sflag:s23], $0x1810  }
0x63: {  	s24 =	sshll.u32 @!p0 s1, $0x6;
	s25 =	simm.s32 @!p0 $0x2;
	[sflag:s23] =	ssyncset.done @p0 $0x0  }
0x64: {  	[sflag:s23] =	ssyncadd.s32 @p0 $0xFFFFE7F0;
	s23 =	sor.u32 @!p0 $0x1C02, s24;
	s24 =	sshrl.u32 @!p0 s5, $0x3  }
0x65: {  	[hbm:s6], [sflag:s23] =	dma.local @!p0 [spmem:s24], $0x1870  }
0x66: {  	_ =	swait.ge @!p0 [sflag:s25], $0x1870  }
0x67: {  	[sflag:s25] =	ssyncset.done @!p0 $0x0  }
0x68: {  	[sflag:s25] =	ssyncadd.s32 @!p0 $0xFFFFE790  }
0x69: {  	[bflag:$0x0] =	sbarrier.arrive $0xFFFF  }
0x6a: {  	[spmem:s5] =	stream.linear.scatter [tilespmem:s15], [sflag:$0x2], $0xC380, $0x38;
	[tilespmem:$0x19080] =	vst v63  }
0x6b: {  	_ =	swait.ge [sflag:s16], $0xC380  }
0x6c: {  	[sflag:s16] =	ssyncset.done $0x0  }
0x6d: {  	[sflag:s16] =	ssyncadd.s32 $0xFFFF3C80  }
0x6e: {  	s30 =	sadd.s32 $0x0, s14;
	[bflag:$0x0] =	sbarrier.arrive $0xFFFF  }
0x6f: {  	[tilespmem:s3], [sflag:$0x2] =	stream.linear.gather [hbm4b:s30+s3], $0x80, $0x38;
	[tilespmem:$0x19080] =	vst v63  }
0x70: {  	_ =	swait.ge [sflag:s16], $0x80  }
0x71: {  	[sflag:s16] =	ssyncset.done $0x0  }
0x72: {  	s31 =	sadd.s32 $0x0, s13;
	[sflag:s16] =	ssyncadd.s32 $0xFFFFFF80  }
0x73: {  	[tilespmem:s17], [sflag:$0x2] =	stream.linear.gather [hbm4b:s31+s3], $0x80, $0x38;
	[tilespmem:$0x19080] =	vst v63  }
0x74: {  	_ =	swait.ge [sflag:s16], $0x80  }
0x75: {  	[sflag:s16] =	ssyncset.done $0x0  }
0x76: {  	[sflag:s16] =	ssyncadd.s32 $0xFFFFFF80  }
0x77: {  	v4 =	vld [tilespmem:$0x50]  }
0x78: {  	v5 =	vld [tilespmem:$0x60]  }
0x79: {  	v7 =	vld [tilespmem:$0x10]  }
0x7a: {  	v6 =	vld [tilespmem:$0x20];
	_ =	sdelay $0x1  }
0x7b: {  	v8 =	vld [tilespmem:$0x40]  }
0x7c: {  	v9 =	vld [tilespmem:$0x0];
	v4 =	vmul.u32 $0x6, v4  }
0x7d: {  	v10 =	vld [tilespmem:$0x30];
	v7 =	vmul.u32 $0x6, v7  }
0x7e: {  	v11 =	vld [tilespmem:$0x70];
	v5 =	vmul.u32 $0x6, v5;
	v6 =	vmul.u32 $0x6, v6;
	v4 =	vadd.s32 v1, v4  }
0x7f: {  	v7 =	vadd.s32 v1, v7;
	[tilespmem:$0x150] =	vst v4  }
0x80: {  	v4 =	vadd.s32 v1, v5;
	v5 =	vadd.s32 v1, v6;
	v6 =	vmul.u32 $0x6, v8;
	[tilespmem:$0x110] =	vst v7  }
0x81: {  	[tilespmem:$0x160] =	vst v4;
	v4 =	vmul.u32 $0x6, v9  }
0x82: {  	[tilespmem:$0x120] =	vst v5;
	v5 =	vmul.u32 $0x6, v10;
	v6 =	vadd.s32 v1, v6  }
0x83: {  	v7 =	vadd.s32 v1, v4;
	[tilespmem:$0x140] =	vst v6;
	v4 =	vmul.u32 $0x6, v11  }
0x84: {  	s25 =	simm.s32 $0x10;
	v5 =	vadd.s32 v1, v5;
	[tilespmem:$0x100] =	vst v7  }
.LBB2_6:
0x85: {  	p1 =	sne.s32 s25, $0x1860;
	[tilespmem:$0x130] =	vst v5;
	v4 =	vadd.s32 v1, v4;
	s26 =	smov.u32 s25;
	s25 =	sadd.s32 $0x10, s25  }
0x86: {  	[tilespmem:$0x170] =	vst v4  }
0x87: {  	[tilespmem:s19], [sflag:$0x1] =	stream.indirect.gather [hbm4b:s4+s17], $0x10, s18, s17, $0xb8;
	[tilespmem:$0x19080] =	vst v63  }
0x88: {  	_ =	swait.ge [sflag:s20], $0x800  }
0x89: {  	[sflag:s20] =	ssyncset.done $0x0  }
0x8a: {  	[sflag:s20] =	ssyncadd.s32 $0xFFFFF800  }
0x8b: {  	[spmem:s2] =	stream.indirect.scatter.add.f32 [tilespmem:s19], [sflag:$0x2], $0x10, s17, s17, $0xb8;
	[tilespmem:$0x19080] =	vst v63  }
0x8c: {  	s28 =	sadd.s32 s26, s14;
	_ =	swait.ge [sflag:s16], $0x800  }
0x8d: {  	[sflag:s16] =	ssyncset.done $0x0  }
0x8e: {  	[sflag:s16] =	ssyncadd.s32 $0xFFFFF800  }
0x8f: {  	[tilespmem:s3], [sflag:$0x2] =	stream.linear.gather [hbm4b:s28+s3], $0x80, $0x38;
	[tilespmem:$0x19080] =	vst v63  }
0x90: {  	_ =	swait.ge [sflag:s16], $0x80  }
0x91: {  	[sflag:s16] =	ssyncset.done $0x0  }
0x92: {  	s26 =	sadd.s32 s26, s13;
	[sflag:s16] =	ssyncadd.s32 $0xFFFFFF80  }
0x93: {  	[tilespmem:s17], [sflag:$0x2] =	stream.linear.gather [hbm4b:s26+s3], $0x80, $0x38;
	[tilespmem:$0x19080] =	vst v63  }
0x94: {  	_ =	swait.ge [sflag:s16], $0x80  }
0x95: {  	[sflag:s16] =	ssyncset.done $0x0  }
0x96: {  	[sflag:s16] =	ssyncadd.s32 $0xFFFFFF80  }
0x97: {  	v4 =	vld [tilespmem:$0x50]  }
0x98: {  	v5 =	vld [tilespmem:$0x60]  }
0x99: {  	v6 =	vld [tilespmem:$0x20]  }
0x9a: {  	v7 =	vld [tilespmem:$0x10]  }
0x9b: {  	v8 =	vld [tilespmem:$0x40]  }
0x9c: {  	v9 =	vld [tilespmem:$0x0];
	v4 =	vmul.u32 $0x6, v4  }
0x9d: {  	v10 =	vld [tilespmem:$0x30];
	v5 =	vmul.u32 $0x6, v5  }
0x9e: {  	v6 =	vmul.u32 $0x6, v6;
	v4 =	vadd.s32 v1, v4;
	v11 =	vld [tilespmem:$0x70]  }
0x9f: {  	v7 =	vmul.u32 $0x6, v7;
	[tilespmem:$0x150] =	vst v4;
	v4 =	vadd.s32 v1, v5  }
.Ltmp2:
0xa0: {  	v5 =	vadd.s32 v1, v6;
	v6 =	vmul.u32 $0x6, v8;
	[tilespmem:$0x160] =	vst v4;
	(pc) =	sbr.rel @p1 .LBB2_6-.Ltmp2, $4  }
0xa1: {  	v4 =	vmul.u32 $0x6, v9;
	v7 =	vadd.s32 v1, v7;
	[tilespmem:$0x120] =	vst v5  }
0xa2: {  	[tilespmem:$0x110] =	vst v7;
	v5 =	vmul.u32 $0x6, v10;
	v6 =	vadd.s32 v1, v6  }
0xa3: {  	v7 =	vadd.s32 v1, v4;
	[tilespmem:$0x140] =	vst v6;
	v4 =	vmul.u32 $0x6, v11  }
0xa4: {  	[tilespmem:$0x100] =	vst v7;
	v5 =	vadd.s32 v1, v5  }
0xa5: {  	[tilespmem:$0x130] =	vst v5;
	v4 =	vadd.s32 v1, v4  }
0xa6: {  	[tilespmem:$0x170] =	vst v4  }
0xa7: {  	[tilespmem:s19], [sflag:$0x1] =	stream.indirect.gather [hbm4b:s4+s17], $0x10, s18, s17, $0xb8;
	[tilespmem:$0x19080] =	vst v63  }
0xa8: {  	_ =	swait.ge [sflag:s20], $0x800  }
0xa9: {  	[sflag:s20] =	ssyncset.done $0x0  }
0xaa: {  	[sflag:s20] =	ssyncadd.s32 $0xFFFFF800  }
0xab: {  	[spmem:s2] =	stream.indirect.scatter.add.f32 [tilespmem:s19], [sflag:$0x2], $0x10, s17, s17, $0xb8;
	[tilespmem:$0x19080] =	vst v63  }
0xac: {  	_ =	swait.ge [sflag:s16], $0x800  }
0xad: {  	[sflag:s16] =	ssyncset.done $0x0  }
0xae: {  	[sflag:s16] =	ssyncadd.s32 $0xFFFFF800  }
0xaf: {  	s25 =	simm.s32 @p0 $0x1FC2;
	[bflag:$0x0] =	sbarrier.arrive $0xFFFF  }
0xb0: {  	[hbm:s9], [sflag:s25] =	dma.local @p0 [spmem:s22], $0x1810  }
0xb1: {  	s25 =	simm.s32 @p0 $0x2  }
0xb2: {  	_ =	swait.ge @p0 [sflag:s25], $0x1810  }
0xb3: {  	[sflag:s25] =	ssyncset.done @p0 $0x0  }
0xb4: {  	[sflag:s25] =	ssyncadd.s32 @p0 $0xFFFFE7F0;
	s25 =	simm.s32 @!p0 $0x2  }
0xb5: {  	[hbm:s8], [sflag:s23] =	dma.local @!p0 [spmem:s24], $0x1870  }
0xb6: {  	_ =	swait.ge @!p0 [sflag:s25], $0x1870  }
0xb7: {  	[sflag:s25] =	ssyncset.done @!p0 $0x0  }
0xb8: {  	[sflag:s25] =	ssyncadd.s32 @!p0 $0xFFFFE790  }
0xb9: {  	[bflag:$0x0] =	sbarrier.arrive $0xFFFF  }
0xba: {  	[spmem:s5] =	stream.linear.scatter [tilespmem:s15], [sflag:$0x2], $0xC380, $0x38;
	[tilespmem:$0x19080] =	vst v63  }
0xbb: {  	_ =	swait.ge [sflag:s16], $0xC380  }
0xbc: {  	[sflag:s16] =	ssyncset.done $0x0  }
0xbd: {  	[sflag:s16] =	ssyncadd.s32 $0xFFFF3C80  }
0xbe: {  	s30 =	sadd.s32 $0x0, s14;
	[bflag:$0x0] =	sbarrier.arrive $0xFFFF  }
0xbf: {  	[tilespmem:s3], [sflag:$0x2] =	stream.linear.gather [hbm4b:s30+s3], $0x80, $0x38;
	[tilespmem:$0x19080] =	vst v63  }
0xc0: {  	_ =	swait.ge [sflag:s16], $0x80  }
0xc1: {  	[sflag:s16] =	ssyncset.done $0x0  }
0xc2: {  	s31 =	sadd.s32 $0x0, s13;
	[sflag:s16] =	ssyncadd.s32 $0xFFFFFF80  }
0xc3: {  	[tilespmem:s17], [sflag:$0x2] =	stream.linear.gather [hbm4b:s31+s3], $0x80, $0x38;
	[tilespmem:$0x19080] =	vst v63  }
0xc4: {  	_ =	swait.ge [sflag:s16], $0x80  }
0xc5: {  	[sflag:s16] =	ssyncset.done $0x0  }
0xc6: {  	[sflag:s16] =	ssyncadd.s32 $0xFFFFFF80  }
0xc7: {  	v4 =	vld [tilespmem:$0x50]  }
0xc8: {  	v5 =	vld [tilespmem:$0x60]  }
0xc9: {  	v7 =	vld [tilespmem:$0x10]  }
0xca: {  	v6 =	vld [tilespmem:$0x20];
	_ =	sdelay $0x1  }
0xcb: {  	v8 =	vld [tilespmem:$0x40]  }
0xcc: {  	v9 =	vld [tilespmem:$0x0];
	v4 =	vmul.u32 $0x6, v4  }
0xcd: {  	v10 =	vld [tilespmem:$0x30];
	v7 =	vmul.u32 $0x6, v7  }
0xce: {  	v11 =	vld [tilespmem:$0x70];
	v5 =	vmul.u32 $0x6, v5;
	v6 =	vmul.u32 $0x6, v6;
	v4 =	vadd.s32 v2, v4  }
0xcf: {  	v7 =	vadd.s32 v2, v7;
	[tilespmem:$0x150] =	vst v4  }
0xd0: {  	v4 =	vadd.s32 v2, v5;
	v5 =	vadd.s32 v2, v6;
	v6 =	vmul.u32 $0x6, v8;
	[tilespmem:$0x110] =	vst v7  }
0xd1: {  	[tilespmem:$0x160] =	vst v4;
	v4 =	vmul.u32 $0x6, v9  }
0xd2: {  	[tilespmem:$0x120] =	vst v5;
	v5 =	vmul.u32 $0x6, v10;
	v6 =	vadd.s32 v2, v6  }
0xd3: {  	v7 =	vadd.s32 v2, v4;
	[tilespmem:$0x140] =	vst v6;
	v4 =	vmul.u32 $0x6, v11  }
0xd4: {  	s25 =	simm.s32 $0x10;
	v5 =	vadd.s32 v2, v5;
	[tilespmem:$0x100] =	vst v7  }
.LBB2_8:
0xd5: {  	p1 =	sne.s32 s25, $0x1860;
	[tilespmem:$0x130] =	vst v5;
	v4 =	vadd.s32 v2, v4;
	s26 =	smov.u32 s25;
	s25 =	sadd.s32 $0x10, s25  }
0xd6: {  	[tilespmem:$0x170] =	vst v4  }
0xd7: {  	[tilespmem:s19], [sflag:$0x1] =	stream.indirect.gather [hbm4b:s4+s17], $0x10, s18, s17, $0xb8;
	[tilespmem:$0x19080] =	vst v63  }
0xd8: {  	_ =	swait.ge [sflag:s20], $0x800  }
0xd9: {  	[sflag:s20] =	ssyncset.done $0x0  }
0xda: {  	[sflag:s20] =	ssyncadd.s32 $0xFFFFF800  }
0xdb: {  	[spmem:s2] =	stream.indirect.scatter.add.f32 [tilespmem:s19], [sflag:$0x2], $0x10, s17, s17, $0xb8;
	[tilespmem:$0x19080] =	vst v63  }
0xdc: {  	s28 =	sadd.s32 s26, s14;
	_ =	swait.ge [sflag:s16], $0x800  }
0xdd: {  	[sflag:s16] =	ssyncset.done $0x0  }
0xde: {  	[sflag:s16] =	ssyncadd.s32 $0xFFFFF800  }
0xdf: {  	[tilespmem:s3], [sflag:$0x2] =	stream.linear.gather [hbm4b:s28+s3], $0x80, $0x38;
	[tilespmem:$0x19080] =	vst v63  }
0xe0: {  	_ =	swait.ge [sflag:s16], $0x80  }
0xe1: {  	[sflag:s16] =	ssyncset.done $0x0  }
0xe2: {  	s26 =	sadd.s32 s26, s13;
	[sflag:s16] =	ssyncadd.s32 $0xFFFFFF80  }
0xe3: {  	[tilespmem:s17], [sflag:$0x2] =	stream.linear.gather [hbm4b:s26+s3], $0x80, $0x38;
	[tilespmem:$0x19080] =	vst v63  }
0xe4: {  	_ =	swait.ge [sflag:s16], $0x80  }
0xe5: {  	[sflag:s16] =	ssyncset.done $0x0  }
0xe6: {  	[sflag:s16] =	ssyncadd.s32 $0xFFFFFF80  }
0xe7: {  	v4 =	vld [tilespmem:$0x50]  }
0xe8: {  	v5 =	vld [tilespmem:$0x60]  }
0xe9: {  	v6 =	vld [tilespmem:$0x20]  }
0xea: {  	v7 =	vld [tilespmem:$0x10]  }
0xeb: {  	v8 =	vld [tilespmem:$0x40]  }
0xec: {  	v9 =	vld [tilespmem:$0x0];
	v4 =	vmul.u32 $0x6, v4  }
0xed: {  	v10 =	vld [tilespmem:$0x30];
	v5 =	vmul.u32 $0x6, v5  }
0xee: {  	v6 =	vmul.u32 $0x6, v6;
	v4 =	vadd.s32 v2, v4;
	v11 =	vld [tilespmem:$0x70]  }
0xef: {  	v7 =	vmul.u32 $0x6, v7;
	[tilespmem:$0x150] =	vst v4;
	v4 =	vadd.s32 v2, v5  }
.Ltmp3:
0xf0: {  	v5 =	vadd.s32 v2, v6;
	v6 =	vmul.u32 $0x6, v8;
	[tilespmem:$0x160] =	vst v4;
	(pc) =	sbr.rel @p1 .LBB2_8-.Ltmp3, $4  }
0xf1: {  	v4 =	vmul.u32 $0x6, v9;
	v7 =	vadd.s32 v2, v7;
	[tilespmem:$0x120] =	vst v5  }
0xf2: {  	[tilespmem:$0x110] =	vst v7;
	v5 =	vmul.u32 $0x6, v10;
	v6 =	vadd.s32 v2, v6  }
0xf3: {  	v7 =	vadd.s32 v2, v4;
	[tilespmem:$0x140] =	vst v6;
	v4 =	vmul.u32 $0x6, v11  }
0xf4: {  	[tilespmem:$0x100] =	vst v7;
	v5 =	vadd.s32 v2, v5  }
0xf5: {  	[tilespmem:$0x130] =	vst v5;
	v4 =	vadd.s32 v2, v4  }
0xf6: {  	[tilespmem:$0x170] =	vst v4  }
0xf7: {  	[tilespmem:s19], [sflag:$0x1] =	stream.indirect.gather [hbm4b:s4+s17], $0x10, s18, s17, $0xb8;
	[tilespmem:$0x19080] =	vst v63  }
0xf8: {  	_ =	swait.ge [sflag:s20], $0x800  }
0xf9: {  	[sflag:s20] =	ssyncset.done $0x0  }
0xfa: {  	[sflag:s20] =	ssyncadd.s32 $0xFFFFF800  }
0xfb: {  	[spmem:s2] =	stream.indirect.scatter.add.f32 [tilespmem:s19], [sflag:$0x2], $0x10, s17, s17, $0xb8;
	[tilespmem:$0x19080] =	vst v63  }
0xfc: {  	_ =	swait.ge [sflag:s16], $0x800  }
0xfd: {  	[sflag:s16] =	ssyncset.done $0x0  }
0xfe: {  	[sflag:s16] =	ssyncadd.s32 $0xFFFFF800  }
0xff: {  	s25 =	simm.s32 @p0 $0x1FC2;
	[bflag:$0x0] =	sbarrier.arrive $0xFFFF  }
0x100: {  	[hbm:s11], [sflag:s25] =	dma.local @p0 [spmem:s22], $0x1810  }
0x101: {  	s22 =	simm.s32 @p0 $0x2  }
0x102: {  	_ =	swait.ge @p0 [sflag:s22], $0x1810  }
0x103: {  	s21 =	sadd.s32 $0x1, s21;
	[sflag:s22] =	ssyncset.done @p0 $0x0  }
0x104: {  	p1 =	sne.s32 s21, s12;
	[sflag:s22] =	ssyncadd.s32 @p0 $0xFFFFE7F0;
	s22 =	simm.s32 @!p0 $0x2  }
0x105: {  	[hbm:s10], [sflag:s23] =	dma.local @!p0 [spmem:s24], $0x1870  }
.Ltmp4:
0x106: {  	_ =	swait.ge @!p0 [sflag:s22], $0x1870;
	(pc) =	sbr.rel @p1 .LBB2_1-.Ltmp4, $3  }
0x107: {  	[sflag:s22] =	ssyncset.done @!p0 $0x0  }
0x108: {  	[sflag:s22] =	ssyncadd.s32 @!p0 $0xFFFFE790  }
0x109: {  	[bflag:$0x0] =	sbarrier.arrive $0xFFFF;
	_ =	sdelay $0x1  }
0x10a: {  	_ =	sfence.sel $0x180000  }
0x10b: {  	[bflag:$0x0] =	sbarrier.arrive $0xFFFF  }
0x10c: {  	p0 =	sne.s32 s1, $0x0;
	_ =	strace $0x90000050  }
0x10d: {  	s0 =	sadd.s32 @!p0 $0x100000, s0;
	[bflag:$0x2] =	sbarrier.arrive $0xFFFF  }
0x10e: {  	[sflag:s0] =	ssyncadd.tile.s32 @!p0 $0x1;
	_ =	shalt  }
.Lfunc_end2:
_tile_overlayer_lowered:
.L_overlay_start_2:
0x10f: {  	(tag) =	ssettag $0x2  }
0x110: {  	s0 =	rddreg [dreg:$0x0];
	s2 =	stileid.u32  }
0x111: {  	s1 =	rddreg [dreg:$0x1];
	p0 =	sne.s32 s2, $0x0  }
0x112: {  	s3 =	rddreg [dreg:$0x2];
	[bflag:$0x3] =	sbarrier.arrive $0xFFFF;
	s2 =	simm.s32 @!p0 $0x1C02  }
0x113: {  	[timem:s3], [sflag:s2] =	dma.local @!p0 [hbm:s0], s1  }
0x114: {  	s0 =	simm.s32 @!p0 $0x2  }
0x115: {  	_ =	swait.ge @!p0 [sflag:s0], s1  }
0x116: {  	s1 =	ssub.s32 @!p0 $0x0, s1;
	[sflag:s0] =	ssyncset.done @!p0 $0x0  }
0x117: {  	[sflag:s0] =	ssyncadd.s32 @!p0 s1  }
0x118: {  	[bflag:$0x3] =	sbarrier.arrive $0xFFFF  }
0x119: {  	_ =	shalt  }

</sc_bundles>
